<compile_context>
chip_gen: v7x
topology: tpu7x:2x2x1
jax: 0.10.2.dev20260603
libtpu: 0.0.44.dev20260713+nightly
codegen_flags: <defaults>
</compile_context>

<pallas_src>
import jax
import jax.numpy as jnp
from jax import lax
from jax.experimental import pallas as pl
from jax.experimental.pallas import tpu as pltpu
from jax.experimental.pallas import tpu_sc as plsc

N = 50000
E = 800000
F = 4
EMB = 16
HEADS = 4
OUT_DIM = 64
B = 64
HID = 128

NC = 2
NS = 16
NW = NC * NS
EPW = 25600
EPAD = EPW * NW
CHUNK = 128
NCH = EPW // CHUNK
ROWS_PT = 3128
NPAD = ROWS_PT * NS
REGION = 52000
ACC_W = 24
NBLK = 2000
NGRID = N // NBLK
NPADT = 50176
OBLK = 1792
OGRID = NPADT // OBLK


def _wprep_body(wq_ref, wk_ref, wg_ref, asr_ref, adr_ref, msg_ref, wfc_ref,
                bfc_ref, wo_ref, me_ref):
    wq = wq_ref[...]
    wk = wk_ref[...]
    wg = wg_ref[...]
    a_s = asr_ref[...]
    a_d = adr_ref[...]
    cs = []
    us = []
    ud = []
    for h in range(HEADS):
        wq_h = wq[:, h * EMB:(h + 1) * EMB]
        wk_h = wk[:, h * EMB:(h + 1) * EMB]
        wg_h = wg[:, h * EMB:(h + 1) * EMB]
        cs.append(lax.dot_general(wq_h, wk_h, (((1,), (1,)), ((), ())),
                                  preferred_element_type=jnp.float32) * 0.25)
        us.append(lax.dot_general(wg_h, a_s[h:h + 1, :], (((1,), (1,)), ((), ())),
                                  preferred_element_type=jnp.float32))
        ud.append(lax.dot_general(wg_h, a_d[h:h + 1, :], (((1,), (1,)), ((), ())),
                                  preferred_element_type=jnp.float32))
    ccat = jnp.concatenate(cs, axis=1)
    usm = jnp.concatenate(us, axis=1)
    udm = jnp.concatenate(ud, axis=1)
    r = lax.broadcasted_iota(jnp.int32, (F, F), 0)
    c = lax.broadcasted_iota(jnp.int32, (F, F), 1)
    eye = jnp.where(r == c, 1.0, 0.0).astype(jnp.float32)
    top = jnp.concatenate([eye, usm, ccat, udm,
                           jnp.zeros((F, 88 + 12), jnp.float32)], axis=1)
    wo_ref[...] = jnp.concatenate([top, jnp.zeros((F, 128), jnp.float32)],
                                  axis=0)
    me = jnp.dot(msg_ref[...], wfc_ref[...],
                 preferred_element_type=jnp.float32) + bfc_ref[...]
    me_ref[...] = me


def _nprep_body(x_ref, wo_ref, ts_ref, tda_ref, tdb_ref, bounds_ref, bmax_ref):
    i = pl.program_id(0)
    wo = wo_ref[...]
    pts = wo[0:F, 0:8]
    ptd = wo[0:F, 8:40]
    x = x_ref[...]
    ts = jnp.dot(x, pts, preferred_element_type=jnp.float32)
    ts_ref[...] = ts
    td = jnp.dot(x, ptd, preferred_element_type=jnp.float32)
    z = td[:, 0:16]
    pad6 = jnp.zeros((NBLK, 6), jnp.float32)
    tda_ref[...] = jnp.concatenate([td[:, 0:8], td[:, 16:18], pad6], axis=1)
    tdb_ref[...] = jnp.concatenate([td[:, 8:16], td[:, 18:20], pad6], axis=1)
    hsel = jnp.where(
        lax.broadcasted_iota(jnp.int32, (16, F), 0) // F
        == lax.broadcasted_iota(jnp.int32, (16, F), 1), 1.0, 0.0
    ).astype(jnp.float32)
    nz2 = jnp.dot(z * z, hsel, preferred_element_type=jnp.float32)
    nx2 = jnp.sum(x * x, axis=1, keepdims=True)
    asb = ts[:, F:2 * F]
    adb = td[:, 16:20]
    bz = jnp.max(nz2, axis=0, keepdims=True)
    bx = jnp.max(nx2, axis=0, keepdims=True)
    bs = jnp.max(asb, axis=0, keepdims=True)
    bd = jnp.max(adb, axis=0, keepdims=True)
    blk = jnp.concatenate(
        [bz, jnp.broadcast_to(bx, (1, F)), bs, bd,
         jnp.full((1, 112), -jnp.inf, jnp.float32)], axis=1)
    blk8 = jnp.broadcast_to(blk, (8, 128))

    @pl.when(i == 0)
    def _():
        bmax_ref[...] = blk8

    @pl.when(i > 0)
    def _():
        bmax_ref[...] = jnp.maximum(bmax_ref[...], blk8)

    bm = bmax_ref[...]
    mzx = jnp.sqrt(jnp.maximum(bm[:, 0:4], 0.0)) * \
        jnp.sqrt(jnp.maximum(bm[:, 4:8], 0.0))
    sg = bm[:, 8:12] + bm[:, 12:16]
    mg = jnp.maximum(sg, 0.0) + 0.2 * jnp.minimum(sg, 0.0)
    bounds_ref[...] = jnp.concatenate(
        [mzx, mg, jnp.zeros((8, 120), jnp.float32)], axis=1)


def _edges_body(ts_hbm, tda_hbm, tdb_hbm, src_hbm, dst_hbm, bnd_hbm,
                outa_hbm, outb_hbm, acc, si0, si1, di0, di1, dsc0, dsc1,
                tsb0, tsb1, tdb0, tdb1, pay0, pay1, vb, gsem0, gsem1,
                ssem0, ssem1):
    cid = lax.axis_index("c")
    sid = lax.axis_index("s")
    wid = sid * NC + cid

    pltpu.sync_copy(bnd_hbm.at[0], vb)
    bv = vb[pl.ds(0, 16)]

    lanes = lax.iota(jnp.int32, 16)
    ebase0 = wid * EPW
    base_row = sid * ROWS_PT
    out_base = cid * REGION + sid * ROWS_PT
    zrow = jnp.zeros((16,), jnp.float32)
    REM = ROWS_PT % CHUNK
    NZ = ROWS_PT // CHUNK

    si = (si0, si1)
    di = (di0, di1)
    dsc = (dsc0, dsc1)
    tsb = (tsb0, tsb1)
    tdb = (tdb0, tdb1)
    pay = (pay0, pay1)
    gsem = (gsem0, gsem1)
    ssem = (ssem0, ssem1)

    def gather_waits(st):
        pltpu.make_async_copy(ts_hbm.at[si[st]], tsb[st], gsem[st]).wait()

    def scatter_waits(st):
        pltpu.make_async_copy(pay[st], acc.at[dsc[st]], ssem[st]).wait()

    for swp, (td_hbm, out_hbm, hb) in enumerate(
            ((tda_hbm, outa_hbm, 0), (tdb_hbm, outb_hbm, 2))):
        mt = [bv[hb], bv[hb + 1]]
        mg = [bv[F + hb], bv[F + hb + 1]]

        def gather_fire(st, c):
            row0 = wid * NCH + c
            pltpu.sync_copy(src_hbm.at[row0], si[st])
            pltpu.sync_copy(dst_hbm.at[row0], di[st])
            pltpu.async_copy(ts_hbm.at[si[st]], tsb[st], gsem[st])
            pltpu.async_copy(td_hbm.at[di[st]], tdb[st], gsem[st])

        def td_waits(st):
            pltpu.make_async_copy(td_hbm.at[di[st]], tdb[st], gsem[st]).wait()

        def compute(st, c):
            def _step(i, _):
                eix = i * 16 + lanes

                def col(k):
                    return jnp.full((16,), k, jnp.int32)

                xs = [plsc.load_gather(tsb[st], [eix, col(f)])
                      for f in range(F)]
                eg = ebase0 + c * CHUNK + i * 16 + lanes
                mk = jnp.where(eg < E, 1.0, 0.0).astype(jnp.float32)
                for h in range(2):
                    zh = [plsc.load_gather(tdb[st], [eix, col(h * F + f)])
                          for f in range(F)]
                    st_v = zh[0] * xs[0]
                    for f in range(1, F):
                        st_v = st_v + zh[f] * xs[f]
                    asv = plsc.load_gather(tsb[st], [eix, col(F + hb + h)])
                    adv = plsc.load_gather(tdb[st], [eix, col(8 + h)])
                    sgv = asv + adv
                    sgv = jnp.maximum(sgv, 0.0) + 0.2 * jnp.minimum(sgv, 0.0)
                    ext = jnp.exp(st_v - mt[h]) * mk
                    exg = jnp.exp(sgv - mg[h]) * mk
                    for f in range(F):
                        plsc.store_scatter(pay[st], [eix, col(h * F + f)],
                                           ext * xs[f])
                        plsc.store_scatter(pay[st], [eix, col(8 + h * F + f)],
                                           exg * xs[f])
                    plsc.store_scatter(pay[st], [eix, col(16 + h)], ext)
                    plsc.store_scatter(pay[st], [eix, col(18 + h)], exg)
                return 0

            lax.fori_loop(0, CHUNK // 16, _step, 0)

        def scatter_fire(st):
            for k in range(CHUNK // 16):
                dsc[st][pl.ds(k * 16, 16)] = di[st][pl.ds(k * 16, 16)]
            pltpu.async_copy(pay[st], acc.at[dsc[st]], ssem[st], add=True)

        def _zero_pay(r, _):
            pay0[r, pl.ds(0, 16)] = zrow
            pay0[r, pl.ds(8, 16)] = zrow
            pay1[r, pl.ds(0, 16)] = zrow
            pay1[r, pl.ds(8, 16)] = zrow
            return 0
        lax.fori_loop(0, CHUNK, _zero_pay, 0)

        def _zero_acc(k, _):
            pltpu.sync_copy(pay0, acc.at[pl.ds(base_row + k * CHUNK, CHUNK)])
            return 0
        lax.fori_loop(0, NZ, _zero_acc, 0)
        pltpu.sync_copy(pay0.at[pl.ds(0, REM)],
                        acc.at[pl.ds(base_row + NZ * CHUNK, REM)])
        plsc.subcore_barrier()

        gather_fire(0, 0)

        def _phase(g, c, st, nst):
            @pl.when(c + 1 < NCH)
            def _():
                gather_fire(nst, c + 1)
            gather_waits(st)
            td_waits(st)

            @pl.when(g >= 1)
            def _():
                scatter_waits(st)
            compute(st, c)
            scatter_fire(st)

        def _dphase(g, _):
            _phase(g, 2 * g, 0, 1)
            _phase(g, 2 * g + 1, 1, 0)
            return 0

        lax.fori_loop(0, NCH // 2, _dphase, 0)
        scatter_waits(0)
        scatter_waits(1)
        plsc.subcore_barrier()

        def _pub(k, _):
            pltpu.sync_copy(acc.at[pl.ds(base_row + k * CHUNK, CHUNK)],
                            out_hbm.at[pl.ds(out_base + k * CHUNK, CHUNK)])
            return 0
        lax.fori_loop(0, NZ, _pub, 0)
        pltpu.sync_copy(acc.at[pl.ds(base_row + NZ * CHUNK, REM)],
                        out_hbm.at[pl.ds(out_base + NZ * CHUNK, REM)])


def _final_body(a0a_ref, a1a_ref, a0b_ref, a1b_ref, x_ref, me_ref, wv_ref,
                wg_ref, wsk_ref, logits_ref, m_ref, s_ref, macc, sacc):
    i = pl.program_id(0)
    aa = a0a_ref[...] + a1a_ref[...]
    ab = a0b_ref[...] + a1b_ref[...]
    ri = lax.broadcasted_iota(jnp.int32, (ACC_W, OUT_DIM), 0)
    ci = lax.broadcasted_iota(jnp.int32, (ACC_W, OUT_DIM), 1)
    r4 = lax.broadcasted_iota(jnp.int32, (ACC_W, F), 0)
    c4 = lax.broadcasted_iota(jnp.int32, (ACC_W, F), 1)
    rsel = jnp.where(r4 % F == c4, 1.0, 0.0).astype(jnp.float32)
    wvrep = jnp.dot(rsel, wv_ref[...], preferred_element_type=jnp.float32)
    wgrep = jnp.dot(rsel, wg_ref[...], preferred_element_type=jnp.float32)
    oh = ci // EMB
    f1 = jnp.float32(1.0)
    f0 = jnp.float32(0.0)
    mt_a = jnp.where((ri < 8) & (oh == ri // F), f1, f0)
    mt_b = jnp.where((ri < 8) & (oh == ri // F + 2), f1, f0)
    mg_a = jnp.where((ri >= 8) & (ri < 16) & (oh == (ri - 8) // F), f1, f0)
    mg_b = jnp.where((ri >= 8) & (ri < 16) & (oh == (ri - 8) // F + 2), f1, f0)
    d_a = jnp.where(((ri == 16) & (oh == 0)) | ((ri == 17) & (oh == 1)),
                    f1, f0)
    d_b = jnp.where(((ri == 16) & (oh == 2)) | ((ri == 17) & (oh == 3)),
                    f1, f0)
    e_a = jnp.where(((ri == 18) & (oh == 0)) | ((ri == 19) & (oh == 1)),
                    f1, f0)
    e_b = jnp.where(((ri == 18) & (oh == 2)) | ((ri == 19) & (oh == 3)),
                    f1, f0)
    numt = jnp.dot(aa, wvrep * mt_a, preferred_element_type=jnp.float32) + \
        jnp.dot(ab, wvrep * mt_b, preferred_element_type=jnp.float32)
    numg = jnp.dot(aa, wgrep * mg_a, preferred_element_type=jnp.float32) + \
        jnp.dot(ab, wgrep * mg_b, preferred_element_type=jnp.float32)
    dtb = jnp.maximum(
        jnp.dot(aa, d_a, preferred_element_type=jnp.float32)
        + jnp.dot(ab, d_b, preferred_element_type=jnp.float32), 1e-30)
    dgb = jnp.maximum(
        jnp.dot(aa, e_a, preferred_element_type=jnp.float32)
        + jnp.dot(ab, e_b, preferred_element_type=jnp.float32), 1e-30)
    h = numt / dtb + numg / dgb + jnp.dot(
        x_ref[...], wsk_ref[...], preferred_element_type=jnp.float32)
    logits = lax.dot_general(h, me_ref[...], (((1,), (1,)), ((), ())),
                             preferred_element_type=jnp.float32)
    logits_ref[...] = logits

    @pl.when(i == 0)
    def _():
        macc[...] = jnp.full((8, B), -1e30, jnp.float32)
        sacc[...] = jnp.zeros((8, B), jnp.float32)

    m_old = macc[0:1, :]
    bm = jnp.max(logits, axis=0, keepdims=True)
    m_new = jnp.maximum(m_old, bm)
    s_old = sacc[0:1, :]
    s_new = s_old * jnp.exp(m_old - m_new) + jnp.sum(
        jnp.exp(logits - m_new), axis=0, keepdims=True)
    macc[...] = jnp.broadcast_to(m_new, (8, B))
    sacc[...] = jnp.broadcast_to(s_new, (8, B))
    m_ref[...] = macc[...]
    s_ref[...] = sacc[...]


def _norm_body(logits_ref, m_ref, s_ref, out_ref):
    lse = m_ref[0:1, :] + jnp.log(s_ref[0:1, :])
    val = logits_ref[...] - lse
    r = lax.broadcasted_iota(jnp.int32, (B, B), 0)
    c = lax.broadcasted_iota(jnp.int32, (B, B), 1)
    eye = jnp.where(r == c, 1.0, 0.0).astype(jnp.float32)
    out_ref[...] = lax.dot_general(eye, val, (((1,), (1,)), ((), ())),
                                   preferred_element_type=jnp.float32)


def _stages(message, x, edge_index, W_gat, a_src, a_dst, W_q, W_k, W_fc,
            b_fc):
    f32 = jnp.float32
    wo, me = pl.pallas_call(
        _wprep_body,
        out_shape=(jax.ShapeDtypeStruct((8, 128), f32),
                   jax.ShapeDtypeStruct((B, OUT_DIM), f32)),
    )(W_q, W_k, W_gat, a_src, a_dst, message, W_fc,
      b_fc.reshape(1, OUT_DIM))

    tsrc, tda, tdb, bounds = pl.pallas_call(
        _nprep_body,
        grid=(NGRID,),
        in_specs=[pl.BlockSpec((NBLK, F), lambda i: (i, 0)),
                  pl.BlockSpec((8, 128), lambda i: (0, 0))],
        out_specs=[pl.BlockSpec((NBLK, 8), lambda i: (i, 0)),
                   pl.BlockSpec((NBLK, 16), lambda i: (i, 0)),
                   pl.BlockSpec((NBLK, 16), lambda i: (i, 0)),
                   pl.BlockSpec((8, 128), lambda i: (0, 0))],
        out_shape=(jax.ShapeDtypeStruct((N, 8), f32),
                   jax.ShapeDtypeStruct((N, 16), f32),
                   jax.ShapeDtypeStruct((N, 16), f32),
                   jax.ShapeDtypeStruct((8, 128), f32)),
        scratch_shapes=[pltpu.VMEM((8, 128), f32)],
    )(x, wo)

    src = jnp.pad(edge_index[0], (0, EPAD - E)).reshape(EPAD // CHUNK, CHUNK)
    dst = jnp.pad(edge_index[1], (0, EPAD - E)).reshape(EPAD // CHUNK, CHUNK)

    mesh = plsc.VectorSubcoreMesh(core_axis_name="c", subcore_axis_name="s",
                                  num_cores=NC, num_subcores=NS)
    edges = pl.kernel(
        _edges_body,
        out_type=(jax.ShapeDtypeStruct((NC * REGION, ACC_W), f32),
                  jax.ShapeDtypeStruct((NC * REGION, ACC_W), f32)),
        mesh=mesh,
        compiler_params=pltpu.CompilerParams(needs_layout_passes=False,
                                             use_tc_tiling_on_sc=False),
        scratch_types=[
            pltpu.VMEM_SHARED((NPAD, ACC_W), f32),
            pltpu.VMEM((CHUNK,), jnp.int32),
            pltpu.VMEM((CHUNK,), jnp.int32),
            pltpu.VMEM((CHUNK,), jnp.int32),
            pltpu.VMEM((CHUNK,), jnp.int32),
            pltpu.VMEM((CHUNK,), jnp.int32),
            pltpu.VMEM((CHUNK,), jnp.int32),
            pltpu.VMEM((CHUNK, 8), f32),
            pltpu.VMEM((CHUNK, 8), f32),
            pltpu.VMEM((CHUNK, 16), f32),
            pltpu.VMEM((CHUNK, 16), f32),
            pltpu.VMEM((CHUNK, ACC_W), f32),
            pltpu.VMEM((CHUNK, ACC_W), f32),
            pltpu.VMEM((128,), f32),
            pltpu.SemaphoreType.DMA,
            pltpu.SemaphoreType.DMA,
            pltpu.SemaphoreType.DMA,
            pltpu.SemaphoreType.DMA,
        ],
    )
    aparta, apartb = edges(tsrc, tda, tdb, src, dst, bounds)
    return wo, me, tsrc, tda, tdb, bounds, aparta, apartb


def _final_call(aparta, apartb, x, me, W_v, W_gat, W_skip):
    f32 = jnp.float32
    return pl.pallas_call(
        _final_body,
        grid=(NGRID,),
        in_specs=[pl.BlockSpec((NBLK, ACC_W), lambda i: (i, 0)),
                  pl.BlockSpec((NBLK, ACC_W), lambda i: (i + REGION // NBLK, 0)),
                  pl.BlockSpec((NBLK, ACC_W), lambda i: (i, 0)),
                  pl.BlockSpec((NBLK, ACC_W), lambda i: (i + REGION // NBLK, 0)),
                  pl.BlockSpec((NBLK, F), lambda i: (i, 0)),
                  pl.BlockSpec((B, OUT_DIM), lambda i: (0, 0)),
                  pl.BlockSpec((F, OUT_DIM), lambda i: (0, 0)),
                  pl.BlockSpec((F, OUT_DIM), lambda i: (0, 0)),
                  pl.BlockSpec((F, OUT_DIM), lambda i: (0, 0))],
        out_specs=[pl.BlockSpec((NBLK, B), lambda i: (i, 0)),
                   pl.BlockSpec((8, B), lambda i: (0, 0)),
                   pl.BlockSpec((8, B), lambda i: (0, 0))],
        out_shape=(jax.ShapeDtypeStruct((NPADT, B), f32),
                   jax.ShapeDtypeStruct((8, B), f32),
                   jax.ShapeDtypeStruct((8, B), f32)),
        scratch_shapes=[pltpu.VMEM((8, B), f32), pltpu.VMEM((8, B), f32)],
    )(aparta, aparta, apartb, apartb, x, me, W_v, W_gat, W_skip)


def _norm_call(logits, m, s):
    f32 = jnp.float32
    return pl.pallas_call(
        _norm_body,
        grid=(OGRID,),
        in_specs=[pl.BlockSpec((OBLK, B), lambda i: (i, 0)),
                  pl.BlockSpec((8, B), lambda i: (0, 0)),
                  pl.BlockSpec((8, B), lambda i: (0, 0))],
        out_specs=pl.BlockSpec((B, OBLK), lambda i: (0, i)),
        out_shape=jax.ShapeDtypeStruct((B, NPADT), f32),
    )(logits, m, s)


def kernel(message, _input, x, edge_index, W_gat, a_src, a_dst, W_q, W_k,
           W_v, W_skip, W_fc, b_fc):
    (wo, me, tsrc, tda, tdb, bounds, aparta, apartb) = _stages(
        message, x, edge_index, W_gat, a_src, a_dst, W_q, W_k, W_fc, b_fc)
    logits, m, s = _final_call(aparta, apartb, x, me, W_v, W_gat, W_skip)
    out = _norm_call(logits, m, s)
    return out[:, :N]

# --- scband reference (transcript-rebuilt; emitter-appended) ---
"""Pipeline reference for scband-receiver-dual-20693152432915 (READ-ONLY COPY).

The authoritative reference and input builder live on the scoring server;
editing this copy changes nothing except your own understanding.
"""

import jax, jax.numpy as jnp
import numpy as np

N_NODES = 50000
N_EDGES = 800000
NUM_NODE_FEATURES = 4
EMBEDDING_SIZE = 16
HEADS = 4
HIDDEN_SIZE = 128
BATCH = 64
OUT_DIM = EMBEDDING_SIZE * HEADS


def setup_inputs(seed: int = 0) -> dict:
    key = jax.random.key(seed)
    ks = jax.random.split(key, 14)
    s = 0.1
    inp = {}
    inp['message'] = jax.random.normal(ks[0], (BATCH, HIDDEN_SIZE), dtype=jnp.float32)
    inp['_input'] = jnp.zeros((BATCH,), dtype=jnp.float32)
    inp['x'] = jax.random.normal(ks[1], (N_NODES, NUM_NODE_FEATURES), dtype=jnp.float32)
    inp['edge_index'] = jax.random.randint(ks[2], (2, N_EDGES), 0, N_NODES, dtype=jnp.int32)
    inp['W_gat'] = jax.random.normal(ks[3], (NUM_NODE_FEATURES, OUT_DIM), dtype=jnp.float32) * s
    inp['a_src'] = jax.random.normal(ks[4], (HEADS, EMBEDDING_SIZE), dtype=jnp.float32) * s
    inp['a_dst'] = jax.random.normal(ks[5], (HEADS, EMBEDDING_SIZE), dtype=jnp.float32) * s
    inp['W_q'] = jax.random.normal(ks[6], (NUM_NODE_FEATURES, OUT_DIM), dtype=jnp.float32) * s
    inp['W_k'] = jax.random.normal(ks[7], (NUM_NODE_FEATURES, OUT_DIM), dtype=jnp.float32) * s
    inp['W_v'] = jax.random.normal(ks[8], (NUM_NODE_FEATURES, OUT_DIM), dtype=jnp.float32) * s
    inp['W_skip'] = jax.random.normal(ks[9], (NUM_NODE_FEATURES, OUT_DIM), dtype=jnp.float32) * s
    inp['W_fc'] = jax.random.normal(ks[10], (HIDDEN_SIZE, OUT_DIM), dtype=jnp.float32) * s
    inp['b_fc'] = jnp.zeros((OUT_DIM,), dtype=jnp.float32)
    return inp


def _segment_softmax(logits, seg, n):
    m = jax.ops.segment_max(logits, seg, num_segments=n)
    m = jnp.where(jnp.isfinite(m), m, 0.0)
    ex = jnp.exp(logits - m[seg])
    den = jax.ops.segment_sum(ex, seg, num_segments=n)
    return ex / (den[seg] + 1e-16)


def _gat(x, edge_index, W, a_s, a_d):
    n = x.shape[0]
    h = (x @ W).reshape(n, HEADS, EMBEDDING_SIZE)
    src = edge_index[0]
    dst = edge_index[1]
    al_s = jnp.sum(h * a_s[None, :, :], axis=-1)
    al_d = jnp.sum(h * a_d[None, :, :], axis=-1)
    e = jax.nn.leaky_relu(al_s[src] + al_d[dst], negative_slope=0.2)
    attn = _segment_softmax(e, dst, n)
    msgs = h[src] * attn[:, :, None]
    out = jax.ops.segment_sum(msgs, dst, num_segments=n)
    return out.reshape(n, OUT_DIM)


def _transform(x, edge_index, Wq, Wk, Wv, Wskip):
    n = x.shape[0]
    q = (x @ Wq).reshape(n, HEADS, EMBEDDING_SIZE)
    k = (x @ Wk).reshape(n, HEADS, EMBEDDING_SIZE)
    v = (x @ Wv).reshape(n, HEADS, EMBEDDING_SIZE)
    src = edge_index[0]
    dst = edge_index[1]
    score = jnp.sum(q[dst] * k[src], axis=-1) / jnp.sqrt(float(EMBEDDING_SIZE))
    attn = _segment_softmax(score, dst, n)
    agg = jax.ops.segment_sum(v[src] * attn[:, :, None], dst, num_segments=n)
    return agg.reshape(n, OUT_DIM) + x @ Wskip


def reference(message, _input, x, edge_index, W_gat, a_src, a_dst, W_q, W_k, W_v, W_skip, W_fc, b_fc):
    h_t = _transform(x, edge_index, W_q, W_k, W_v, W_skip)
    h_g = _gat(x, edge_index, W_gat, a_src, a_dst)
    h = h_t + h_g
    message_embedding = message @ W_fc + b_fc
    dot_products = (h @ message_embedding.T).T
    return jax.nn.log_softmax(dot_products, axis=1)

if __name__ == "__main__":
    import jax
    _d = setup_inputs()
    print(jax.jit(kernel)(*tuple(_d.values())))

</pallas_src>

<mosaic_0001>
#map = affine_map<(d0, d1) -> (0, 0)>
module attributes {stable_mosaic.version = 14 : i64} {
  func.func @_edges_body(%arg0: i32, %arg1: i32, %arg2: memref<50000x8xf32, #tpu.memory_space<hbm>>, %arg3: memref<50000x16xf32, #tpu.memory_space<hbm>>, %arg4: memref<50000x16xf32, #tpu.memory_space<hbm>>, %arg5: memref<6400x128xi32, #tpu.memory_space<hbm>>, %arg6: memref<6400x128xi32, #tpu.memory_space<hbm>>, %arg7: memref<8x128xf32, #tpu.memory_space<hbm>>, %arg8: memref<104000x24xf32, #tpu.memory_space<hbm>>, %arg9: memref<104000x24xf32, #tpu.memory_space<hbm>>, %arg10: memref<50048x24xf32, #tpu.memory_space<vmem_shared>>, %arg11: memref<128xi32, #tpu.memory_space<vmem>>, %arg12: memref<128xi32, #tpu.memory_space<vmem>>, %arg13: memref<128xi32, #tpu.memory_space<vmem>>, %arg14: memref<128xi32, #tpu.memory_space<vmem>>, %arg15: memref<128xi32, #tpu.memory_space<vmem>>, %arg16: memref<128xi32, #tpu.memory_space<vmem>>, %arg17: memref<128x8xf32, #tpu.memory_space<vmem>>, %arg18: memref<128x8xf32, #tpu.memory_space<vmem>>, %arg19: memref<128x16xf32, #tpu.memory_space<vmem>>, %arg20: memref<128x16xf32, #tpu.memory_space<vmem>>, %arg21: memref<128x24xf32, #tpu.memory_space<vmem>>, %arg22: memref<128x24xf32, #tpu.memory_space<vmem>>, %arg23: memref<128xf32, #tpu.memory_space<vmem>>, %arg24: memref<!tpu.dma_semaphore, #tpu.memory_space<semaphore_mem>>, %arg25: memref<!tpu.dma_semaphore, #tpu.memory_space<semaphore_mem>>, %arg26: memref<!tpu.dma_semaphore, #tpu.memory_space<semaphore_mem>>, %arg27: memref<!tpu.dma_semaphore, #tpu.memory_space<semaphore_mem>>) attributes {dimension_semantics = [#tpu.dimension_semantics<core_parallel>, #tpu.dimension_semantics<subcore_parallel>], iteration_bounds = array<i64: 2, 16>, scalar_prefetch = 0 : i64, scratch_operands = 18 : i64, tpu.core_type = #tpu.core_type<sc_vector_subcore>, window_params = [{transform_indices = #map}, {transform_indices = #map}, {transform_indices = #map}, {transform_indices = #map}, {transform_indices = #map}, {transform_indices = #map}, {transform_indices = #map}, {transform_indices = #map}]} {
    %mul3A = arith.constant 2 : i32
    %mul3A_0 = arith.muli %arg1, %mul3A : i32
    %add3A = arith.addi %mul3A_0, %arg0 : i32
    %run_scoped3A = arith.constant 0 : i32
    "tpu.region"() ({
      %run_scoped3A_126 = tpu.sem_alloc : memref<!tpu.dma_semaphore, #tpu.memory_space<semaphore_mem>>
      %dma_start3A_127 = arith.constant 0 : i32
      %dma_start3A_128 = tpu.memref_slice %arg7[%run_scoped3A, %dma_start3A_127] : memref<8x128xf32, #tpu.memory_space<hbm>> -> memref<1x128xf32, #tpu.memory_space<hbm>>
      %dma_start3A_129 = tpu.memref_squeeze %dma_start3A_128 : memref<1x128xf32, #tpu.memory_space<hbm>> -> memref<128xf32, #tpu.memory_space<hbm>>
      %dma_start3A_130 = arith.constant 0 : i32
      %dma_start3A_131 = tpu.memref_slice %arg7[%run_scoped3A, %dma_start3A_130] : memref<8x128xf32, #tpu.memory_space<hbm>> -> memref<1x128xf32, #tpu.memory_space<hbm>>
      %dma_start3A_132 = tpu.memref_squeeze %dma_start3A_131 : memref<1x128xf32, #tpu.memory_space<hbm>> -> memref<128xf32, #tpu.memory_space<hbm>>
      tpu.enqueue_dma source(%dma_start3A_132 : memref<128xf32, #tpu.memory_space<hbm>>) target(%arg23 : memref<128xf32, #tpu.memory_space<vmem>>) target_semaphore(%run_scoped3A_126 : memref<!tpu.dma_semaphore, #tpu.memory_space<semaphore_mem>>)
      %dma_wait3A_133 = arith.constant 0 : i32
      %dma_wait3A_134 = tpu.memref_slice %arg7[%run_scoped3A, %dma_wait3A_133] : memref<8x128xf32, #tpu.memory_space<hbm>> -> memref<1x128xf32, #tpu.memory_space<hbm>>
      %dma_wait3A_135 = tpu.memref_squeeze %dma_wait3A_134 : memref<1x128xf32, #tpu.memory_space<hbm>> -> memref<128xf32, #tpu.memory_space<hbm>>
      %dma_wait3A_136 = arith.constant 0 : i32
      %dma_wait3A_137 = tpu.memref_slice %arg7[%run_scoped3A, %dma_wait3A_136] : memref<8x128xf32, #tpu.memory_space<hbm>> -> memref<1x128xf32, #tpu.memory_space<hbm>>
      %dma_wait3A_138 = tpu.memref_squeeze %dma_wait3A_137 : memref<1x128xf32, #tpu.memory_space<hbm>> -> memref<128xf32, #tpu.memory_space<hbm>>
      tpu.wait_dma2 semaphore(%run_scoped3A_126 : memref<!tpu.dma_semaphore, #tpu.memory_space<semaphore_mem>>) src(%dma_wait3A_138 : memref<128xf32, #tpu.memory_space<hbm>>) dst(%arg23 : memref<128xf32, #tpu.memory_space<vmem>>)
      tpu.yield
    }) : () -> ()
    %get3A = arith.constant 0 : index
    %get3A_1 = tpu.vector_load %arg23[%get3A] {strides = array<i32>} : memref<128xf32, #tpu.memory_space<vmem>>, vector<16xf32>,
    %iota3A = tpu.iota {dimensions = array<i32: 0>} : vector<16xi32>
    %mul3A_2 = arith.constant 25600 : i32
    %mul3A_3 = arith.muli %add3A, %mul3A_2 : i32
    %mul3A_4 = arith.constant 3128 : i32
    %mul3A_5 = arith.muli %arg1, %mul3A_4 : i32
    %mul3A_6 = arith.constant 52000 : i32
    %mul3A_7 = arith.muli %arg0, %mul3A_6 : i32
    %mul3A_8 = arith.constant 3128 : i32
    %mul3A_9 = arith.muli %arg1, %mul3A_8 : i32
    %add3A_10 = arith.addi %mul3A_7, %mul3A_9 : i32
    %broadcast_in_dim3A = arith.constant 0.000000e+00 : f32
    %broadcast_in_dim3A_11 = vector.broadcast %broadcast_in_dim3A : f32 to vector<16xf32>
    %slice3A = vector.extract_strided_slice %get3A_1 {offsets = [0], sizes = [1], strides = [1]} : vector<16xf32> to vector<1xf32>
    %squeeze3A = vector.extract %slice3A[0] : f32 from vector<1xf32>
    %slice3A_12 = vector.extract_strided_slice %get3A_1 {offsets = [1], sizes = [1], strides = [1]} : vector<16xf32> to vector<1xf32>
    %squeeze3A_13 = vector.extract %slice3A_12[0] : f32 from vector<1xf32>
    %slice3A_14 = vector.extract_strided_slice %get3A_1 {offsets = [4], sizes = [1], strides = [1]} : vector<16xf32> to vector<1xf32>
    %squeeze3A_15 = vector.extract %slice3A_14[0] : f32 from vector<1xf32>
    %slice3A_16 = vector.extract_strided_slice %get3A_1 {offsets = [5], sizes = [1], strides = [1]} : vector<16xf32> to vector<1xf32>
    %squeeze3A_17 = vector.extract %slice3A_16[0] : f32 from vector<1xf32>
    %scan3A = arith.constant 0 : i32
    %scan3A_18 = arith.constant 0 : i32
    %scan3A_19 = arith.constant 128 : i32
    %scan3A_20 = arith.addi %scan3A_18, %scan3A_19 : i32
    %scan3A_21 = arith.constant 1 : i32
    %scan3A_22 = scf.for %scan3A_126 = %scan3A_18 to %scan3A_20 step %scan3A_21 iter_args(%scan3A_127 = %scan3A) -> (i32)  : i32 {
      %swap3A = arith.index_cast %scan3A_126 : i32 to index
      %swap3A_128 = arith.constant 0 : index
      %swap3A_129 = tpu.vector_load %arg21[%swap3A, %swap3A_128] {strides = array<i32>} : memref<128x24xf32, #tpu.memory_space<vmem>>, vector<16xf32>,
      tpu.vector_store %arg21[%swap3A, %swap3A_128], %broadcast_in_dim3A_11 {strides = array<i32>} : memref<128x24xf32, #tpu.memory_space<vmem>>, vector<16xf32>,
      %swap3A_130 = arith.index_cast %scan3A_126 : i32 to index
      %swap3A_131 = arith.constant 8 : index
      %swap3A_132 = tpu.vector_load %arg21[%swap3A_130, %swap3A_131] {strides = array<i32>} : memref<128x24xf32, #tpu.memory_space<vmem>>, vector<16xf32>,
      tpu.vector_store %arg21[%swap3A_130, %swap3A_131], %broadcast_in_dim3A_11 {strides = array<i32>} : memref<128x24xf32, #tpu.memory_space<vmem>>, vector<16xf32>,
      %swap3A_133 = arith.index_cast %scan3A_126 : i32 to index
      %swap3A_134 = arith.constant 0 : index
      %swap3A_135 = tpu.vector_load %arg22[%swap3A_133, %swap3A_134] {strides = array<i32>} : memref<128x24xf32, #tpu.memory_space<vmem>>, vector<16xf32>,
      tpu.vector_store %arg22[%swap3A_133, %swap3A_134], %broadcast_in_dim3A_11 {strides = array<i32>} : memref<128x24xf32, #tpu.memory_space<vmem>>, vector<16xf32>,
      %swap3A_136 = arith.index_cast %scan3A_126 : i32 to index
      %swap3A_137 = arith.constant 8 : index
      %swap3A_138 = tpu.vector_load %arg22[%swap3A_136, %swap3A_137] {strides = array<i32>} : memref<128x24xf32, #tpu.memory_space<vmem>>, vector<16xf32>,
      tpu.vector_store %arg22[%swap3A_136, %swap3A_137], %broadcast_in_dim3A_11 {strides = array<i32>} : memref<128x24xf32, #tpu.memory_space<vmem>>, vector<16xf32>,
      %scan3A_139 = arith.constant 0 : i32
      scf.yield %scan3A_139 : i32
    }
    %scan3A_23 = arith.constant 128 : i32
    %scan3A_24 = arith.constant 0 : i32
    %scan3A_25 = arith.constant 0 : i32
    %scan3A_26 = arith.constant 24 : i32
    %scan3A_27 = arith.addi %scan3A_25, %scan3A_26 : i32
    %scan3A_28 = arith.constant 1 : i32
    %scan3A_29 = scf.for %scan3A_126 = %scan3A_25 to %scan3A_27 step %scan3A_28 iter_args(%scan3A_127 = %scan3A_24) -> (i32)  : i32 {
      %mul3A_128 = arith.constant 128 : i32
      %mul3A_129 = arith.muli %scan3A_126, %mul3A_128 : i32
      %add3A_130 = arith.addi %mul3A_5, %mul3A_129 : i32
      "tpu.region"() ({
        %run_scoped3A_132 = tpu.sem_alloc : memref<!tpu.dma_semaphore, #tpu.memory_space<semaphore_mem>>
        %dma_start3A_133 = arith.constant 0 : i32
        %dma_start3A_134 = tpu.memref_slice %arg10[%add3A_130, %dma_start3A_133] : memref<50048x24xf32, #tpu.memory_space<vmem_shared>> -> memref<128x24xf32, #tpu.memory_space<vmem_shared>>
        %dma_start3A_135 = arith.constant 0 : i32
        %dma_start3A_136 = tpu.memref_slice %arg10[%add3A_130, %dma_start3A_135] : memref<50048x24xf32, #tpu.memory_space<vmem_shared>> -> memref<128x24xf32, #tpu.memory_space<vmem_shared>>
        tpu.enqueue_dma source(%arg21 : memref<128x24xf32, #tpu.memory_space<vmem>>) target(%dma_start3A_136 : memref<128x24xf32, #tpu.memory_space<vmem_shared>>) target_semaphore(%run_scoped3A_132 : memref<!tpu.dma_semaphore, #tpu.memory_space<semaphore_mem>>)
        %dma_wait3A_137 = arith.constant 0 : i32
        %dma_wait3A_138 = tpu.memref_slice %arg10[%add3A_130, %dma_wait3A_137] : memref<50048x24xf32, #tpu.memory_space<vmem_shared>> -> memref<128x24xf32, #tpu.memory_space<vmem_shared>>
        %dma_wait3A_139 = arith.constant 0 : i32
        %dma_wait3A_140 = tpu.memref_slice %arg10[%add3A_130, %dma_wait3A_139] : memref<50048x24xf32, #tpu.memory_space<vmem_shared>> -> memref<128x24xf32, #tpu.memory_space<vmem_shared>>
        tpu.wait_dma2 semaphore(%run_scoped3A_132 : memref<!tpu.dma_semaphore, #tpu.memory_space<semaphore_mem>>) src(%arg21 : memref<128x24xf32, #tpu.memory_space<vmem>>) dst(%dma_wait3A_140 : memref<128x24xf32, #tpu.memory_space<vmem_shared>>)
        tpu.yield
      }) : () -> ()
      %scan3A_131 = arith.constant 0 : i32
      scf.yield %scan3A_131 : i32
    }
    %scan3A_30 = arith.constant 24 : i32
    %add3A_31 = arith.constant 3072 : i32
    %add3A_32 = arith.addi %mul3A_5, %add3A_31 : i32
    "tpu.region"() ({
      %run_scoped3A_126 = tpu.sem_alloc : memref<!tpu.dma_semaphore, #tpu.memory_space<semaphore_mem>>
      %dma_start3A_127 = arith.constant 0 : i32
      %dma_start3A_128 = arith.constant 0 : i32
      %dma_start3A_129 = tpu.memref_slice %arg21[%dma_start3A_127, %dma_start3A_128] : memref<128x24xf32, #tpu.memory_space<vmem>> -> memref<56x24xf32, #tpu.memory_space<vmem>>
      %dma_start3A_130 = arith.constant 0 : i32
      %dma_start3A_131 = tpu.memref_slice %arg10[%add3A_32, %dma_start3A_130] : memref<50048x24xf32, #tpu.memory_space<vmem_shared>> -> memref<56x24xf32, #tpu.memory_space<vmem_shared>>
      %dma_start3A_132 = arith.constant 0 : i32
      %dma_start3A_133 = tpu.memref_slice %arg10[%add3A_32, %dma_start3A_132] : memref<50048x24xf32, #tpu.memory_space<vmem_shared>> -> memref<56x24xf32, #tpu.memory_space<vmem_shared>>
      %dma_start3A_134 = arith.constant 0 : i32
      %dma_start3A_135 = arith.constant 0 : i32
      %dma_start3A_136 = tpu.memref_slice %arg21[%dma_start3A_134, %dma_start3A_135] : memref<128x24xf32, #tpu.memory_space<vmem>> -> memref<56x24xf32, #tpu.memory_space<vmem>>
      tpu.enqueue_dma source(%dma_start3A_136 : memref<56x24xf32, #tpu.memory_space<vmem>>) target(%dma_start3A_133 : memref<56x24xf32, #tpu.memory_space<vmem_shared>>) target_semaphore(%run_scoped3A_126 : memref<!tpu.dma_semaphore, #tpu.memory_space<semaphore_mem>>)
      %dma_wait3A_137 = arith.constant 0 : i32
      %dma_wait3A_138 = arith.constant 0 : i32
      %dma_wait3A_139 = tpu.memref_slice %arg21[%dma_wait3A_137, %dma_wait3A_138] : memref<128x24xf32, #tpu.memory_space<vmem>> -> memref<56x24xf32, #tpu.memory_space<vmem>>
      %dma_wait3A_140 = arith.constant 0 : i32
      %dma_wait3A_141 = tpu.memref_slice %arg10[%add3A_32, %dma_wait3A_140] : memref<50048x24xf32, #tpu.memory_space<vmem_shared>> -> memref<56x24xf32, #tpu.memory_space<vmem_shared>>
      %dma_wait3A_142 = arith.constant 0 : i32
      %dma_wait3A_143 = tpu.memref_slice %arg10[%add3A_32, %dma_wait3A_142] : memref<50048x24xf32, #tpu.memory_space<vmem_shared>> -> memref<56x24xf32, #tpu.memory_space<vmem_shared>>
      %dma_wait3A_144 = arith.constant 0 : i32
      %dma_wait3A_145 = arith.constant 0 : i32
      %dma_wait3A_146 = tpu.memref_slice %arg21[%dma_wait3A_144, %dma_wait3A_145] : memref<128x24xf32, #tpu.memory_space<vmem>> -> memref<56x24xf32, #tpu.memory_space<vmem>>
      tpu.wait_dma2 semaphore(%run_scoped3A_126 : memref<!tpu.dma_semaphore, #tpu.memory_space<semaphore_mem>>) src(%dma_wait3A_146 : memref<56x24xf32, #tpu.memory_space<vmem>>) dst(%dma_wait3A_143 : memref<56x24xf32, #tpu.memory_space<vmem_shared>>)
      tpu.yield
    }) : () -> ()
    %barrier3A = arith.constant 0 : index
    tpu.barrier barrier_id(%barrier3A)
    %mul3A_33 = arith.constant 200 : i32
    %mul3A_34 = arith.muli %add3A, %mul3A_33 : i32
    %add3A_35 = arith.constant 0 : i32
    %add3A_36 = arith.addi %mul3A_34, %add3A_35 : i32
    "tpu.region"() ({
      %run_scoped3A_126 = tpu.sem_alloc : memref<!tpu.dma_semaphore, #tpu.memory_space<semaphore_mem>>
      %dma_start3A_127 = arith.constant 0 : i32
      %dma_start3A_128 = tpu.memref_slice %arg5[%add3A_36, %dma_start3A_127] : memref<6400x128xi32, #tpu.memory_space<hbm>> -> memref<1x128xi32, #tpu.memory_space<hbm>>
      %dma_start3A_129 = tpu.memref_squeeze %dma_start3A_128 : memref<1x128xi32, #tpu.memory_space<hbm>> -> memref<128xi32, #tpu.memory_space<hbm>>
      %dma_start3A_130 = arith.constant 0 : i32
      %dma_start3A_131 = tpu.memref_slice %arg5[%add3A_36, %dma_start3A_130] : memref<6400x128xi32, #tpu.memory_space<hbm>> -> memref<1x128xi32, #tpu.memory_space<hbm>>
      %dma_start3A_132 = tpu.memref_squeeze %dma_start3A_131 : memref<1x128xi32, #tpu.memory_space<hbm>> -> memref<128xi32, #tpu.memory_space<hbm>>
      tpu.enqueue_dma source(%dma_start3A_132 : memref<128xi32, #tpu.memory_space<hbm>>) target(%arg11 : memref<128xi32, #tpu.memory_space<vmem>>) target_semaphore(%run_scoped3A_126 : memref<!tpu.dma_semaphore, #tpu.memory_space<semaphore_mem>>)
      %dma_wait3A_133 = arith.constant 0 : i32
      %dma_wait3A_134 = tpu.memref_slice %arg5[%add3A_36, %dma_wait3A_133] : memref<6400x128xi32, #tpu.memory_space<hbm>> -> memref<1x128xi32, #tpu.memory_space<hbm>>
      %dma_wait3A_135 = tpu.memref_squeeze %dma_wait3A_134 : memref<1x128xi32, #tpu.memory_space<hbm>> -> memref<128xi32, #tpu.memory_space<hbm>>
      %dma_wait3A_136 = arith.constant 0 : i32
      %dma_wait3A_137 = tpu.memref_slice %arg5[%add3A_36, %dma_wait3A_136] : memref<6400x128xi32, #tpu.memory_space<hbm>> -> memref<1x128xi32, #tpu.memory_space<hbm>>
      %dma_wait3A_138 = tpu.memref_squeeze %dma_wait3A_137 : memref<1x128xi32, #tpu.memory_space<hbm>> -> memref<128xi32, #tpu.memory_space<hbm>>
      tpu.wait_dma2 semaphore(%run_scoped3A_126 : memref<!tpu.dma_semaphore, #tpu.memory_space<semaphore_mem>>) src(%dma_wait3A_138 : memref<128xi32, #tpu.memory_space<hbm>>) dst(%arg11 : memref<128xi32, #tpu.memory_space<vmem>>)
      tpu.yield
    }) : () -> ()
    "tpu.region"() ({
      %run_scoped3A_126 = tpu.sem_alloc : memref<!tpu.dma_semaphore, #tpu.memory_space<semaphore_mem>>
      %dma_start3A_127 = arith.constant 0 : i32
      %dma_start3A_128 = tpu.memref_slice %arg6[%add3A_36, %dma_start3A_127] : memref<6400x128xi32, #tpu.memory_space<hbm>> -> memref<1x128xi32, #tpu.memory_space<hbm>>
      %dma_start3A_129 = tpu.memref_squeeze %dma_start3A_128 : memref<1x128xi32, #tpu.memory_space<hbm>> -> memref<128xi32, #tpu.memory_space<hbm>>
      %dma_start3A_130 = arith.constant 0 : i32
      %dma_start3A_131 = tpu.memref_slice %arg6[%add3A_36, %dma_start3A_130] : memref<6400x128xi32, #tpu.memory_space<hbm>> -> memref<1x128xi32, #tpu.memory_space<hbm>>
      %dma_start3A_132 = tpu.memref_squeeze %dma_start3A_131 : memref<1x128xi32, #tpu.memory_space<hbm>> -> memref<128xi32, #tpu.memory_space<hbm>>
      tpu.enqueue_dma source(%dma_start3A_132 : memref<128xi32, #tpu.memory_space<hbm>>) target(%arg13 : memref<128xi32, #tpu.memory_space<vmem>>) target_semaphore(%run_scoped3A_126 : memref<!tpu.dma_semaphore, #tpu.memory_space<semaphore_mem>>)
      %dma_wait3A_133 = arith.constant 0 : i32
      %dma_wait3A_134 = tpu.memref_slice %arg6[%add3A_36, %dma_wait3A_133] : memref<6400x128xi32, #tpu.memory_space<hbm>> -> memref<1x128xi32, #tpu.memory_space<hbm>>
      %dma_wait3A_135 = tpu.memref_squeeze %dma_wait3A_134 : memref<1x128xi32, #tpu.memory_space<hbm>> -> memref<128xi32, #tpu.memory_space<hbm>>
      %dma_wait3A_136 = arith.constant 0 : i32
      %dma_wait3A_137 = tpu.memref_slice %arg6[%add3A_36, %dma_wait3A_136] : memref<6400x128xi32, #tpu.memory_space<hbm>> -> memref<1x128xi32, #tpu.memory_space<hbm>>
      %dma_wait3A_138 = tpu.memref_squeeze %dma_wait3A_137 : memref<1x128xi32, #tpu.memory_space<hbm>> -> memref<128xi32, #tpu.memory_space<hbm>>
      tpu.wait_dma2 semaphore(%run_scoped3A_126 : memref<!tpu.dma_semaphore, #tpu.memory_space<semaphore_mem>>) src(%dma_wait3A_138 : memref<128xi32, #tpu.memory_space<hbm>>) dst(%arg13 : memref<128xi32, #tpu.memory_space<vmem>>)
      tpu.yield
    }) : () -> ()
    %dma_start3A = arith.constant 0 : i32
    %dma_start3A_37 = arith.constant 0 : i32
    %dma_start3A_38 = tpu.memref_slice %arg2[%dma_start3A, %dma_start3A_37] : memref<50000x8xf32, #tpu.memory_space<hbm>> -> memref<50000x8xf32, #tpu.memory_space<hbm>>
    tpu.enqueue_indirect_dma source(%dma_start3A_38 : memref<50000x8xf32, #tpu.memory_space<hbm>>) target(%arg17 : memref<128x8xf32, #tpu.memory_space<vmem>>) offsets(%arg11 : memref<128xi32, #tpu.memory_space<vmem>>) semaphore(%arg24 : memref<!tpu.dma_semaphore, #tpu.memory_space<semaphore_mem>>)
    %dma_start3A_39 = arith.constant 0 : i32
    %dma_start3A_40 = arith.constant 0 : i32
    %dma_start3A_41 = tpu.memref_slice %arg3[%dma_start3A_39, %dma_start3A_40] : memref<50000x16xf32, #tpu.memory_space<hbm>> -> memref<50000x16xf32, #tpu.memory_space<hbm>>
    tpu.enqueue_indirect_dma source(%dma_start3A_41 : memref<50000x16xf32, #tpu.memory_space<hbm>>) target(%arg19 : memref<128x16xf32, #tpu.memory_space<vmem>>) offsets(%arg13 : memref<128xi32, #tpu.memory_space<vmem>>) semaphore(%arg24 : memref<!tpu.dma_semaphore, #tpu.memory_space<semaphore_mem>>)
    %scan3A_42 = arith.constant 0 : i32
    %scan3A_43 = arith.constant 0 : i32
    %scan3A_44 = arith.constant 100 : i32
    %scan3A_45 = arith.addi %scan3A_43, %scan3A_44 : i32
    %scan3A_46 = arith.constant 1 : i32
    %scan3A_47 = scf.for %scan3A_126 = %scan3A_43 to %scan3A_45 step %scan3A_46 iter_args(%scan3A_127 = %scan3A_42) -> (i32)  : i32 {
      %mul3A_128 = arith.constant 2 : i32
      %mul3A_129 = arith.muli %mul3A_128, %scan3A_126 : i32
      %add3A_130 = arith.constant 1 : i32
      %add3A_131 = arith.addi %mul3A_129, %add3A_130 : i32
      %lt3A = arith.constant 200 : i32
      %lt3A_132 = arith.cmpi slt, %add3A_131, %lt3A : i32
      %convert_element_type3A = arith.extui %lt3A_132 : i1 to i32
      %cond3A = arith.constant 0 : i32
      %cond3A_133 = arith.cmpi ne, %convert_element_type3A, %cond3A : i32
      scf.if %cond3A_133 {
        %add3A_250 = arith.constant 1 : i32
        %add3A_251 = arith.addi %mul3A_129, %add3A_250 : i32
        %mul3A_252 = arith.constant 200 : i32
        %mul3A_253 = arith.muli %add3A, %mul3A_252 : i32
        %add3A_254 = arith.addi %mul3A_253, %add3A_251 : i32
        "tpu.region"() ({
          %run_scoped3A_261 = tpu.sem_alloc : memref<!tpu.dma_semaphore, #tpu.memory_space<semaphore_mem>>
          %dma_start3A_262 = arith.constant 0 : i32
          %dma_start3A_263 = tpu.memref_slice %arg5[%add3A_254, %dma_start3A_262] : memref<6400x128xi32, #tpu.memory_space<hbm>> -> memref<1x128xi32, #tpu.memory_space<hbm>>
          %dma_start3A_264 = tpu.memref_squeeze %dma_start3A_263 : memref<1x128xi32, #tpu.memory_space<hbm>> -> memref<128xi32, #tpu.memory_space<hbm>>
          %dma_start3A_265 = arith.constant 0 : i32
          %dma_start3A_266 = tpu.memref_slice %arg5[%add3A_254, %dma_start3A_265] : memref<6400x128xi32, #tpu.memory_space<hbm>> -> memref<1x128xi32, #tpu.memory_space<hbm>>
          %dma_start3A_267 = tpu.memref_squeeze %dma_start3A_266 : memref<1x128xi32, #tpu.memory_space<hbm>> -> memref<128xi32, #tpu.memory_space<hbm>>
          tpu.enqueue_dma source(%dma_start3A_267 : memref<128xi32, #tpu.memory_space<hbm>>) target(%arg12 : memref<128xi32, #tpu.memory_space<vmem>>) target_semaphore(%run_scoped3A_261 : memref<!tpu.dma_semaphore, #tpu.memory_space<semaphore_mem>>)
          %dma_wait3A_268 = arith.constant 0 : i32
          %dma_wait3A_269 = tpu.memref_slice %arg5[%add3A_254, %dma_wait3A_268] : memref<6400x128xi32, #tpu.memory_space<hbm>> -> memref<1x128xi32, #tpu.memory_space<hbm>>
          %dma_wait3A_270 = tpu.memref_squeeze %dma_wait3A_269 : memref<1x128xi32, #tpu.memory_space<hbm>> -> memref<128xi32, #tpu.memory_space<hbm>>
          %dma_wait3A_271 = arith.constant 0 : i32
          %dma_wait3A_272 = tpu.memref_slice %arg5[%add3A_254, %dma_wait3A_271] : memref<6400x128xi32, #tpu.memory_space<hbm>> -> memref<1x128xi32, #tpu.memory_space<hbm>>
          %dma_wait3A_273 = tpu.memref_squeeze %dma_wait3A_272 : memref<1x128xi32, #tpu.memory_space<hbm>> -> memref<128xi32, #tpu.memory_space<hbm>>
          tpu.wait_dma2 semaphore(%run_scoped3A_261 : memref<!tpu.dma_semaphore, #tpu.memory_space<semaphore_mem>>) src(%dma_wait3A_273 : memref<128xi32, #tpu.memory_space<hbm>>) dst(%arg12 : memref<128xi32, #tpu.memory_space<vmem>>)
          tpu.yield
        }) : () -> ()
        "tpu.region"() ({
          %run_scoped3A_261 = tpu.sem_alloc : memref<!tpu.dma_semaphore, #tpu.memory_space<semaphore_mem>>
          %dma_start3A_262 = arith.constant 0 : i32
          %dma_start3A_263 = tpu.memref_slice %arg6[%add3A_254, %dma_start3A_262] : memref<6400x128xi32, #tpu.memory_space<hbm>> -> memref<1x128xi32, #tpu.memory_space<hbm>>
          %dma_start3A_264 = tpu.memref_squeeze %dma_start3A_263 : memref<1x128xi32, #tpu.memory_space<hbm>> -> memref<128xi32, #tpu.memory_space<hbm>>
          %dma_start3A_265 = arith.constant 0 : i32
          %dma_start3A_266 = tpu.memref_slice %arg6[%add3A_254, %dma_start3A_265] : memref<6400x128xi32, #tpu.memory_space<hbm>> -> memref<1x128xi32, #tpu.memory_space<hbm>>
          %dma_start3A_267 = tpu.memref_squeeze %dma_start3A_266 : memref<1x128xi32, #tpu.memory_space<hbm>> -> memref<128xi32, #tpu.memory_space<hbm>>
          tpu.enqueue_dma source(%dma_start3A_267 : memref<128xi32, #tpu.memory_space<hbm>>) target(%arg14 : memref<128xi32, #tpu.memory_space<vmem>>) target_semaphore(%run_scoped3A_261 : memref<!tpu.dma_semaphore, #tpu.memory_space<semaphore_mem>>)
          %dma_wait3A_268 = arith.constant 0 : i32
          %dma_wait3A_269 = tpu.memref_slice %arg6[%add3A_254, %dma_wait3A_268] : memref<6400x128xi32, #tpu.memory_space<hbm>> -> memref<1x128xi32, #tpu.memory_space<hbm>>
          %dma_wait3A_270 = tpu.memref_squeeze %dma_wait3A_269 : memref<1x128xi32, #tpu.memory_space<hbm>> -> memref<128xi32, #tpu.memory_space<hbm>>
          %dma_wait3A_271 = arith.constant 0 : i32
          %dma_wait3A_272 = tpu.memref_slice %arg6[%add3A_254, %dma_wait3A_271] : memref<6400x128xi32, #tpu.memory_space<hbm>> -> memref<1x128xi32, #tpu.memory_space<hbm>>
          %dma_wait3A_273 = tpu.memref_squeeze %dma_wait3A_272 : memref<1x128xi32, #tpu.memory_space<hbm>> -> memref<128xi32, #tpu.memory_space<hbm>>
          tpu.wait_dma2 semaphore(%run_scoped3A_261 : memref<!tpu.dma_semaphore, #tpu.memory_space<semaphore_mem>>) src(%dma_wait3A_273 : memref<128xi32, #tpu.memory_space<hbm>>) dst(%arg14 : memref<128xi32, #tpu.memory_space<vmem>>)
          tpu.yield
        }) : () -> ()
        %dma_start3A_255 = arith.constant 0 : i32
        %dma_start3A_256 = arith.constant 0 : i32
        %dma_start3A_257 = tpu.memref_slice %arg2[%dma_start3A_255, %dma_start3A_256] : memref<50000x8xf32, #tpu.memory_space<hbm>> -> memref<50000x8xf32, #tpu.memory_space<hbm>>
        tpu.enqueue_indirect_dma source(%dma_start3A_257 : memref<50000x8xf32, #tpu.memory_space<hbm>>) target(%arg18 : memref<128x8xf32, #tpu.memory_space<vmem>>) offsets(%arg12 : memref<128xi32, #tpu.memory_space<vmem>>) semaphore(%arg25 : memref<!tpu.dma_semaphore, #tpu.memory_space<semaphore_mem>>)
        %dma_start3A_258 = arith.constant 0 : i32
        %dma_start3A_259 = arith.constant 0 : i32
        %dma_start3A_260 = tpu.memref_slice %arg3[%dma_start3A_258, %dma_start3A_259] : memref<50000x16xf32, #tpu.memory_space<hbm>> -> memref<50000x16xf32, #tpu.memory_space<hbm>>
        tpu.enqueue_indirect_dma source(%dma_start3A_260 : memref<50000x16xf32, #tpu.memory_space<hbm>>) target(%arg20 : memref<128x16xf32, #tpu.memory_space<vmem>>) offsets(%arg14 : memref<128xi32, #tpu.memory_space<vmem>>) semaphore(%arg25 : memref<!tpu.dma_semaphore, #tpu.memory_space<semaphore_mem>>)
      } else {
      }
      %dma_wait3A_134 = arith.constant 0 : i32
      %dma_wait3A_135 = arith.constant 0 : i32
      %dma_wait3A_136 = tpu.memref_slice %arg2[%dma_wait3A_134, %dma_wait3A_135] : memref<50000x8xf32, #tpu.memory_space<hbm>> -> memref<50000x8xf32, #tpu.memory_space<hbm>>
      tpu.wait_indirect_dma semaphore(%arg24 : memref<!tpu.dma_semaphore, #tpu.memory_space<semaphore_mem>>) src(%dma_wait3A_136 : memref<50000x8xf32, #tpu.memory_space<hbm>>) dst(%arg17 : memref<128x8xf32, #tpu.memory_space<vmem>>)
      %dma_wait3A_137 = arith.constant 0 : i32
      %dma_wait3A_138 = arith.constant 0 : i32
      %dma_wait3A_139 = tpu.memref_slice %arg3[%dma_wait3A_137, %dma_wait3A_138] : memref<50000x16xf32, #tpu.memory_space<hbm>> -> memref<50000x16xf32, #tpu.memory_space<hbm>>
      tpu.wait_indirect_dma semaphore(%arg24 : memref<!tpu.dma_semaphore, #tpu.memory_space<semaphore_mem>>) src(%dma_wait3A_139 : memref<50000x16xf32, #tpu.memory_space<hbm>>) dst(%arg19 : memref<128x16xf32, #tpu.memory_space<vmem>>)
      %ge3A = arith.constant 1 : i32
      %ge3A_140 = arith.cmpi sge, %scan3A_126, %ge3A : i32
      %convert_element_type3A_141 = arith.extui %ge3A_140 : i1 to i32
      %cond3A_142 = arith.constant 0 : i32
      %cond3A_143 = arith.cmpi ne, %convert_element_type3A_141, %cond3A_142 : i32
      scf.if %cond3A_143 {
        %dma_wait3A_250 = arith.constant 0 : i32
        %dma_wait3A_251 = arith.constant 0 : i32
        %dma_wait3A_252 = tpu.memref_slice %arg10[%dma_wait3A_250, %dma_wait3A_251] : memref<50048x24xf32, #tpu.memory_space<vmem_shared>> -> memref<50048x24xf32, #tpu.memory_space<vmem_shared>>
        tpu.wait_indirect_dma semaphore(%arg26 : memref<!tpu.dma_semaphore, #tpu.memory_space<semaphore_mem>>) src(%arg21 : memref<128x24xf32, #tpu.memory_space<vmem>>) dst(%dma_wait3A_252 : memref<50048x24xf32, #tpu.memory_space<vmem_shared>>)
      } else {
      }
      %scan3A_144 = arith.constant 0 : i32
      %scan3A_145 = arith.constant 0 : i32
      %scan3A_146 = arith.constant 8 : i32
      %scan3A_147 = arith.addi %scan3A_145, %scan3A_146 : i32
      %scan3A_148 = arith.constant 1 : i32
      %scan3A_149 = scf.for %scan3A_250 = %scan3A_145 to %scan3A_147 step %scan3A_148 iter_args(%scan3A_251 = %scan3A_144) -> (i32)  : i32 {
        %mul3A_252 = arith.constant 16 : i32
        %mul3A_253 = arith.muli %scan3A_250, %mul3A_252 : i32
        %add3A_254 = vector.broadcast %mul3A_253 : i32 to vector<16xi32>
        %add3A_255 = arith.addi %add3A_254, %iota3A : vector<16xi32>
        %broadcast_in_dim3A_256 = arith.constant 0 : i32
        %broadcast_in_dim3A_257 = vector.broadcast %broadcast_in_dim3A_256 : i32 to vector<16xi32>
        %gather3A = tpu.vector_load_idx %arg17[%add3A_255, %broadcast_in_dim3A_257] : memref<128x8xf32, #tpu.memory_space<vmem>>[vector<16xi32>, vector<16xi32>], vector<16xf32>,
        %broadcast_in_dim3A_258 = arith.constant 1 : i32
        %broadcast_in_dim3A_259 = vector.broadcast %broadcast_in_dim3A_258 : i32 to vector<16xi32>
        %gather3A_260 = tpu.vector_load_idx %arg17[%add3A_255, %broadcast_in_dim3A_259] : memref<128x8xf32, #tpu.memory_space<vmem>>[vector<16xi32>, vector<16xi32>], vector<16xf32>,
        %broadcast_in_dim3A_261 = arith.constant 2 : i32
        %broadcast_in_dim3A_262 = vector.broadcast %broadcast_in_dim3A_261 : i32 to vector<16xi32>
        %gather3A_263 = tpu.vector_load_idx %arg17[%add3A_255, %broadcast_in_dim3A_262] : memref<128x8xf32, #tpu.memory_space<vmem>>[vector<16xi32>, vector<16xi32>], vector<16xf32>,
        %broadcast_in_dim3A_264 = arith.constant 3 : i32
        %broadcast_in_dim3A_265 = vector.broadcast %broadcast_in_dim3A_264 : i32 to vector<16xi32>
        %gather3A_266 = tpu.vector_load_idx %arg17[%add3A_255, %broadcast_in_dim3A_265] : memref<128x8xf32, #tpu.memory_space<vmem>>[vector<16xi32>, vector<16xi32>], vector<16xf32>,
        %mul3A_267 = arith.constant 128 : i32
        %mul3A_268 = arith.muli %mul3A_129, %mul3A_267 : i32
        %add3A_269 = arith.addi %mul3A_3, %mul3A_268 : i32
        %mul3A_270 = arith.constant 16 : i32
        %mul3A_271 = arith.muli %scan3A_250, %mul3A_270 : i32
        %add3A_272 = arith.addi %add3A_269, %mul3A_271 : i32
        %add3A_273 = vector.broadcast %add3A_272 : i32 to vector<16xi32>
        %add3A_274 = arith.addi %add3A_273, %iota3A : vector<16xi32>
        %lt3A_275 = arith.constant 800000 : i32
        %lt3A_276 = vector.broadcast %lt3A_275 : i32 to vector<16xi32>
        %lt3A_277 = arith.cmpi slt, %add3A_274, %lt3A_276 : vector<16xi32>
        %jit3A = arith.constant 1.000000e+00 : f32
        %jit3A_278 = arith.constant 0.000000e+00 : f32
        %broadcast_in_dim3A_279 = vector.broadcast %jit3A : f32 to vector<16xf32>
        %broadcast_in_dim3A_280 = vector.broadcast %jit3A_278 : f32 to vector<16xf32>
        %select_n3A = arith.select %lt3A_277, %broadcast_in_dim3A_279, %broadcast_in_dim3A_280 : vector<16xi1>, vector<16xf32>
        %broadcast_in_dim3A_281 = arith.constant 0 : i32
        %broadcast_in_dim3A_282 = vector.broadcast %broadcast_in_dim3A_281 : i32 to vector<16xi32>
        %gather3A_283 = tpu.vector_load_idx %arg19[%add3A_255, %broadcast_in_dim3A_282] : memref<128x16xf32, #tpu.memory_space<vmem>>[vector<16xi32>, vector<16xi32>], vector<16xf32>,
        %broadcast_in_dim3A_284 = arith.constant 1 : i32
        %broadcast_in_dim3A_285 = vector.broadcast %broadcast_in_dim3A_284 : i32 to vector<16xi32>
        %gather3A_286 = tpu.vector_load_idx %arg19[%add3A_255, %broadcast_in_dim3A_285] : memref<128x16xf32, #tpu.memory_space<vmem>>[vector<16xi32>, vector<16xi32>], vector<16xf32>,
        %broadcast_in_dim3A_287 = arith.constant 2 : i32
        %broadcast_in_dim3A_288 = vector.broadcast %broadcast_in_dim3A_287 : i32 to vector<16xi32>
        %gather3A_289 = tpu.vector_load_idx %arg19[%add3A_255, %broadcast_in_dim3A_288] : memref<128x16xf32, #tpu.memory_space<vmem>>[vector<16xi32>, vector<16xi32>], vector<16xf32>,
        %broadcast_in_dim3A_290 = arith.constant 3 : i32
        %broadcast_in_dim3A_291 = vector.broadcast %broadcast_in_dim3A_290 : i32 to vector<16xi32>
        %gather3A_292 = tpu.vector_load_idx %arg19[%add3A_255, %broadcast_in_dim3A_291] : memref<128x16xf32, #tpu.memory_space<vmem>>[vector<16xi32>, vector<16xi32>], vector<16xf32>,
        %mul3A_293 = arith.mulf %gather3A_283, %gather3A : vector<16xf32>
        %mul3A_294 = arith.mulf %gather3A_286, %gather3A_260 : vector<16xf32>
        %add3A_295 = arith.addf %mul3A_293, %mul3A_294 : vector<16xf32>
        %mul3A_296 = arith.mulf %gather3A_289, %gather3A_263 : vector<16xf32>
        %add3A_297 = arith.addf %add3A_295, %mul3A_296 : vector<16xf32>
        %mul3A_298 = arith.mulf %gather3A_292, %gather3A_266 : vector<16xf32>
        %add3A_299 = arith.addf %add3A_297, %mul3A_298 : vector<16xf32>
        %broadcast_in_dim3A_300 = arith.constant 4 : i32
        %broadcast_in_dim3A_301 = vector.broadcast %broadcast_in_dim3A_300 : i32 to vector<16xi32>
        %gather3A_302 = tpu.vector_load_idx %arg17[%add3A_255, %broadcast_in_dim3A_301] : memref<128x8xf32, #tpu.memory_space<vmem>>[vector<16xi32>, vector<16xi32>], vector<16xf32>,
        %broadcast_in_dim3A_303 = arith.constant 8 : i32
        %broadcast_in_dim3A_304 = vector.broadcast %broadcast_in_dim3A_303 : i32 to vector<16xi32>
        %gather3A_305 = tpu.vector_load_idx %arg19[%add3A_255, %broadcast_in_dim3A_304] : memref<128x16xf32, #tpu.memory_space<vmem>>[vector<16xi32>, vector<16xi32>], vector<16xf32>,
        %add3A_306 = arith.addf %gather3A_302, %gather3A_305 : vector<16xf32>
        %max3A = arith.constant 0.000000e+00 : f32
        %max3A_307 = vector.broadcast %max3A : f32 to vector<16xf32>
        %max3A_308 = arith.maximumf %add3A_306, %max3A_307 : vector<16xf32>
        %min3A = arith.constant 0.000000e+00 : f32
        %min3A_309 = vector.broadcast %min3A : f32 to vector<16xf32>
        %min3A_310 = arith.minimumf %add3A_306, %min3A_309 : vector<16xf32>
        %mul3A_311 = arith.constant 2.000000e-01 : f32
        %mul3A_312 = vector.broadcast %mul3A_311 : f32 to vector<16xf32>
        %mul3A_313 = arith.mulf %mul3A_312, %min3A_310 : vector<16xf32>
        %add3A_314 = arith.addf %max3A_308, %mul3A_313 : vector<16xf32>
        %sub3A = vector.broadcast %squeeze3A : f32 to vector<16xf32>
        %sub3A_315 = arith.subf %add3A_299, %sub3A : vector<16xf32>
        %exp3A = math.exp %sub3A_315 : vector<16xf32>
        %mul3A_316 = arith.mulf %exp3A, %select_n3A : vector<16xf32>
        %sub3A_317 = vector.broadcast %squeeze3A_15 : f32 to vector<16xf32>
        %sub3A_318 = arith.subf %add3A_314, %sub3A_317 : vector<16xf32>
        %exp3A_319 = math.exp %sub3A_318 : vector<16xf32>
        %mul3A_320 = arith.mulf %exp3A_319, %select_n3A : vector<16xf32>
        %broadcast_in_dim3A_321 = arith.constant 0 : i32
        %broadcast_in_dim3A_322 = vector.broadcast %broadcast_in_dim3A_321 : i32 to vector<16xi32>
        %mul3A_323 = arith.mulf %mul3A_316, %gather3A : vector<16xf32>
        tpu.vector_store_idx %arg21[%add3A_255, %broadcast_in_dim3A_322], %mul3A_323 : memref<128x24xf32, #tpu.memory_space<vmem>>[vector<16xi32>, vector<16xi32>], vector<16xf32>,
        %broadcast_in_dim3A_324 = arith.constant 8 : i32
        %broadcast_in_dim3A_325 = vector.broadcast %broadcast_in_dim3A_324 : i32 to vector<16xi32>
        %mul3A_326 = arith.mulf %mul3A_320, %gather3A : vector<16xf32>
        tpu.vector_store_idx %arg21[%add3A_255, %broadcast_in_dim3A_325], %mul3A_326 : memref<128x24xf32, #tpu.memory_space<vmem>>[vector<16xi32>, vector<16xi32>], vector<16xf32>,
        %broadcast_in_dim3A_327 = arith.constant 1 : i32
        %broadcast_in_dim3A_328 = vector.broadcast %broadcast_in_dim3A_327 : i32 to vector<16xi32>
        %mul3A_329 = arith.mulf %mul3A_316, %gather3A_260 : vector<16xf32>
        tpu.vector_store_idx %arg21[%add3A_255, %broadcast_in_dim3A_328], %mul3A_329 : memref<128x24xf32, #tpu.memory_space<vmem>>[vector<16xi32>, vector<16xi32>], vector<16xf32>,
        %broadcast_in_dim3A_330 = arith.constant 9 : i32
        %broadcast_in_dim3A_331 = vector.broadcast %broadcast_in_dim3A_330 : i32 to vector<16xi32>
        %mul3A_332 = arith.mulf %mul3A_320, %gather3A_260 : vector<16xf32>
        tpu.vector_store_idx %arg21[%add3A_255, %broadcast_in_dim3A_331], %mul3A_332 : memref<128x24xf32, #tpu.memory_space<vmem>>[vector<16xi32>, vector<16xi32>], vector<16xf32>,
        %broadcast_in_dim3A_333 = arith.constant 2 : i32
        %broadcast_in_dim3A_334 = vector.broadcast %broadcast_in_dim3A_333 : i32 to vector<16xi32>
        %mul3A_335 = arith.mulf %mul3A_316, %gather3A_263 : vector<16xf32>
        tpu.vector_store_idx %arg21[%add3A_255, %broadcast_in_dim3A_334], %mul3A_335 : memref<128x24xf32, #tpu.memory_space<vmem>>[vector<16xi32>, vector<16xi32>], vector<16xf32>,
        %broadcast_in_dim3A_336 = arith.constant 10 : i32
        %broadcast_in_dim3A_337 = vector.broadcast %broadcast_in_dim3A_336 : i32 to vector<16xi32>
        %mul3A_338 = arith.mulf %mul3A_320, %gather3A_263 : vector<16xf32>
        tpu.vector_store_idx %arg21[%add3A_255, %broadcast_in_dim3A_337], %mul3A_338 : memref<128x24xf32, #tpu.memory_space<vmem>>[vector<16xi32>, vector<16xi32>], vector<16xf32>,
        %broadcast_in_dim3A_339 = arith.constant 3 : i32
        %broadcast_in_dim3A_340 = vector.broadcast %broadcast_in_dim3A_339 : i32 to vector<16xi32>
        %mul3A_341 = arith.mulf %mul3A_316, %gather3A_266 : vector<16xf32>
        tpu.vector_store_idx %arg21[%add3A_255, %broadcast_in_dim3A_340], %mul3A_341 : memref<128x24xf32, #tpu.memory_space<vmem>>[vector<16xi32>, vector<16xi32>], vector<16xf32>,
        %broadcast_in_dim3A_342 = arith.constant 11 : i32
        %broadcast_in_dim3A_343 = vector.broadcast %broadcast_in_dim3A_342 : i32 to vector<16xi32>
        %mul3A_344 = arith.mulf %mul3A_320, %gather3A_266 : vector<16xf32>
        tpu.vector_store_idx %arg21[%add3A_255, %broadcast_in_dim3A_343], %mul3A_344 : memref<128x24xf32, #tpu.memory_space<vmem>>[vector<16xi32>, vector<16xi32>], vector<16xf32>,
        %broadcast_in_dim3A_345 = arith.constant 16 : i32
        %broadcast_in_dim3A_346 = vector.broadcast %broadcast_in_dim3A_345 : i32 to vector<16xi32>
        tpu.vector_store_idx %arg21[%add3A_255, %broadcast_in_dim3A_346], %mul3A_316 : memref<128x24xf32, #tpu.memory_space<vmem>>[vector<16xi32>, vector<16xi32>], vector<16xf32>,
        %broadcast_in_dim3A_347 = arith.constant 18 : i32
        %broadcast_in_dim3A_348 = vector.broadcast %broadcast_in_dim3A_347 : i32 to vector<16xi32>
        tpu.vector_store_idx %arg21[%add3A_255, %broadcast_in_dim3A_348], %mul3A_320 : memref<128x24xf32, #tpu.memory_space<vmem>>[vector<16xi32>, vector<16xi32>], vector<16xf32>,
        %broadcast_in_dim3A_349 = arith.constant 4 : i32
        %broadcast_in_dim3A_350 = vector.broadcast %broadcast_in_dim3A_349 : i32 to vector<16xi32>
        %gather3A_351 = tpu.vector_load_idx %arg19[%add3A_255, %broadcast_in_dim3A_350] : memref<128x16xf32, #tpu.memory_space<vmem>>[vector<16xi32>, vector<16xi32>], vector<16xf32>,
        %broadcast_in_dim3A_352 = arith.constant 5 : i32
        %broadcast_in_dim3A_353 = vector.broadcast %broadcast_in_dim3A_352 : i32 to vector<16xi32>
        %gather3A_354 = tpu.vector_load_idx %arg19[%add3A_255, %broadcast_in_dim3A_353] : memref<128x16xf32, #tpu.memory_space<vmem>>[vector<16xi32>, vector<16xi32>], vector<16xf32>,
        %broadcast_in_dim3A_355 = arith.constant 6 : i32
        %broadcast_in_dim3A_356 = vector.broadcast %broadcast_in_dim3A_355 : i32 to vector<16xi32>
        %gather3A_357 = tpu.vector_load_idx %arg19[%add3A_255, %broadcast_in_dim3A_356] : memref<128x16xf32, #tpu.memory_space<vmem>>[vector<16xi32>, vector<16xi32>], vector<16xf32>,
        %broadcast_in_dim3A_358 = arith.constant 7 : i32
        %broadcast_in_dim3A_359 = vector.broadcast %broadcast_in_dim3A_358 : i32 to vector<16xi32>
        %gather3A_360 = tpu.vector_load_idx %arg19[%add3A_255, %broadcast_in_dim3A_359] : memref<128x16xf32, #tpu.memory_space<vmem>>[vector<16xi32>, vector<16xi32>], vector<16xf32>,
        %mul3A_361 = arith.mulf %gather3A_351, %gather3A : vector<16xf32>
        %mul3A_362 = arith.mulf %gather3A_354, %gather3A_260 : vector<16xf32>
        %add3A_363 = arith.addf %mul3A_361, %mul3A_362 : vector<16xf32>
        %mul3A_364 = arith.mulf %gather3A_357, %gather3A_263 : vector<16xf32>
        %add3A_365 = arith.addf %add3A_363, %mul3A_364 : vector<16xf32>
        %mul3A_366 = arith.mulf %gather3A_360, %gather3A_266 : vector<16xf32>
        %add3A_367 = arith.addf %add3A_365, %mul3A_366 : vector<16xf32>
        %broadcast_in_dim3A_368 = arith.constant 5 : i32
        %broadcast_in_dim3A_369 = vector.broadcast %broadcast_in_dim3A_368 : i32 to vector<16xi32>
        %gather3A_370 = tpu.vector_load_idx %arg17[%add3A_255, %broadcast_in_dim3A_369] : memref<128x8xf32, #tpu.memory_space<vmem>>[vector<16xi32>, vector<16xi32>], vector<16xf32>,
        %broadcast_in_dim3A_371 = arith.constant 9 : i32
        %broadcast_in_dim3A_372 = vector.broadcast %broadcast_in_dim3A_371 : i32 to vector<16xi32>
        %gather3A_373 = tpu.vector_load_idx %arg19[%add3A_255, %broadcast_in_dim3A_372] : memref<128x16xf32, #tpu.memory_space<vmem>>[vector<16xi32>, vector<16xi32>], vector<16xf32>,
        %add3A_374 = arith.addf %gather3A_370, %gather3A_373 : vector<16xf32>
        %max3A_375 = arith.constant 0.000000e+00 : f32
        %max3A_376 = vector.broadcast %max3A_375 : f32 to vector<16xf32>
        %max3A_377 = arith.maximumf %add3A_374, %max3A_376 : vector<16xf32>
        %min3A_378 = arith.constant 0.000000e+00 : f32
        %min3A_379 = vector.broadcast %min3A_378 : f32 to vector<16xf32>
        %min3A_380 = arith.minimumf %add3A_374, %min3A_379 : vector<16xf32>
        %mul3A_381 = arith.constant 2.000000e-01 : f32
        %mul3A_382 = vector.broadcast %mul3A_381 : f32 to vector<16xf32>
        %mul3A_383 = arith.mulf %mul3A_382, %min3A_380 : vector<16xf32>
        %add3A_384 = arith.addf %max3A_377, %mul3A_383 : vector<16xf32>
        %sub3A_385 = vector.broadcast %squeeze3A_13 : f32 to vector<16xf32>
        %sub3A_386 = arith.subf %add3A_367, %sub3A_385 : vector<16xf32>
        %exp3A_387 = math.exp %sub3A_386 : vector<16xf32>
        %mul3A_388 = arith.mulf %exp3A_387, %select_n3A : vector<16xf32>
        %sub3A_389 = vector.broadcast %squeeze3A_17 : f32 to vector<16xf32>
        %sub3A_390 = arith.subf %add3A_384, %sub3A_389 : vector<16xf32>
        %exp3A_391 = math.exp %sub3A_390 : vector<16xf32>
        %mul3A_392 = arith.mulf %exp3A_391, %select_n3A : vector<16xf32>
        %broadcast_in_dim3A_393 = arith.constant 4 : i32
        %broadcast_in_dim3A_394 = vector.broadcast %broadcast_in_dim3A_393 : i32 to vector<16xi32>
        %mul3A_395 = arith.mulf %mul3A_388, %gather3A : vector<16xf32>
        tpu.vector_store_idx %arg21[%add3A_255, %broadcast_in_dim3A_394], %mul3A_395 : memref<128x24xf32, #tpu.memory_space<vmem>>[vector<16xi32>, vector<16xi32>], vector<16xf32>,
        %broadcast_in_dim3A_396 = arith.constant 12 : i32
        %broadcast_in_dim3A_397 = vector.broadcast %broadcast_in_dim3A_396 : i32 to vector<16xi32>
        %mul3A_398 = arith.mulf %mul3A_392, %gather3A : vector<16xf32>
        tpu.vector_store_idx %arg21[%add3A_255, %broadcast_in_dim3A_397], %mul3A_398 : memref<128x24xf32, #tpu.memory_space<vmem>>[vector<16xi32>, vector<16xi32>], vector<16xf32>,
        %broadcast_in_dim3A_399 = arith.constant 5 : i32
        %broadcast_in_dim3A_400 = vector.broadcast %broadcast_in_dim3A_399 : i32 to vector<16xi32>
        %mul3A_401 = arith.mulf %mul3A_388, %gather3A_260 : vector<16xf32>
        tpu.vector_store_idx %arg21[%add3A_255, %broadcast_in_dim3A_400], %mul3A_401 : memref<128x24xf32, #tpu.memory_space<vmem>>[vector<16xi32>, vector<16xi32>], vector<16xf32>,
        %broadcast_in_dim3A_402 = arith.constant 13 : i32
        %broadcast_in_dim3A_403 = vector.broadcast %broadcast_in_dim3A_402 : i32 to vector<16xi32>
        %mul3A_404 = arith.mulf %mul3A_392, %gather3A_260 : vector<16xf32>
        tpu.vector_store_idx %arg21[%add3A_255, %broadcast_in_dim3A_403], %mul3A_404 : memref<128x24xf32, #tpu.memory_space<vmem>>[vector<16xi32>, vector<16xi32>], vector<16xf32>,
        %broadcast_in_dim3A_405 = arith.constant 6 : i32
        %broadcast_in_dim3A_406 = vector.broadcast %broadcast_in_dim3A_405 : i32 to vector<16xi32>
        %mul3A_407 = arith.mulf %mul3A_388, %gather3A_263 : vector<16xf32>
        tpu.vector_store_idx %arg21[%add3A_255, %broadcast_in_dim3A_406], %mul3A_407 : memref<128x24xf32, #tpu.memory_space<vmem>>[vector<16xi32>, vector<16xi32>], vector<16xf32>,
        %broadcast_in_dim3A_408 = arith.constant 14 : i32
        %broadcast_in_dim3A_409 = vector.broadcast %broadcast_in_dim3A_408 : i32 to vector<16xi32>
        %mul3A_410 = arith.mulf %mul3A_392, %gather3A_263 : vector<16xf32>
        tpu.vector_store_idx %arg21[%add3A_255, %broadcast_in_dim3A_409], %mul3A_410 : memref<128x24xf32, #tpu.memory_space<vmem>>[vector<16xi32>, vector<16xi32>], vector<16xf32>,
        %broadcast_in_dim3A_411 = arith.constant 7 : i32
        %broadcast_in_dim3A_412 = vector.broadcast %broadcast_in_dim3A_411 : i32 to vector<16xi32>
        %mul3A_413 = arith.mulf %mul3A_388, %gather3A_266 : vector<16xf32>
        tpu.vector_store_idx %arg21[%add3A_255, %broadcast_in_dim3A_412], %mul3A_413 : memref<128x24xf32, #tpu.memory_space<vmem>>[vector<16xi32>, vector<16xi32>], vector<16xf32>,
        %broadcast_in_dim3A_414 = arith.constant 15 : i32
        %broadcast_in_dim3A_415 = vector.broadcast %broadcast_in_dim3A_414 : i32 to vector<16xi32>
        %mul3A_416 = arith.mulf %mul3A_392, %gather3A_266 : vector<16xf32>
        tpu.vector_store_idx %arg21[%add3A_255, %broadcast_in_dim3A_415], %mul3A_416 : memref<128x24xf32, #tpu.memory_space<vmem>>[vector<16xi32>, vector<16xi32>], vector<16xf32>,
        %broadcast_in_dim3A_417 = arith.constant 17 : i32
        %broadcast_in_dim3A_418 = vector.broadcast %broadcast_in_dim3A_417 : i32 to vector<16xi32>
        tpu.vector_store_idx %arg21[%add3A_255, %broadcast_in_dim3A_418], %mul3A_388 : memref<128x24xf32, #tpu.memory_space<vmem>>[vector<16xi32>, vector<16xi32>], vector<16xf32>,
        %broadcast_in_dim3A_419 = arith.constant 19 : i32
        %broadcast_in_dim3A_420 = vector.broadcast %broadcast_in_dim3A_419 : i32 to vector<16xi32>
        tpu.vector_store_idx %arg21[%add3A_255, %broadcast_in_dim3A_420], %mul3A_392 : memref<128x24xf32, #tpu.memory_space<vmem>>[vector<16xi32>, vector<16xi32>], vector<16xf32>,
        %scan3A_421 = arith.constant 0 : i32
        scf.yield %scan3A_421 : i32
      }
      %scan3A_150 = arith.constant 8 : i32
      %get3A_151 = arith.constant 0 : index
      %get3A_152 = tpu.vector_load %arg13[%get3A_151] {strides = array<i32>} : memref<128xi32, #tpu.memory_space<vmem>>, vector<16xi32>,
      %swap3A = arith.constant 0 : index
      %swap3A_153 = tpu.vector_load %arg15[%swap3A] {strides = array<i32>} : memref<128xi32, #tpu.memory_space<vmem>>, vector<16xi32>,
      tpu.vector_store %arg15[%swap3A], %get3A_152 {strides = array<i32>} : memref<128xi32, #tpu.memory_space<vmem>>, vector<16xi32>,
      %get3A_154 = arith.constant 16 : index
      %get3A_155 = tpu.vector_load %arg13[%get3A_154] {strides = array<i32>} : memref<128xi32, #tpu.memory_space<vmem>>, vector<16xi32>,
      %swap3A_156 = arith.constant 16 : index
      %swap3A_157 = tpu.vector_load %arg15[%swap3A_156] {strides = array<i32>} : memref<128xi32, #tpu.memory_space<vmem>>, vector<16xi32>,
      tpu.vector_store %arg15[%swap3A_156], %get3A_155 {strides = array<i32>} : memref<128xi32, #tpu.memory_space<vmem>>, vector<16xi32>,
      %get3A_158 = arith.constant 32 : index
      %get3A_159 = tpu.vector_load %arg13[%get3A_158] {strides = array<i32>} : memref<128xi32, #tpu.memory_space<vmem>>, vector<16xi32>,
      %swap3A_160 = arith.constant 32 : index
      %swap3A_161 = tpu.vector_load %arg15[%swap3A_160] {strides = array<i32>} : memref<128xi32, #tpu.memory_space<vmem>>, vector<16xi32>,
      tpu.vector_store %arg15[%swap3A_160], %get3A_159 {strides = array<i32>} : memref<128xi32, #tpu.memory_space<vmem>>, vector<16xi32>,
      %get3A_162 = arith.constant 48 : index
      %get3A_163 = tpu.vector_load %arg13[%get3A_162] {strides = array<i32>} : memref<128xi32, #tpu.memory_space<vmem>>, vector<16xi32>,
      %swap3A_164 = arith.constant 48 : index
      %swap3A_165 = tpu.vector_load %arg15[%swap3A_164] {strides = array<i32>} : memref<128xi32, #tpu.memory_space<vmem>>, vector<16xi32>,
      tpu.vector_store %arg15[%swap3A_164], %get3A_163 {strides = array<i32>} : memref<128xi32, #tpu.memory_space<vmem>>, vector<16xi32>,
      %get3A_166 = arith.constant 64 : index
      %get3A_167 = tpu.vector_load %arg13[%get3A_166] {strides = array<i32>} : memref<128xi32, #tpu.memory_space<vmem>>, vector<16xi32>,
      %swap3A_168 = arith.constant 64 : index
      %swap3A_169 = tpu.vector_load %arg15[%swap3A_168] {strides = array<i32>} : memref<128xi32, #tpu.memory_space<vmem>>, vector<16xi32>,
      tpu.vector_store %arg15[%swap3A_168], %get3A_167 {strides = array<i32>} : memref<128xi32, #tpu.memory_space<vmem>>, vector<16xi32>,
      %get3A_170 = arith.constant 80 : index
      %get3A_171 = tpu.vector_load %arg13[%get3A_170] {strides = array<i32>} : memref<128xi32, #tpu.memory_space<vmem>>, vector<16xi32>,
      %swap3A_172 = arith.constant 80 : index
      %swap3A_173 = tpu.vector_load %arg15[%swap3A_172] {strides = array<i32>} : memref<128xi32, #tpu.memory_space<vmem>>, vector<16xi32>,
      tpu.vector_store %arg15[%swap3A_172], %get3A_171 {strides = array<i32>} : memref<128xi32, #tpu.memory_space<vmem>>, vector<16xi32>,
      %get3A_174 = arith.constant 96 : index
      %get3A_175 = tpu.vector_load %arg13[%get3A_174] {strides = array<i32>} : memref<128xi32, #tpu.memory_space<vmem>>, vector<16xi32>,
      %swap3A_176 = arith.constant 96 : index
      %swap3A_177 = tpu.vector_load %arg15[%swap3A_176] {strides = array<i32>} : memref<128xi32, #tpu.memory_space<vmem>>, vector<16xi32>,
      tpu.vector_store %arg15[%swap3A_176], %get3A_175 {strides = array<i32>} : memref<128xi32, #tpu.memory_space<vmem>>, vector<16xi32>,
      %get3A_178 = arith.constant 112 : index
      %get3A_179 = tpu.vector_load %arg13[%get3A_178] {strides = array<i32>} : memref<128xi32, #tpu.memory_space<vmem>>, vector<16xi32>,
      %swap3A_180 = arith.constant 112 : index
      %swap3A_181 = tpu.vector_load %arg15[%swap3A_180] {strides = array<i32>} : memref<128xi32, #tpu.memory_space<vmem>>, vector<16xi32>,
      tpu.vector_store %arg15[%swap3A_180], %get3A_179 {strides = array<i32>} : memref<128xi32, #tpu.memory_space<vmem>>, vector<16xi32>,
      %dma_start3A_182 = arith.constant 0 : i32
      %dma_start3A_183 = arith.constant 0 : i32
      %dma_start3A_184 = tpu.memref_slice %arg10[%dma_start3A_182, %dma_start3A_183] : memref<50048x24xf32, #tpu.memory_space<vmem_shared>> -> memref<50048x24xf32, #tpu.memory_space<vmem_shared>>
      tpu.enqueue_indirect_dma source(%arg21 : memref<128x24xf32, #tpu.memory_space<vmem>>) target(%dma_start3A_184 : memref<50048x24xf32, #tpu.memory_space<vmem_shared>>) offsets(%arg15 : memref<128xi32, #tpu.memory_space<vmem>>) semaphore(%arg26 : memref<!tpu.dma_semaphore, #tpu.memory_space<semaphore_mem>>) {add = true}
      %mul3A_185 = arith.constant 2 : i32
      %mul3A_186 = arith.muli %mul3A_185, %scan3A_126 : i32
      %add3A_187 = arith.constant 1 : i32
      %add3A_188 = arith.addi %mul3A_186, %add3A_187 : i32
      %add3A_189 = arith.constant 1 : i32
      %add3A_190 = arith.addi %add3A_188, %add3A_189 : i32
      %lt3A_191 = arith.constant 200 : i32
      %lt3A_192 = arith.cmpi slt, %add3A_190, %lt3A_191 : i32
      %convert_element_type3A_193 = arith.extui %lt3A_192 : i1 to i32
      %cond3A_194 = arith.constant 0 : i32
      %cond3A_195 = arith.cmpi ne, %convert_element_type3A_193, %cond3A_194 : i32
      scf.if %cond3A_195 {
        %add3A_250 = arith.constant 1 : i32
        %add3A_251 = arith.addi %add3A_188, %add3A_250 : i32
        %mul3A_252 = arith.constant 200 : i32
        %mul3A_253 = arith.muli %add3A, %mul3A_252 : i32
        %add3A_254 = arith.addi %mul3A_253, %add3A_251 : i32
        "tpu.region"() ({
          %run_scoped3A_261 = tpu.sem_alloc : memref<!tpu.dma_semaphore, #tpu.memory_space<semaphore_mem>>
          %dma_start3A_262 = arith.constant 0 : i32
          %dma_start3A_263 = tpu.memref_slice %arg5[%add3A_254, %dma_start3A_262] : memref<6400x128xi32, #tpu.memory_space<hbm>> -> memref<1x128xi32, #tpu.memory_space<hbm>>
          %dma_start3A_264 = tpu.memref_squeeze %dma_start3A_263 : memref<1x128xi32, #tpu.memory_space<hbm>> -> memref<128xi32, #tpu.memory_space<hbm>>
          %dma_start3A_265 = arith.constant 0 : i32
          %dma_start3A_266 = tpu.memref_slice %arg5[%add3A_254, %dma_start3A_265] : memref<6400x128xi32, #tpu.memory_space<hbm>> -> memref<1x128xi32, #tpu.memory_space<hbm>>
          %dma_start3A_267 = tpu.memref_squeeze %dma_start3A_266 : memref<1x128xi32, #tpu.memory_space<hbm>> -> memref<128xi32, #tpu.memory_space<hbm>>
          tpu.enqueue_dma source(%dma_start3A_267 : memref<128xi32, #tpu.memory_space<hbm>>) target(%arg11 : memref<128xi32, #tpu.memory_space<vmem>>) target_semaphore(%run_scoped3A_261 : memref<!tpu.dma_semaphore, #tpu.memory_space<semaphore_mem>>)
          %dma_wait3A_268 = arith.constant 0 : i32
          %dma_wait3A_269 = tpu.memref_slice %arg5[%add3A_254, %dma_wait3A_268] : memref<6400x128xi32, #tpu.memory_space<hbm>> -> memref<1x128xi32, #tpu.memory_space<hbm>>
          %dma_wait3A_270 = tpu.memref_squeeze %dma_wait3A_269 : memref<1x128xi32, #tpu.memory_space<hbm>> -> memref<128xi32, #tpu.memory_space<hbm>>
          %dma_wait3A_271 = arith.constant 0 : i32
          %dma_wait3A_272 = tpu.memref_slice %arg5[%add3A_254, %dma_wait3A_271] : memref<6400x128xi32, #tpu.memory_space<hbm>> -> memref<1x128xi32, #tpu.memory_space<hbm>>
          %dma_wait3A_273 = tpu.memref_squeeze %dma_wait3A_272 : memref<1x128xi32, #tpu.memory_space<hbm>> -> memref<128xi32, #tpu.memory_space<hbm>>
          tpu.wait_dma2 semaphore(%run_scoped3A_261 : memref<!tpu.dma_semaphore, #tpu.memory_space<semaphore_mem>>) src(%dma_wait3A_273 : memref<128xi32, #tpu.memory_space<hbm>>) dst(%arg11 : memref<128xi32, #tpu.memory_space<vmem>>)
          tpu.yield
        }) : () -> ()
        "tpu.region"() ({
          %run_scoped3A_261 = tpu.sem_alloc : memref<!tpu.dma_semaphore, #tpu.memory_space<semaphore_mem>>
          %dma_start3A_262 = arith.constant 0 : i32
          %dma_start3A_263 = tpu.memref_slice %arg6[%add3A_254, %dma_start3A_262] : memref<6400x128xi32, #tpu.memory_space<hbm>> -> memref<1x128xi32, #tpu.memory_space<hbm>>
          %dma_start3A_264 = tpu.memref_squeeze %dma_start3A_263 : memref<1x128xi32, #tpu.memory_space<hbm>> -> memref<128xi32, #tpu.memory_space<hbm>>
          %dma_start3A_265 = arith.constant 0 : i32
          %dma_start3A_266 = tpu.memref_slice %arg6[%add3A_254, %dma_start3A_265] : memref<6400x128xi32, #tpu.memory_space<hbm>> -> memref<1x128xi32, #tpu.memory_space<hbm>>
          %dma_start3A_267 = tpu.memref_squeeze %dma_start3A_266 : memref<1x128xi32, #tpu.memory_space<hbm>> -> memref<128xi32, #tpu.memory_space<hbm>>
          tpu.enqueue_dma source(%dma_start3A_267 : memref<128xi32, #tpu.memory_space<hbm>>) target(%arg13 : memref<128xi32, #tpu.memory_space<vmem>>) target_semaphore(%run_scoped3A_261 : memref<!tpu.dma_semaphore, #tpu.memory_space<semaphore_mem>>)
          %dma_wait3A_268 = arith.constant 0 : i32
          %dma_wait3A_269 = tpu.memref_slice %arg6[%add3A_254, %dma_wait3A_268] : memref<6400x128xi32, #tpu.memory_space<hbm>> -> memref<1x128xi32, #tpu.memory_space<hbm>>
          %dma_wait3A_270 = tpu.memref_squeeze %dma_wait3A_269 : memref<1x128xi32, #tpu.memory_space<hbm>> -> memref<128xi32, #tpu.memory_space<hbm>>
          %dma_wait3A_271 = arith.constant 0 : i32
          %dma_wait3A_272 = tpu.memref_slice %arg6[%add3A_254, %dma_wait3A_271] : memref<6400x128xi32, #tpu.memory_space<hbm>> -> memref<1x128xi32, #tpu.memory_space<hbm>>
          %dma_wait3A_273 = tpu.memref_squeeze %dma_wait3A_272 : memref<1x128xi32, #tpu.memory_space<hbm>> -> memref<128xi32, #tpu.memory_space<hbm>>
          tpu.wait_dma2 semaphore(%run_scoped3A_261 : memref<!tpu.dma_semaphore, #tpu.memory_space<semaphore_mem>>) src(%dma_wait3A_273 : memref<128xi32, #tpu.memory_space<hbm>>) dst(%arg13 : memref<128xi32, #tpu.memory_space<vmem>>)
          tpu.yield
        }) : () -> ()
        %dma_start3A_255 = arith.constant 0 : i32
        %dma_start3A_256 = arith.constant 0 : i32
        %dma_start3A_257 = tpu.memref_slice %arg2[%dma_start3A_255, %dma_start3A_256] : memref<50000x8xf32, #tpu.memory_space<hbm>> -> memref<50000x8xf32, #tpu.memory_space<hbm>>
        tpu.enqueue_indirect_dma source(%dma_start3A_257 : memref<50000x8xf32, #tpu.memory_space<hbm>>) target(%arg17 : memref<128x8xf32, #tpu.memory_space<vmem>>) offsets(%arg11 : memref<128xi32, #tpu.memory_space<vmem>>) semaphore(%arg24 : memref<!tpu.dma_semaphore, #tpu.memory_space<semaphore_mem>>)
        %dma_start3A_258 = arith.constant 0 : i32
        %dma_start3A_259 = arith.constant 0 : i32
        %dma_start3A_260 = tpu.memref_slice %arg3[%dma_start3A_258, %dma_start3A_259] : memref<50000x16xf32, #tpu.memory_space<hbm>> -> memref<50000x16xf32, #tpu.memory_space<hbm>>
        tpu.enqueue_indirect_dma source(%dma_start3A_260 : memref<50000x16xf32, #tpu.memory_space<hbm>>) target(%arg19 : memref<128x16xf32, #tpu.memory_space<vmem>>) offsets(%arg13 : memref<128xi32, #tpu.memory_space<vmem>>) semaphore(%arg24 : memref<!tpu.dma_semaphore, #tpu.memory_space<semaphore_mem>>)
      } else {
      }
      %dma_wait3A_196 = arith.constant 0 : i32
      %dma_wait3A_197 = arith.constant 0 : i32
      %dma_wait3A_198 = tpu.memref_slice %arg2[%dma_wait3A_196, %dma_wait3A_197] : memref<50000x8xf32, #tpu.memory_space<hbm>> -> memref<50000x8xf32, #tpu.memory_space<hbm>>
      tpu.wait_indirect_dma semaphore(%arg25 : memref<!tpu.dma_semaphore, #tpu.memory_space<semaphore_mem>>) src(%dma_wait3A_198 : memref<50000x8xf32, #tpu.memory_space<hbm>>) dst(%arg18 : memref<128x8xf32, #tpu.memory_space<vmem>>)
      %dma_wait3A_199 = arith.constant 0 : i32
      %dma_wait3A_200 = arith.constant 0 : i32
      %dma_wait3A_201 = tpu.memref_slice %arg3[%dma_wait3A_199, %dma_wait3A_200] : memref<50000x16xf32, #tpu.memory_space<hbm>> -> memref<50000x16xf32, #tpu.memory_space<hbm>>
      tpu.wait_indirect_dma semaphore(%arg25 : memref<!tpu.dma_semaphore, #tpu.memory_space<semaphore_mem>>) src(%dma_wait3A_201 : memref<50000x16xf32, #tpu.memory_space<hbm>>) dst(%arg20 : memref<128x16xf32, #tpu.memory_space<vmem>>)
      %ge3A_202 = arith.constant 1 : i32
      %ge3A_203 = arith.cmpi sge, %scan3A_126, %ge3A_202 : i32
      %convert_element_type3A_204 = arith.extui %ge3A_203 : i1 to i32
      %cond3A_205 = arith.constant 0 : i32
      %cond3A_206 = arith.cmpi ne, %convert_element_type3A_204, %cond3A_205 : i32
      scf.if %cond3A_206 {
        %dma_wait3A_250 = arith.constant 0 : i32
        %dma_wait3A_251 = arith.constant 0 : i32
        %dma_wait3A_252 = tpu.memref_slice %arg10[%dma_wait3A_250, %dma_wait3A_251] : memref<50048x24xf32, #tpu.memory_space<vmem_shared>> -> memref<50048x24xf32, #tpu.memory_space<vmem_shared>>
        tpu.wait_indirect_dma semaphore(%arg27 : memref<!tpu.dma_semaphore, #tpu.memory_space<semaphore_mem>>) src(%arg22 : memref<128x24xf32, #tpu.memory_space<vmem>>) dst(%dma_wait3A_252 : memref<50048x24xf32, #tpu.memory_space<vmem_shared>>)
      } else {
      }
      %scan3A_207 = arith.constant 0 : i32
      %scan3A_208 = arith.constant 0 : i32
      %scan3A_209 = arith.constant 8 : i32
      %scan3A_210 = arith.addi %scan3A_208, %scan3A_209 : i32
      %scan3A_211 = arith.constant 1 : i32
      %scan3A_212 = scf.for %scan3A_250 = %scan3A_208 to %scan3A_210 step %scan3A_211 iter_args(%scan3A_251 = %scan3A_207) -> (i32)  : i32 {
        %mul3A_252 = arith.constant 16 : i32
        %mul3A_253 = arith.muli %scan3A_250, %mul3A_252 : i32
        %add3A_254 = vector.broadcast %mul3A_253 : i32 to vector<16xi32>
        %add3A_255 = arith.addi %add3A_254, %iota3A : vector<16xi32>
        %broadcast_in_dim3A_256 = arith.constant 0 : i32
        %broadcast_in_dim3A_257 = vector.broadcast %broadcast_in_dim3A_256 : i32 to vector<16xi32>
        %gather3A = tpu.vector_load_idx %arg18[%add3A_255, %broadcast_in_dim3A_257] : memref<128x8xf32, #tpu.memory_space<vmem>>[vector<16xi32>, vector<16xi32>], vector<16xf32>,
        %broadcast_in_dim3A_258 = arith.constant 1 : i32
        %broadcast_in_dim3A_259 = vector.broadcast %broadcast_in_dim3A_258 : i32 to vector<16xi32>
        %gather3A_260 = tpu.vector_load_idx %arg18[%add3A_255, %broadcast_in_dim3A_259] : memref<128x8xf32, #tpu.memory_space<vmem>>[vector<16xi32>, vector<16xi32>], vector<16xf32>,
        %broadcast_in_dim3A_261 = arith.constant 2 : i32
        %broadcast_in_dim3A_262 = vector.broadcast %broadcast_in_dim3A_261 : i32 to vector<16xi32>
        %gather3A_263 = tpu.vector_load_idx %arg18[%add3A_255, %broadcast_in_dim3A_262] : memref<128x8xf32, #tpu.memory_space<vmem>>[vector<16xi32>, vector<16xi32>], vector<16xf32>,
        %broadcast_in_dim3A_264 = arith.constant 3 : i32
        %broadcast_in_dim3A_265 = vector.broadcast %broadcast_in_dim3A_264 : i32 to vector<16xi32>
        %gather3A_266 = tpu.vector_load_idx %arg18[%add3A_255, %broadcast_in_dim3A_265] : memref<128x8xf32, #tpu.memory_space<vmem>>[vector<16xi32>, vector<16xi32>], vector<16xf32>,
        %mul3A_267 = arith.constant 128 : i32
        %mul3A_268 = arith.muli %add3A_188, %mul3A_267 : i32
        %add3A_269 = arith.addi %mul3A_3, %mul3A_268 : i32
        %mul3A_270 = arith.constant 16 : i32
        %mul3A_271 = arith.muli %scan3A_250, %mul3A_270 : i32
        %add3A_272 = arith.addi %add3A_269, %mul3A_271 : i32
        %add3A_273 = vector.broadcast %add3A_272 : i32 to vector<16xi32>
        %add3A_274 = arith.addi %add3A_273, %iota3A : vector<16xi32>
        %lt3A_275 = arith.constant 800000 : i32
        %lt3A_276 = vector.broadcast %lt3A_275 : i32 to vector<16xi32>
        %lt3A_277 = arith.cmpi slt, %add3A_274, %lt3A_276 : vector<16xi32>
        %jit3A = arith.constant 1.000000e+00 : f32
        %jit3A_278 = arith.constant 0.000000e+00 : f32
        %broadcast_in_dim3A_279 = vector.broadcast %jit3A : f32 to vector<16xf32>
        %broadcast_in_dim3A_280 = vector.broadcast %jit3A_278 : f32 to vector<16xf32>
        %select_n3A = arith.select %lt3A_277, %broadcast_in_dim3A_279, %broadcast_in_dim3A_280 : vector<16xi1>, vector<16xf32>
        %broadcast_in_dim3A_281 = arith.constant 0 : i32
        %broadcast_in_dim3A_282 = vector.broadcast %broadcast_in_dim3A_281 : i32 to vector<16xi32>
        %gather3A_283 = tpu.vector_load_idx %arg20[%add3A_255, %broadcast_in_dim3A_282] : memref<128x16xf32, #tpu.memory_space<vmem>>[vector<16xi32>, vector<16xi32>], vector<16xf32>,
        %broadcast_in_dim3A_284 = arith.constant 1 : i32
        %broadcast_in_dim3A_285 = vector.broadcast %broadcast_in_dim3A_284 : i32 to vector<16xi32>
        %gather3A_286 = tpu.vector_load_idx %arg20[%add3A_255, %broadcast_in_dim3A_285] : memref<128x16xf32, #tpu.memory_space<vmem>>[vector<16xi32>, vector<16xi32>], vector<16xf32>,
        %broadcast_in_dim3A_287 = arith.constant 2 : i32
        %broadcast_in_dim3A_288 = vector.broadcast %broadcast_in_dim3A_287 : i32 to vector<16xi32>
        %gather3A_289 = tpu.vector_load_idx %arg20[%add3A_255, %broadcast_in_dim3A_288] : memref<128x16xf32, #tpu.memory_space<vmem>>[vector<16xi32>, vector<16xi32>], vector<16xf32>,
        %broadcast_in_dim3A_290 = arith.constant 3 : i32
        %broadcast_in_dim3A_291 = vector.broadcast %broadcast_in_dim3A_290 : i32 to vector<16xi32>
        %gather3A_292 = tpu.vector_load_idx %arg20[%add3A_255, %broadcast_in_dim3A_291] : memref<128x16xf32, #tpu.memory_space<vmem>>[vector<16xi32>, vector<16xi32>], vector<16xf32>,
        %mul3A_293 = arith.mulf %gather3A_283, %gather3A : vector<16xf32>
        %mul3A_294 = arith.mulf %gather3A_286, %gather3A_260 : vector<16xf32>
        %add3A_295 = arith.addf %mul3A_293, %mul3A_294 : vector<16xf32>
        %mul3A_296 = arith.mulf %gather3A_289, %gather3A_263 : vector<16xf32>
        %add3A_297 = arith.addf %add3A_295, %mul3A_296 : vector<16xf32>
        %mul3A_298 = arith.mulf %gather3A_292, %gather3A_266 : vector<16xf32>
        %add3A_299 = arith.addf %add3A_297, %mul3A_298 : vector<16xf32>
        %broadcast_in_dim3A_300 = arith.constant 4 : i32
        %broadcast_in_dim3A_301 = vector.broadcast %broadcast_in_dim3A_300 : i32 to vector<16xi32>
        %gather3A_302 = tpu.vector_load_idx %arg18[%add3A_255, %broadcast_in_dim3A_301] : memref<128x8xf32, #tpu.memory_space<vmem>>[vector<16xi32>, vector<16xi32>], vector<16xf32>,
        %broadcast_in_dim3A_303 = arith.constant 8 : i32
        %broadcast_in_dim3A_304 = vector.broadcast %broadcast_in_dim3A_303 : i32 to vector<16xi32>
        %gather3A_305 = tpu.vector_load_idx %arg20[%add3A_255, %broadcast_in_dim3A_304] : memref<128x16xf32, #tpu.memory_space<vmem>>[vector<16xi32>, vector<16xi32>], vector<16xf32>,
        %add3A_306 = arith.addf %gather3A_302, %gather3A_305 : vector<16xf32>
        %max3A = arith.constant 0.000000e+00 : f32
        %max3A_307 = vector.broadcast %max3A : f32 to vector<16xf32>
        %max3A_308 = arith.maximumf %add3A_306, %max3A_307 : vector<16xf32>
        %min3A = arith.constant 0.000000e+00 : f32
        %min3A_309 = vector.broadcast %min3A : f32 to vector<16xf32>
        %min3A_310 = arith.minimumf %add3A_306, %min3A_309 : vector<16xf32>
        %mul3A_311 = arith.constant 2.000000e-01 : f32
        %mul3A_312 = vector.broadcast %mul3A_311 : f32 to vector<16xf32>
        %mul3A_313 = arith.mulf %mul3A_312, %min3A_310 : vector<16xf32>
        %add3A_314 = arith.addf %max3A_308, %mul3A_313 : vector<16xf32>
        %sub3A = vector.broadcast %squeeze3A : f32 to vector<16xf32>
        %sub3A_315 = arith.subf %add3A_299, %sub3A : vector<16xf32>
        %exp3A = math.exp %sub3A_315 : vector<16xf32>
        %mul3A_316 = arith.mulf %exp3A, %select_n3A : vector<16xf32>
        %sub3A_317 = vector.broadcast %squeeze3A_15 : f32 to vector<16xf32>
        %sub3A_318 = arith.subf %add3A_314, %sub3A_317 : vector<16xf32>
        %exp3A_319 = math.exp %sub3A_318 : vector<16xf32>
        %mul3A_320 = arith.mulf %exp3A_319, %select_n3A : vector<16xf32>
        %broadcast_in_dim3A_321 = arith.constant 0 : i32
        %broadcast_in_dim3A_322 = vector.broadcast %broadcast_in_dim3A_321 : i32 to vector<16xi32>
        %mul3A_323 = arith.mulf %mul3A_316, %gather3A : vector<16xf32>
        tpu.vector_store_idx %arg22[%add3A_255, %broadcast_in_dim3A_322], %mul3A_323 : memref<128x24xf32, #tpu.memory_space<vmem>>[vector<16xi32>, vector<16xi32>], vector<16xf32>,
        %broadcast_in_dim3A_324 = arith.constant 8 : i32
        %broadcast_in_dim3A_325 = vector.broadcast %broadcast_in_dim3A_324 : i32 to vector<16xi32>
        %mul3A_326 = arith.mulf %mul3A_320, %gather3A : vector<16xf32>
        tpu.vector_store_idx %arg22[%add3A_255, %broadcast_in_dim3A_325], %mul3A_326 : memref<128x24xf32, #tpu.memory_space<vmem>>[vector<16xi32>, vector<16xi32>], vector<16xf32>,
        %broadcast_in_dim3A_327 = arith.constant 1 : i32
        %broadcast_in_dim3A_328 = vector.broadcast %broadcast_in_dim3A_327 : i32 to vector<16xi32>
        %mul3A_329 = arith.mulf %mul3A_316, %gather3A_260 : vector<16xf32>
        tpu.vector_store_idx %arg22[%add3A_255, %broadcast_in_dim3A_328], %mul3A_329 : memref<128x24xf32, #tpu.memory_space<vmem>>[vector<16xi32>, vector<16xi32>], vector<16xf32>,
        %broadcast_in_dim3A_330 = arith.constant 9 : i32
        %broadcast_in_dim3A_331 = vector.broadcast %broadcast_in_dim3A_330 : i32 to vector<16xi32>
        %mul3A_332 = arith.mulf %mul3A_320, %gather3A_260 : vector<16xf32>
        tpu.vector_store_idx %arg22[%add3A_255, %broadcast_in_dim3A_331], %mul3A_332 : memref<128x24xf32, #tpu.memory_space<vmem>>[vector<16xi32>, vector<16xi32>], vector<16xf32>,
        %broadcast_in_dim3A_333 = arith.constant 2 : i32
        %broadcast_in_dim3A_334 = vector.broadcast %broadcast_in_dim3A_333 : i32 to vector<16xi32>
        %mul3A_335 = arith.mulf %mul3A_316, %gather3A_263 : vector<16xf32>
        tpu.vector_store_idx %arg22[%add3A_255, %broadcast_in_dim3A_334], %mul3A_335 : memref<128x24xf32, #tpu.memory_space<vmem>>[vector<16xi32>, vector<16xi32>], vector<16xf32>,
        %broadcast_in_dim3A_336 = arith.constant 10 : i32
        %broadcast_in_dim3A_337 = vector.broadcast %broadcast_in_dim3A_336 : i32 to vector<16xi32>
        %mul3A_338 = arith.mulf %mul3A_320, %gather3A_263 : vector<16xf32>
        tpu.vector_store_idx %arg22[%add3A_255, %broadcast_in_dim3A_337], %mul3A_338 : memref<128x24xf32, #tpu.memory_space<vmem>>[vector<16xi32>, vector<16xi32>], vector<16xf32>,
        %broadcast_in_dim3A_339 = arith.constant 3 : i32
        %broadcast_in_dim3A_340 = vector.broadcast %broadcast_in_dim3A_339 : i32 to vector<16xi32>
        %mul3A_341 = arith.mulf %mul3A_316, %gather3A_266 : vector<16xf32>
        tpu.vector_store_idx %arg22[%add3A_255, %broadcast_in_dim3A_340], %mul3A_341 : memref<128x24xf32, #tpu.memory_space<vmem>>[vector<16xi32>, vector<16xi32>], vector<16xf32>,
        %broadcast_in_dim3A_342 = arith.constant 11 : i32
        %broadcast_in_dim3A_343 = vector.broadcast %broadcast_in_dim3A_342 : i32 to vector<16xi32>
        %mul3A_344 = arith.mulf %mul3A_320, %gather3A_266 : vector<16xf32>
        tpu.vector_store_idx %arg22[%add3A_255, %broadcast_in_dim3A_343], %mul3A_344 : memref<128x24xf32, #tpu.memory_space<vmem>>[vector<16xi32>, vector<16xi32>], vector<16xf32>,
        %broadcast_in_dim3A_345 = arith.constant 16 : i32
        %broadcast_in_dim3A_346 = vector.broadcast %broadcast_in_dim3A_345 : i32 to vector<16xi32>
        tpu.vector_store_idx %arg22[%add3A_255, %broadcast_in_dim3A_346], %mul3A_316 : memref<128x24xf32, #tpu.memory_space<vmem>>[vector<16xi32>, vector<16xi32>], vector<16xf32>,
        %broadcast_in_dim3A_347 = arith.constant 18 : i32
        %broadcast_in_dim3A_348 = vector.broadcast %broadcast_in_dim3A_347 : i32 to vector<16xi32>
        tpu.vector_store_idx %arg22[%add3A_255, %broadcast_in_dim3A_348], %mul3A_320 : memref<128x24xf32, #tpu.memory_space<vmem>>[vector<16xi32>, vector<16xi32>], vector<16xf32>,
        %broadcast_in_dim3A_349 = arith.constant 4 : i32
        %broadcast_in_dim3A_350 = vector.broadcast %broadcast_in_dim3A_349 : i32 to vector<16xi32>
        %gather3A_351 = tpu.vector_load_idx %arg20[%add3A_255, %broadcast_in_dim3A_350] : memref<128x16xf32, #tpu.memory_space<vmem>>[vector<16xi32>, vector<16xi32>], vector<16xf32>,
        %broadcast_in_dim3A_352 = arith.constant 5 : i32
        %broadcast_in_dim3A_353 = vector.broadcast %broadcast_in_dim3A_352 : i32 to vector<16xi32>
        %gather3A_354 = tpu.vector_load_idx %arg20[%add3A_255, %broadcast_in_dim3A_353] : memref<128x16xf32, #tpu.memory_space<vmem>>[vector<16xi32>, vector<16xi32>], vector<16xf32>,
        %broadcast_in_dim3A_355 = arith.constant 6 : i32
        %broadcast_in_dim3A_356 = vector.broadcast %broadcast_in_dim3A_355 : i32 to vector<16xi32>
        %gather3A_357 = tpu.vector_load_idx %arg20[%add3A_255, %broadcast_in_dim3A_356] : memref<128x16xf32, #tpu.memory_space<vmem>>[vector<16xi32>, vector<16xi32>], vector<16xf32>,
        %broadcast_in_dim3A_358 = arith.constant 7 : i32
        %broadcast_in_dim3A_359 = vector.broadcast %broadcast_in_dim3A_358 : i32 to vector<16xi32>
        %gather3A_360 = tpu.vector_load_idx %arg20[%add3A_255, %broadcast_in_dim3A_359] : memref<128x16xf32, #tpu.memory_space<vmem>>[vector<16xi32>, vector<16xi32>], vector<16xf32>,
        %mul3A_361 = arith.mulf %gather3A_351, %gather3A : vector<16xf32>
        %mul3A_362 = arith.mulf %gather3A_354, %gather3A_260 : vector<16xf32>
        %add3A_363 = arith.addf %mul3A_361, %mul3A_362 : vector<16xf32>
        %mul3A_364 = arith.mulf %gather3A_357, %gather3A_263 : vector<16xf32>
        %add3A_365 = arith.addf %add3A_363, %mul3A_364 : vector<16xf32>
        %mul3A_366 = arith.mulf %gather3A_360, %gather3A_266 : vector<16xf32>
        %add3A_367 = arith.addf %add3A_365, %mul3A_366 : vector<16xf32>
        %broadcast_in_dim3A_368 = arith.constant 5 : i32
        %broadcast_in_dim3A_369 = vector.broadcast %broadcast_in_dim3A_368 : i32 to vector<16xi32>
        %gather3A_370 = tpu.vector_load_idx %arg18[%add3A_255, %broadcast_in_dim3A_369] : memref<128x8xf32, #tpu.memory_space<vmem>>[vector<16xi32>, vector<16xi32>], vector<16xf32>,
        %broadcast_in_dim3A_371 = arith.constant 9 : i32
        %broadcast_in_dim3A_372 = vector.broadcast %broadcast_in_dim3A_371 : i32 to vector<16xi32>
        %gather3A_373 = tpu.vector_load_idx %arg20[%add3A_255, %broadcast_in_dim3A_372] : memref<128x16xf32, #tpu.memory_space<vmem>>[vector<16xi32>, vector<16xi32>], vector<16xf32>,
        %add3A_374 = arith.addf %gather3A_370, %gather3A_373 : vector<16xf32>
        %max3A_375 = arith.constant 0.000000e+00 : f32
        %max3A_376 = vector.broadcast %max3A_375 : f32 to vector<16xf32>
        %max3A_377 = arith.maximumf %add3A_374, %max3A_376 : vector<16xf32>
        %min3A_378 = arith.constant 0.000000e+00 : f32
        %min3A_379 = vector.broadcast %min3A_378 : f32 to vector<16xf32>
        %min3A_380 = arith.minimumf %add3A_374, %min3A_379 : vector<16xf32>
        %mul3A_381 = arith.constant 2.000000e-01 : f32
        %mul3A_382 = vector.broadcast %mul3A_381 : f32 to vector<16xf32>
        %mul3A_383 = arith.mulf %mul3A_382, %min3A_380 : vector<16xf32>
        %add3A_384 = arith.addf %max3A_377, %mul3A_383 : vector<16xf32>
        %sub3A_385 = vector.broadcast %squeeze3A_13 : f32 to vector<16xf32>
        %sub3A_386 = arith.subf %add3A_367, %sub3A_385 : vector<16xf32>
        %exp3A_387 = math.exp %sub3A_386 : vector<16xf32>
        %mul3A_388 = arith.mulf %exp3A_387, %select_n3A : vector<16xf32>
        %sub3A_389 = vector.broadcast %squeeze3A_17 : f32 to vector<16xf32>
        %sub3A_390 = arith.subf %add3A_384, %sub3A_389 : vector<16xf32>
        %exp3A_391 = math.exp %sub3A_390 : vector<16xf32>
        %mul3A_392 = arith.mulf %exp3A_391, %select_n3A : vector<16xf32>
        %broadcast_in_dim3A_393 = arith.constant 4 : i32
        %broadcast_in_dim3A_394 = vector.broadcast %broadcast_in_dim3A_393 : i32 to vector<16xi32>
        %mul3A_395 = arith.mulf %mul3A_388, %gather3A : vector<16xf32>
        tpu.vector_store_idx %arg22[%add3A_255, %broadcast_in_dim3A_394], %mul3A_395 : memref<128x24xf32, #tpu.memory_space<vmem>>[vector<16xi32>, vector<16xi32>], vector<16xf32>,
        %broadcast_in_dim3A_396 = arith.constant 12 : i32
        %broadcast_in_dim3A_397 = vector.broadcast %broadcast_in_dim3A_396 : i32 to vector<16xi32>
        %mul3A_398 = arith.mulf %mul3A_392, %gather3A : vector<16xf32>
        tpu.vector_store_idx %arg22[%add3A_255, %broadcast_in_dim3A_397], %mul3A_398 : memref<128x24xf32, #tpu.memory_space<vmem>>[vector<16xi32>, vector<16xi32>], vector<16xf32>,
        %broadcast_in_dim3A_399 = arith.constant 5 : i32
        %broadcast_in_dim3A_400 = vector.broadcast %broadcast_in_dim3A_399 : i32 to vector<16xi32>
        %mul3A_401 = arith.mulf %mul3A_388, %gather3A_260 : vector<16xf32>
        tpu.vector_store_idx %arg22[%add3A_255, %broadcast_in_dim3A_400], %mul3A_401 : memref<128x24xf32, #tpu.memory_space<vmem>>[vector<16xi32>, vector<16xi32>], vector<16xf32>,
        %broadcast_in_dim3A_402 = arith.constant 13 : i32
        %broadcast_in_dim3A_403 = vector.broadcast %broadcast_in_dim3A_402 : i32 to vector<16xi32>
        %mul3A_404 = arith.mulf %mul3A_392, %gather3A_260 : vector<16xf32>
        tpu.vector_store_idx %arg22[%add3A_255, %broadcast_in_dim3A_403], %mul3A_404 : memref<128x24xf32, #tpu.memory_space<vmem>>[vector<16xi32>, vector<16xi32>], vector<16xf32>,
        %broadcast_in_dim3A_405 = arith.constant 6 : i32
        %broadcast_in_dim3A_406 = vector.broadcast %broadcast_in_dim3A_405 : i32 to vector<16xi32>
        %mul3A_407 = arith.mulf %mul3A_388, %gather3A_263 : vector<16xf32>
        tpu.vector_store_idx %arg22[%add3A_255, %broadcast_in_dim3A_406], %mul3A_407 : memref<128x24xf32, #tpu.memory_space<vmem>>[vector<16xi32>, vector<16xi32>], vector<16xf32>,
        %broadcast_in_dim3A_408 = arith.constant 14 : i32
        %broadcast_in_dim3A_409 = vector.broadcast %broadcast_in_dim3A_408 : i32 to vector<16xi32>
        %mul3A_410 = arith.mulf %mul3A_392, %gather3A_263 : vector<16xf32>
        tpu.vector_store_idx %arg22[%add3A_255, %broadcast_in_dim3A_409], %mul3A_410 : memref<128x24xf32, #tpu.memory_space<vmem>>[vector<16xi32>, vector<16xi32>], vector<16xf32>,
        %broadcast_in_dim3A_411 = arith.constant 7 : i32
        %broadcast_in_dim3A_412 = vector.broadcast %broadcast_in_dim3A_411 : i32 to vector<16xi32>
        %mul3A_413 = arith.mulf %mul3A_388, %gather3A_266 : vector<16xf32>
        tpu.vector_store_idx %arg22[%add3A_255, %broadcast_in_dim3A_412], %mul3A_413 : memref<128x24xf32, #tpu.memory_space<vmem>>[vector<16xi32>, vector<16xi32>], vector<16xf32>,
        %broadcast_in_dim3A_414 = arith.constant 15 : i32
        %broadcast_in_dim3A_415 = vector.broadcast %broadcast_in_dim3A_414 : i32 to vector<16xi32>
        %mul3A_416 = arith.mulf %mul3A_392, %gather3A_266 : vector<16xf32>
        tpu.vector_store_idx %arg22[%add3A_255, %broadcast_in_dim3A_415], %mul3A_416 : memref<128x24xf32, #tpu.memory_space<vmem>>[vector<16xi32>, vector<16xi32>], vector<16xf32>,
        %broadcast_in_dim3A_417 = arith.constant 17 : i32
        %broadcast_in_dim3A_418 = vector.broadcast %broadcast_in_dim3A_417 : i32 to vector<16xi32>
        tpu.vector_store_idx %arg22[%add3A_255, %broadcast_in_dim3A_418], %mul3A_388 : memref<128x24xf32, #tpu.memory_space<vmem>>[vector<16xi32>, vector<16xi32>], vector<16xf32>,
        %broadcast_in_dim3A_419 = arith.constant 19 : i32
        %broadcast_in_dim3A_420 = vector.broadcast %broadcast_in_dim3A_419 : i32 to vector<16xi32>
        tpu.vector_store_idx %arg22[%add3A_255, %broadcast_in_dim3A_420], %mul3A_392 : memref<128x24xf32, #tpu.memory_space<vmem>>[vector<16xi32>, vector<16xi32>], vector<16xf32>,
        %scan3A_421 = arith.constant 0 : i32
        scf.yield %scan3A_421 : i32
      }
      %scan3A_213 = arith.constant 8 : i32
      %get3A_214 = arith.constant 0 : index
      %get3A_215 = tpu.vector_load %arg14[%get3A_214] {strides = array<i32>} : memref<128xi32, #tpu.memory_space<vmem>>, vector<16xi32>,
      %swap3A_216 = arith.constant 0 : index
      %swap3A_217 = tpu.vector_load %arg16[%swap3A_216] {strides = array<i32>} : memref<128xi32, #tpu.memory_space<vmem>>, vector<16xi32>,
      tpu.vector_store %arg16[%swap3A_216], %get3A_215 {strides = array<i32>} : memref<128xi32, #tpu.memory_space<vmem>>, vector<16xi32>,
      %get3A_218 = arith.constant 16 : index
      %get3A_219 = tpu.vector_load %arg14[%get3A_218] {strides = array<i32>} : memref<128xi32, #tpu.memory_space<vmem>>, vector<16xi32>,
      %swap3A_220 = arith.constant 16 : index
      %swap3A_221 = tpu.vector_load %arg16[%swap3A_220] {strides = array<i32>} : memref<128xi32, #tpu.memory_space<vmem>>, vector<16xi32>,
      tpu.vector_store %arg16[%swap3A_220], %get3A_219 {strides = array<i32>} : memref<128xi32, #tpu.memory_space<vmem>>, vector<16xi32>,
      %get3A_222 = arith.constant 32 : index
      %get3A_223 = tpu.vector_load %arg14[%get3A_222] {strides = array<i32>} : memref<128xi32, #tpu.memory_space<vmem>>, vector<16xi32>,
      %swap3A_224 = arith.constant 32 : index
      %swap3A_225 = tpu.vector_load %arg16[%swap3A_224] {strides = array<i32>} : memref<128xi32, #tpu.memory_space<vmem>>, vector<16xi32>,
      tpu.vector_store %arg16[%swap3A_224], %get3A_223 {strides = array<i32>} : memref<128xi32, #tpu.memory_space<vmem>>, vector<16xi32>,
      %get3A_226 = arith.constant 48 : index
      %get3A_227 = tpu.vector_load %arg14[%get3A_226] {strides = array<i32>} : memref<128xi32, #tpu.memory_space<vmem>>, vector<16xi32>,
      %swap3A_228 = arith.constant 48 : index
      %swap3A_229 = tpu.vector_load %arg16[%swap3A_228] {strides = array<i32>} : memref<128xi32, #tpu.memory_space<vmem>>, vector<16xi32>,
      tpu.vector_store %arg16[%swap3A_228], %get3A_227 {strides = array<i32>} : memref<128xi32, #tpu.memory_space<vmem>>, vector<16xi32>,
      %get3A_230 = arith.constant 64 : index
      %get3A_231 = tpu.vector_load %arg14[%get3A_230] {strides = array<i32>} : memref<128xi32, #tpu.memory_space<vmem>>, vector<16xi32>,
      %swap3A_232 = arith.constant 64 : index
      %swap3A_233 = tpu.vector_load %arg16[%swap3A_232] {strides = array<i32>} : memref<128xi32, #tpu.memory_space<vmem>>, vector<16xi32>,
      tpu.vector_store %arg16[%swap3A_232], %get3A_231 {strides = array<i32>} : memref<128xi32, #tpu.memory_space<vmem>>, vector<16xi32>,
      %get3A_234 = arith.constant 80 : index
      %get3A_235 = tpu.vector_load %arg14[%get3A_234] {strides = array<i32>} : memref<128xi32, #tpu.memory_space<vmem>>, vector<16xi32>,
      %swap3A_236 = arith.constant 80 : index
      %swap3A_237 = tpu.vector_load %arg16[%swap3A_236] {strides = array<i32>} : memref<128xi32, #tpu.memory_space<vmem>>, vector<16xi32>,
      tpu.vector_store %arg16[%swap3A_236], %get3A_235 {strides = array<i32>} : memref<128xi32, #tpu.memory_space<vmem>>, vector<16xi32>,
      %get3A_238 = arith.constant 96 : index
      %get3A_239 = tpu.vector_load %arg14[%get3A_238] {strides = array<i32>} : memref<128xi32, #tpu.memory_space<vmem>>, vector<16xi32>,
      %swap3A_240 = arith.constant 96 : index
      %swap3A_241 = tpu.vector_load %arg16[%swap3A_240] {strides = array<i32>} : memref<128xi32, #tpu.memory_space<vmem>>, vector<16xi32>,
      tpu.vector_store %arg16[%swap3A_240], %get3A_239 {strides = array<i32>} : memref<128xi32, #tpu.memory_space<vmem>>, vector<16xi32>,
      %get3A_242 = arith.constant 112 : index
      %get3A_243 = tpu.vector_load %arg14[%get3A_242] {strides = array<i32>} : memref<128xi32, #tpu.memory_space<vmem>>, vector<16xi32>,
      %swap3A_244 = arith.constant 112 : index
      %swap3A_245 = tpu.vector_load %arg16[%swap3A_244] {strides = array<i32>} : memref<128xi32, #tpu.memory_space<vmem>>, vector<16xi32>,
      tpu.vector_store %arg16[%swap3A_244], %get3A_243 {strides = array<i32>} : memref<128xi32, #tpu.memory_space<vmem>>, vector<16xi32>,
      %dma_start3A_246 = arith.constant 0 : i32
      %dma_start3A_247 = arith.constant 0 : i32
      %dma_start3A_248 = tpu.memref_slice %arg10[%dma_start3A_246, %dma_start3A_247] : memref<50048x24xf32, #tpu.memory_space<vmem_shared>> -> memref<50048x24xf32, #tpu.memory_space<vmem_shared>>
      tpu.enqueue_indirect_dma source(%arg22 : memref<128x24xf32, #tpu.memory_space<vmem>>) target(%dma_start3A_248 : memref<50048x24xf32, #tpu.memory_space<vmem_shared>>) offsets(%arg16 : memref<128xi32, #tpu.memory_space<vmem>>) semaphore(%arg27 : memref<!tpu.dma_semaphore, #tpu.memory_space<semaphore_mem>>) {add = true}
      %scan3A_249 = arith.constant 0 : i32
      scf.yield %scan3A_249 : i32
    }
    %scan3A_48 = arith.constant 100 : i32
    %dma_wait3A = arith.constant 0 : i32
    %dma_wait3A_49 = arith.constant 0 : i32
    %dma_wait3A_50 = tpu.memref_slice %arg10[%dma_wait3A, %dma_wait3A_49] : memref<50048x24xf32, #tpu.memory_space<vmem_shared>> -> memref<50048x24xf32, #tpu.memory_space<vmem_shared>>
    tpu.wait_indirect_dma semaphore(%arg26 : memref<!tpu.dma_semaphore, #tpu.memory_space<semaphore_mem>>) src(%arg21 : memref<128x24xf32, #tpu.memory_space<vmem>>) dst(%dma_wait3A_50 : memref<50048x24xf32, #tpu.memory_space<vmem_shared>>)
    %dma_wait3A_51 = arith.constant 0 : i32
    %dma_wait3A_52 = arith.constant 0 : i32
    %dma_wait3A_53 = tpu.memref_slice %arg10[%dma_wait3A_51, %dma_wait3A_52] : memref<50048x24xf32, #tpu.memory_space<vmem_shared>> -> memref<50048x24xf32, #tpu.memory_space<vmem_shared>>
    tpu.wait_indirect_dma semaphore(%arg27 : memref<!tpu.dma_semaphore, #tpu.memory_space<semaphore_mem>>) src(%arg22 : memref<128x24xf32, #tpu.memory_space<vmem>>) dst(%dma_wait3A_53 : memref<50048x24xf32, #tpu.memory_space<vmem_shared>>)
    %barrier3A_54 = arith.constant 0 : index
    tpu.barrier barrier_id(%barrier3A_54)
    %scan3A_55 = arith.constant 0 : i32
    %scan3A_56 = arith.constant 0 : i32
    %scan3A_57 = arith.constant 24 : i32
    %scan3A_58 = arith.addi %scan3A_56, %scan3A_57 : i32
    %scan3A_59 = arith.constant 1 : i32
    %scan3A_60 = scf.for %scan3A_126 = %scan3A_56 to %scan3A_58 step %scan3A_59 iter_args(%scan3A_127 = %scan3A_55) -> (i32)  : i32 {
      %mul3A_128 = arith.constant 128 : i32
      %mul3A_129 = arith.muli %scan3A_126, %mul3A_128 : i32
      %add3A_130 = arith.addi %mul3A_5, %mul3A_129 : i32
      %mul3A_131 = arith.constant 128 : i32
      %mul3A_132 = arith.muli %scan3A_126, %mul3A_131 : i32
      %add3A_133 = arith.addi %add3A_10, %mul3A_132 : i32
      "tpu.region"() ({
        %run_scoped3A_135 = tpu.sem_alloc : memref<!tpu.dma_semaphore, #tpu.memory_space<semaphore_mem>>
        %dma_start3A_136 = arith.constant 0 : i32
        %dma_start3A_137 = tpu.memref_slice %arg8[%add3A_133, %dma_start3A_136] : memref<104000x24xf32, #tpu.memory_space<hbm>> -> memref<128x24xf32, #tpu.memory_space<hbm>>
        %dma_start3A_138 = arith.constant 0 : i32
        %dma_start3A_139 = tpu.memref_slice %arg10[%add3A_130, %dma_start3A_138] : memref<50048x24xf32, #tpu.memory_space<vmem_shared>> -> memref<128x24xf32, #tpu.memory_space<vmem_shared>>
        tpu.enqueue_dma source(%dma_start3A_139 : memref<128x24xf32, #tpu.memory_space<vmem_shared>>) target(%dma_start3A_137 : memref<128x24xf32, #tpu.memory_space<hbm>>) target_semaphore(%run_scoped3A_135 : memref<!tpu.dma_semaphore, #tpu.memory_space<semaphore_mem>>)
        %dma_wait3A_140 = arith.constant 0 : i32
        %dma_wait3A_141 = tpu.memref_slice %arg8[%add3A_133, %dma_wait3A_140] : memref<104000x24xf32, #tpu.memory_space<hbm>> -> memref<128x24xf32, #tpu.memory_space<hbm>>
        %dma_wait3A_142 = arith.constant 0 : i32
        %dma_wait3A_143 = tpu.memref_slice %arg10[%add3A_130, %dma_wait3A_142] : memref<50048x24xf32, #tpu.memory_space<vmem_shared>> -> memref<128x24xf32, #tpu.memory_space<vmem_shared>>
        tpu.wait_dma2 semaphore(%run_scoped3A_135 : memref<!tpu.dma_semaphore, #tpu.memory_space<semaphore_mem>>) src(%dma_wait3A_143 : memref<128x24xf32, #tpu.memory_space<vmem_shared>>) dst(%dma_wait3A_141 : memref<128x24xf32, #tpu.memory_space<hbm>>)
        tpu.yield
      }) : () -> ()
      %scan3A_134 = arith.constant 0 : i32
      scf.yield %scan3A_134 : i32
    }
    %scan3A_61 = arith.constant 24 : i32
    %add3A_62 = arith.constant 3072 : i32
    %add3A_63 = arith.addi %mul3A_5, %add3A_62 : i32
    %add3A_64 = arith.constant 3072 : i32
    %add3A_65 = arith.addi %add3A_10, %add3A_64 : i32
    "tpu.region"() ({
      %run_scoped3A_126 = tpu.sem_alloc : memref<!tpu.dma_semaphore, #tpu.memory_space<semaphore_mem>>
      %dma_start3A_127 = arith.constant 0 : i32
      %dma_start3A_128 = tpu.memref_slice %arg8[%add3A_65, %dma_start3A_127] : memref<104000x24xf32, #tpu.memory_space<hbm>> -> memref<56x24xf32, #tpu.memory_space<hbm>>
      %dma_start3A_129 = arith.constant 0 : i32
      %dma_start3A_130 = tpu.memref_slice %arg10[%add3A_63, %dma_start3A_129] : memref<50048x24xf32, #tpu.memory_space<vmem_shared>> -> memref<56x24xf32, #tpu.memory_space<vmem_shared>>
      tpu.enqueue_dma source(%dma_start3A_130 : memref<56x24xf32, #tpu.memory_space<vmem_shared>>) target(%dma_start3A_128 : memref<56x24xf32, #tpu.memory_space<hbm>>) target_semaphore(%run_scoped3A_126 : memref<!tpu.dma_semaphore, #tpu.memory_space<semaphore_mem>>)
      %dma_wait3A_131 = arith.constant 0 : i32
      %dma_wait3A_132 = tpu.memref_slice %arg8[%add3A_65, %dma_wait3A_131] : memref<104000x24xf32, #tpu.memory_space<hbm>> -> memref<56x24xf32, #tpu.memory_space<hbm>>
      %dma_wait3A_133 = arith.constant 0 : i32
      %dma_wait3A_134 = tpu.memref_slice %arg10[%add3A_63, %dma_wait3A_133] : memref<50048x24xf32, #tpu.memory_space<vmem_shared>> -> memref<56x24xf32, #tpu.memory_space<vmem_shared>>
      tpu.wait_dma2 semaphore(%run_scoped3A_126 : memref<!tpu.dma_semaphore, #tpu.memory_space<semaphore_mem>>) src(%dma_wait3A_134 : memref<56x24xf32, #tpu.memory_space<vmem_shared>>) dst(%dma_wait3A_132 : memref<56x24xf32, #tpu.memory_space<hbm>>)
      tpu.yield
    }) : () -> ()
    %slice3A_66 = vector.extract_strided_slice %get3A_1 {offsets = [2], sizes = [1], strides = [1]} : vector<16xf32> to vector<1xf32>
    %squeeze3A_67 = vector.extract %slice3A_66[0] : f32 from vector<1xf32>
    %slice3A_68 = vector.extract_strided_slice %get3A_1 {offsets = [3], sizes = [1], strides = [1]} : vector<16xf32> to vector<1xf32>
    %squeeze3A_69 = vector.extract %slice3A_68[0] : f32 from vector<1xf32>
    %slice3A_70 = vector.extract_strided_slice %get3A_1 {offsets = [6], sizes = [1], strides = [1]} : vector<16xf32> to vector<1xf32>
    %squeeze3A_71 = vector.extract %slice3A_70[0] : f32 from vector<1xf32>
    %slice3A_72 = vector.extract_strided_slice %get3A_1 {offsets = [7], sizes = [1], strides = [1]} : vector<16xf32> to vector<1xf32>
    %squeeze3A_73 = vector.extract %slice3A_72[0] : f32 from vector<1xf32>
    %scan3A_74 = arith.constant 0 : i32
    %scan3A_75 = arith.constant 0 : i32
    %scan3A_76 = arith.constant 128 : i32
    %scan3A_77 = arith.addi %scan3A_75, %scan3A_76 : i32
    %scan3A_78 = arith.constant 1 : i32
    %scan3A_79 = scf.for %scan3A_126 = %scan3A_75 to %scan3A_77 step %scan3A_78 iter_args(%scan3A_127 = %scan3A_74) -> (i32)  : i32 {
      %swap3A = arith.index_cast %scan3A_126 : i32 to index
      %swap3A_128 = arith.constant 0 : index
      %swap3A_129 = tpu.vector_load %arg21[%swap3A, %swap3A_128] {strides = array<i32>} : memref<128x24xf32, #tpu.memory_space<vmem>>, vector<16xf32>,
      tpu.vector_store %arg21[%swap3A, %swap3A_128], %broadcast_in_dim3A_11 {strides = array<i32>} : memref<128x24xf32, #tpu.memory_space<vmem>>, vector<16xf32>,
      %swap3A_130 = arith.index_cast %scan3A_126 : i32 to index
      %swap3A_131 = arith.constant 8 : index
      %swap3A_132 = tpu.vector_load %arg21[%swap3A_130, %swap3A_131] {strides = array<i32>} : memref<128x24xf32, #tpu.memory_space<vmem>>, vector<16xf32>,
      tpu.vector_store %arg21[%swap3A_130, %swap3A_131], %broadcast_in_dim3A_11 {strides = array<i32>} : memref<128x24xf32, #tpu.memory_space<vmem>>, vector<16xf32>,
      %swap3A_133 = arith.index_cast %scan3A_126 : i32 to index
      %swap3A_134 = arith.constant 0 : index
      %swap3A_135 = tpu.vector_load %arg22[%swap3A_133, %swap3A_134] {strides = array<i32>} : memref<128x24xf32, #tpu.memory_space<vmem>>, vector<16xf32>,
      tpu.vector_store %arg22[%swap3A_133, %swap3A_134], %broadcast_in_dim3A_11 {strides = array<i32>} : memref<128x24xf32, #tpu.memory_space<vmem>>, vector<16xf32>,
      %swap3A_136 = arith.index_cast %scan3A_126 : i32 to index
      %swap3A_137 = arith.constant 8 : index
      %swap3A_138 = tpu.vector_load %arg22[%swap3A_136, %swap3A_137] {strides = array<i32>} : memref<128x24xf32, #tpu.memory_space<vmem>>, vector<16xf32>,
      tpu.vector_store %arg22[%swap3A_136, %swap3A_137], %broadcast_in_dim3A_11 {strides = array<i32>} : memref<128x24xf32, #tpu.memory_space<vmem>>, vector<16xf32>,
      %scan3A_139 = arith.constant 0 : i32
      scf.yield %scan3A_139 : i32
    }
    %scan3A_80 = arith.constant 128 : i32
    %scan3A_81 = arith.constant 0 : i32
    %scan3A_82 = arith.constant 0 : i32
    %scan3A_83 = arith.constant 24 : i32
    %scan3A_84 = arith.addi %scan3A_82, %scan3A_83 : i32
    %scan3A_85 = arith.constant 1 : i32
    %scan3A_86 = scf.for %scan3A_126 = %scan3A_82 to %scan3A_84 step %scan3A_85 iter_args(%scan3A_127 = %scan3A_81) -> (i32)  : i32 {
      %mul3A_128 = arith.constant 128 : i32
      %mul3A_129 = arith.muli %scan3A_126, %mul3A_128 : i32
      %add3A_130 = arith.addi %mul3A_5, %mul3A_129 : i32
      "tpu.region"() ({
        %run_scoped3A_132 = tpu.sem_alloc : memref<!tpu.dma_semaphore, #tpu.memory_space<semaphore_mem>>
        %dma_start3A_133 = arith.constant 0 : i32
        %dma_start3A_134 = tpu.memref_slice %arg10[%add3A_130, %dma_start3A_133] : memref<50048x24xf32, #tpu.memory_space<vmem_shared>> -> memref<128x24xf32, #tpu.memory_space<vmem_shared>>
        %dma_start3A_135 = arith.constant 0 : i32
        %dma_start3A_136 = tpu.memref_slice %arg10[%add3A_130, %dma_start3A_135] : memref<50048x24xf32, #tpu.memory_space<vmem_shared>> -> memref<128x24xf32, #tpu.memory_space<vmem_shared>>
        tpu.enqueue_dma source(%arg21 : memref<128x24xf32, #tpu.memory_space<vmem>>) target(%dma_start3A_136 : memref<128x24xf32, #tpu.memory_space<vmem_shared>>) target_semaphore(%run_scoped3A_132 : memref<!tpu.dma_semaphore, #tpu.memory_space<semaphore_mem>>)
        %dma_wait3A_137 = arith.constant 0 : i32
        %dma_wait3A_138 = tpu.memref_slice %arg10[%add3A_130, %dma_wait3A_137] : memref<50048x24xf32, #tpu.memory_space<vmem_shared>> -> memref<128x24xf32, #tpu.memory_space<vmem_shared>>
        %dma_wait3A_139 = arith.constant 0 : i32
        %dma_wait3A_140 = tpu.memref_slice %arg10[%add3A_130, %dma_wait3A_139] : memref<50048x24xf32, #tpu.memory_space<vmem_shared>> -> memref<128x24xf32, #tpu.memory_space<vmem_shared>>
        tpu.wait_dma2 semaphore(%run_scoped3A_132 : memref<!tpu.dma_semaphore, #tpu.memory_space<semaphore_mem>>) src(%arg21 : memref<128x24xf32, #tpu.memory_space<vmem>>) dst(%dma_wait3A_140 : memref<128x24xf32, #tpu.memory_space<vmem_shared>>)
        tpu.yield
      }) : () -> ()
      %scan3A_131 = arith.constant 0 : i32
      scf.yield %scan3A_131 : i32
    }
    %scan3A_87 = arith.constant 24 : i32
    %add3A_88 = arith.constant 3072 : i32
    %add3A_89 = arith.addi %mul3A_5, %add3A_88 : i32
    "tpu.region"() ({
      %run_scoped3A_126 = tpu.sem_alloc : memref<!tpu.dma_semaphore, #tpu.memory_space<semaphore_mem>>
      %dma_start3A_127 = arith.constant 0 : i32
      %dma_start3A_128 = arith.constant 0 : i32
      %dma_start3A_129 = tpu.memref_slice %arg21[%dma_start3A_127, %dma_start3A_128] : memref<128x24xf32, #tpu.memory_space<vmem>> -> memref<56x24xf32, #tpu.memory_space<vmem>>
      %dma_start3A_130 = arith.constant 0 : i32
      %dma_start3A_131 = tpu.memref_slice %arg10[%add3A_89, %dma_start3A_130] : memref<50048x24xf32, #tpu.memory_space<vmem_shared>> -> memref<56x24xf32, #tpu.memory_space<vmem_shared>>
      %dma_start3A_132 = arith.constant 0 : i32
      %dma_start3A_133 = tpu.memref_slice %arg10[%add3A_89, %dma_start3A_132] : memref<50048x24xf32, #tpu.memory_space<vmem_shared>> -> memref<56x24xf32, #tpu.memory_space<vmem_shared>>
      %dma_start3A_134 = arith.constant 0 : i32
      %dma_start3A_135 = arith.constant 0 : i32
      %dma_start3A_136 = tpu.memref_slice %arg21[%dma_start3A_134, %dma_start3A_135] : memref<128x24xf32, #tpu.memory_space<vmem>> -> memref<56x24xf32, #tpu.memory_space<vmem>>
      tpu.enqueue_dma source(%dma_start3A_136 : memref<56x24xf32, #tpu.memory_space<vmem>>) target(%dma_start3A_133 : memref<56x24xf32, #tpu.memory_space<vmem_shared>>) target_semaphore(%run_scoped3A_126 : memref<!tpu.dma_semaphore, #tpu.memory_space<semaphore_mem>>)
      %dma_wait3A_137 = arith.constant 0 : i32
      %dma_wait3A_138 = arith.constant 0 : i32
      %dma_wait3A_139 = tpu.memref_slice %arg21[%dma_wait3A_137, %dma_wait3A_138] : memref<128x24xf32, #tpu.memory_space<vmem>> -> memref<56x24xf32, #tpu.memory_space<vmem>>
      %dma_wait3A_140 = arith.constant 0 : i32
      %dma_wait3A_141 = tpu.memref_slice %arg10[%add3A_89, %dma_wait3A_140] : memref<50048x24xf32, #tpu.memory_space<vmem_shared>> -> memref<56x24xf32, #tpu.memory_space<vmem_shared>>
      %dma_wait3A_142 = arith.constant 0 : i32
      %dma_wait3A_143 = tpu.memref_slice %arg10[%add3A_89, %dma_wait3A_142] : memref<50048x24xf32, #tpu.memory_space<vmem_shared>> -> memref<56x24xf32, #tpu.memory_space<vmem_shared>>
      %dma_wait3A_144 = arith.constant 0 : i32
      %dma_wait3A_145 = arith.constant 0 : i32
      %dma_wait3A_146 = tpu.memref_slice %arg21[%dma_wait3A_144, %dma_wait3A_145] : memref<128x24xf32, #tpu.memory_space<vmem>> -> memref<56x24xf32, #tpu.memory_space<vmem>>
      tpu.wait_dma2 semaphore(%run_scoped3A_126 : memref<!tpu.dma_semaphore, #tpu.memory_space<semaphore_mem>>) src(%dma_wait3A_146 : memref<56x24xf32, #tpu.memory_space<vmem>>) dst(%dma_wait3A_143 : memref<56x24xf32, #tpu.memory_space<vmem_shared>>)
      tpu.yield
    }) : () -> ()
    %barrier3A_90 = arith.constant 0 : index
    tpu.barrier barrier_id(%barrier3A_90)
    %mul3A_91 = arith.constant 200 : i32
    %mul3A_92 = arith.muli %add3A, %mul3A_91 : i32
    %add3A_93 = arith.constant 0 : i32
    %add3A_94 = arith.addi %mul3A_92, %add3A_93 : i32
    "tpu.region"() ({
      %run_scoped3A_126 = tpu.sem_alloc : memref<!tpu.dma_semaphore, #tpu.memory_space<semaphore_mem>>
      %dma_start3A_127 = arith.constant 0 : i32
      %dma_start3A_128 = tpu.memref_slice %arg5[%add3A_94, %dma_start3A_127] : memref<6400x128xi32, #tpu.memory_space<hbm>> -> memref<1x128xi32, #tpu.memory_space<hbm>>
      %dma_start3A_129 = tpu.memref_squeeze %dma_start3A_128 : memref<1x128xi32, #tpu.memory_space<hbm>> -> memref<128xi32, #tpu.memory_space<hbm>>
      %dma_start3A_130 = arith.constant 0 : i32
      %dma_start3A_131 = tpu.memref_slice %arg5[%add3A_94, %dma_start3A_130] : memref<6400x128xi32, #tpu.memory_space<hbm>> -> memref<1x128xi32, #tpu.memory_space<hbm>>
      %dma_start3A_132 = tpu.memref_squeeze %dma_start3A_131 : memref<1x128xi32, #tpu.memory_space<hbm>> -> memref<128xi32, #tpu.memory_space<hbm>>
      tpu.enqueue_dma source(%dma_start3A_132 : memref<128xi32, #tpu.memory_space<hbm>>) target(%arg11 : memref<128xi32, #tpu.memory_space<vmem>>) target_semaphore(%run_scoped3A_126 : memref<!tpu.dma_semaphore, #tpu.memory_space<semaphore_mem>>)
      %dma_wait3A_133 = arith.constant 0 : i32
      %dma_wait3A_134 = tpu.memref_slice %arg5[%add3A_94, %dma_wait3A_133] : memref<6400x128xi32, #tpu.memory_space<hbm>> -> memref<1x128xi32, #tpu.memory_space<hbm>>
      %dma_wait3A_135 = tpu.memref_squeeze %dma_wait3A_134 : memref<1x128xi32, #tpu.memory_space<hbm>> -> memref<128xi32, #tpu.memory_space<hbm>>
      %dma_wait3A_136 = arith.constant 0 : i32
      %dma_wait3A_137 = tpu.memref_slice %arg5[%add3A_94, %dma_wait3A_136] : memref<6400x128xi32, #tpu.memory_space<hbm>> -> memref<1x128xi32, #tpu.memory_space<hbm>>
      %dma_wait3A_138 = tpu.memref_squeeze %dma_wait3A_137 : memref<1x128xi32, #tpu.memory_space<hbm>> -> memref<128xi32, #tpu.memory_space<hbm>>
      tpu.wait_dma2 semaphore(%run_scoped3A_126 : memref<!tpu.dma_semaphore, #tpu.memory_space<semaphore_mem>>) src(%dma_wait3A_138 : memref<128xi32, #tpu.memory_space<hbm>>) dst(%arg11 : memref<128xi32, #tpu.memory_space<vmem>>)
      tpu.yield
    }) : () -> ()
    "tpu.region"() ({
      %run_scoped3A_126 = tpu.sem_alloc : memref<!tpu.dma_semaphore, #tpu.memory_space<semaphore_mem>>
      %dma_start3A_127 = arith.constant 0 : i32
      %dma_start3A_128 = tpu.memref_slice %arg6[%add3A_94, %dma_start3A_127] : memref<6400x128xi32, #tpu.memory_space<hbm>> -> memref<1x128xi32, #tpu.memory_space<hbm>>
      %dma_start3A_129 = tpu.memref_squeeze %dma_start3A_128 : memref<1x128xi32, #tpu.memory_space<hbm>> -> memref<128xi32, #tpu.memory_space<hbm>>
      %dma_start3A_130 = arith.constant 0 : i32
      %dma_start3A_131 = tpu.memref_slice %arg6[%add3A_94, %dma_start3A_130] : memref<6400x128xi32, #tpu.memory_space<hbm>> -> memref<1x128xi32, #tpu.memory_space<hbm>>
      %dma_start3A_132 = tpu.memref_squeeze %dma_start3A_131 : memref<1x128xi32, #tpu.memory_space<hbm>> -> memref<128xi32, #tpu.memory_space<hbm>>
      tpu.enqueue_dma source(%dma_start3A_132 : memref<128xi32, #tpu.memory_space<hbm>>) target(%arg13 : memref<128xi32, #tpu.memory_space<vmem>>) target_semaphore(%run_scoped3A_126 : memref<!tpu.dma_semaphore, #tpu.memory_space<semaphore_mem>>)
      %dma_wait3A_133 = arith.constant 0 : i32
      %dma_wait3A_134 = tpu.memref_slice %arg6[%add3A_94, %dma_wait3A_133] : memref<6400x128xi32, #tpu.memory_space<hbm>> -> memref<1x128xi32, #tpu.memory_space<hbm>>
      %dma_wait3A_135 = tpu.memref_squeeze %dma_wait3A_134 : memref<1x128xi32, #tpu.memory_space<hbm>> -> memref<128xi32, #tpu.memory_space<hbm>>
      %dma_wait3A_136 = arith.constant 0 : i32
      %dma_wait3A_137 = tpu.memref_slice %arg6[%add3A_94, %dma_wait3A_136] : memref<6400x128xi32, #tpu.memory_space<hbm>> -> memref<1x128xi32, #tpu.memory_space<hbm>>
      %dma_wait3A_138 = tpu.memref_squeeze %dma_wait3A_137 : memref<1x128xi32, #tpu.memory_space<hbm>> -> memref<128xi32, #tpu.memory_space<hbm>>
      tpu.wait_dma2 semaphore(%run_scoped3A_126 : memref<!tpu.dma_semaphore, #tpu.memory_space<semaphore_mem>>) src(%dma_wait3A_138 : memref<128xi32, #tpu.memory_space<hbm>>) dst(%arg13 : memref<128xi32, #tpu.memory_space<vmem>>)
      tpu.yield
    }) : () -> ()
    %dma_start3A_95 = arith.constant 0 : i32
    %dma_start3A_96 = arith.constant 0 : i32
    %dma_start3A_97 = tpu.memref_slice %arg2[%dma_start3A_95, %dma_start3A_96] : memref<50000x8xf32, #tpu.memory_space<hbm>> -> memref<50000x8xf32, #tpu.memory_space<hbm>>
    tpu.enqueue_indirect_dma source(%dma_start3A_97 : memref<50000x8xf32, #tpu.memory_space<hbm>>) target(%arg17 : memref<128x8xf32, #tpu.memory_space<vmem>>) offsets(%arg11 : memref<128xi32, #tpu.memory_space<vmem>>) semaphore(%arg24 : memref<!tpu.dma_semaphore, #tpu.memory_space<semaphore_mem>>)
    %dma_start3A_98 = arith.constant 0 : i32
    %dma_start3A_99 = arith.constant 0 : i32
    %dma_start3A_100 = tpu.memref_slice %arg4[%dma_start3A_98, %dma_start3A_99] : memref<50000x16xf32, #tpu.memory_space<hbm>> -> memref<50000x16xf32, #tpu.memory_space<hbm>>
    tpu.enqueue_indirect_dma source(%dma_start3A_100 : memref<50000x16xf32, #tpu.memory_space<hbm>>) target(%arg19 : memref<128x16xf32, #tpu.memory_space<vmem>>) offsets(%arg13 : memref<128xi32, #tpu.memory_space<vmem>>) semaphore(%arg24 : memref<!tpu.dma_semaphore, #tpu.memory_space<semaphore_mem>>)
    %scan3A_101 = arith.constant 0 : i32
    %scan3A_102 = arith.constant 0 : i32
    %scan3A_103 = arith.constant 100 : i32
    %scan3A_104 = arith.addi %scan3A_102, %scan3A_103 : i32
    %scan3A_105 = arith.constant 1 : i32
    %scan3A_106 = scf.for %scan3A_126 = %scan3A_102 to %scan3A_104 step %scan3A_105 iter_args(%scan3A_127 = %scan3A_101) -> (i32)  : i32 {
      %mul3A_128 = arith.constant 2 : i32
      %mul3A_129 = arith.muli %mul3A_128, %scan3A_126 : i32
      %add3A_130 = arith.constant 1 : i32
      %add3A_131 = arith.addi %mul3A_129, %add3A_130 : i32
      %lt3A = arith.constant 200 : i32
      %lt3A_132 = arith.cmpi slt, %add3A_131, %lt3A : i32
      %convert_element_type3A = arith.extui %lt3A_132 : i1 to i32
      %cond3A = arith.constant 0 : i32
      %cond3A_133 = arith.cmpi ne, %convert_element_type3A, %cond3A : i32
      scf.if %cond3A_133 {
        %add3A_250 = arith.constant 1 : i32
        %add3A_251 = arith.addi %mul3A_129, %add3A_250 : i32
        %mul3A_252 = arith.constant 200 : i32
        %mul3A_253 = arith.muli %add3A, %mul3A_252 : i32
        %add3A_254 = arith.addi %mul3A_253, %add3A_251 : i32
        "tpu.region"() ({
          %run_scoped3A_261 = tpu.sem_alloc : memref<!tpu.dma_semaphore, #tpu.memory_space<semaphore_mem>>
          %dma_start3A_262 = arith.constant 0 : i32
          %dma_start3A_263 = tpu.memref_slice %arg5[%add3A_254, %dma_start3A_262] : memref<6400x128xi32, #tpu.memory_space<hbm>> -> memref<1x128xi32, #tpu.memory_space<hbm>>
          %dma_start3A_264 = tpu.memref_squeeze %dma_start3A_263 : memref<1x128xi32, #tpu.memory_space<hbm>> -> memref<128xi32, #tpu.memory_space<hbm>>
          %dma_start3A_265 = arith.constant 0 : i32
          %dma_start3A_266 = tpu.memref_slice %arg5[%add3A_254, %dma_start3A_265] : memref<6400x128xi32, #tpu.memory_space<hbm>> -> memref<1x128xi32, #tpu.memory_space<hbm>>
          %dma_start3A_267 = tpu.memref_squeeze %dma_start3A_266 : memref<1x128xi32, #tpu.memory_space<hbm>> -> memref<128xi32, #tpu.memory_space<hbm>>
          tpu.enqueue_dma source(%dma_start3A_267 : memref<128xi32, #tpu.memory_space<hbm>>) target(%arg12 : memref<128xi32, #tpu.memory_space<vmem>>) target_semaphore(%run_scoped3A_261 : memref<!tpu.dma_semaphore, #tpu.memory_space<semaphore_mem>>)
          %dma_wait3A_268 = arith.constant 0 : i32
          %dma_wait3A_269 = tpu.memref_slice %arg5[%add3A_254, %dma_wait3A_268] : memref<6400x128xi32, #tpu.memory_space<hbm>> -> memref<1x128xi32, #tpu.memory_space<hbm>>
          %dma_wait3A_270 = tpu.memref_squeeze %dma_wait3A_269 : memref<1x128xi32, #tpu.memory_space<hbm>> -> memref<128xi32, #tpu.memory_space<hbm>>
          %dma_wait3A_271 = arith.constant 0 : i32
          %dma_wait3A_272 = tpu.memref_slice %arg5[%add3A_254, %dma_wait3A_271] : memref<6400x128xi32, #tpu.memory_space<hbm>> -> memref<1x128xi32, #tpu.memory_space<hbm>>
          %dma_wait3A_273 = tpu.memref_squeeze %dma_wait3A_272 : memref<1x128xi32, #tpu.memory_space<hbm>> -> memref<128xi32, #tpu.memory_space<hbm>>
          tpu.wait_dma2 semaphore(%run_scoped3A_261 : memref<!tpu.dma_semaphore, #tpu.memory_space<semaphore_mem>>) src(%dma_wait3A_273 : memref<128xi32, #tpu.memory_space<hbm>>) dst(%arg12 : memref<128xi32, #tpu.memory_space<vmem>>)
          tpu.yield
        }) : () -> ()
        "tpu.region"() ({
          %run_scoped3A_261 = tpu.sem_alloc : memref<!tpu.dma_semaphore, #tpu.memory_space<semaphore_mem>>
          %dma_start3A_262 = arith.constant 0 : i32
          %dma_start3A_263 = tpu.memref_slice %arg6[%add3A_254, %dma_start3A_262] : memref<6400x128xi32, #tpu.memory_space<hbm>> -> memref<1x128xi32, #tpu.memory_space<hbm>>
          %dma_start3A_264 = tpu.memref_squeeze %dma_start3A_263 : memref<1x128xi32, #tpu.memory_space<hbm>> -> memref<128xi32, #tpu.memory_space<hbm>>
          %dma_start3A_265 = arith.constant 0 : i32
          %dma_start3A_266 = tpu.memref_slice %arg6[%add3A_254, %dma_start3A_265] : memref<6400x128xi32, #tpu.memory_space<hbm>> -> memref<1x128xi32, #tpu.memory_space<hbm>>
          %dma_start3A_267 = tpu.memref_squeeze %dma_start3A_266 : memref<1x128xi32, #tpu.memory_space<hbm>> -> memref<128xi32, #tpu.memory_space<hbm>>
          tpu.enqueue_dma source(%dma_start3A_267 : memref<128xi32, #tpu.memory_space<hbm>>) target(%arg14 : memref<128xi32, #tpu.memory_space<vmem>>) target_semaphore(%run_scoped3A_261 : memref<!tpu.dma_semaphore, #tpu.memory_space<semaphore_mem>>)
          %dma_wait3A_268 = arith.constant 0 : i32
          %dma_wait3A_269 = tpu.memref_slice %arg6[%add3A_254, %dma_wait3A_268] : memref<6400x128xi32, #tpu.memory_space<hbm>> -> memref<1x128xi32, #tpu.memory_space<hbm>>
          %dma_wait3A_270 = tpu.memref_squeeze %dma_wait3A_269 : memref<1x128xi32, #tpu.memory_space<hbm>> -> memref<128xi32, #tpu.memory_space<hbm>>
          %dma_wait3A_271 = arith.constant 0 : i32
          %dma_wait3A_272 = tpu.memref_slice %arg6[%add3A_254, %dma_wait3A_271] : memref<6400x128xi32, #tpu.memory_space<hbm>> -> memref<1x128xi32, #tpu.memory_space<hbm>>
          %dma_wait3A_273 = tpu.memref_squeeze %dma_wait3A_272 : memref<1x128xi32, #tpu.memory_space<hbm>> -> memref<128xi32, #tpu.memory_space<hbm>>
          tpu.wait_dma2 semaphore(%run_scoped3A_261 : memref<!tpu.dma_semaphore, #tpu.memory_space<semaphore_mem>>) src(%dma_wait3A_273 : memref<128xi32, #tpu.memory_space<hbm>>) dst(%arg14 : memref<128xi32, #tpu.memory_space<vmem>>)
          tpu.yield
        }) : () -> ()
        %dma_start3A_255 = arith.constant 0 : i32
        %dma_start3A_256 = arith.constant 0 : i32
        %dma_start3A_257 = tpu.memref_slice %arg2[%dma_start3A_255, %dma_start3A_256] : memref<50000x8xf32, #tpu.memory_space<hbm>> -> memref<50000x8xf32, #tpu.memory_space<hbm>>
        tpu.enqueue_indirect_dma source(%dma_start3A_257 : memref<50000x8xf32, #tpu.memory_space<hbm>>) target(%arg18 : memref<128x8xf32, #tpu.memory_space<vmem>>) offsets(%arg12 : memref<128xi32, #tpu.memory_space<vmem>>) semaphore(%arg25 : memref<!tpu.dma_semaphore, #tpu.memory_space<semaphore_mem>>)
        %dma_start3A_258 = arith.constant 0 : i32
        %dma_start3A_259 = arith.constant 0 : i32
        %dma_start3A_260 = tpu.memref_slice %arg4[%dma_start3A_258, %dma_start3A_259] : memref<50000x16xf32, #tpu.memory_space<hbm>> -> memref<50000x16xf32, #tpu.memory_space<hbm>>
        tpu.enqueue_indirect_dma source(%dma_start3A_260 : memref<50000x16xf32, #tpu.memory_space<hbm>>) target(%arg20 : memref<128x16xf32, #tpu.memory_space<vmem>>) offsets(%arg14 : memref<128xi32, #tpu.memory_space<vmem>>) semaphore(%arg25 : memref<!tpu.dma_semaphore, #tpu.memory_space<semaphore_mem>>)
      } else {
      }
      %dma_wait3A_134 = arith.constant 0 : i32
      %dma_wait3A_135 = arith.constant 0 : i32
      %dma_wait3A_136 = tpu.memref_slice %arg2[%dma_wait3A_134, %dma_wait3A_135] : memref<50000x8xf32, #tpu.memory_space<hbm>> -> memref<50000x8xf32, #tpu.memory_space<hbm>>
      tpu.wait_indirect_dma semaphore(%arg24 : memref<!tpu.dma_semaphore, #tpu.memory_space<semaphore_mem>>) src(%dma_wait3A_136 : memref<50000x8xf32, #tpu.memory_space<hbm>>) dst(%arg17 : memref<128x8xf32, #tpu.memory_space<vmem>>)
      %dma_wait3A_137 = arith.constant 0 : i32
      %dma_wait3A_138 = arith.constant 0 : i32
      %dma_wait3A_139 = tpu.memref_slice %arg4[%dma_wait3A_137, %dma_wait3A_138] : memref<50000x16xf32, #tpu.memory_space<hbm>> -> memref<50000x16xf32, #tpu.memory_space<hbm>>
      tpu.wait_indirect_dma semaphore(%arg24 : memref<!tpu.dma_semaphore, #tpu.memory_space<semaphore_mem>>) src(%dma_wait3A_139 : memref<50000x16xf32, #tpu.memory_space<hbm>>) dst(%arg19 : memref<128x16xf32, #tpu.memory_space<vmem>>)
      %ge3A = arith.constant 1 : i32
      %ge3A_140 = arith.cmpi sge, %scan3A_126, %ge3A : i32
      %convert_element_type3A_141 = arith.extui %ge3A_140 : i1 to i32
      %cond3A_142 = arith.constant 0 : i32
      %cond3A_143 = arith.cmpi ne, %convert_element_type3A_141, %cond3A_142 : i32
      scf.if %cond3A_143 {
        %dma_wait3A_250 = arith.constant 0 : i32
        %dma_wait3A_251 = arith.constant 0 : i32
        %dma_wait3A_252 = tpu.memref_slice %arg10[%dma_wait3A_250, %dma_wait3A_251] : memref<50048x24xf32, #tpu.memory_space<vmem_shared>> -> memref<50048x24xf32, #tpu.memory_space<vmem_shared>>
        tpu.wait_indirect_dma semaphore(%arg26 : memref<!tpu.dma_semaphore, #tpu.memory_space<semaphore_mem>>) src(%arg21 : memref<128x24xf32, #tpu.memory_space<vmem>>) dst(%dma_wait3A_252 : memref<50048x24xf32, #tpu.memory_space<vmem_shared>>)
      } else {
      }
      %scan3A_144 = arith.constant 0 : i32
      %scan3A_145 = arith.constant 0 : i32
      %scan3A_146 = arith.constant 8 : i32
      %scan3A_147 = arith.addi %scan3A_145, %scan3A_146 : i32
      %scan3A_148 = arith.constant 1 : i32
      %scan3A_149 = scf.for %scan3A_250 = %scan3A_145 to %scan3A_147 step %scan3A_148 iter_args(%scan3A_251 = %scan3A_144) -> (i32)  : i32 {
        %mul3A_252 = arith.constant 16 : i32
        %mul3A_253 = arith.muli %scan3A_250, %mul3A_252 : i32
        %add3A_254 = vector.broadcast %mul3A_253 : i32 to vector<16xi32>
        %add3A_255 = arith.addi %add3A_254, %iota3A : vector<16xi32>
        %broadcast_in_dim3A_256 = arith.constant 0 : i32
        %broadcast_in_dim3A_257 = vector.broadcast %broadcast_in_dim3A_256 : i32 to vector<16xi32>
        %gather3A = tpu.vector_load_idx %arg17[%add3A_255, %broadcast_in_dim3A_257] : memref<128x8xf32, #tpu.memory_space<vmem>>[vector<16xi32>, vector<16xi32>], vector<16xf32>,
        %broadcast_in_dim3A_258 = arith.constant 1 : i32
        %broadcast_in_dim3A_259 = vector.broadcast %broadcast_in_dim3A_258 : i32 to vector<16xi32>
        %gather3A_260 = tpu.vector_load_idx %arg17[%add3A_255, %broadcast_in_dim3A_259] : memref<128x8xf32, #tpu.memory_space<vmem>>[vector<16xi32>, vector<16xi32>], vector<16xf32>,
        %broadcast_in_dim3A_261 = arith.constant 2 : i32
        %broadcast_in_dim3A_262 = vector.broadcast %broadcast_in_dim3A_261 : i32 to vector<16xi32>
        %gather3A_263 = tpu.vector_load_idx %arg17[%add3A_255, %broadcast_in_dim3A_262] : memref<128x8xf32, #tpu.memory_space<vmem>>[vector<16xi32>, vector<16xi32>], vector<16xf32>,
        %broadcast_in_dim3A_264 = arith.constant 3 : i32
        %broadcast_in_dim3A_265 = vector.broadcast %broadcast_in_dim3A_264 : i32 to vector<16xi32>
        %gather3A_266 = tpu.vector_load_idx %arg17[%add3A_255, %broadcast_in_dim3A_265] : memref<128x8xf32, #tpu.memory_space<vmem>>[vector<16xi32>, vector<16xi32>], vector<16xf32>,
        %mul3A_267 = arith.constant 128 : i32
        %mul3A_268 = arith.muli %mul3A_129, %mul3A_267 : i32
        %add3A_269 = arith.addi %mul3A_3, %mul3A_268 : i32
        %mul3A_270 = arith.constant 16 : i32
        %mul3A_271 = arith.muli %scan3A_250, %mul3A_270 : i32
        %add3A_272 = arith.addi %add3A_269, %mul3A_271 : i32
        %add3A_273 = vector.broadcast %add3A_272 : i32 to vector<16xi32>
        %add3A_274 = arith.addi %add3A_273, %iota3A : vector<16xi32>
        %lt3A_275 = arith.constant 800000 : i32
        %lt3A_276 = vector.broadcast %lt3A_275 : i32 to vector<16xi32>
        %lt3A_277 = arith.cmpi slt, %add3A_274, %lt3A_276 : vector<16xi32>
        %jit3A = arith.constant 1.000000e+00 : f32
        %jit3A_278 = arith.constant 0.000000e+00 : f32
        %broadcast_in_dim3A_279 = vector.broadcast %jit3A : f32 to vector<16xf32>
        %broadcast_in_dim3A_280 = vector.broadcast %jit3A_278 : f32 to vector<16xf32>
        %select_n3A = arith.select %lt3A_277, %broadcast_in_dim3A_279, %broadcast_in_dim3A_280 : vector<16xi1>, vector<16xf32>
        %broadcast_in_dim3A_281 = arith.constant 0 : i32
        %broadcast_in_dim3A_282 = vector.broadcast %broadcast_in_dim3A_281 : i32 to vector<16xi32>
        %gather3A_283 = tpu.vector_load_idx %arg19[%add3A_255, %broadcast_in_dim3A_282] : memref<128x16xf32, #tpu.memory_space<vmem>>[vector<16xi32>, vector<16xi32>], vector<16xf32>,
        %broadcast_in_dim3A_284 = arith.constant 1 : i32
        %broadcast_in_dim3A_285 = vector.broadcast %broadcast_in_dim3A_284 : i32 to vector<16xi32>
        %gather3A_286 = tpu.vector_load_idx %arg19[%add3A_255, %broadcast_in_dim3A_285] : memref<128x16xf32, #tpu.memory_space<vmem>>[vector<16xi32>, vector<16xi32>], vector<16xf32>,
        %broadcast_in_dim3A_287 = arith.constant 2 : i32
        %broadcast_in_dim3A_288 = vector.broadcast %broadcast_in_dim3A_287 : i32 to vector<16xi32>
        %gather3A_289 = tpu.vector_load_idx %arg19[%add3A_255, %broadcast_in_dim3A_288] : memref<128x16xf32, #tpu.memory_space<vmem>>[vector<16xi32>, vector<16xi32>], vector<16xf32>,
        %broadcast_in_dim3A_290 = arith.constant 3 : i32
        %broadcast_in_dim3A_291 = vector.broadcast %broadcast_in_dim3A_290 : i32 to vector<16xi32>
        %gather3A_292 = tpu.vector_load_idx %arg19[%add3A_255, %broadcast_in_dim3A_291] : memref<128x16xf32, #tpu.memory_space<vmem>>[vector<16xi32>, vector<16xi32>], vector<16xf32>,
        %mul3A_293 = arith.mulf %gather3A_283, %gather3A : vector<16xf32>
        %mul3A_294 = arith.mulf %gather3A_286, %gather3A_260 : vector<16xf32>
        %add3A_295 = arith.addf %mul3A_293, %mul3A_294 : vector<16xf32>
        %mul3A_296 = arith.mulf %gather3A_289, %gather3A_263 : vector<16xf32>
        %add3A_297 = arith.addf %add3A_295, %mul3A_296 : vector<16xf32>
        %mul3A_298 = arith.mulf %gather3A_292, %gather3A_266 : vector<16xf32>
        %add3A_299 = arith.addf %add3A_297, %mul3A_298 : vector<16xf32>
        %broadcast_in_dim3A_300 = arith.constant 6 : i32
        %broadcast_in_dim3A_301 = vector.broadcast %broadcast_in_dim3A_300 : i32 to vector<16xi32>
        %gather3A_302 = tpu.vector_load_idx %arg17[%add3A_255, %broadcast_in_dim3A_301] : memref<128x8xf32, #tpu.memory_space<vmem>>[vector<16xi32>, vector<16xi32>], vector<16xf32>,
        %broadcast_in_dim3A_303 = arith.constant 8 : i32
        %broadcast_in_dim3A_304 = vector.broadcast %broadcast_in_dim3A_303 : i32 to vector<16xi32>
        %gather3A_305 = tpu.vector_load_idx %arg19[%add3A_255, %broadcast_in_dim3A_304] : memref<128x16xf32, #tpu.memory_space<vmem>>[vector<16xi32>, vector<16xi32>], vector<16xf32>,
        %add3A_306 = arith.addf %gather3A_302, %gather3A_305 : vector<16xf32>
        %max3A = arith.constant 0.000000e+00 : f32
        %max3A_307 = vector.broadcast %max3A : f32 to vector<16xf32>
        %max3A_308 = arith.maximumf %add3A_306, %max3A_307 : vector<16xf32>
        %min3A = arith.constant 0.000000e+00 : f32
        %min3A_309 = vector.broadcast %min3A : f32 to vector<16xf32>
        %min3A_310 = arith.minimumf %add3A_306, %min3A_309 : vector<16xf32>
        %mul3A_311 = arith.constant 2.000000e-01 : f32
        %mul3A_312 = vector.broadcast %mul3A_311 : f32 to vector<16xf32>
        %mul3A_313 = arith.mulf %mul3A_312, %min3A_310 : vector<16xf32>
        %add3A_314 = arith.addf %max3A_308, %mul3A_313 : vector<16xf32>
        %sub3A = vector.broadcast %squeeze3A_67 : f32 to vector<16xf32>
        %sub3A_315 = arith.subf %add3A_299, %sub3A : vector<16xf32>
        %exp3A = math.exp %sub3A_315 : vector<16xf32>
        %mul3A_316 = arith.mulf %exp3A, %select_n3A : vector<16xf32>
        %sub3A_317 = vector.broadcast %squeeze3A_71 : f32 to vector<16xf32>
        %sub3A_318 = arith.subf %add3A_314, %sub3A_317 : vector<16xf32>
        %exp3A_319 = math.exp %sub3A_318 : vector<16xf32>
        %mul3A_320 = arith.mulf %exp3A_319, %select_n3A : vector<16xf32>
        %broadcast_in_dim3A_321 = arith.constant 0 : i32
        %broadcast_in_dim3A_322 = vector.broadcast %broadcast_in_dim3A_321 : i32 to vector<16xi32>
        %mul3A_323 = arith.mulf %mul3A_316, %gather3A : vector<16xf32>
        tpu.vector_store_idx %arg21[%add3A_255, %broadcast_in_dim3A_322], %mul3A_323 : memref<128x24xf32, #tpu.memory_space<vmem>>[vector<16xi32>, vector<16xi32>], vector<16xf32>,
        %broadcast_in_dim3A_324 = arith.constant 8 : i32
        %broadcast_in_dim3A_325 = vector.broadcast %broadcast_in_dim3A_324 : i32 to vector<16xi32>
        %mul3A_326 = arith.mulf %mul3A_320, %gather3A : vector<16xf32>
        tpu.vector_store_idx %arg21[%add3A_255, %broadcast_in_dim3A_325], %mul3A_326 : memref<128x24xf32, #tpu.memory_space<vmem>>[vector<16xi32>, vector<16xi32>], vector<16xf32>,
        %broadcast_in_dim3A_327 = arith.constant 1 : i32
        %broadcast_in_dim3A_328 = vector.broadcast %broadcast_in_dim3A_327 : i32 to vector<16xi32>
        %mul3A_329 = arith.mulf %mul3A_316, %gather3A_260 : vector<16xf32>
        tpu.vector_store_idx %arg21[%add3A_255, %broadcast_in_dim3A_328], %mul3A_329 : memref<128x24xf32, #tpu.memory_space<vmem>>[vector<16xi32>, vector<16xi32>], vector<16xf32>,
        %broadcast_in_dim3A_330 = arith.constant 9 : i32
        %broadcast_in_dim3A_331 = vector.broadcast %broadcast_in_dim3A_330 : i32 to vector<16xi32>
        %mul3A_332 = arith.mulf %mul3A_320, %gather3A_260 : vector<16xf32>
        tpu.vector_store_idx %arg21[%add3A_255, %broadcast_in_dim3A_331], %mul3A_332 : memref<128x24xf32, #tpu.memory_space<vmem>>[vector<16xi32>, vector<16xi32>], vector<16xf32>,
        %broadcast_in_dim3A_333 = arith.constant 2 : i32
        %broadcast_in_dim3A_334 = vector.broadcast %broadcast_in_dim3A_333 : i32 to vector<16xi32>
        %mul3A_335 = arith.mulf %mul3A_316, %gather3A_263 : vector<16xf32>
        tpu.vector_store_idx %arg21[%add3A_255, %broadcast_in_dim3A_334], %mul3A_335 : memref<128x24xf32, #tpu.memory_space<vmem>>[vector<16xi32>, vector<16xi32>], vector<16xf32>,
        %broadcast_in_dim3A_336 = arith.constant 10 : i32
        %broadcast_in_dim3A_337 = vector.broadcast %broadcast_in_dim3A_336 : i32 to vector<16xi32>
        %mul3A_338 = arith.mulf %mul3A_320, %gather3A_263 : vector<16xf32>
        tpu.vector_store_idx %arg21[%add3A_255, %broadcast_in_dim3A_337], %mul3A_338 : memref<128x24xf32, #tpu.memory_space<vmem>>[vector<16xi32>, vector<16xi32>], vector<16xf32>,
        %broadcast_in_dim3A_339 = arith.constant 3 : i32
        %broadcast_in_dim3A_340 = vector.broadcast %broadcast_in_dim3A_339 : i32 to vector<16xi32>
        %mul3A_341 = arith.mulf %mul3A_316, %gather3A_266 : vector<16xf32>
        tpu.vector_store_idx %arg21[%add3A_255, %broadcast_in_dim3A_340], %mul3A_341 : memref<128x24xf32, #tpu.memory_space<vmem>>[vector<16xi32>, vector<16xi32>], vector<16xf32>,
        %broadcast_in_dim3A_342 = arith.constant 11 : i32
        %broadcast_in_dim3A_343 = vector.broadcast %broadcast_in_dim3A_342 : i32 to vector<16xi32>
        %mul3A_344 = arith.mulf %mul3A_320, %gather3A_266 : vector<16xf32>
        tpu.vector_store_idx %arg21[%add3A_255, %broadcast_in_dim3A_343], %mul3A_344 : memref<128x24xf32, #tpu.memory_space<vmem>>[vector<16xi32>, vector<16xi32>], vector<16xf32>,
        %broadcast_in_dim3A_345 = arith.constant 16 : i32
        %broadcast_in_dim3A_346 = vector.broadcast %broadcast_in_dim3A_345 : i32 to vector<16xi32>
        tpu.vector_store_idx %arg21[%add3A_255, %broadcast_in_dim3A_346], %mul3A_316 : memref<128x24xf32, #tpu.memory_space<vmem>>[vector<16xi32>, vector<16xi32>], vector<16xf32>,
        %broadcast_in_dim3A_347 = arith.constant 18 : i32
        %broadcast_in_dim3A_348 = vector.broadcast %broadcast_in_dim3A_347 : i32 to vector<16xi32>
        tpu.vector_store_idx %arg21[%add3A_255, %broadcast_in_dim3A_348], %mul3A_320 : memref<128x24xf32, #tpu.memory_space<vmem>>[vector<16xi32>, vector<16xi32>], vector<16xf32>,
        %broadcast_in_dim3A_349 = arith.constant 4 : i32
        %broadcast_in_dim3A_350 = vector.broadcast %broadcast_in_dim3A_349 : i32 to vector<16xi32>
        %gather3A_351 = tpu.vector_load_idx %arg19[%add3A_255, %broadcast_in_dim3A_350] : memref<128x16xf32, #tpu.memory_space<vmem>>[vector<16xi32>, vector<16xi32>], vector<16xf32>,
        %broadcast_in_dim3A_352 = arith.constant 5 : i32
        %broadcast_in_dim3A_353 = vector.broadcast %broadcast_in_dim3A_352 : i32 to vector<16xi32>
        %gather3A_354 = tpu.vector_load_idx %arg19[%add3A_255, %broadcast_in_dim3A_353] : memref<128x16xf32, #tpu.memory_space<vmem>>[vector<16xi32>, vector<16xi32>], vector<16xf32>,
        %broadcast_in_dim3A_355 = arith.constant 6 : i32
        %broadcast_in_dim3A_356 = vector.broadcast %broadcast_in_dim3A_355 : i32 to vector<16xi32>
        %gather3A_357 = tpu.vector_load_idx %arg19[%add3A_255, %broadcast_in_dim3A_356] : memref<128x16xf32, #tpu.memory_space<vmem>>[vector<16xi32>, vector<16xi32>], vector<16xf32>,
        %broadcast_in_dim3A_358 = arith.constant 7 : i32
        %broadcast_in_dim3A_359 = vector.broadcast %broadcast_in_dim3A_358 : i32 to vector<16xi32>
        %gather3A_360 = tpu.vector_load_idx %arg19[%add3A_255, %broadcast_in_dim3A_359] : memref<128x16xf32, #tpu.memory_space<vmem>>[vector<16xi32>, vector<16xi32>], vector<16xf32>,
        %mul3A_361 = arith.mulf %gather3A_351, %gather3A : vector<16xf32>
        %mul3A_362 = arith.mulf %gather3A_354, %gather3A_260 : vector<16xf32>
        %add3A_363 = arith.addf %mul3A_361, %mul3A_362 : vector<16xf32>
        %mul3A_364 = arith.mulf %gather3A_357, %gather3A_263 : vector<16xf32>
        %add3A_365 = arith.addf %add3A_363, %mul3A_364 : vector<16xf32>
        %mul3A_366 = arith.mulf %gather3A_360, %gather3A_266 : vector<16xf32>
        %add3A_367 = arith.addf %add3A_365, %mul3A_366 : vector<16xf32>
        %broadcast_in_dim3A_368 = arith.constant 7 : i32
        %broadcast_in_dim3A_369 = vector.broadcast %broadcast_in_dim3A_368 : i32 to vector<16xi32>
        %gather3A_370 = tpu.vector_load_idx %arg17[%add3A_255, %broadcast_in_dim3A_369] : memref<128x8xf32, #tpu.memory_space<vmem>>[vector<16xi32>, vector<16xi32>], vector<16xf32>,
        %broadcast_in_dim3A_371 = arith.constant 9 : i32
        %broadcast_in_dim3A_372 = vector.broadcast %broadcast_in_dim3A_371 : i32 to vector<16xi32>
        %gather3A_373 = tpu.vector_load_idx %arg19[%add3A_255, %broadcast_in_dim3A_372] : memref<128x16xf32, #tpu.memory_space<vmem>>[vector<16xi32>, vector<16xi32>], vector<16xf32>,
        %add3A_374 = arith.addf %gather3A_370, %gather3A_373 : vector<16xf32>
        %max3A_375 = arith.constant 0.000000e+00 : f32
        %max3A_376 = vector.broadcast %max3A_375 : f32 to vector<16xf32>
        %max3A_377 = arith.maximumf %add3A_374, %max3A_376 : vector<16xf32>
        %min3A_378 = arith.constant 0.000000e+00 : f32
        %min3A_379 = vector.broadcast %min3A_378 : f32 to vector<16xf32>
        %min3A_380 = arith.minimumf %add3A_374, %min3A_379 : vector<16xf32>
        %mul3A_381 = arith.constant 2.000000e-01 : f32
        %mul3A_382 = vector.broadcast %mul3A_381 : f32 to vector<16xf32>
        %mul3A_383 = arith.mulf %mul3A_382, %min3A_380 : vector<16xf32>
        %add3A_384 = arith.addf %max3A_377, %mul3A_383 : vector<16xf32>
        %sub3A_385 = vector.broadcast %squeeze3A_69 : f32 to vector<16xf32>
        %sub3A_386 = arith.subf %add3A_367, %sub3A_385 : vector<16xf32>
        %exp3A_387 = math.exp %sub3A_386 : vector<16xf32>
        %mul3A_388 = arith.mulf %exp3A_387, %select_n3A : vector<16xf32>
        %sub3A_389 = vector.broadcast %squeeze3A_73 : f32 to vector<16xf32>
        %sub3A_390 = arith.subf %add3A_384, %sub3A_389 : vector<16xf32>
        %exp3A_391 = math.exp %sub3A_390 : vector<16xf32>
        %mul3A_392 = arith.mulf %exp3A_391, %select_n3A : vector<16xf32>
        %broadcast_in_dim3A_393 = arith.constant 4 : i32
        %broadcast_in_dim3A_394 = vector.broadcast %broadcast_in_dim3A_393 : i32 to vector<16xi32>
        %mul3A_395 = arith.mulf %mul3A_388, %gather3A : vector<16xf32>
        tpu.vector_store_idx %arg21[%add3A_255, %broadcast_in_dim3A_394], %mul3A_395 : memref<128x24xf32, #tpu.memory_space<vmem>>[vector<16xi32>, vector<16xi32>], vector<16xf32>,
        %broadcast_in_dim3A_396 = arith.constant 12 : i32
        %broadcast_in_dim3A_397 = vector.broadcast %broadcast_in_dim3A_396 : i32 to vector<16xi32>
        %mul3A_398 = arith.mulf %mul3A_392, %gather3A : vector<16xf32>
        tpu.vector_store_idx %arg21[%add3A_255, %broadcast_in_dim3A_397], %mul3A_398 : memref<128x24xf32, #tpu.memory_space<vmem>>[vector<16xi32>, vector<16xi32>], vector<16xf32>,
        %broadcast_in_dim3A_399 = arith.constant 5 : i32
        %broadcast_in_dim3A_400 = vector.broadcast %broadcast_in_dim3A_399 : i32 to vector<16xi32>
        %mul3A_401 = arith.mulf %mul3A_388, %gather3A_260 : vector<16xf32>
        tpu.vector_store_idx %arg21[%add3A_255, %broadcast_in_dim3A_400], %mul3A_401 : memref<128x24xf32, #tpu.memory_space<vmem>>[vector<16xi32>, vector<16xi32>], vector<16xf32>,
        %broadcast_in_dim3A_402 = arith.constant 13 : i32
        %broadcast_in_dim3A_403 = vector.broadcast %broadcast_in_dim3A_402 : i32 to vector<16xi32>
        %mul3A_404 = arith.mulf %mul3A_392, %gather3A_260 : vector<16xf32>
        tpu.vector_store_idx %arg21[%add3A_255, %broadcast_in_dim3A_403], %mul3A_404 : memref<128x24xf32, #tpu.memory_space<vmem>>[vector<16xi32>, vector<16xi32>], vector<16xf32>,
        %broadcast_in_dim3A_405 = arith.constant 6 : i32
        %broadcast_in_dim3A_406 = vector.broadcast %broadcast_in_dim3A_405 : i32 to vector<16xi32>
        %mul3A_407 = arith.mulf %mul3A_388, %gather3A_263 : vector<16xf32>
        tpu.vector_store_idx %arg21[%add3A_255, %broadcast_in_dim3A_406], %mul3A_407 : memref<128x24xf32, #tpu.memory_space<vmem>>[vector<16xi32>, vector<16xi32>], vector<16xf32>,
        %broadcast_in_dim3A_408 = arith.constant 14 : i32
        %broadcast_in_dim3A_409 = vector.broadcast %broadcast_in_dim3A_408 : i32 to vector<16xi32>
        %mul3A_410 = arith.mulf %mul3A_392, %gather3A_263 : vector<16xf32>
        tpu.vector_store_idx %arg21[%add3A_255, %broadcast_in_dim3A_409], %mul3A_410 : memref<128x24xf32, #tpu.memory_space<vmem>>[vector<16xi32>, vector<16xi32>], vector<16xf32>,
        %broadcast_in_dim3A_411 = arith.constant 7 : i32
        %broadcast_in_dim3A_412 = vector.broadcast %broadcast_in_dim3A_411 : i32 to vector<16xi32>
        %mul3A_413 = arith.mulf %mul3A_388, %gather3A_266 : vector<16xf32>
        tpu.vector_store_idx %arg21[%add3A_255, %broadcast_in_dim3A_412], %mul3A_413 : memref<128x24xf32, #tpu.memory_space<vmem>>[vector<16xi32>, vector<16xi32>], vector<16xf32>,
        %broadcast_in_dim3A_414 = arith.constant 15 : i32
        %broadcast_in_dim3A_415 = vector.broadcast %broadcast_in_dim3A_414 : i32 to vector<16xi32>
        %mul3A_416 = arith.mulf %mul3A_392, %gather3A_266 : vector<16xf32>
        tpu.vector_store_idx %arg21[%add3A_255, %broadcast_in_dim3A_415], %mul3A_416 : memref<128x24xf32, #tpu.memory_space<vmem>>[vector<16xi32>, vector<16xi32>], vector<16xf32>,
        %broadcast_in_dim3A_417 = arith.constant 17 : i32
        %broadcast_in_dim3A_418 = vector.broadcast %broadcast_in_dim3A_417 : i32 to vector<16xi32>
        tpu.vector_store_idx %arg21[%add3A_255, %broadcast_in_dim3A_418], %mul3A_388 : memref<128x24xf32, #tpu.memory_space<vmem>>[vector<16xi32>, vector<16xi32>], vector<16xf32>,
        %broadcast_in_dim3A_419 = arith.constant 19 : i32
        %broadcast_in_dim3A_420 = vector.broadcast %broadcast_in_dim3A_419 : i32 to vector<16xi32>
        tpu.vector_store_idx %arg21[%add3A_255, %broadcast_in_dim3A_420], %mul3A_392 : memref<128x24xf32, #tpu.memory_space<vmem>>[vector<16xi32>, vector<16xi32>], vector<16xf32>,
        %scan3A_421 = arith.constant 0 : i32
        scf.yield %scan3A_421 : i32
      }
      %scan3A_150 = arith.constant 8 : i32
      %get3A_151 = arith.constant 0 : index
      %get3A_152 = tpu.vector_load %arg13[%get3A_151] {strides = array<i32>} : memref<128xi32, #tpu.memory_space<vmem>>, vector<16xi32>,
      %swap3A = arith.constant 0 : index
      %swap3A_153 = tpu.vector_load %arg15[%swap3A] {strides = array<i32>} : memref<128xi32, #tpu.memory_space<vmem>>, vector<16xi32>,
      tpu.vector_store %arg15[%swap3A], %get3A_152 {strides = array<i32>} : memref<128xi32, #tpu.memory_space<vmem>>, vector<16xi32>,
      %get3A_154 = arith.constant 16 : index
      %get3A_155 = tpu.vector_load %arg13[%get3A_154] {strides = array<i32>} : memref<128xi32, #tpu.memory_space<vmem>>, vector<16xi32>,
      %swap3A_156 = arith.constant 16 : index
      %swap3A_157 = tpu.vector_load %arg15[%swap3A_156] {strides = array<i32>} : memref<128xi32, #tpu.memory_space<vmem>>, vector<16xi32>,
      tpu.vector_store %arg15[%swap3A_156], %get3A_155 {strides = array<i32>} : memref<128xi32, #tpu.memory_space<vmem>>, vector<16xi32>,
      %get3A_158 = arith.constant 32 : index
      %get3A_159 = tpu.vector_load %arg13[%get3A_158] {strides = array<i32>} : memref<128xi32, #tpu.memory_space<vmem>>, vector<16xi32>,
      %swap3A_160 = arith.constant 32 : index
      %swap3A_161 = tpu.vector_load %arg15[%swap3A_160] {strides = array<i32>} : memref<128xi32, #tpu.memory_space<vmem>>, vector<16xi32>,
      tpu.vector_store %arg15[%swap3A_160], %get3A_159 {strides = array<i32>} : memref<128xi32, #tpu.memory_space<vmem>>, vector<16xi32>,
      %get3A_162 = arith.constant 48 : index
      %get3A_163 = tpu.vector_load %arg13[%get3A_162] {strides = array<i32>} : memref<128xi32, #tpu.memory_space<vmem>>, vector<16xi32>,
      %swap3A_164 = arith.constant 48 : index
      %swap3A_165 = tpu.vector_load %arg15[%swap3A_164] {strides = array<i32>} : memref<128xi32, #tpu.memory_space<vmem>>, vector<16xi32>,
      tpu.vector_store %arg15[%swap3A_164], %get3A_163 {strides = array<i32>} : memref<128xi32, #tpu.memory_space<vmem>>, vector<16xi32>,
      %get3A_166 = arith.constant 64 : index
      %get3A_167 = tpu.vector_load %arg13[%get3A_166] {strides = array<i32>} : memref<128xi32, #tpu.memory_space<vmem>>, vector<16xi32>,
      %swap3A_168 = arith.constant 64 : index
      %swap3A_169 = tpu.vector_load %arg15[%swap3A_168] {strides = array<i32>} : memref<128xi32, #tpu.memory_space<vmem>>, vector<16xi32>,
      tpu.vector_store %arg15[%swap3A_168], %get3A_167 {strides = array<i32>} : memref<128xi32, #tpu.memory_space<vmem>>, vector<16xi32>,
      %get3A_170 = arith.constant 80 : index
      %get3A_171 = tpu.vector_load %arg13[%get3A_170] {strides = array<i32>} : memref<128xi32, #tpu.memory_space<vmem>>, vector<16xi32>,
      %swap3A_172 = arith.constant 80 : index
      %swap3A_173 = tpu.vector_load %arg15[%swap3A_172] {strides = array<i32>} : memref<128xi32, #tpu.memory_space<vmem>>, vector<16xi32>,
      tpu.vector_store %arg15[%swap3A_172], %get3A_171 {strides = array<i32>} : memref<128xi32, #tpu.memory_space<vmem>>, vector<16xi32>,
      %get3A_174 = arith.constant 96 : index
      %get3A_175 = tpu.vector_load %arg13[%get3A_174] {strides = array<i32>} : memref<128xi32, #tpu.memory_space<vmem>>, vector<16xi32>,
      %swap3A_176 = arith.constant 96 : index
      %swap3A_177 = tpu.vector_load %arg15[%swap3A_176] {strides = array<i32>} : memref<128xi32, #tpu.memory_space<vmem>>, vector<16xi32>,
      tpu.vector_store %arg15[%swap3A_176], %get3A_175 {strides = array<i32>} : memref<128xi32, #tpu.memory_space<vmem>>, vector<16xi32>,
      %get3A_178 = arith.constant 112 : index
      %get3A_179 = tpu.vector_load %arg13[%get3A_178] {strides = array<i32>} : memref<128xi32, #tpu.memory_space<vmem>>, vector<16xi32>,
      %swap3A_180 = arith.constant 112 : index
      %swap3A_181 = tpu.vector_load %arg15[%swap3A_180] {strides = array<i32>} : memref<128xi32, #tpu.memory_space<vmem>>, vector<16xi32>,
      tpu.vector_store %arg15[%swap3A_180], %get3A_179 {strides = array<i32>} : memref<128xi32, #tpu.memory_space<vmem>>, vector<16xi32>,
      %dma_start3A_182 = arith.constant 0 : i32
      %dma_start3A_183 = arith.constant 0 : i32
      %dma_start3A_184 = tpu.memref_slice %arg10[%dma_start3A_182, %dma_start3A_183] : memref<50048x24xf32, #tpu.memory_space<vmem_shared>> -> memref<50048x24xf32, #tpu.memory_space<vmem_shared>>
      tpu.enqueue_indirect_dma source(%arg21 : memref<128x24xf32, #tpu.memory_space<vmem>>) target(%dma_start3A_184 : memref<50048x24xf32, #tpu.memory_space<vmem_shared>>) offsets(%arg15 : memref<128xi32, #tpu.memory_space<vmem>>) semaphore(%arg26 : memref<!tpu.dma_semaphore, #tpu.memory_space<semaphore_mem>>) {add = true}
      %mul3A_185 = arith.constant 2 : i32
      %mul3A_186 = arith.muli %mul3A_185, %scan3A_126 : i32
      %add3A_187 = arith.constant 1 : i32
      %add3A_188 = arith.addi %mul3A_186, %add3A_187 : i32
      %add3A_189 = arith.constant 1 : i32
      %add3A_190 = arith.addi %add3A_188, %add3A_189 : i32
      %lt3A_191 = arith.constant 200 : i32
      %lt3A_192 = arith.cmpi slt, %add3A_190, %lt3A_191 : i32
      %convert_element_type3A_193 = arith.extui %lt3A_192 : i1 to i32
      %cond3A_194 = arith.constant 0 : i32
      %cond3A_195 = arith.cmpi ne, %convert_element_type3A_193, %cond3A_194 : i32
      scf.if %cond3A_195 {
        %add3A_250 = arith.constant 1 : i32
        %add3A_251 = arith.addi %add3A_188, %add3A_250 : i32
        %mul3A_252 = arith.constant 200 : i32
        %mul3A_253 = arith.muli %add3A, %mul3A_252 : i32
        %add3A_254 = arith.addi %mul3A_253, %add3A_251 : i32
        "tpu.region"() ({
          %run_scoped3A_261 = tpu.sem_alloc : memref<!tpu.dma_semaphore, #tpu.memory_space<semaphore_mem>>
          %dma_start3A_262 = arith.constant 0 : i32
          %dma_start3A_263 = tpu.memref_slice %arg5[%add3A_254, %dma_start3A_262] : memref<6400x128xi32, #tpu.memory_space<hbm>> -> memref<1x128xi32, #tpu.memory_space<hbm>>
          %dma_start3A_264 = tpu.memref_squeeze %dma_start3A_263 : memref<1x128xi32, #tpu.memory_space<hbm>> -> memref<128xi32, #tpu.memory_space<hbm>>
          %dma_start3A_265 = arith.constant 0 : i32
          %dma_start3A_266 = tpu.memref_slice %arg5[%add3A_254, %dma_start3A_265] : memref<6400x128xi32, #tpu.memory_space<hbm>> -> memref<1x128xi32, #tpu.memory_space<hbm>>
          %dma_start3A_267 = tpu.memref_squeeze %dma_start3A_266 : memref<1x128xi32, #tpu.memory_space<hbm>> -> memref<128xi32, #tpu.memory_space<hbm>>
          tpu.enqueue_dma source(%dma_start3A_267 : memref<128xi32, #tpu.memory_space<hbm>>) target(%arg11 : memref<128xi32, #tpu.memory_space<vmem>>) target_semaphore(%run_scoped3A_261 : memref<!tpu.dma_semaphore, #tpu.memory_space<semaphore_mem>>)
          %dma_wait3A_268 = arith.constant 0 : i32
          %dma_wait3A_269 = tpu.memref_slice %arg5[%add3A_254, %dma_wait3A_268] : memref<6400x128xi32, #tpu.memory_space<hbm>> -> memref<1x128xi32, #tpu.memory_space<hbm>>
          %dma_wait3A_270 = tpu.memref_squeeze %dma_wait3A_269 : memref<1x128xi32, #tpu.memory_space<hbm>> -> memref<128xi32, #tpu.memory_space<hbm>>
          %dma_wait3A_271 = arith.constant 0 : i32
          %dma_wait3A_272 = tpu.memref_slice %arg5[%add3A_254, %dma_wait3A_271] : memref<6400x128xi32, #tpu.memory_space<hbm>> -> memref<1x128xi32, #tpu.memory_space<hbm>>
          %dma_wait3A_273 = tpu.memref_squeeze %dma_wait3A_272 : memref<1x128xi32, #tpu.memory_space<hbm>> -> memref<128xi32, #tpu.memory_space<hbm>>
          tpu.wait_dma2 semaphore(%run_scoped3A_261 : memref<!tpu.dma_semaphore, #tpu.memory_space<semaphore_mem>>) src(%dma_wait3A_273 : memref<128xi32, #tpu.memory_space<hbm>>) dst(%arg11 : memref<128xi32, #tpu.memory_space<vmem>>)
          tpu.yield
        }) : () -> ()
        "tpu.region"() ({
          %run_scoped3A_261 = tpu.sem_alloc : memref<!tpu.dma_semaphore, #tpu.memory_space<semaphore_mem>>
          %dma_start3A_262 = arith.constant 0 : i32
          %dma_start3A_263 = tpu.memref_slice %arg6[%add3A_254, %dma_start3A_262] : memref<6400x128xi32, #tpu.memory_space<hbm>> -> memref<1x128xi32, #tpu.memory_space<hbm>>
          %dma_start3A_264 = tpu.memref_squeeze %dma_start3A_263 : memref<1x128xi32, #tpu.memory_space<hbm>> -> memref<128xi32, #tpu.memory_space<hbm>>
          %dma_start3A_265 = arith.constant 0 : i32
          %dma_start3A_266 = tpu.memref_slice %arg6[%add3A_254, %dma_start3A_265] : memref<6400x128xi32, #tpu.memory_space<hbm>> -> memref<1x128xi32, #tpu.memory_space<hbm>>
          %dma_start3A_267 = tpu.memref_squeeze %dma_start3A_266 : memref<1x128xi32, #tpu.memory_space<hbm>> -> memref<128xi32, #tpu.memory_space<hbm>>
          tpu.enqueue_dma source(%dma_start3A_267 : memref<128xi32, #tpu.memory_space<hbm>>) target(%arg13 : memref<128xi32, #tpu.memory_space<vmem>>) target_semaphore(%run_scoped3A_261 : memref<!tpu.dma_semaphore, #tpu.memory_space<semaphore_mem>>)
          %dma_wait3A_268 = arith.constant 0 : i32
          %dma_wait3A_269 = tpu.memref_slice %arg6[%add3A_254, %dma_wait3A_268] : memref<6400x128xi32, #tpu.memory_space<hbm>> -> memref<1x128xi32, #tpu.memory_space<hbm>>
          %dma_wait3A_270 = tpu.memref_squeeze %dma_wait3A_269 : memref<1x128xi32, #tpu.memory_space<hbm>> -> memref<128xi32, #tpu.memory_space<hbm>>
          %dma_wait3A_271 = arith.constant 0 : i32
          %dma_wait3A_272 = tpu.memref_slice %arg6[%add3A_254, %dma_wait3A_271] : memref<6400x128xi32, #tpu.memory_space<hbm>> -> memref<1x128xi32, #tpu.memory_space<hbm>>
          %dma_wait3A_273 = tpu.memref_squeeze %dma_wait3A_272 : memref<1x128xi32, #tpu.memory_space<hbm>> -> memref<128xi32, #tpu.memory_space<hbm>>
          tpu.wait_dma2 semaphore(%run_scoped3A_261 : memref<!tpu.dma_semaphore, #tpu.memory_space<semaphore_mem>>) src(%dma_wait3A_273 : memref<128xi32, #tpu.memory_space<hbm>>) dst(%arg13 : memref<128xi32, #tpu.memory_space<vmem>>)
          tpu.yield
        }) : () -> ()
        %dma_start3A_255 = arith.constant 0 : i32
        %dma_start3A_256 = arith.constant 0 : i32
        %dma_start3A_257 = tpu.memref_slice %arg2[%dma_start3A_255, %dma_start3A_256] : memref<50000x8xf32, #tpu.memory_space<hbm>> -> memref<50000x8xf32, #tpu.memory_space<hbm>>
        tpu.enqueue_indirect_dma source(%dma_start3A_257 : memref<50000x8xf32, #tpu.memory_space<hbm>>) target(%arg17 : memref<128x8xf32, #tpu.memory_space<vmem>>) offsets(%arg11 : memref<128xi32, #tpu.memory_space<vmem>>) semaphore(%arg24 : memref<!tpu.dma_semaphore, #tpu.memory_space<semaphore_mem>>)
        %dma_start3A_258 = arith.constant 0 : i32
        %dma_start3A_259 = arith.constant 0 : i32
        %dma_start3A_260 = tpu.memref_slice %arg4[%dma_start3A_258, %dma_start3A_259] : memref<50000x16xf32, #tpu.memory_space<hbm>> -> memref<50000x16xf32, #tpu.memory_space<hbm>>
        tpu.enqueue_indirect_dma source(%dma_start3A_260 : memref<50000x16xf32, #tpu.memory_space<hbm>>) target(%arg19 : memref<128x16xf32, #tpu.memory_space<vmem>>) offsets(%arg13 : memref<128xi32, #tpu.memory_space<vmem>>) semaphore(%arg24 : memref<!tpu.dma_semaphore, #tpu.memory_space<semaphore_mem>>)
      } else {
      }
      %dma_wait3A_196 = arith.constant 0 : i32
      %dma_wait3A_197 = arith.constant 0 : i32
      %dma_wait3A_198 = tpu.memref_slice %arg2[%dma_wait3A_196, %dma_wait3A_197] : memref<50000x8xf32, #tpu.memory_space<hbm>> -> memref<50000x8xf32, #tpu.memory_space<hbm>>
      tpu.wait_indirect_dma semaphore(%arg25 : memref<!tpu.dma_semaphore, #tpu.memory_space<semaphore_mem>>) src(%dma_wait3A_198 : memref<50000x8xf32, #tpu.memory_space<hbm>>) dst(%arg18 : memref<128x8xf32, #tpu.memory_space<vmem>>)
      %dma_wait3A_199 = arith.constant 0 : i32
      %dma_wait3A_200 = arith.constant 0 : i32
      %dma_wait3A_201 = tpu.memref_slice %arg4[%dma_wait3A_199, %dma_wait3A_200] : memref<50000x16xf32, #tpu.memory_space<hbm>> -> memref<50000x16xf32, #tpu.memory_space<hbm>>
      tpu.wait_indirect_dma semaphore(%arg25 : memref<!tpu.dma_semaphore, #tpu.memory_space<semaphore_mem>>) src(%dma_wait3A_201 : memref<50000x16xf32, #tpu.memory_space<hbm>>) dst(%arg20 : memref<128x16xf32, #tpu.memory_space<vmem>>)
      %ge3A_202 = arith.constant 1 : i32
      %ge3A_203 = arith.cmpi sge, %scan3A_126, %ge3A_202 : i32
      %convert_element_type3A_204 = arith.extui %ge3A_203 : i1 to i32
      %cond3A_205 = arith.constant 0 : i32
      %cond3A_206 = arith.cmpi ne, %convert_element_type3A_204, %cond3A_205 : i32
      scf.if %cond3A_206 {
        %dma_wait3A_250 = arith.constant 0 : i32
        %dma_wait3A_251 = arith.constant 0 : i32
        %dma_wait3A_252 = tpu.memref_slice %arg10[%dma_wait3A_250, %dma_wait3A_251] : memref<50048x24xf32, #tpu.memory_space<vmem_shared>> -> memref<50048x24xf32, #tpu.memory_space<vmem_shared>>
        tpu.wait_indirect_dma semaphore(%arg27 : memref<!tpu.dma_semaphore, #tpu.memory_space<semaphore_mem>>) src(%arg22 : memref<128x24xf32, #tpu.memory_space<vmem>>) dst(%dma_wait3A_252 : memref<50048x24xf32, #tpu.memory_space<vmem_shared>>)
      } else {
      }
      %scan3A_207 = arith.constant 0 : i32
      %scan3A_208 = arith.constant 0 : i32
      %scan3A_209 = arith.constant 8 : i32
      %scan3A_210 = arith.addi %scan3A_208, %scan3A_209 : i32
      %scan3A_211 = arith.constant 1 : i32
      %scan3A_212 = scf.for %scan3A_250 = %scan3A_208 to %scan3A_210 step %scan3A_211 iter_args(%scan3A_251 = %scan3A_207) -> (i32)  : i32 {
        %mul3A_252 = arith.constant 16 : i32
        %mul3A_253 = arith.muli %scan3A_250, %mul3A_252 : i32
        %add3A_254 = vector.broadcast %mul3A_253 : i32 to vector<16xi32>
        %add3A_255 = arith.addi %add3A_254, %iota3A : vector<16xi32>
        %broadcast_in_dim3A_256 = arith.constant 0 : i32
        %broadcast_in_dim3A_257 = vector.broadcast %broadcast_in_dim3A_256 : i32 to vector<16xi32>
        %gather3A = tpu.vector_load_idx %arg18[%add3A_255, %broadcast_in_dim3A_257] : memref<128x8xf32, #tpu.memory_space<vmem>>[vector<16xi32>, vector<16xi32>], vector<16xf32>,
        %broadcast_in_dim3A_258 = arith.constant 1 : i32
        %broadcast_in_dim3A_259 = vector.broadcast %broadcast_in_dim3A_258 : i32 to vector<16xi32>
        %gather3A_260 = tpu.vector_load_idx %arg18[%add3A_255, %broadcast_in_dim3A_259] : memref<128x8xf32, #tpu.memory_space<vmem>>[vector<16xi32>, vector<16xi32>], vector<16xf32>,
        %broadcast_in_dim3A_261 = arith.constant 2 : i32
        %broadcast_in_dim3A_262 = vector.broadcast %broadcast_in_dim3A_261 : i32 to vector<16xi32>
        %gather3A_263 = tpu.vector_load_idx %arg18[%add3A_255, %broadcast_in_dim3A_262] : memref<128x8xf32, #tpu.memory_space<vmem>>[vector<16xi32>, vector<16xi32>], vector<16xf32>,
        %broadcast_in_dim3A_264 = arith.constant 3 : i32
        %broadcast_in_dim3A_265 = vector.broadcast %broadcast_in_dim3A_264 : i32 to vector<16xi32>
        %gather3A_266 = tpu.vector_load_idx %arg18[%add3A_255, %broadcast_in_dim3A_265] : memref<128x8xf32, #tpu.memory_space<vmem>>[vector<16xi32>, vector<16xi32>], vector<16xf32>,
        %mul3A_267 = arith.constant 128 : i32
        %mul3A_268 = arith.muli %add3A_188, %mul3A_267 : i32
        %add3A_269 = arith.addi %mul3A_3, %mul3A_268 : i32
        %mul3A_270 = arith.constant 16 : i32
        %mul3A_271 = arith.muli %scan3A_250, %mul3A_270 : i32
        %add3A_272 = arith.addi %add3A_269, %mul3A_271 : i32
        %add3A_273 = vector.broadcast %add3A_272 : i32 to vector<16xi32>
        %add3A_274 = arith.addi %add3A_273, %iota3A : vector<16xi32>
        %lt3A_275 = arith.constant 800000 : i32
        %lt3A_276 = vector.broadcast %lt3A_275 : i32 to vector<16xi32>
        %lt3A_277 = arith.cmpi slt, %add3A_274, %lt3A_276 : vector<16xi32>
        %jit3A = arith.constant 1.000000e+00 : f32
        %jit3A_278 = arith.constant 0.000000e+00 : f32
        %broadcast_in_dim3A_279 = vector.broadcast %jit3A : f32 to vector<16xf32>
        %broadcast_in_dim3A_280 = vector.broadcast %jit3A_278 : f32 to vector<16xf32>
        %select_n3A = arith.select %lt3A_277, %broadcast_in_dim3A_279, %broadcast_in_dim3A_280 : vector<16xi1>, vector<16xf32>
        %broadcast_in_dim3A_281 = arith.constant 0 : i32
        %broadcast_in_dim3A_282 = vector.broadcast %broadcast_in_dim3A_281 : i32 to vector<16xi32>
        %gather3A_283 = tpu.vector_load_idx %arg20[%add3A_255, %broadcast_in_dim3A_282] : memref<128x16xf32, #tpu.memory_space<vmem>>[vector<16xi32>, vector<16xi32>], vector<16xf32>,
        %broadcast_in_dim3A_284 = arith.constant 1 : i32
        %broadcast_in_dim3A_285 = vector.broadcast %broadcast_in_dim3A_284 : i32 to vector<16xi32>
        %gather3A_286 = tpu.vector_load_idx %arg20[%add3A_255, %broadcast_in_dim3A_285] : memref<128x16xf32, #tpu.memory_space<vmem>>[vector<16xi32>, vector<16xi32>], vector<16xf32>,
        %broadcast_in_dim3A_287 = arith.constant 2 : i32
        %broadcast_in_dim3A_288 = vector.broadcast %broadcast_in_dim3A_287 : i32 to vector<16xi32>
        %gather3A_289 = tpu.vector_load_idx %arg20[%add3A_255, %broadcast_in_dim3A_288] : memref<128x16xf32, #tpu.memory_space<vmem>>[vector<16xi32>, vector<16xi32>], vector<16xf32>,
        %broadcast_in_dim3A_290 = arith.constant 3 : i32
        %broadcast_in_dim3A_291 = vector.broadcast %broadcast_in_dim3A_290 : i32 to vector<16xi32>
        %gather3A_292 = tpu.vector_load_idx %arg20[%add3A_255, %broadcast_in_dim3A_291] : memref<128x16xf32, #tpu.memory_space<vmem>>[vector<16xi32>, vector<16xi32>], vector<16xf32>,
        %mul3A_293 = arith.mulf %gather3A_283, %gather3A : vector<16xf32>
        %mul3A_294 = arith.mulf %gather3A_286, %gather3A_260 : vector<16xf32>
        %add3A_295 = arith.addf %mul3A_293, %mul3A_294 : vector<16xf32>
        %mul3A_296 = arith.mulf %gather3A_289, %gather3A_263 : vector<16xf32>
        %add3A_297 = arith.addf %add3A_295, %mul3A_296 : vector<16xf32>
        %mul3A_298 = arith.mulf %gather3A_292, %gather3A_266 : vector<16xf32>
        %add3A_299 = arith.addf %add3A_297, %mul3A_298 : vector<16xf32>
        %broadcast_in_dim3A_300 = arith.constant 6 : i32
        %broadcast_in_dim3A_301 = vector.broadcast %broadcast_in_dim3A_300 : i32 to vector<16xi32>
        %gather3A_302 = tpu.vector_load_idx %arg18[%add3A_255, %broadcast_in_dim3A_301] : memref<128x8xf32, #tpu.memory_space<vmem>>[vector<16xi32>, vector<16xi32>], vector<16xf32>,
        %broadcast_in_dim3A_303 = arith.constant 8 : i32
        %broadcast_in_dim3A_304 = vector.broadcast %broadcast_in_dim3A_303 : i32 to vector<16xi32>
        %gather3A_305 = tpu.vector_load_idx %arg20[%add3A_255, %broadcast_in_dim3A_304] : memref<128x16xf32, #tpu.memory_space<vmem>>[vector<16xi32>, vector<16xi32>], vector<16xf32>,
        %add3A_306 = arith.addf %gather3A_302, %gather3A_305 : vector<16xf32>
        %max3A = arith.constant 0.000000e+00 : f32
        %max3A_307 = vector.broadcast %max3A : f32 to vector<16xf32>
        %max3A_308 = arith.maximumf %add3A_306, %max3A_307 : vector<16xf32>
        %min3A = arith.constant 0.000000e+00 : f32
        %min3A_309 = vector.broadcast %min3A : f32 to vector<16xf32>
        %min3A_310 = arith.minimumf %add3A_306, %min3A_309 : vector<16xf32>
        %mul3A_311 = arith.constant 2.000000e-01 : f32
        %mul3A_312 = vector.broadcast %mul3A_311 : f32 to vector<16xf32>
        %mul3A_313 = arith.mulf %mul3A_312, %min3A_310 : vector<16xf32>
        %add3A_314 = arith.addf %max3A_308, %mul3A_313 : vector<16xf32>
        %sub3A = vector.broadcast %squeeze3A_67 : f32 to vector<16xf32>
        %sub3A_315 = arith.subf %add3A_299, %sub3A : vector<16xf32>
        %exp3A = math.exp %sub3A_315 : vector<16xf32>
        %mul3A_316 = arith.mulf %exp3A, %select_n3A : vector<16xf32>
        %sub3A_317 = vector.broadcast %squeeze3A_71 : f32 to vector<16xf32>
        %sub3A_318 = arith.subf %add3A_314, %sub3A_317 : vector<16xf32>
        %exp3A_319 = math.exp %sub3A_318 : vector<16xf32>
        %mul3A_320 = arith.mulf %exp3A_319, %select_n3A : vector<16xf32>
        %broadcast_in_dim3A_321 = arith.constant 0 : i32
        %broadcast_in_dim3A_322 = vector.broadcast %broadcast_in_dim3A_321 : i32 to vector<16xi32>
        %mul3A_323 = arith.mulf %mul3A_316, %gather3A : vector<16xf32>
        tpu.vector_store_idx %arg22[%add3A_255, %broadcast_in_dim3A_322], %mul3A_323 : memref<128x24xf32, #tpu.memory_space<vmem>>[vector<16xi32>, vector<16xi32>], vector<16xf32>,
        %broadcast_in_dim3A_324 = arith.constant 8 : i32
        %broadcast_in_dim3A_325 = vector.broadcast %broadcast_in_dim3A_324 : i32 to vector<16xi32>
        %mul3A_326 = arith.mulf %mul3A_320, %gather3A : vector<16xf32>
        tpu.vector_store_idx %arg22[%add3A_255, %broadcast_in_dim3A_325], %mul3A_326 : memref<128x24xf32, #tpu.memory_space<vmem>>[vector<16xi32>, vector<16xi32>], vector<16xf32>,
        %broadcast_in_dim3A_327 = arith.constant 1 : i32
        %broadcast_in_dim3A_328 = vector.broadcast %broadcast_in_dim3A_327 : i32 to vector<16xi32>
        %mul3A_329 = arith.mulf %mul3A_316, %gather3A_260 : vector<16xf32>
        tpu.vector_store_idx %arg22[%add3A_255, %broadcast_in_dim3A_328], %mul3A_329 : memref<128x24xf32, #tpu.memory_space<vmem>>[vector<16xi32>, vector<16xi32>], vector<16xf32>,
        %broadcast_in_dim3A_330 = arith.constant 9 : i32
        %broadcast_in_dim3A_331 = vector.broadcast %broadcast_in_dim3A_330 : i32 to vector<16xi32>
        %mul3A_332 = arith.mulf %mul3A_320, %gather3A_260 : vector<16xf32>
        tpu.vector_store_idx %arg22[%add3A_255, %broadcast_in_dim3A_331], %mul3A_332 : memref<128x24xf32, #tpu.memory_space<vmem>>[vector<16xi32>, vector<16xi32>], vector<16xf32>,
        %broadcast_in_dim3A_333 = arith.constant 2 : i32
        %broadcast_in_dim3A_334 = vector.broadcast %broadcast_in_dim3A_333 : i32 to vector<16xi32>
        %mul3A_335 = arith.mulf %mul3A_316, %gather3A_263 : vector<16xf32>
        tpu.vector_store_idx %arg22[%add3A_255, %broadcast_in_dim3A_334], %mul3A_335 : memref<128x24xf32, #tpu.memory_space<vmem>>[vector<16xi32>, vector<16xi32>], vector<16xf32>,
        %broadcast_in_dim3A_336 = arith.constant 10 : i32
        %broadcast_in_dim3A_337 = vector.broadcast %broadcast_in_dim3A_336 : i32 to vector<16xi32>
        %mul3A_338 = arith.mulf %mul3A_320, %gather3A_263 : vector<16xf32>
        tpu.vector_store_idx %arg22[%add3A_255, %broadcast_in_dim3A_337], %mul3A_338 : memref<128x24xf32, #tpu.memory_space<vmem>>[vector<16xi32>, vector<16xi32>], vector<16xf32>,
        %broadcast_in_dim3A_339 = arith.constant 3 : i32
        %broadcast_in_dim3A_340 = vector.broadcast %broadcast_in_dim3A_339 : i32 to vector<16xi32>
        %mul3A_341 = arith.mulf %mul3A_316, %gather3A_266 : vector<16xf32>
        tpu.vector_store_idx %arg22[%add3A_255, %broadcast_in_dim3A_340], %mul3A_341 : memref<128x24xf32, #tpu.memory_space<vmem>>[vector<16xi32>, vector<16xi32>], vector<16xf32>,
        %broadcast_in_dim3A_342 = arith.constant 11 : i32
        %broadcast_in_dim3A_343 = vector.broadcast %broadcast_in_dim3A_342 : i32 to vector<16xi32>
        %mul3A_344 = arith.mulf %mul3A_320, %gather3A_266 : vector<16xf32>
        tpu.vector_store_idx %arg22[%add3A_255, %broadcast_in_dim3A_343], %mul3A_344 : memref<128x24xf32, #tpu.memory_space<vmem>>[vector<16xi32>, vector<16xi32>], vector<16xf32>,
        %broadcast_in_dim3A_345 = arith.constant 16 : i32
        %broadcast_in_dim3A_346 = vector.broadcast %broadcast_in_dim3A_345 : i32 to vector<16xi32>
        tpu.vector_store_idx %arg22[%add3A_255, %broadcast_in_dim3A_346], %mul3A_316 : memref<128x24xf32, #tpu.memory_space<vmem>>[vector<16xi32>, vector<16xi32>], vector<16xf32>,
        %broadcast_in_dim3A_347 = arith.constant 18 : i32
        %broadcast_in_dim3A_348 = vector.broadcast %broadcast_in_dim3A_347 : i32 to vector<16xi32>
        tpu.vector_store_idx %arg22[%add3A_255, %broadcast_in_dim3A_348], %mul3A_320 : memref<128x24xf32, #tpu.memory_space<vmem>>[vector<16xi32>, vector<16xi32>], vector<16xf32>,
        %broadcast_in_dim3A_349 = arith.constant 4 : i32
        %broadcast_in_dim3A_350 = vector.broadcast %broadcast_in_dim3A_349 : i32 to vector<16xi32>
        %gather3A_351 = tpu.vector_load_idx %arg20[%add3A_255, %broadcast_in_dim3A_350] : memref<128x16xf32, #tpu.memory_space<vmem>>[vector<16xi32>, vector<16xi32>], vector<16xf32>,
        %broadcast_in_dim3A_352 = arith.constant 5 : i32
        %broadcast_in_dim3A_353 = vector.broadcast %broadcast_in_dim3A_352 : i32 to vector<16xi32>
        %gather3A_354 = tpu.vector_load_idx %arg20[%add3A_255, %broadcast_in_dim3A_353] : memref<128x16xf32, #tpu.memory_space<vmem>>[vector<16xi32>, vector<16xi32>], vector<16xf32>,
        %broadcast_in_dim3A_355 = arith.constant 6 : i32
        %broadcast_in_dim3A_356 = vector.broadcast %broadcast_in_dim3A_355 : i32 to vector<16xi32>
        %gather3A_357 = tpu.vector_load_idx %arg20[%add3A_255, %broadcast_in_dim3A_356] : memref<128x16xf32, #tpu.memory_space<vmem>>[vector<16xi32>, vector<16xi32>], vector<16xf32>,
        %broadcast_in_dim3A_358 = arith.constant 7 : i32
        %broadcast_in_dim3A_359 = vector.broadcast %broadcast_in_dim3A_358 : i32 to vector<16xi32>
        %gather3A_360 = tpu.vector_load_idx %arg20[%add3A_255, %broadcast_in_dim3A_359] : memref<128x16xf32, #tpu.memory_space<vmem>>[vector<16xi32>, vector<16xi32>], vector<16xf32>,
        %mul3A_361 = arith.mulf %gather3A_351, %gather3A : vector<16xf32>
        %mul3A_362 = arith.mulf %gather3A_354, %gather3A_260 : vector<16xf32>
        %add3A_363 = arith.addf %mul3A_361, %mul3A_362 : vector<16xf32>
        %mul3A_364 = arith.mulf %gather3A_357, %gather3A_263 : vector<16xf32>
        %add3A_365 = arith.addf %add3A_363, %mul3A_364 : vector<16xf32>
        %mul3A_366 = arith.mulf %gather3A_360, %gather3A_266 : vector<16xf32>
        %add3A_367 = arith.addf %add3A_365, %mul3A_366 : vector<16xf32>
        %broadcast_in_dim3A_368 = arith.constant 7 : i32
        %broadcast_in_dim3A_369 = vector.broadcast %broadcast_in_dim3A_368 : i32 to vector<16xi32>
        %gather3A_370 = tpu.vector_load_idx %arg18[%add3A_255, %broadcast_in_dim3A_369] : memref<128x8xf32, #tpu.memory_space<vmem>>[vector<16xi32>, vector<16xi32>], vector<16xf32>,
        %broadcast_in_dim3A_371 = arith.constant 9 : i32
        %broadcast_in_dim3A_372 = vector.broadcast %broadcast_in_dim3A_371 : i32 to vector<16xi32>
        %gather3A_373 = tpu.vector_load_idx %arg20[%add3A_255, %broadcast_in_dim3A_372] : memref<128x16xf32, #tpu.memory_space<vmem>>[vector<16xi32>, vector<16xi32>], vector<16xf32>,
        %add3A_374 = arith.addf %gather3A_370, %gather3A_373 : vector<16xf32>
        %max3A_375 = arith.constant 0.000000e+00 : f32
        %max3A_376 = vector.broadcast %max3A_375 : f32 to vector<16xf32>
        %max3A_377 = arith.maximumf %add3A_374, %max3A_376 : vector<16xf32>
        %min3A_378 = arith.constant 0.000000e+00 : f32
        %min3A_379 = vector.broadcast %min3A_378 : f32 to vector<16xf32>
        %min3A_380 = arith.minimumf %add3A_374, %min3A_379 : vector<16xf32>
        %mul3A_381 = arith.constant 2.000000e-01 : f32
        %mul3A_382 = vector.broadcast %mul3A_381 : f32 to vector<16xf32>
        %mul3A_383 = arith.mulf %mul3A_382, %min3A_380 : vector<16xf32>
        %add3A_384 = arith.addf %max3A_377, %mul3A_383 : vector<16xf32>
        %sub3A_385 = vector.broadcast %squeeze3A_69 : f32 to vector<16xf32>
        %sub3A_386 = arith.subf %add3A_367, %sub3A_385 : vector<16xf32>
        %exp3A_387 = math.exp %sub3A_386 : vector<16xf32>
        %mul3A_388 = arith.mulf %exp3A_387, %select_n3A : vector<16xf32>
        %sub3A_389 = vector.broadcast %squeeze3A_73 : f32 to vector<16xf32>
        %sub3A_390 = arith.subf %add3A_384, %sub3A_389 : vector<16xf32>
        %exp3A_391 = math.exp %sub3A_390 : vector<16xf32>
        %mul3A_392 = arith.mulf %exp3A_391, %select_n3A : vector<16xf32>
        %broadcast_in_dim3A_393 = arith.constant 4 : i32
        %broadcast_in_dim3A_394 = vector.broadcast %broadcast_in_dim3A_393 : i32 to vector<16xi32>
        %mul3A_395 = arith.mulf %mul3A_388, %gather3A : vector<16xf32>
        tpu.vector_store_idx %arg22[%add3A_255, %broadcast_in_dim3A_394], %mul3A_395 : memref<128x24xf32, #tpu.memory_space<vmem>>[vector<16xi32>, vector<16xi32>], vector<16xf32>,
        %broadcast_in_dim3A_396 = arith.constant 12 : i32
        %broadcast_in_dim3A_397 = vector.broadcast %broadcast_in_dim3A_396 : i32 to vector<16xi32>
        %mul3A_398 = arith.mulf %mul3A_392, %gather3A : vector<16xf32>
        tpu.vector_store_idx %arg22[%add3A_255, %broadcast_in_dim3A_397], %mul3A_398 : memref<128x24xf32, #tpu.memory_space<vmem>>[vector<16xi32>, vector<16xi32>], vector<16xf32>,
        %broadcast_in_dim3A_399 = arith.constant 5 : i32
        %broadcast_in_dim3A_400 = vector.broadcast %broadcast_in_dim3A_399 : i32 to vector<16xi32>
        %mul3A_401 = arith.mulf %mul3A_388, %gather3A_260 : vector<16xf32>
        tpu.vector_store_idx %arg22[%add3A_255, %broadcast_in_dim3A_400], %mul3A_401 : memref<128x24xf32, #tpu.memory_space<vmem>>[vector<16xi32>, vector<16xi32>], vector<16xf32>,
        %broadcast_in_dim3A_402 = arith.constant 13 : i32
        %broadcast_in_dim3A_403 = vector.broadcast %broadcast_in_dim3A_402 : i32 to vector<16xi32>
        %mul3A_404 = arith.mulf %mul3A_392, %gather3A_260 : vector<16xf32>
        tpu.vector_store_idx %arg22[%add3A_255, %broadcast_in_dim3A_403], %mul3A_404 : memref<128x24xf32, #tpu.memory_space<vmem>>[vector<16xi32>, vector<16xi32>], vector<16xf32>,
        %broadcast_in_dim3A_405 = arith.constant 6 : i32
        %broadcast_in_dim3A_406 = vector.broadcast %broadcast_in_dim3A_405 : i32 to vector<16xi32>
        %mul3A_407 = arith.mulf %mul3A_388, %gather3A_263 : vector<16xf32>
        tpu.vector_store_idx %arg22[%add3A_255, %broadcast_in_dim3A_406], %mul3A_407 : memref<128x24xf32, #tpu.memory_space<vmem>>[vector<16xi32>, vector<16xi32>], vector<16xf32>,
        %broadcast_in_dim3A_408 = arith.constant 14 : i32
        %broadcast_in_dim3A_409 = vector.broadcast %broadcast_in_dim3A_408 : i32 to vector<16xi32>
        %mul3A_410 = arith.mulf %mul3A_392, %gather3A_263 : vector<16xf32>
        tpu.vector_store_idx %arg22[%add3A_255, %broadcast_in_dim3A_409], %mul3A_410 : memref<128x24xf32, #tpu.memory_space<vmem>>[vector<16xi32>, vector<16xi32>], vector<16xf32>,
        %broadcast_in_dim3A_411 = arith.constant 7 : i32
        %broadcast_in_dim3A_412 = vector.broadcast %broadcast_in_dim3A_411 : i32 to vector<16xi32>
        %mul3A_413 = arith.mulf %mul3A_388, %gather3A_266 : vector<16xf32>
        tpu.vector_store_idx %arg22[%add3A_255, %broadcast_in_dim3A_412], %mul3A_413 : memref<128x24xf32, #tpu.memory_space<vmem>>[vector<16xi32>, vector<16xi32>], vector<16xf32>,
        %broadcast_in_dim3A_414 = arith.constant 15 : i32
        %broadcast_in_dim3A_415 = vector.broadcast %broadcast_in_dim3A_414 : i32 to vector<16xi32>
        %mul3A_416 = arith.mulf %mul3A_392, %gather3A_266 : vector<16xf32>
        tpu.vector_store_idx %arg22[%add3A_255, %broadcast_in_dim3A_415], %mul3A_416 : memref<128x24xf32, #tpu.memory_space<vmem>>[vector<16xi32>, vector<16xi32>], vector<16xf32>,
        %broadcast_in_dim3A_417 = arith.constant 17 : i32
        %broadcast_in_dim3A_418 = vector.broadcast %broadcast_in_dim3A_417 : i32 to vector<16xi32>
        tpu.vector_store_idx %arg22[%add3A_255, %broadcast_in_dim3A_418], %mul3A_388 : memref<128x24xf32, #tpu.memory_space<vmem>>[vector<16xi32>, vector<16xi32>], vector<16xf32>,
        %broadcast_in_dim3A_419 = arith.constant 19 : i32
        %broadcast_in_dim3A_420 = vector.broadcast %broadcast_in_dim3A_419 : i32 to vector<16xi32>
        tpu.vector_store_idx %arg22[%add3A_255, %broadcast_in_dim3A_420], %mul3A_392 : memref<128x24xf32, #tpu.memory_space<vmem>>[vector<16xi32>, vector<16xi32>], vector<16xf32>,
        %scan3A_421 = arith.constant 0 : i32
        scf.yield %scan3A_421 : i32
      }
      %scan3A_213 = arith.constant 8 : i32
      %get3A_214 = arith.constant 0 : index
      %get3A_215 = tpu.vector_load %arg14[%get3A_214] {strides = array<i32>} : memref<128xi32, #tpu.memory_space<vmem>>, vector<16xi32>,
      %swap3A_216 = arith.constant 0 : index
      %swap3A_217 = tpu.vector_load %arg16[%swap3A_216] {strides = array<i32>} : memref<128xi32, #tpu.memory_space<vmem>>, vector<16xi32>,
      tpu.vector_store %arg16[%swap3A_216], %get3A_215 {strides = array<i32>} : memref<128xi32, #tpu.memory_space<vmem>>, vector<16xi32>,
      %get3A_218 = arith.constant 16 : index
      %get3A_219 = tpu.vector_load %arg14[%get3A_218] {strides = array<i32>} : memref<128xi32, #tpu.memory_space<vmem>>, vector<16xi32>,
      %swap3A_220 = arith.constant 16 : index
      %swap3A_221 = tpu.vector_load %arg16[%swap3A_220] {strides = array<i32>} : memref<128xi32, #tpu.memory_space<vmem>>, vector<16xi32>,
      tpu.vector_store %arg16[%swap3A_220], %get3A_219 {strides = array<i32>} : memref<128xi32, #tpu.memory_space<vmem>>, vector<16xi32>,
      %get3A_222 = arith.constant 32 : index
      %get3A_223 = tpu.vector_load %arg14[%get3A_222] {strides = array<i32>} : memref<128xi32, #tpu.memory_space<vmem>>, vector<16xi32>,
      %swap3A_224 = arith.constant 32 : index
      %swap3A_225 = tpu.vector_load %arg16[%swap3A_224] {strides = array<i32>} : memref<128xi32, #tpu.memory_space<vmem>>, vector<16xi32>,
      tpu.vector_store %arg16[%swap3A_224], %get3A_223 {strides = array<i32>} : memref<128xi32, #tpu.memory_space<vmem>>, vector<16xi32>,
      %get3A_226 = arith.constant 48 : index
      %get3A_227 = tpu.vector_load %arg14[%get3A_226] {strides = array<i32>} : memref<128xi32, #tpu.memory_space<vmem>>, vector<16xi32>,
      %swap3A_228 = arith.constant 48 : index
      %swap3A_229 = tpu.vector_load %arg16[%swap3A_228] {strides = array<i32>} : memref<128xi32, #tpu.memory_space<vmem>>, vector<16xi32>,
      tpu.vector_store %arg16[%swap3A_228], %get3A_227 {strides = array<i32>} : memref<128xi32, #tpu.memory_space<vmem>>, vector<16xi32>,
      %get3A_230 = arith.constant 64 : index
      %get3A_231 = tpu.vector_load %arg14[%get3A_230] {strides = array<i32>} : memref<128xi32, #tpu.memory_space<vmem>>, vector<16xi32>,
      %swap3A_232 = arith.constant 64 : index
      %swap3A_233 = tpu.vector_load %arg16[%swap3A_232] {strides = array<i32>} : memref<128xi32, #tpu.memory_space<vmem>>, vector<16xi32>,
      tpu.vector_store %arg16[%swap3A_232], %get3A_231 {strides = array<i32>} : memref<128xi32, #tpu.memory_space<vmem>>, vector<16xi32>,
      %get3A_234 = arith.constant 80 : index
      %get3A_235 = tpu.vector_load %arg14[%get3A_234] {strides = array<i32>} : memref<128xi32, #tpu.memory_space<vmem>>, vector<16xi32>,
      %swap3A_236 = arith.constant 80 : index
      %swap3A_237 = tpu.vector_load %arg16[%swap3A_236] {strides = array<i32>} : memref<128xi32, #tpu.memory_space<vmem>>, vector<16xi32>,
      tpu.vector_store %arg16[%swap3A_236], %get3A_235 {strides = array<i32>} : memref<128xi32, #tpu.memory_space<vmem>>, vector<16xi32>,
      %get3A_238 = arith.constant 96 : index
      %get3A_239 = tpu.vector_load %arg14[%get3A_238] {strides = array<i32>} : memref<128xi32, #tpu.memory_space<vmem>>, vector<16xi32>,
      %swap3A_240 = arith.constant 96 : index
      %swap3A_241 = tpu.vector_load %arg16[%swap3A_240] {strides = array<i32>} : memref<128xi32, #tpu.memory_space<vmem>>, vector<16xi32>,
      tpu.vector_store %arg16[%swap3A_240], %get3A_239 {strides = array<i32>} : memref<128xi32, #tpu.memory_space<vmem>>, vector<16xi32>,
      %get3A_242 = arith.constant 112 : index
      %get3A_243 = tpu.vector_load %arg14[%get3A_242] {strides = array<i32>} : memref<128xi32, #tpu.memory_space<vmem>>, vector<16xi32>,
      %swap3A_244 = arith.constant 112 : index
      %swap3A_245 = tpu.vector_load %arg16[%swap3A_244] {strides = array<i32>} : memref<128xi32, #tpu.memory_space<vmem>>, vector<16xi32>,
      tpu.vector_store %arg16[%swap3A_244], %get3A_243 {strides = array<i32>} : memref<128xi32, #tpu.memory_space<vmem>>, vector<16xi32>,
      %dma_start3A_246 = arith.constant 0 : i32
      %dma_start3A_247 = arith.constant 0 : i32
      %dma_start3A_248 = tpu.memref_slice %arg10[%dma_start3A_246, %dma_start3A_247] : memref<50048x24xf32, #tpu.memory_space<vmem_shared>> -> memref<50048x24xf32, #tpu.memory_space<vmem_shared>>
      tpu.enqueue_indirect_dma source(%arg22 : memref<128x24xf32, #tpu.memory_space<vmem>>) target(%dma_start3A_248 : memref<50048x24xf32, #tpu.memory_space<vmem_shared>>) offsets(%arg16 : memref<128xi32, #tpu.memory_space<vmem>>) semaphore(%arg27 : memref<!tpu.dma_semaphore, #tpu.memory_space<semaphore_mem>>) {add = true}
      %scan3A_249 = arith.constant 0 : i32
      scf.yield %scan3A_249 : i32
    }
    %scan3A_107 = arith.constant 100 : i32
    %dma_wait3A_108 = arith.constant 0 : i32
    %dma_wait3A_109 = arith.constant 0 : i32
    %dma_wait3A_110 = tpu.memref_slice %arg10[%dma_wait3A_108, %dma_wait3A_109] : memref<50048x24xf32, #tpu.memory_space<vmem_shared>> -> memref<50048x24xf32, #tpu.memory_space<vmem_shared>>
    tpu.wait_indirect_dma semaphore(%arg26 : memref<!tpu.dma_semaphore, #tpu.memory_space<semaphore_mem>>) src(%arg21 : memref<128x24xf32, #tpu.memory_space<vmem>>) dst(%dma_wait3A_110 : memref<50048x24xf32, #tpu.memory_space<vmem_shared>>)
    %dma_wait3A_111 = arith.constant 0 : i32
    %dma_wait3A_112 = arith.constant 0 : i32
    %dma_wait3A_113 = tpu.memref_slice %arg10[%dma_wait3A_111, %dma_wait3A_112] : memref<50048x24xf32, #tpu.memory_space<vmem_shared>> -> memref<50048x24xf32, #tpu.memory_space<vmem_shared>>
    tpu.wait_indirect_dma semaphore(%arg27 : memref<!tpu.dma_semaphore, #tpu.memory_space<semaphore_mem>>) src(%arg22 : memref<128x24xf32, #tpu.memory_space<vmem>>) dst(%dma_wait3A_113 : memref<50048x24xf32, #tpu.memory_space<vmem_shared>>)
    %barrier3A_114 = arith.constant 0 : index
    tpu.barrier barrier_id(%barrier3A_114)
    %scan3A_115 = arith.constant 0 : i32
    %scan3A_116 = arith.constant 0 : i32
    %scan3A_117 = arith.constant 24 : i32
    %scan3A_118 = arith.addi %scan3A_116, %scan3A_117 : i32
    %scan3A_119 = arith.constant 1 : i32
    %scan3A_120 = scf.for %scan3A_126 = %scan3A_116 to %scan3A_118 step %scan3A_119 iter_args(%scan3A_127 = %scan3A_115) -> (i32)  : i32 {
      %mul3A_128 = arith.constant 128 : i32
      %mul3A_129 = arith.muli %scan3A_126, %mul3A_128 : i32
      %add3A_130 = arith.addi %mul3A_5, %mul3A_129 : i32
      %mul3A_131 = arith.constant 128 : i32
      %mul3A_132 = arith.muli %scan3A_126, %mul3A_131 : i32
      %add3A_133 = arith.addi %add3A_10, %mul3A_132 : i32
      "tpu.region"() ({
        %run_scoped3A_135 = tpu.sem_alloc : memref<!tpu.dma_semaphore, #tpu.memory_space<semaphore_mem>>
        %dma_start3A_136 = arith.constant 0 : i32
        %dma_start3A_137 = tpu.memref_slice %arg9[%add3A_133, %dma_start3A_136] : memref<104000x24xf32, #tpu.memory_space<hbm>> -> memref<128x24xf32, #tpu.memory_space<hbm>>
        %dma_start3A_138 = arith.constant 0 : i32
        %dma_start3A_139 = tpu.memref_slice %arg10[%add3A_130, %dma_start3A_138] : memref<50048x24xf32, #tpu.memory_space<vmem_shared>> -> memref<128x24xf32, #tpu.memory_space<vmem_shared>>
        tpu.enqueue_dma source(%dma_start3A_139 : memref<128x24xf32, #tpu.memory_space<vmem_shared>>) target(%dma_start3A_137 : memref<128x24xf32, #tpu.memory_space<hbm>>) target_semaphore(%run_scoped3A_135 : memref<!tpu.dma_semaphore, #tpu.memory_space<semaphore_mem>>)
        %dma_wait3A_140 = arith.constant 0 : i32
        %dma_wait3A_141 = tpu.memref_slice %arg9[%add3A_133, %dma_wait3A_140] : memref<104000x24xf32, #tpu.memory_space<hbm>> -> memref<128x24xf32, #tpu.memory_space<hbm>>
        %dma_wait3A_142 = arith.constant 0 : i32
        %dma_wait3A_143 = tpu.memref_slice %arg10[%add3A_130, %dma_wait3A_142] : memref<50048x24xf32, #tpu.memory_space<vmem_shared>> -> memref<128x24xf32, #tpu.memory_space<vmem_shared>>
        tpu.wait_dma2 semaphore(%run_scoped3A_135 : memref<!tpu.dma_semaphore, #tpu.memory_space<semaphore_mem>>) src(%dma_wait3A_143 : memref<128x24xf32, #tpu.memory_space<vmem_shared>>) dst(%dma_wait3A_141 : memref<128x24xf32, #tpu.memory_space<hbm>>)
        tpu.yield
      }) : () -> ()
      %scan3A_134 = arith.constant 0 : i32
      scf.yield %scan3A_134 : i32
    }
    %scan3A_121 = arith.constant 24 : i32
    %add3A_122 = arith.constant 3072 : i32
    %add3A_123 = arith.addi %mul3A_5, %add3A_122 : i32
    %add3A_124 = arith.constant 3072 : i32
    %add3A_125 = arith.addi %add3A_10, %add3A_124 : i32
    "tpu.region"() ({
      %run_scoped3A_126 = tpu.sem_alloc : memref<!tpu.dma_semaphore, #tpu.memory_space<semaphore_mem>>
      %dma_start3A_127 = arith.constant 0 : i32
      %dma_start3A_128 = tpu.memref_slice %arg9[%add3A_125, %dma_start3A_127] : memref<104000x24xf32, #tpu.memory_space<hbm>> -> memref<56x24xf32, #tpu.memory_space<hbm>>
      %dma_start3A_129 = arith.constant 0 : i32
      %dma_start3A_130 = tpu.memref_slice %arg10[%add3A_123, %dma_start3A_129] : memref<50048x24xf32, #tpu.memory_space<vmem_shared>> -> memref<56x24xf32, #tpu.memory_space<vmem_shared>>
      tpu.enqueue_dma source(%dma_start3A_130 : memref<56x24xf32, #tpu.memory_space<vmem_shared>>) target(%dma_start3A_128 : memref<56x24xf32, #tpu.memory_space<hbm>>) target_semaphore(%run_scoped3A_126 : memref<!tpu.dma_semaphore, #tpu.memory_space<semaphore_mem>>)
      %dma_wait3A_131 = arith.constant 0 : i32
      %dma_wait3A_132 = tpu.memref_slice %arg9[%add3A_125, %dma_wait3A_131] : memref<104000x24xf32, #tpu.memory_space<hbm>> -> memref<56x24xf32, #tpu.memory_space<hbm>>
      %dma_wait3A_133 = arith.constant 0 : i32
      %dma_wait3A_134 = tpu.memref_slice %arg10[%add3A_123, %dma_wait3A_133] : memref<50048x24xf32, #tpu.memory_space<vmem_shared>> -> memref<56x24xf32, #tpu.memory_space<vmem_shared>>
      tpu.wait_dma2 semaphore(%run_scoped3A_126 : memref<!tpu.dma_semaphore, #tpu.memory_space<semaphore_mem>>) src(%dma_wait3A_134 : memref<56x24xf32, #tpu.memory_space<vmem_shared>>) dst(%dma_wait3A_132 : memref<56x24xf32, #tpu.memory_space<hbm>>)
      tpu.yield
    }) : () -> ()
    return
  }
}

module attributes {stable_mosaic.version = 14 : i64} {
  func.func @_wprep_body(%arg0: memref<4x64xf32, #tpu.memory_space<vmem>>, %arg1: memref<4x64xf32, #tpu.memory_space<vmem>>, %arg2: memref<4x64xf32, #tpu.memory_space<vmem>>, %arg3: memref<4x16xf32, #tpu.memory_space<vmem>>, %arg4: memref<4x16xf32, #tpu.memory_space<vmem>>, %arg5: memref<64x128xf32, #tpu.memory_space<vmem>>, %arg6: memref<128x64xf32, #tpu.memory_space<vmem>>, %arg7: memref<1x64xf32, #tpu.memory_space<vmem>>, %arg8: memref<8x128xf32, #tpu.memory_space<vmem>>, %arg9: memref<64x64xf32, #tpu.memory_space<vmem>>) attributes {dimension_semantics = [], scalar_prefetch = 0 : i64, scratch_operands = 0 : i64, tpu.core_type = #tpu.core_type<tc>} {
    %get3A = arith.constant 0 : index
    %get3A_0 = arith.constant 0 : index
    %get3A_1 = vector.load %arg0[%get3A, %get3A_0] : memref<4x64xf32, #tpu.memory_space<vmem>>, vector<4x64xf32>
    %get3A_2 = arith.constant 0 : index
    %get3A_3 = arith.constant 0 : index
    %get3A_4 = vector.load %arg1[%get3A_2, %get3A_3] : memref<4x64xf32, #tpu.memory_space<vmem>>, vector<4x64xf32>
    %get3A_5 = arith.constant 0 : index
    %get3A_6 = arith.constant 0 : index
    %get3A_7 = vector.load %arg2[%get3A_5, %get3A_6] : memref<4x64xf32, #tpu.memory_space<vmem>>, vector<4x64xf32>
    %get3A_8 = arith.constant 0 : index
    %get3A_9 = arith.constant 0 : index
    %get3A_10 = vector.load %arg3[%get3A_8, %get3A_9] : memref<4x16xf32, #tpu.memory_space<vmem>>, vector<4x16xf32>
    %get3A_11 = arith.constant 0 : index
    %get3A_12 = arith.constant 0 : index
    %get3A_13 = vector.load %arg4[%get3A_11, %get3A_12] : memref<4x16xf32, #tpu.memory_space<vmem>>, vector<4x16xf32>
    %slice3A = vector.extract_strided_slice %get3A_1 {offsets = [0, 0], sizes = [4, 16], strides = [1, 1]} : vector<4x64xf32> to vector<4x16xf32>
    %slice3A_14 = vector.extract_strided_slice %get3A_4 {offsets = [0, 0], sizes = [4, 16], strides = [1, 1]} : vector<4x64xf32> to vector<4x16xf32>
    %slice3A_15 = vector.extract_strided_slice %get3A_7 {offsets = [0, 0], sizes = [4, 16], strides = [1, 1]} : vector<4x64xf32> to vector<4x16xf32>
    %dot_general3A = arith.constant dense<0.000000e+00> : vector<4x4xf32>
    %dot_general3A_16 = tpu.matmul %slice3A, %slice3A_14, %dot_general3A {dimension_numbers = #tpu.dot_dimension_numbers<[1], [1], [0], [0], [0, 0, 1, 0], [], []>, transpose_lhs_hint = false} : vector<4x16xf32>, vector<4x16xf32>, vector<4x4xf32> -> vector<4x4xf32>
    %mul3A = arith.constant 2.500000e-01 : f32
    %mul3A_17 = vector.broadcast %mul3A : f32 to vector<4x4xf32>
    %mul3A_18 = arith.mulf %dot_general3A_16, %mul3A_17 : vector<4x4xf32>
    %slice3A_19 = vector.extract_strided_slice %get3A_10 {offsets = [0, 0], sizes = [1, 16], strides = [1, 1]} : vector<4x16xf32> to vector<1x16xf32>
    %dot_general3A_20 = arith.constant dense<0.000000e+00> : vector<4x1xf32>
    %dot_general3A_21 = tpu.matmul %slice3A_15, %slice3A_19, %dot_general3A_20 {dimension_numbers = #tpu.dot_dimension_numbers<[1], [1], [0], [0], [0, 0, 1, 0], [], []>, transpose_lhs_hint = false} : vector<4x16xf32>, vector<1x16xf32>, vector<4x1xf32> -> vector<4x1xf32>
    %slice3A_22 = vector.extract_strided_slice %get3A_13 {offsets = [0, 0], sizes = [1, 16], strides = [1, 1]} : vector<4x16xf32> to vector<1x16xf32>
    %dot_general3A_23 = arith.constant dense<0.000000e+00> : vector<4x1xf32>
    %dot_general3A_24 = tpu.matmul %slice3A_15, %slice3A_22, %dot_general3A_23 {dimension_numbers = #tpu.dot_dimension_numbers<[1], [1], [0], [0], [0, 0, 1, 0], [], []>, transpose_lhs_hint = false} : vector<4x16xf32>, vector<1x16xf32>, vector<4x1xf32> -> vector<4x1xf32>
    %slice3A_25 = vector.extract_strided_slice %get3A_1 {offsets = [0, 16], sizes = [4, 16], strides = [1, 1]} : vector<4x64xf32> to vector<4x16xf32>
    %slice3A_26 = vector.extract_strided_slice %get3A_4 {offsets = [0, 16], sizes = [4, 16], strides = [1, 1]} : vector<4x64xf32> to vector<4x16xf32>
    %slice3A_27 = vector.extract_strided_slice %get3A_7 {offsets = [0, 16], sizes = [4, 16], strides = [1, 1]} : vector<4x64xf32> to vector<4x16xf32>
    %dot_general3A_28 = arith.constant dense<0.000000e+00> : vector<4x4xf32>
    %dot_general3A_29 = tpu.matmul %slice3A_25, %slice3A_26, %dot_general3A_28 {dimension_numbers = #tpu.dot_dimension_numbers<[1], [1], [0], [0], [0, 0, 1, 0], [], []>, transpose_lhs_hint = false} : vector<4x16xf32>, vector<4x16xf32>, vector<4x4xf32> -> vector<4x4xf32>
    %mul3A_30 = arith.constant 2.500000e-01 : f32
    %mul3A_31 = vector.broadcast %mul3A_30 : f32 to vector<4x4xf32>
    %mul3A_32 = arith.mulf %dot_general3A_29, %mul3A_31 : vector<4x4xf32>
    %slice3A_33 = vector.extract_strided_slice %get3A_10 {offsets = [1, 0], sizes = [1, 16], strides = [1, 1]} : vector<4x16xf32> to vector<1x16xf32>
    %dot_general3A_34 = arith.constant dense<0.000000e+00> : vector<4x1xf32>
    %dot_general3A_35 = tpu.matmul %slice3A_27, %slice3A_33, %dot_general3A_34 {dimension_numbers = #tpu.dot_dimension_numbers<[1], [1], [0], [0], [0, 0, 1, 0], [], []>, transpose_lhs_hint = false} : vector<4x16xf32>, vector<1x16xf32>, vector<4x1xf32> -> vector<4x1xf32>
    %slice3A_36 = vector.extract_strided_slice %get3A_13 {offsets = [1, 0], sizes = [1, 16], strides = [1, 1]} : vector<4x16xf32> to vector<1x16xf32>
    %dot_general3A_37 = arith.constant dense<0.000000e+00> : vector<4x1xf32>
    %dot_general3A_38 = tpu.matmul %slice3A_27, %slice3A_36, %dot_general3A_37 {dimension_numbers = #tpu.dot_dimension_numbers<[1], [1], [0], [0], [0, 0, 1, 0], [], []>, transpose_lhs_hint = false} : vector<4x16xf32>, vector<1x16xf32>, vector<4x1xf32> -> vector<4x1xf32>
    %slice3A_39 = vector.extract_strided_slice %get3A_1 {offsets = [0, 32], sizes = [4, 16], strides = [1, 1]} : vector<4x64xf32> to vector<4x16xf32>
    %slice3A_40 = vector.extract_strided_slice %get3A_4 {offsets = [0, 32], sizes = [4, 16], strides = [1, 1]} : vector<4x64xf32> to vector<4x16xf32>
    %slice3A_41 = vector.extract_strided_slice %get3A_7 {offsets = [0, 32], sizes = [4, 16], strides = [1, 1]} : vector<4x64xf32> to vector<4x16xf32>
    %dot_general3A_42 = arith.constant dense<0.000000e+00> : vector<4x4xf32>
    %dot_general3A_43 = tpu.matmul %slice3A_39, %slice3A_40, %dot_general3A_42 {dimension_numbers = #tpu.dot_dimension_numbers<[1], [1], [0], [0], [0, 0, 1, 0], [], []>, transpose_lhs_hint = false} : vector<4x16xf32>, vector<4x16xf32>, vector<4x4xf32> -> vector<4x4xf32>
    %mul3A_44 = arith.constant 2.500000e-01 : f32
    %mul3A_45 = vector.broadcast %mul3A_44 : f32 to vector<4x4xf32>
    %mul3A_46 = arith.mulf %dot_general3A_43, %mul3A_45 : vector<4x4xf32>
    %slice3A_47 = vector.extract_strided_slice %get3A_10 {offsets = [2, 0], sizes = [1, 16], strides = [1, 1]} : vector<4x16xf32> to vector<1x16xf32>
    %dot_general3A_48 = arith.constant dense<0.000000e+00> : vector<4x1xf32>
    %dot_general3A_49 = tpu.matmul %slice3A_41, %slice3A_47, %dot_general3A_48 {dimension_numbers = #tpu.dot_dimension_numbers<[1], [1], [0], [0], [0, 0, 1, 0], [], []>, transpose_lhs_hint = false} : vector<4x16xf32>, vector<1x16xf32>, vector<4x1xf32> -> vector<4x1xf32>
    %slice3A_50 = vector.extract_strided_slice %get3A_13 {offsets = [2, 0], sizes = [1, 16], strides = [1, 1]} : vector<4x16xf32> to vector<1x16xf32>
    %dot_general3A_51 = arith.constant dense<0.000000e+00> : vector<4x1xf32>
    %dot_general3A_52 = tpu.matmul %slice3A_41, %slice3A_50, %dot_general3A_51 {dimension_numbers = #tpu.dot_dimension_numbers<[1], [1], [0], [0], [0, 0, 1, 0], [], []>, transpose_lhs_hint = false} : vector<4x16xf32>, vector<1x16xf32>, vector<4x1xf32> -> vector<4x1xf32>
    %slice3A_53 = vector.extract_strided_slice %get3A_1 {offsets = [0, 48], sizes = [4, 16], strides = [1, 1]} : vector<4x64xf32> to vector<4x16xf32>
    %slice3A_54 = vector.extract_strided_slice %get3A_4 {offsets = [0, 48], sizes = [4, 16], strides = [1, 1]} : vector<4x64xf32> to vector<4x16xf32>
    %slice3A_55 = vector.extract_strided_slice %get3A_7 {offsets = [0, 48], sizes = [4, 16], strides = [1, 1]} : vector<4x64xf32> to vector<4x16xf32>
    %dot_general3A_56 = arith.constant dense<0.000000e+00> : vector<4x4xf32>
    %dot_general3A_57 = tpu.matmul %slice3A_53, %slice3A_54, %dot_general3A_56 {dimension_numbers = #tpu.dot_dimension_numbers<[1], [1], [0], [0], [0, 0, 1, 0], [], []>, transpose_lhs_hint = false} : vector<4x16xf32>, vector<4x16xf32>, vector<4x4xf32> -> vector<4x4xf32>
    %mul3A_58 = arith.constant 2.500000e-01 : f32
    %mul3A_59 = vector.broadcast %mul3A_58 : f32 to vector<4x4xf32>
    %mul3A_60 = arith.mulf %dot_general3A_57, %mul3A_59 : vector<4x4xf32>
    %slice3A_61 = vector.extract_strided_slice %get3A_10 {offsets = [3, 0], sizes = [1, 16], strides = [1, 1]} : vector<4x16xf32> to vector<1x16xf32>
    %dot_general3A_62 = arith.constant dense<0.000000e+00> : vector<4x1xf32>
    %dot_general3A_63 = tpu.matmul %slice3A_55, %slice3A_61, %dot_general3A_62 {dimension_numbers = #tpu.dot_dimension_numbers<[1], [1], [0], [0], [0, 0, 1, 0], [], []>, transpose_lhs_hint = false} : vector<4x16xf32>, vector<1x16xf32>, vector<4x1xf32> -> vector<4x1xf32>
    %slice3A_64 = vector.extract_strided_slice %get3A_13 {offsets = [3, 0], sizes = [1, 16], strides = [1, 1]} : vector<4x16xf32> to vector<1x16xf32>
    %dot_general3A_65 = arith.constant dense<0.000000e+00> : vector<4x1xf32>
    %dot_general3A_66 = tpu.matmul %slice3A_55, %slice3A_64, %dot_general3A_65 {dimension_numbers = #tpu.dot_dimension_numbers<[1], [1], [0], [0], [0, 0, 1, 0], [], []>, transpose_lhs_hint = false} : vector<4x16xf32>, vector<1x16xf32>, vector<4x1xf32> -> vector<4x1xf32>
    %concatenate3A = tpu.concatenate %mul3A_18, %mul3A_32, %mul3A_46, %mul3A_60 in 1 : vector<4x4xf32>, vector<4x4xf32>, vector<4x4xf32>, vector<4x4xf32> -> vector<4x16xf32>
    %concatenate3A_67 = tpu.concatenate %dot_general3A_21, %dot_general3A_35, %dot_general3A_49, %dot_general3A_63 in 1 : vector<4x1xf32>, vector<4x1xf32>, vector<4x1xf32>, vector<4x1xf32> -> vector<4x4xf32>
    %concatenate3A_68 = tpu.concatenate %dot_general3A_24, %dot_general3A_38, %dot_general3A_52, %dot_general3A_66 in 1 : vector<4x1xf32>, vector<4x1xf32>, vector<4x1xf32>, vector<4x1xf32> -> vector<4x4xf32>
    %iota3A = tpu.iota {dimensions = array<i32: 0>} : vector<4x4xi32>
    %iota3A_69 = tpu.iota {dimensions = array<i32: 1>} : vector<4x4xi32>
    %eq3A = arith.cmpi eq, %iota3A, %iota3A_69 : vector<4x4xi32>
    %jit3A = arith.constant 1.000000e+00 : f32
    %jit3A_70 = arith.constant 0.000000e+00 : f32
    %broadcast_in_dim3A = vector.broadcast %jit3A : f32 to vector<4x4xf32>
    %broadcast_in_dim3A_71 = vector.broadcast %jit3A_70 : f32 to vector<4x4xf32>
    %select_n3A = arith.select %eq3A, %broadcast_in_dim3A, %broadcast_in_dim3A_71 : vector<4x4xi1>, vector<4x4xf32>
    %broadcast_in_dim3A_72 = arith.constant 0.000000e+00 : f32
    %broadcast_in_dim3A_73 = vector.broadcast %broadcast_in_dim3A_72 : f32 to vector<4x100xf32>
    %concatenate3A_74 = tpu.concatenate %select_n3A, %concatenate3A_67, %concatenate3A, %concatenate3A_68, %broadcast_in_dim3A_73 in 1 : vector<4x4xf32>, vector<4x4xf32>, vector<4x16xf32>, vector<4x4xf32>, vector<4x100xf32> -> vector<4x128xf32>
    %broadcast_in_dim3A_75 = arith.constant 0.000000e+00 : f32
    %broadcast_in_dim3A_76 = vector.broadcast %broadcast_in_dim3A_75 : f32 to vector<4x128xf32>
    %concatenate3A_77 = tpu.concatenate %concatenate3A_74, %broadcast_in_dim3A_76 in 0 : vector<4x128xf32>, vector<4x128xf32> -> vector<8x128xf32>
    %swap3A = arith.constant 0 : index
    %swap3A_78 = arith.constant 0 : index
    %swap3A_79 = vector.load %arg8[%swap3A, %swap3A_78] : memref<8x128xf32, #tpu.memory_space<vmem>>, vector<8x128xf32>
    tpu.vector_store %arg8[%swap3A, %swap3A_78], %concatenate3A_77 {strides = array<i32>} : memref<8x128xf32, #tpu.memory_space<vmem>>, vector<8x128xf32>,
    %get3A_80 = arith.constant 0 : index
    %get3A_81 = arith.constant 0 : index
    %get3A_82 = vector.load %arg5[%get3A_80, %get3A_81] : memref<64x128xf32, #tpu.memory_space<vmem>>, vector<64x128xf32>
    %get3A_83 = arith.constant 0 : index
    %get3A_84 = arith.constant 0 : index
    %get3A_85 = vector.load %arg6[%get3A_83, %get3A_84] : memref<128x64xf32, #tpu.memory_space<vmem>>, vector<128x64xf32>
    %dot_general3A_86 = arith.constant dense<0.000000e+00> : vector<64x64xf32>
    %dot_general3A_87 = tpu.matmul %get3A_82, %get3A_85, %dot_general3A_86 {dimension_numbers = #tpu.dot_dimension_numbers<[1], [0], [0], [1], [0, 0, 1, 1], [], []>, transpose_lhs_hint = false} : vector<64x128xf32>, vector<128x64xf32>, vector<64x64xf32> -> vector<64x64xf32>
    %get3A_88 = arith.constant 0 : index
    %get3A_89 = arith.constant 0 : index
    %get3A_90 = vector.load %arg7[%get3A_88, %get3A_89] : memref<1x64xf32, #tpu.memory_space<vmem>>, vector<1x64xf32>
    %add3A = vector.broadcast %get3A_90 : vector<1x64xf32> to vector<64x64xf32>
    %add3A_91 = arith.addf %dot_general3A_87, %add3A : vector<64x64xf32>
    %swap3A_92 = arith.constant 0 : index
    %swap3A_93 = arith.constant 0 : index
    %swap3A_94 = vector.load %arg9[%swap3A_92, %swap3A_93] : memref<64x64xf32, #tpu.memory_space<vmem>>, vector<64x64xf32>
    tpu.vector_store %arg9[%swap3A_92, %swap3A_93], %add3A_91 {strides = array<i32>} : memref<64x64xf32, #tpu.memory_space<vmem>>, vector<64x64xf32>,
    return
  }
}

module attributes {stable_mosaic.version = 14 : i64} {
  func.func @_nprep_body(%arg0: i32, %arg1: memref<2000x4xf32, #tpu.memory_space<vmem>>, %arg2: memref<8x128xf32, #tpu.memory_space<vmem>>, %arg3: memref<2000x8xf32, #tpu.memory_space<vmem>>, %arg4: memref<2000x16xf32, #tpu.memory_space<vmem>>, %arg5: memref<2000x16xf32, #tpu.memory_space<vmem>>, %arg6: memref<8x128xf32, #tpu.memory_space<vmem>>, %arg7: memref<8x128xf32, #tpu.memory_space<vmem>>) attributes {dimension_semantics = [#tpu.dimension_semantics<arbitrary>], iteration_bounds = array<i64: 25>, scalar_prefetch = 0 : i64, scratch_operands = 1 : i64, tpu.core_type = #tpu.core_type<tc>, window_params = [{transform_indices = @transform_0, window_bounds = array<i64: 2000, 4>}, {pipeline_mode = #tpu.pipeline_mode<synchronous>, transform_indices = @transform_1, window_bounds = array<i64: 8, 128>}, {transform_indices = @transform_2, window_bounds = array<i64: 2000, 8>}, {transform_indices = @transform_3, window_bounds = array<i64: 2000, 16>}, {transform_indices = @transform_4, window_bounds = array<i64: 2000, 16>}, {pipeline_mode = #tpu.pipeline_mode<synchronous>, transform_indices = @transform_5, window_bounds = array<i64: 8, 128>}]} {
    %get3A = arith.constant 0 : index
    %get3A_0 = arith.constant 0 : index
    %get3A_1 = vector.load %arg2[%get3A, %get3A_0] : memref<8x128xf32, #tpu.memory_space<vmem>>, vector<8x128xf32>
    %slice3A = vector.extract_strided_slice %get3A_1 {offsets = [0, 0], sizes = [4, 8], strides = [1, 1]} : vector<8x128xf32> to vector<4x8xf32>
    %slice3A_2 = vector.extract_strided_slice %get3A_1 {offsets = [0, 8], sizes = [4, 32], strides = [1, 1]} : vector<8x128xf32> to vector<4x32xf32>
    %get3A_3 = arith.constant 0 : index
    %get3A_4 = arith.constant 0 : index
    %get3A_5 = vector.load %arg1[%get3A_3, %get3A_4] : memref<2000x4xf32, #tpu.memory_space<vmem>>, vector<2000x4xf32>
    %dot_general3A = arith.constant dense<0.000000e+00> : vector<2000x8xf32>
    %dot_general3A_6 = tpu.matmul %get3A_5, %slice3A, %dot_general3A {dimension_numbers = #tpu.dot_dimension_numbers<[1], [0], [0], [1], [0, 0, 1, 1], [], []>, transpose_lhs_hint = false} : vector<2000x4xf32>, vector<4x8xf32>, vector<2000x8xf32> -> vector<2000x8xf32>
    %swap3A = arith.constant 0 : index
    %swap3A_7 = arith.constant 0 : index
    %swap3A_8 = vector.load %arg3[%swap3A, %swap3A_7] : memref<2000x8xf32, #tpu.memory_space<vmem>>, vector<2000x8xf32>
    tpu.vector_store %arg3[%swap3A, %swap3A_7], %dot_general3A_6 {strides = array<i32>} : memref<2000x8xf32, #tpu.memory_space<vmem>>, vector<2000x8xf32>,
    %dot_general3A_9 = arith.constant dense<0.000000e+00> : vector<2000x32xf32>
    %dot_general3A_10 = tpu.matmul %get3A_5, %slice3A_2, %dot_general3A_9 {dimension_numbers = #tpu.dot_dimension_numbers<[1], [0], [0], [1], [0, 0, 1, 1], [], []>, transpose_lhs_hint = false} : vector<2000x4xf32>, vector<4x32xf32>, vector<2000x32xf32> -> vector<2000x32xf32>
    %slice3A_11 = vector.extract_strided_slice %dot_general3A_10 {offsets = [0, 0], sizes = [2000, 16], strides = [1, 1]} : vector<2000x32xf32> to vector<2000x16xf32>
    %broadcast_in_dim3A = arith.constant 0.000000e+00 : f32
    %broadcast_in_dim3A_12 = vector.broadcast %broadcast_in_dim3A : f32 to vector<2000x6xf32>
    %slice3A_13 = vector.extract_strided_slice %dot_general3A_10 {offsets = [0, 0], sizes = [2000, 8], strides = [1, 1]} : vector<2000x32xf32> to vector<2000x8xf32>
    %slice3A_14 = vector.extract_strided_slice %dot_general3A_10 {offsets = [0, 16], sizes = [2000, 2], strides = [1, 1]} : vector<2000x32xf32> to vector<2000x2xf32>
    %concatenate3A = tpu.concatenate %slice3A_13, %slice3A_14, %broadcast_in_dim3A_12 in 1 : vector<2000x8xf32>, vector<2000x2xf32>, vector<2000x6xf32> -> vector<2000x16xf32>
    %swap3A_15 = arith.constant 0 : index
    %swap3A_16 = arith.constant 0 : index
    %swap3A_17 = vector.load %arg4[%swap3A_15, %swap3A_16] : memref<2000x16xf32, #tpu.memory_space<vmem>>, vector<2000x16xf32>
    tpu.vector_store %arg4[%swap3A_15, %swap3A_16], %concatenate3A {strides = array<i32>} : memref<2000x16xf32, #tpu.memory_space<vmem>>, vector<2000x16xf32>,
    %slice3A_18 = vector.extract_strided_slice %dot_general3A_10 {offsets = [0, 8], sizes = [2000, 8], strides = [1, 1]} : vector<2000x32xf32> to vector<2000x8xf32>
    %slice3A_19 = vector.extract_strided_slice %dot_general3A_10 {offsets = [0, 18], sizes = [2000, 2], strides = [1, 1]} : vector<2000x32xf32> to vector<2000x2xf32>
    %concatenate3A_20 = tpu.concatenate %slice3A_18, %slice3A_19, %broadcast_in_dim3A_12 in 1 : vector<2000x8xf32>, vector<2000x2xf32>, vector<2000x6xf32> -> vector<2000x16xf32>
    %swap3A_21 = arith.constant 0 : index
    %swap3A_22 = arith.constant 0 : index
    %swap3A_23 = vector.load %arg5[%swap3A_21, %swap3A_22] : memref<2000x16xf32, #tpu.memory_space<vmem>>, vector<2000x16xf32>
    tpu.vector_store %arg5[%swap3A_21, %swap3A_22], %concatenate3A_20 {strides = array<i32>} : memref<2000x16xf32, #tpu.memory_space<vmem>>, vector<2000x16xf32>,
    %iota3A = tpu.iota {dimensions = array<i32: 0>} : vector<16x4xi32>
    %jit3A = arith.constant 4 : i32
    %div3A = vector.broadcast %jit3A : i32 to vector<16x4xi32>
    %div3A_24 = arith.divsi %iota3A, %div3A : vector<16x4xi32>
    %sign3A = arith.constant 0 : i32
    %sign3A_25 = vector.broadcast %sign3A : i32 to vector<16x4xi32>
    %sign3A_26 = arith.cmpi sgt, %iota3A, %sign3A_25 : vector<16x4xi32>
    %sign3A_27 = arith.extui %sign3A_26 : vector<16x4xi1> to vector<16x4xi32>
    %sign3A_28 = arith.constant 0 : i32
    %sign3A_29 = vector.broadcast %sign3A_28 : i32 to vector<16x4xi32>
    %sign3A_30 = arith.cmpi slt, %iota3A, %sign3A_29 : vector<16x4xi32>
    %sign3A_31 = arith.extui %sign3A_30 : vector<16x4xi1> to vector<16x4xi32>
    %sign3A_32 = arith.subi %sign3A_27, %sign3A_31 : vector<16x4xi32>
    %sign3A_33 = arith.constant 0 : i32
    %sign3A_34 = arith.cmpi sgt, %jit3A, %sign3A_33 : i32
    %sign3A_35 = arith.extui %sign3A_34 : i1 to i32
    %sign3A_36 = arith.constant 0 : i32
    %sign3A_37 = arith.cmpi slt, %jit3A, %sign3A_36 : i32
    %sign3A_38 = arith.extui %sign3A_37 : i1 to i32
    %sign3A_39 = arith.subi %sign3A_35, %sign3A_38 : i32
    %ne3A = vector.broadcast %sign3A_39 : i32 to vector<16x4xi32>
    %ne3A_40 = arith.cmpi ne, %sign3A_32, %ne3A : vector<16x4xi32>
    %rem3A = vector.broadcast %jit3A : i32 to vector<16x4xi32>
    %rem3A_41 = arith.remsi %iota3A, %rem3A : vector<16x4xi32>
    %ne3A_42 = arith.constant 0 : i32
    %ne3A_43 = vector.broadcast %ne3A_42 : i32 to vector<16x4xi32>
    %ne3A_44 = arith.cmpi ne, %rem3A_41, %ne3A_43 : vector<16x4xi32>
    %and3A = arith.andi %ne3A_40, %ne3A_44 : vector<16x4xi1>
    %sub3A = arith.constant 1 : i32
    %sub3A_45 = vector.broadcast %sub3A : i32 to vector<16x4xi32>
    %sub3A_46 = arith.subi %div3A_24, %sub3A_45 : vector<16x4xi32>
    %select_n3A = arith.select %and3A, %sub3A_46, %div3A_24 : vector<16x4xi1>, vector<16x4xi32>
    %iota3A_47 = tpu.iota {dimensions = array<i32: 1>} : vector<16x4xi32>
    %eq3A = arith.cmpi eq, %select_n3A, %iota3A_47 : vector<16x4xi32>
    %jit3A_48 = arith.constant 1.000000e+00 : f32
    %jit3A_49 = arith.constant 0.000000e+00 : f32
    %broadcast_in_dim3A_50 = vector.broadcast %jit3A_48 : f32 to vector<16x4xf32>
    %broadcast_in_dim3A_51 = vector.broadcast %jit3A_49 : f32 to vector<16x4xf32>
    %select_n3A_52 = arith.select %eq3A, %broadcast_in_dim3A_50, %broadcast_in_dim3A_51 : vector<16x4xi1>, vector<16x4xf32>
    %mul3A = arith.mulf %slice3A_11, %slice3A_11 : vector<2000x16xf32>
    %dot_general3A_53 = arith.constant dense<0.000000e+00> : vector<2000x4xf32>
    %dot_general3A_54 = tpu.matmul %mul3A, %select_n3A_52, %dot_general3A_53 {dimension_numbers = #tpu.dot_dimension_numbers<[1], [0], [0], [1], [0, 0, 1, 1], [], []>, transpose_lhs_hint = false} : vector<2000x16xf32>, vector<16x4xf32>, vector<2000x4xf32> -> vector<2000x4xf32>
    %mul3A_55 = arith.mulf %get3A_5, %get3A_5 : vector<2000x4xf32>
    %reduce_sum3A = arith.constant dense<0.000000e+00> : vector<2000xf32>
    %reduce_sum3A_56 = vector.multi_reduction <add>, %mul3A_55, %reduce_sum3A [1] : vector<2000x4xf32> to vector<2000xf32>
    %broadcast_in_dim3A_57 = vector.shape_cast %reduce_sum3A_56 : vector<2000xf32> to vector<2000x1xf32>
    %slice3A_58 = vector.extract_strided_slice %dot_general3A_6 {offsets = [0, 4], sizes = [2000, 4], strides = [1, 1]} : vector<2000x8xf32> to vector<2000x4xf32>
    %slice3A_59 = vector.extract_strided_slice %dot_general3A_10 {offsets = [0, 16], sizes = [2000, 4], strides = [1, 1]} : vector<2000x32xf32> to vector<2000x4xf32>
    %reduce_max3A = arith.constant dense<0xFF800000> : vector<4xf32>
    %reduce_max3A_60 = vector.multi_reduction <maximumf>, %dot_general3A_54, %reduce_max3A [0] : vector<2000x4xf32> to vector<4xf32>
    %broadcast_in_dim3A_61 = vector.shape_cast %reduce_max3A_60 : vector<4xf32> to vector<1x4xf32>
    %reduce_max3A_62 = arith.constant dense<0xFF800000> : vector<1xf32>
    %reduce_max3A_63 = vector.multi_reduction <maximumf>, %broadcast_in_dim3A_57, %reduce_max3A_62 [0] : vector<2000x1xf32> to vector<1xf32>
    %broadcast_in_dim3A_64 = vector.shape_cast %reduce_max3A_63 : vector<1xf32> to vector<1x1xf32>
    %reduce_max3A_65 = arith.constant dense<0xFF800000> : vector<4xf32>
    %reduce_max3A_66 = vector.multi_reduction <maximumf>, %slice3A_58, %reduce_max3A_65 [0] : vector<2000x4xf32> to vector<4xf32>
    %broadcast_in_dim3A_67 = vector.shape_cast %reduce_max3A_66 : vector<4xf32> to vector<1x4xf32>
    %reduce_max3A_68 = arith.constant dense<0xFF800000> : vector<4xf32>
    %reduce_max3A_69 = vector.multi_reduction <maximumf>, %slice3A_59, %reduce_max3A_68 [0] : vector<2000x4xf32> to vector<4xf32>
    %broadcast_in_dim3A_70 = vector.shape_cast %reduce_max3A_69 : vector<4xf32> to vector<1x4xf32>
    %broadcast_in_dim3A_71 = vector.shape_cast %broadcast_in_dim3A_64 : vector<1x1xf32> to vector<1x1xf32>
    %broadcast_in_dim3A_72 = vector.broadcast %broadcast_in_dim3A_71 : vector<1x1xf32> to vector<1x4xf32>
    %broadcast_in_dim3A_73 = arith.constant 0xFF800000 : f32
    %broadcast_in_dim3A_74 = vector.broadcast %broadcast_in_dim3A_73 : f32 to vector<1x112xf32>
    %concatenate3A_75 = tpu.concatenate %broadcast_in_dim3A_61, %broadcast_in_dim3A_72, %broadcast_in_dim3A_67, %broadcast_in_dim3A_70, %broadcast_in_dim3A_74 in 1 : vector<1x4xf32>, vector<1x4xf32>, vector<1x4xf32>, vector<1x4xf32>, vector<1x112xf32> -> vector<1x128xf32>
    %broadcast_in_dim3A_76 = vector.shape_cast %concatenate3A_75 : vector<1x128xf32> to vector<1x128xf32>
    %broadcast_in_dim3A_77 = vector.broadcast %broadcast_in_dim3A_76 : vector<1x128xf32> to vector<8x128xf32>
    %eq3A_78 = arith.constant 0 : i32
    %eq3A_79 = arith.cmpi eq, %arg0, %eq3A_78 : i32
    %convert_element_type3A = arith.extui %eq3A_79 : i1 to i32
    %cond3A = arith.constant 0 : i32
    %cond3A_80 = arith.cmpi ne, %convert_element_type3A, %cond3A : i32
    scf.if %cond3A_80 {
      %swap3A_114 = arith.constant 0 : index
      %swap3A_115 = arith.constant 0 : index
      %swap3A_116 = vector.load %arg7[%swap3A_114, %swap3A_115] : memref<8x128xf32, #tpu.memory_space<vmem>>, vector<8x128xf32>
      tpu.vector_store %arg7[%swap3A_114, %swap3A_115], %broadcast_in_dim3A_77 {strides = array<i32>} : memref<8x128xf32, #tpu.memory_space<vmem>>, vector<8x128xf32>,
    } else {
    }
    %gt3A = arith.constant 0 : i32
    %gt3A_81 = arith.cmpi sgt, %arg0, %gt3A : i32
    %convert_element_type3A_82 = arith.extui %gt3A_81 : i1 to i32
    %cond3A_83 = arith.constant 0 : i32
    %cond3A_84 = arith.cmpi ne, %convert_element_type3A_82, %cond3A_83 : i32
    scf.if %cond3A_84 {
      %get3A_114 = arith.constant 0 : index
      %get3A_115 = arith.constant 0 : index
      %get3A_116 = vector.load %arg7[%get3A_114, %get3A_115] : memref<8x128xf32, #tpu.memory_space<vmem>>, vector<8x128xf32>
      %max3A_117 = arith.maximumf %get3A_116, %broadcast_in_dim3A_77 : vector<8x128xf32>
      %swap3A_118 = arith.constant 0 : index
      %swap3A_119 = arith.constant 0 : index
      %swap3A_120 = vector.load %arg7[%swap3A_118, %swap3A_119] : memref<8x128xf32, #tpu.memory_space<vmem>>, vector<8x128xf32>
      tpu.vector_store %arg7[%swap3A_118, %swap3A_119], %max3A_117 {strides = array<i32>} : memref<8x128xf32, #tpu.memory_space<vmem>>, vector<8x128xf32>,
    } else {
    }
    %get3A_85 = arith.constant 0 : index
    %get3A_86 = arith.constant 0 : index
    %get3A_87 = vector.load %arg7[%get3A_85, %get3A_86] : memref<8x128xf32, #tpu.memory_space<vmem>>, vector<8x128xf32>
    %slice3A_88 = vector.extract_strided_slice %get3A_87 {offsets = [0, 0], sizes = [8, 4], strides = [1, 1]} : vector<8x128xf32> to vector<8x4xf32>
    %max3A = arith.constant 0.000000e+00 : f32
    %max3A_89 = vector.broadcast %max3A : f32 to vector<8x4xf32>
    %max3A_90 = arith.maximumf %slice3A_88, %max3A_89 : vector<8x4xf32>
    %sqrt3A = math.sqrt %max3A_90 : vector<8x4xf32>
    %slice3A_91 = vector.extract_strided_slice %get3A_87 {offsets = [0, 4], sizes = [8, 4], strides = [1, 1]} : vector<8x128xf32> to vector<8x4xf32>
    %max3A_92 = arith.constant 0.000000e+00 : f32
    %max3A_93 = vector.broadcast %max3A_92 : f32 to vector<8x4xf32>
    %max3A_94 = arith.maximumf %slice3A_91, %max3A_93 : vector<8x4xf32>
    %sqrt3A_95 = math.sqrt %max3A_94 : vector<8x4xf32>
    %mul3A_96 = arith.mulf %sqrt3A, %sqrt3A_95 : vector<8x4xf32>
    %slice3A_97 = vector.extract_strided_slice %get3A_87 {offsets = [0, 8], sizes = [8, 4], strides = [1, 1]} : vector<8x128xf32> to vector<8x4xf32>
    %slice3A_98 = vector.extract_strided_slice %get3A_87 {offsets = [0, 12], sizes = [8, 4], strides = [1, 1]} : vector<8x128xf32> to vector<8x4xf32>
    %add3A = arith.addf %slice3A_97, %slice3A_98 : vector<8x4xf32>
    %max3A_99 = arith.constant 0.000000e+00 : f32
    %max3A_100 = vector.broadcast %max3A_99 : f32 to vector<8x4xf32>
    %max3A_101 = arith.maximumf %add3A, %max3A_100 : vector<8x4xf32>
    %min3A = arith.constant 0.000000e+00 : f32
    %min3A_102 = vector.broadcast %min3A : f32 to vector<8x4xf32>
    %min3A_103 = arith.minimumf %add3A, %min3A_102 : vector<8x4xf32>
    %mul3A_104 = arith.constant 2.000000e-01 : f32
    %mul3A_105 = vector.broadcast %mul3A_104 : f32 to vector<8x4xf32>
    %mul3A_106 = arith.mulf %mul3A_105, %min3A_103 : vector<8x4xf32>
    %add3A_107 = arith.addf %max3A_101, %mul3A_106 : vector<8x4xf32>
    %broadcast_in_dim3A_108 = arith.constant 0.000000e+00 : f32
    %broadcast_in_dim3A_109 = vector.broadcast %broadcast_in_dim3A_108 : f32 to vector<8x120xf32>
    %concatenate3A_110 = tpu.concatenate %mul3A_96, %add3A_107, %broadcast_in_dim3A_109 in 1 : vector<8x4xf32>, vector<8x4xf32>, vector<8x120xf32> -> vector<8x128xf32>
    %swap3A_111 = arith.constant 0 : index
    %swap3A_112 = arith.constant 0 : index
    %swap3A_113 = vector.load %arg6[%swap3A_111, %swap3A_112] : memref<8x128xf32, #tpu.memory_space<vmem>>, vector<8x128xf32>
    tpu.vector_store %arg6[%swap3A_111, %swap3A_112], %concatenate3A_110 {strides = array<i32>} : memref<8x128xf32, #tpu.memory_space<vmem>>, vector<8x128xf32>,
    return
  }
  func.func @transform_0(%arg0: i32) -> (i32, i32) {
    %c0_i32 = arith.constant 0 : i32
    %c0_i32_0 = arith.constant 0 : i32
    return %arg0, %c0_i32 : i32, i32
  }
  func.func @transform_1(%arg0: i32) -> (i32, i32) {
    %c0_i32 = arith.constant 0 : i32
    %c0_i32_0 = arith.constant 0 : i32
    %c0_i32_1 = arith.constant 0 : i32
    return %c0_i32, %c0_i32_0 : i32, i32
  }
  func.func @transform_2(%arg0: i32) -> (i32, i32) {
    %c0_i32 = arith.constant 0 : i32
    %c0_i32_0 = arith.constant 0 : i32
    return %arg0, %c0_i32 : i32, i32
  }
  func.func @transform_3(%arg0: i32) -> (i32, i32) {
    %c0_i32 = arith.constant 0 : i32
    %c0_i32_0 = arith.constant 0 : i32
    return %arg0, %c0_i32 : i32, i32
  }
  func.func @transform_4(%arg0: i32) -> (i32, i32) {
    %c0_i32 = arith.constant 0 : i32
    %c0_i32_0 = arith.constant 0 : i32
    return %arg0, %c0_i32 : i32, i32
  }
  func.func @transform_5(%arg0: i32) -> (i32, i32) {
    %c0_i32 = arith.constant 0 : i32
    %c0_i32_0 = arith.constant 0 : i32
    %c0_i32_1 = arith.constant 0 : i32
    return %c0_i32, %c0_i32_0 : i32, i32
  }
}

module attributes {stable_mosaic.version = 14 : i64} {
  func.func @_final_body(%arg0: i32, %arg1: memref<2000x24xf32, #tpu.memory_space<vmem>>, %arg2: memref<2000x24xf32, #tpu.memory_space<vmem>>, %arg3: memref<2000x24xf32, #tpu.memory_space<vmem>>, %arg4: memref<2000x24xf32, #tpu.memory_space<vmem>>, %arg5: memref<2000x4xf32, #tpu.memory_space<vmem>>, %arg6: memref<64x64xf32, #tpu.memory_space<vmem>>, %arg7: memref<4x64xf32, #tpu.memory_space<vmem>>, %arg8: memref<4x64xf32, #tpu.memory_space<vmem>>, %arg9: memref<4x64xf32, #tpu.memory_space<vmem>>, %arg10: memref<2000x64xf32, #tpu.memory_space<vmem>>, %arg11: memref<8x64xf32, #tpu.memory_space<vmem>>, %arg12: memref<8x64xf32, #tpu.memory_space<vmem>>, %arg13: memref<8x64xf32, #tpu.memory_space<vmem>>, %arg14: memref<8x64xf32, #tpu.memory_space<vmem>>) attributes {dimension_semantics = [#tpu.dimension_semantics<arbitrary>], iteration_bounds = array<i64: 25>, scalar_prefetch = 0 : i64, scratch_operands = 2 : i64, tpu.core_type = #tpu.core_type<tc>, window_params = [{transform_indices = @transform_0, window_bounds = array<i64: 2000, 24>}, {transform_indices = @transform_1, window_bounds = array<i64: 2000, 24>}, {transform_indices = @transform_2, window_bounds = array<i64: 2000, 24>}, {transform_indices = @transform_3, window_bounds = array<i64: 2000, 24>}, {transform_indices = @transform_4, window_bounds = array<i64: 2000, 4>}, {pipeline_mode = #tpu.pipeline_mode<synchronous>, transform_indices = @transform_5, window_bounds = array<i64: 64, 64>}, {pipeline_mode = #tpu.pipeline_mode<synchronous>, transform_indices = @transform_6, window_bounds = array<i64: 4, 64>}, {pipeline_mode = #tpu.pipeline_mode<synchronous>, transform_indices = @transform_7, window_bounds = array<i64: 4, 64>}, {pipeline_mode = #tpu.pipeline_mode<synchronous>, transform_indices = @transform_8, window_bounds = array<i64: 4, 64>}, {transform_indices = @transform_9, window_bounds = array<i64: 2000, 64>}, {pipeline_mode = #tpu.pipeline_mode<synchronous>, transform_indices = @transform_10, window_bounds = array<i64: 8, 64>}, {pipeline_mode = #tpu.pipeline_mode<synchronous>, transform_indices = @transform_11, window_bounds = array<i64: 8, 64>}]} {
    %get3A = arith.constant 0 : index
    %get3A_0 = arith.constant 0 : index
    %get3A_1 = vector.load %arg1[%get3A, %get3A_0] : memref<2000x24xf32, #tpu.memory_space<vmem>>, vector<2000x24xf32>
    %get3A_2 = arith.constant 0 : index
    %get3A_3 = arith.constant 0 : index
    %get3A_4 = vector.load %arg2[%get3A_2, %get3A_3] : memref<2000x24xf32, #tpu.memory_space<vmem>>, vector<2000x24xf32>
    %add3A = arith.addf %get3A_1, %get3A_4 : vector<2000x24xf32>
    %get3A_5 = arith.constant 0 : index
    %get3A_6 = arith.constant 0 : index
    %get3A_7 = vector.load %arg3[%get3A_5, %get3A_6] : memref<2000x24xf32, #tpu.memory_space<vmem>>, vector<2000x24xf32>
    %get3A_8 = arith.constant 0 : index
    %get3A_9 = arith.constant 0 : index
    %get3A_10 = vector.load %arg4[%get3A_8, %get3A_9] : memref<2000x24xf32, #tpu.memory_space<vmem>>, vector<2000x24xf32>
    %add3A_11 = arith.addf %get3A_7, %get3A_10 : vector<2000x24xf32>
    %iota3A = tpu.iota {dimensions = array<i32: 0>} : vector<24x64xi32>
    %iota3A_12 = tpu.iota {dimensions = array<i32: 1>} : vector<24x64xi32>
    %iota3A_13 = tpu.iota {dimensions = array<i32: 0>} : vector<24x4xi32>
    %iota3A_14 = tpu.iota {dimensions = array<i32: 1>} : vector<24x4xi32>
    %jit3A = arith.constant 4 : i32
    %eq3A = arith.constant 0 : i32
    %eq3A_15 = arith.cmpi eq, %jit3A, %eq3A : i32
    %jit3A_16 = arith.constant 1 : i32
    %select_n3A = arith.select %eq3A_15, %jit3A_16, %jit3A : i32
    %rem3A = vector.broadcast %select_n3A : i32 to vector<24x4xi32>
    %rem3A_17 = arith.remsi %iota3A_13, %rem3A : vector<24x4xi32>
    %ne3A = arith.constant 0 : i32
    %ne3A_18 = vector.broadcast %ne3A : i32 to vector<24x4xi32>
    %ne3A_19 = arith.cmpi ne, %rem3A_17, %ne3A_18 : vector<24x4xi32>
    %lt3A = arith.constant 0 : i32
    %lt3A_20 = vector.broadcast %lt3A : i32 to vector<24x4xi32>
    %lt3A_21 = arith.cmpi slt, %rem3A_17, %lt3A_20 : vector<24x4xi32>
    %lt3A_22 = arith.constant 0 : i32
    %lt3A_23 = arith.cmpi slt, %select_n3A, %lt3A_22 : i32
    %ne3A_24 = vector.broadcast %lt3A_23 : i1 to vector<24x4xi1>
    %ne3A_25 = vector.broadcast %ne3A_24 : vector<24x4xi1> to vector<24x4xi1>
    %ne3A_26 = arith.xori %lt3A_21, %ne3A_25 : vector<24x4xi1>
    %and3A = arith.andi %ne3A_26, %ne3A_19 : vector<24x4xi1>
    %add3A_27 = vector.broadcast %select_n3A : i32 to vector<24x4xi32>
    %add3A_28 = arith.addi %rem3A_17, %add3A_27 : vector<24x4xi32>
    %select_n3A_29 = arith.select %and3A, %add3A_28, %rem3A_17 : vector<24x4xi1>, vector<24x4xi32>
    %eq3A_30 = arith.cmpi eq, %select_n3A_29, %iota3A_14 : vector<24x4xi32>
    %jit3A_31 = arith.constant 1.000000e+00 : f32
    %jit3A_32 = arith.constant 0.000000e+00 : f32
    %broadcast_in_dim3A = vector.broadcast %jit3A_31 : f32 to vector<24x4xf32>
    %broadcast_in_dim3A_33 = vector.broadcast %jit3A_32 : f32 to vector<24x4xf32>
    %select_n3A_34 = arith.select %eq3A_30, %broadcast_in_dim3A, %broadcast_in_dim3A_33 : vector<24x4xi1>, vector<24x4xf32>
    %get3A_35 = arith.constant 0 : index
    %get3A_36 = arith.constant 0 : index
    %get3A_37 = vector.load %arg7[%get3A_35, %get3A_36] : memref<4x64xf32, #tpu.memory_space<vmem>>, vector<4x64xf32>
    %dot_general3A = arith.constant dense<0.000000e+00> : vector<24x64xf32>
    %dot_general3A_38 = tpu.matmul %select_n3A_34, %get3A_37, %dot_general3A {dimension_numbers = #tpu.dot_dimension_numbers<[1], [0], [0], [1], [0, 0, 1, 1], [], []>, transpose_lhs_hint = false} : vector<24x4xf32>, vector<4x64xf32>, vector<24x64xf32> -> vector<24x64xf32>
    %get3A_39 = arith.constant 0 : index
    %get3A_40 = arith.constant 0 : index
    %get3A_41 = vector.load %arg8[%get3A_39, %get3A_40] : memref<4x64xf32, #tpu.memory_space<vmem>>, vector<4x64xf32>
    %dot_general3A_42 = arith.constant dense<0.000000e+00> : vector<24x64xf32>
    %dot_general3A_43 = tpu.matmul %select_n3A_34, %get3A_41, %dot_general3A_42 {dimension_numbers = #tpu.dot_dimension_numbers<[1], [0], [0], [1], [0, 0, 1, 1], [], []>, transpose_lhs_hint = false} : vector<24x4xf32>, vector<4x64xf32>, vector<24x64xf32> -> vector<24x64xf32>
    %jit3A_44 = arith.constant 16 : i32
    %div3A = vector.broadcast %jit3A_44 : i32 to vector<24x64xi32>
    %div3A_45 = arith.divsi %iota3A_12, %div3A : vector<24x64xi32>
    %sign3A = arith.constant 0 : i32
    %sign3A_46 = vector.broadcast %sign3A : i32 to vector<24x64xi32>
    %sign3A_47 = arith.cmpi sgt, %iota3A_12, %sign3A_46 : vector<24x64xi32>
    %sign3A_48 = arith.extui %sign3A_47 : vector<24x64xi1> to vector<24x64xi32>
    %sign3A_49 = arith.constant 0 : i32
    %sign3A_50 = vector.broadcast %sign3A_49 : i32 to vector<24x64xi32>
    %sign3A_51 = arith.cmpi slt, %iota3A_12, %sign3A_50 : vector<24x64xi32>
    %sign3A_52 = arith.extui %sign3A_51 : vector<24x64xi1> to vector<24x64xi32>
    %sign3A_53 = arith.subi %sign3A_48, %sign3A_52 : vector<24x64xi32>
    %sign3A_54 = arith.constant 0 : i32
    %sign3A_55 = arith.cmpi sgt, %jit3A_44, %sign3A_54 : i32
    %sign3A_56 = arith.extui %sign3A_55 : i1 to i32
    %sign3A_57 = arith.constant 0 : i32
    %sign3A_58 = arith.cmpi slt, %jit3A_44, %sign3A_57 : i32
    %sign3A_59 = arith.extui %sign3A_58 : i1 to i32
    %sign3A_60 = arith.subi %sign3A_56, %sign3A_59 : i32
    %ne3A_61 = vector.broadcast %sign3A_60 : i32 to vector<24x64xi32>
    %ne3A_62 = arith.cmpi ne, %sign3A_53, %ne3A_61 : vector<24x64xi32>
    %rem3A_63 = vector.broadcast %jit3A_44 : i32 to vector<24x64xi32>
    %rem3A_64 = arith.remsi %iota3A_12, %rem3A_63 : vector<24x64xi32>
    %ne3A_65 = arith.constant 0 : i32
    %ne3A_66 = vector.broadcast %ne3A_65 : i32 to vector<24x64xi32>
    %ne3A_67 = arith.cmpi ne, %rem3A_64, %ne3A_66 : vector<24x64xi32>
    %and3A_68 = arith.andi %ne3A_62, %ne3A_67 : vector<24x64xi1>
    %sub3A = arith.constant 1 : i32
    %sub3A_69 = vector.broadcast %sub3A : i32 to vector<24x64xi32>
    %sub3A_70 = arith.subi %div3A_45, %sub3A_69 : vector<24x64xi32>
    %select_n3A_71 = arith.select %and3A_68, %sub3A_70, %div3A_45 : vector<24x64xi1>, vector<24x64xi32>
    %lt3A_72 = arith.constant 8 : i32
    %lt3A_73 = vector.broadcast %lt3A_72 : i32 to vector<24x64xi32>
    %lt3A_74 = arith.cmpi slt, %iota3A, %lt3A_73 : vector<24x64xi32>
    %jit3A_75 = arith.constant 4 : i32
    %div3A_76 = vector.broadcast %jit3A_75 : i32 to vector<24x64xi32>
    %div3A_77 = arith.divsi %iota3A, %div3A_76 : vector<24x64xi32>
    %sign3A_78 = arith.constant 0 : i32
    %sign3A_79 = vector.broadcast %sign3A_78 : i32 to vector<24x64xi32>
    %sign3A_80 = arith.cmpi sgt, %iota3A, %sign3A_79 : vector<24x64xi32>
    %sign3A_81 = arith.extui %sign3A_80 : vector<24x64xi1> to vector<24x64xi32>
    %sign3A_82 = arith.constant 0 : i32
    %sign3A_83 = vector.broadcast %sign3A_82 : i32 to vector<24x64xi32>
    %sign3A_84 = arith.cmpi slt, %iota3A, %sign3A_83 : vector<24x64xi32>
    %sign3A_85 = arith.extui %sign3A_84 : vector<24x64xi1> to vector<24x64xi32>
    %sign3A_86 = arith.subi %sign3A_81, %sign3A_85 : vector<24x64xi32>
    %sign3A_87 = arith.constant 0 : i32
    %sign3A_88 = arith.cmpi sgt, %jit3A_75, %sign3A_87 : i32
    %sign3A_89 = arith.extui %sign3A_88 : i1 to i32
    %sign3A_90 = arith.constant 0 : i32
    %sign3A_91 = arith.cmpi slt, %jit3A_75, %sign3A_90 : i32
    %sign3A_92 = arith.extui %sign3A_91 : i1 to i32
    %sign3A_93 = arith.subi %sign3A_89, %sign3A_92 : i32
    %ne3A_94 = vector.broadcast %sign3A_93 : i32 to vector<24x64xi32>
    %ne3A_95 = arith.cmpi ne, %sign3A_86, %ne3A_94 : vector<24x64xi32>
    %rem3A_96 = vector.broadcast %jit3A_75 : i32 to vector<24x64xi32>
    %rem3A_97 = arith.remsi %iota3A, %rem3A_96 : vector<24x64xi32>
    %ne3A_98 = arith.constant 0 : i32
    %ne3A_99 = vector.broadcast %ne3A_98 : i32 to vector<24x64xi32>
    %ne3A_100 = arith.cmpi ne, %rem3A_97, %ne3A_99 : vector<24x64xi32>
    %and3A_101 = arith.andi %ne3A_95, %ne3A_100 : vector<24x64xi1>
    %sub3A_102 = arith.constant 1 : i32
    %sub3A_103 = vector.broadcast %sub3A_102 : i32 to vector<24x64xi32>
    %sub3A_104 = arith.subi %div3A_77, %sub3A_103 : vector<24x64xi32>
    %select_n3A_105 = arith.select %and3A_101, %sub3A_104, %div3A_77 : vector<24x64xi1>, vector<24x64xi32>
    %eq3A_106 = arith.cmpi eq, %select_n3A_71, %select_n3A_105 : vector<24x64xi32>
    %and3A_107 = arith.andi %lt3A_74, %eq3A_106 : vector<24x64xi1>
    %jit3A_108 = arith.constant 1.000000e+00 : f32
    %jit3A_109 = arith.constant 0.000000e+00 : f32
    %broadcast_in_dim3A_110 = vector.broadcast %jit3A_108 : f32 to vector<24x64xf32>
    %broadcast_in_dim3A_111 = vector.broadcast %jit3A_109 : f32 to vector<24x64xf32>
    %select_n3A_112 = arith.select %and3A_107, %broadcast_in_dim3A_110, %broadcast_in_dim3A_111 : vector<24x64xi1>, vector<24x64xf32>
    %lt3A_113 = arith.constant 8 : i32
    %lt3A_114 = vector.broadcast %lt3A_113 : i32 to vector<24x64xi32>
    %lt3A_115 = arith.cmpi slt, %iota3A, %lt3A_114 : vector<24x64xi32>
    %jit3A_116 = arith.constant 4 : i32
    %div3A_117 = vector.broadcast %jit3A_116 : i32 to vector<24x64xi32>
    %div3A_118 = arith.divsi %iota3A, %div3A_117 : vector<24x64xi32>
    %sign3A_119 = arith.constant 0 : i32
    %sign3A_120 = vector.broadcast %sign3A_119 : i32 to vector<24x64xi32>
    %sign3A_121 = arith.cmpi sgt, %iota3A, %sign3A_120 : vector<24x64xi32>
    %sign3A_122 = arith.extui %sign3A_121 : vector<24x64xi1> to vector<24x64xi32>
    %sign3A_123 = arith.constant 0 : i32
    %sign3A_124 = vector.broadcast %sign3A_123 : i32 to vector<24x64xi32>
    %sign3A_125 = arith.cmpi slt, %iota3A, %sign3A_124 : vector<24x64xi32>
    %sign3A_126 = arith.extui %sign3A_125 : vector<24x64xi1> to vector<24x64xi32>
    %sign3A_127 = arith.subi %sign3A_122, %sign3A_126 : vector<24x64xi32>
    %sign3A_128 = arith.constant 0 : i32
    %sign3A_129 = arith.cmpi sgt, %jit3A_116, %sign3A_128 : i32
    %sign3A_130 = arith.extui %sign3A_129 : i1 to i32
    %sign3A_131 = arith.constant 0 : i32
    %sign3A_132 = arith.cmpi slt, %jit3A_116, %sign3A_131 : i32
    %sign3A_133 = arith.extui %sign3A_132 : i1 to i32
    %sign3A_134 = arith.subi %sign3A_130, %sign3A_133 : i32
    %ne3A_135 = vector.broadcast %sign3A_134 : i32 to vector<24x64xi32>
    %ne3A_136 = arith.cmpi ne, %sign3A_127, %ne3A_135 : vector<24x64xi32>
    %rem3A_137 = vector.broadcast %jit3A_116 : i32 to vector<24x64xi32>
    %rem3A_138 = arith.remsi %iota3A, %rem3A_137 : vector<24x64xi32>
    %ne3A_139 = arith.constant 0 : i32
    %ne3A_140 = vector.broadcast %ne3A_139 : i32 to vector<24x64xi32>
    %ne3A_141 = arith.cmpi ne, %rem3A_138, %ne3A_140 : vector<24x64xi32>
    %and3A_142 = arith.andi %ne3A_136, %ne3A_141 : vector<24x64xi1>
    %sub3A_143 = arith.constant 1 : i32
    %sub3A_144 = vector.broadcast %sub3A_143 : i32 to vector<24x64xi32>
    %sub3A_145 = arith.subi %div3A_118, %sub3A_144 : vector<24x64xi32>
    %select_n3A_146 = arith.select %and3A_142, %sub3A_145, %div3A_118 : vector<24x64xi1>, vector<24x64xi32>
    %add3A_147 = arith.constant 2 : i32
    %add3A_148 = vector.broadcast %add3A_147 : i32 to vector<24x64xi32>
    %add3A_149 = arith.addi %select_n3A_146, %add3A_148 : vector<24x64xi32>
    %eq3A_150 = arith.cmpi eq, %select_n3A_71, %add3A_149 : vector<24x64xi32>
    %and3A_151 = arith.andi %lt3A_115, %eq3A_150 : vector<24x64xi1>
    %jit3A_152 = arith.constant 1.000000e+00 : f32
    %jit3A_153 = arith.constant 0.000000e+00 : f32
    %broadcast_in_dim3A_154 = vector.broadcast %jit3A_152 : f32 to vector<24x64xf32>
    %broadcast_in_dim3A_155 = vector.broadcast %jit3A_153 : f32 to vector<24x64xf32>
    %select_n3A_156 = arith.select %and3A_151, %broadcast_in_dim3A_154, %broadcast_in_dim3A_155 : vector<24x64xi1>, vector<24x64xf32>
    %ge3A = arith.constant 8 : i32
    %ge3A_157 = vector.broadcast %ge3A : i32 to vector<24x64xi32>
    %ge3A_158 = arith.cmpi sge, %iota3A, %ge3A_157 : vector<24x64xi32>
    %lt3A_159 = arith.constant 16 : i32
    %lt3A_160 = vector.broadcast %lt3A_159 : i32 to vector<24x64xi32>
    %lt3A_161 = arith.cmpi slt, %iota3A, %lt3A_160 : vector<24x64xi32>
    %and3A_162 = arith.andi %ge3A_158, %lt3A_161 : vector<24x64xi1>
    %sub3A_163 = arith.constant 8 : i32
    %sub3A_164 = vector.broadcast %sub3A_163 : i32 to vector<24x64xi32>
    %sub3A_165 = arith.subi %iota3A, %sub3A_164 : vector<24x64xi32>
    %jit3A_166 = arith.constant 4 : i32
    %div3A_167 = vector.broadcast %jit3A_166 : i32 to vector<24x64xi32>
    %div3A_168 = arith.divsi %sub3A_165, %div3A_167 : vector<24x64xi32>
    %sign3A_169 = arith.constant 0 : i32
    %sign3A_170 = vector.broadcast %sign3A_169 : i32 to vector<24x64xi32>
    %sign3A_171 = arith.cmpi sgt, %sub3A_165, %sign3A_170 : vector<24x64xi32>
    %sign3A_172 = arith.extui %sign3A_171 : vector<24x64xi1> to vector<24x64xi32>
    %sign3A_173 = arith.constant 0 : i32
    %sign3A_174 = vector.broadcast %sign3A_173 : i32 to vector<24x64xi32>
    %sign3A_175 = arith.cmpi slt, %sub3A_165, %sign3A_174 : vector<24x64xi32>
    %sign3A_176 = arith.extui %sign3A_175 : vector<24x64xi1> to vector<24x64xi32>
    %sign3A_177 = arith.subi %sign3A_172, %sign3A_176 : vector<24x64xi32>
    %sign3A_178 = arith.constant 0 : i32
    %sign3A_179 = arith.cmpi sgt, %jit3A_166, %sign3A_178 : i32
    %sign3A_180 = arith.extui %sign3A_179 : i1 to i32
    %sign3A_181 = arith.constant 0 : i32
    %sign3A_182 = arith.cmpi slt, %jit3A_166, %sign3A_181 : i32
    %sign3A_183 = arith.extui %sign3A_182 : i1 to i32
    %sign3A_184 = arith.subi %sign3A_180, %sign3A_183 : i32
    %ne3A_185 = vector.broadcast %sign3A_184 : i32 to vector<24x64xi32>
    %ne3A_186 = arith.cmpi ne, %sign3A_177, %ne3A_185 : vector<24x64xi32>
    %rem3A_187 = vector.broadcast %jit3A_166 : i32 to vector<24x64xi32>
    %rem3A_188 = arith.remsi %sub3A_165, %rem3A_187 : vector<24x64xi32>
    %ne3A_189 = arith.constant 0 : i32
    %ne3A_190 = vector.broadcast %ne3A_189 : i32 to vector<24x64xi32>
    %ne3A_191 = arith.cmpi ne, %rem3A_188, %ne3A_190 : vector<24x64xi32>
    %and3A_192 = arith.andi %ne3A_186, %ne3A_191 : vector<24x64xi1>
    %sub3A_193 = arith.constant 1 : i32
    %sub3A_194 = vector.broadcast %sub3A_193 : i32 to vector<24x64xi32>
    %sub3A_195 = arith.subi %div3A_168, %sub3A_194 : vector<24x64xi32>
    %select_n3A_196 = arith.select %and3A_192, %sub3A_195, %div3A_168 : vector<24x64xi1>, vector<24x64xi32>
    %eq3A_197 = arith.cmpi eq, %select_n3A_71, %select_n3A_196 : vector<24x64xi32>
    %and3A_198 = arith.andi %and3A_162, %eq3A_197 : vector<24x64xi1>
    %jit3A_199 = arith.constant 1.000000e+00 : f32
    %jit3A_200 = arith.constant 0.000000e+00 : f32
    %broadcast_in_dim3A_201 = vector.broadcast %jit3A_199 : f32 to vector<24x64xf32>
    %broadcast_in_dim3A_202 = vector.broadcast %jit3A_200 : f32 to vector<24x64xf32>
    %select_n3A_203 = arith.select %and3A_198, %broadcast_in_dim3A_201, %broadcast_in_dim3A_202 : vector<24x64xi1>, vector<24x64xf32>
    %ge3A_204 = arith.constant 8 : i32
    %ge3A_205 = vector.broadcast %ge3A_204 : i32 to vector<24x64xi32>
    %ge3A_206 = arith.cmpi sge, %iota3A, %ge3A_205 : vector<24x64xi32>
    %lt3A_207 = arith.constant 16 : i32
    %lt3A_208 = vector.broadcast %lt3A_207 : i32 to vector<24x64xi32>
    %lt3A_209 = arith.cmpi slt, %iota3A, %lt3A_208 : vector<24x64xi32>
    %and3A_210 = arith.andi %ge3A_206, %lt3A_209 : vector<24x64xi1>
    %sub3A_211 = arith.constant 8 : i32
    %sub3A_212 = vector.broadcast %sub3A_211 : i32 to vector<24x64xi32>
    %sub3A_213 = arith.subi %iota3A, %sub3A_212 : vector<24x64xi32>
    %jit3A_214 = arith.constant 4 : i32
    %div3A_215 = vector.broadcast %jit3A_214 : i32 to vector<24x64xi32>
    %div3A_216 = arith.divsi %sub3A_213, %div3A_215 : vector<24x64xi32>
    %sign3A_217 = arith.constant 0 : i32
    %sign3A_218 = vector.broadcast %sign3A_217 : i32 to vector<24x64xi32>
    %sign3A_219 = arith.cmpi sgt, %sub3A_213, %sign3A_218 : vector<24x64xi32>
    %sign3A_220 = arith.extui %sign3A_219 : vector<24x64xi1> to vector<24x64xi32>
    %sign3A_221 = arith.constant 0 : i32
    %sign3A_222 = vector.broadcast %sign3A_221 : i32 to vector<24x64xi32>
    %sign3A_223 = arith.cmpi slt, %sub3A_213, %sign3A_222 : vector<24x64xi32>
    %sign3A_224 = arith.extui %sign3A_223 : vector<24x64xi1> to vector<24x64xi32>
    %sign3A_225 = arith.subi %sign3A_220, %sign3A_224 : vector<24x64xi32>
    %sign3A_226 = arith.constant 0 : i32
    %sign3A_227 = arith.cmpi sgt, %jit3A_214, %sign3A_226 : i32
    %sign3A_228 = arith.extui %sign3A_227 : i1 to i32
    %sign3A_229 = arith.constant 0 : i32
    %sign3A_230 = arith.cmpi slt, %jit3A_214, %sign3A_229 : i32
    %sign3A_231 = arith.extui %sign3A_230 : i1 to i32
    %sign3A_232 = arith.subi %sign3A_228, %sign3A_231 : i32
    %ne3A_233 = vector.broadcast %sign3A_232 : i32 to vector<24x64xi32>
    %ne3A_234 = arith.cmpi ne, %sign3A_225, %ne3A_233 : vector<24x64xi32>
    %rem3A_235 = vector.broadcast %jit3A_214 : i32 to vector<24x64xi32>
    %rem3A_236 = arith.remsi %sub3A_213, %rem3A_235 : vector<24x64xi32>
    %ne3A_237 = arith.constant 0 : i32
    %ne3A_238 = vector.broadcast %ne3A_237 : i32 to vector<24x64xi32>
    %ne3A_239 = arith.cmpi ne, %rem3A_236, %ne3A_238 : vector<24x64xi32>
    %and3A_240 = arith.andi %ne3A_234, %ne3A_239 : vector<24x64xi1>
    %sub3A_241 = arith.constant 1 : i32
    %sub3A_242 = vector.broadcast %sub3A_241 : i32 to vector<24x64xi32>
    %sub3A_243 = arith.subi %div3A_216, %sub3A_242 : vector<24x64xi32>
    %select_n3A_244 = arith.select %and3A_240, %sub3A_243, %div3A_216 : vector<24x64xi1>, vector<24x64xi32>
    %add3A_245 = arith.constant 2 : i32
    %add3A_246 = vector.broadcast %add3A_245 : i32 to vector<24x64xi32>
    %add3A_247 = arith.addi %select_n3A_244, %add3A_246 : vector<24x64xi32>
    %eq3A_248 = arith.cmpi eq, %select_n3A_71, %add3A_247 : vector<24x64xi32>
    %and3A_249 = arith.andi %and3A_210, %eq3A_248 : vector<24x64xi1>
    %jit3A_250 = arith.constant 1.000000e+00 : f32
    %jit3A_251 = arith.constant 0.000000e+00 : f32
    %broadcast_in_dim3A_252 = vector.broadcast %jit3A_250 : f32 to vector<24x64xf32>
    %broadcast_in_dim3A_253 = vector.broadcast %jit3A_251 : f32 to vector<24x64xf32>
    %select_n3A_254 = arith.select %and3A_249, %broadcast_in_dim3A_252, %broadcast_in_dim3A_253 : vector<24x64xi1>, vector<24x64xf32>
    %eq3A_255 = arith.constant 16 : i32
    %eq3A_256 = vector.broadcast %eq3A_255 : i32 to vector<24x64xi32>
    %eq3A_257 = arith.cmpi eq, %iota3A, %eq3A_256 : vector<24x64xi32>
    %eq3A_258 = arith.constant 0 : i32
    %eq3A_259 = vector.broadcast %eq3A_258 : i32 to vector<24x64xi32>
    %eq3A_260 = arith.cmpi eq, %select_n3A_71, %eq3A_259 : vector<24x64xi32>
    %and3A_261 = arith.andi %eq3A_257, %eq3A_260 : vector<24x64xi1>
    %eq3A_262 = arith.constant 17 : i32
    %eq3A_263 = vector.broadcast %eq3A_262 : i32 to vector<24x64xi32>
    %eq3A_264 = arith.cmpi eq, %iota3A, %eq3A_263 : vector<24x64xi32>
    %eq3A_265 = arith.constant 1 : i32
    %eq3A_266 = vector.broadcast %eq3A_265 : i32 to vector<24x64xi32>
    %eq3A_267 = arith.cmpi eq, %select_n3A_71, %eq3A_266 : vector<24x64xi32>
    %and3A_268 = arith.andi %eq3A_264, %eq3A_267 : vector<24x64xi1>
    %or3A = arith.ori %and3A_261, %and3A_268 : vector<24x64xi1>
    %jit3A_269 = arith.constant 1.000000e+00 : f32
    %jit3A_270 = arith.constant 0.000000e+00 : f32
    %broadcast_in_dim3A_271 = vector.broadcast %jit3A_269 : f32 to vector<24x64xf32>
    %broadcast_in_dim3A_272 = vector.broadcast %jit3A_270 : f32 to vector<24x64xf32>
    %select_n3A_273 = arith.select %or3A, %broadcast_in_dim3A_271, %broadcast_in_dim3A_272 : vector<24x64xi1>, vector<24x64xf32>
    %eq3A_274 = arith.constant 16 : i32
    %eq3A_275 = vector.broadcast %eq3A_274 : i32 to vector<24x64xi32>
    %eq3A_276 = arith.cmpi eq, %iota3A, %eq3A_275 : vector<24x64xi32>
    %eq3A_277 = arith.constant 2 : i32
    %eq3A_278 = vector.broadcast %eq3A_277 : i32 to vector<24x64xi32>
    %eq3A_279 = arith.cmpi eq, %select_n3A_71, %eq3A_278 : vector<24x64xi32>
    %and3A_280 = arith.andi %eq3A_276, %eq3A_279 : vector<24x64xi1>
    %eq3A_281 = arith.constant 17 : i32
    %eq3A_282 = vector.broadcast %eq3A_281 : i32 to vector<24x64xi32>
    %eq3A_283 = arith.cmpi eq, %iota3A, %eq3A_282 : vector<24x64xi32>
    %eq3A_284 = arith.constant 3 : i32
    %eq3A_285 = vector.broadcast %eq3A_284 : i32 to vector<24x64xi32>
    %eq3A_286 = arith.cmpi eq, %select_n3A_71, %eq3A_285 : vector<24x64xi32>
    %and3A_287 = arith.andi %eq3A_283, %eq3A_286 : vector<24x64xi1>
    %or3A_288 = arith.ori %and3A_280, %and3A_287 : vector<24x64xi1>
    %jit3A_289 = arith.constant 1.000000e+00 : f32
    %jit3A_290 = arith.constant 0.000000e+00 : f32
    %broadcast_in_dim3A_291 = vector.broadcast %jit3A_289 : f32 to vector<24x64xf32>
    %broadcast_in_dim3A_292 = vector.broadcast %jit3A_290 : f32 to vector<24x64xf32>
    %select_n3A_293 = arith.select %or3A_288, %broadcast_in_dim3A_291, %broadcast_in_dim3A_292 : vector<24x64xi1>, vector<24x64xf32>
    %eq3A_294 = arith.constant 18 : i32
    %eq3A_295 = vector.broadcast %eq3A_294 : i32 to vector<24x64xi32>
    %eq3A_296 = arith.cmpi eq, %iota3A, %eq3A_295 : vector<24x64xi32>
    %eq3A_297 = arith.constant 0 : i32
    %eq3A_298 = vector.broadcast %eq3A_297 : i32 to vector<24x64xi32>
    %eq3A_299 = arith.cmpi eq, %select_n3A_71, %eq3A_298 : vector<24x64xi32>
    %and3A_300 = arith.andi %eq3A_296, %eq3A_299 : vector<24x64xi1>
    %eq3A_301 = arith.constant 19 : i32
    %eq3A_302 = vector.broadcast %eq3A_301 : i32 to vector<24x64xi32>
    %eq3A_303 = arith.cmpi eq, %iota3A, %eq3A_302 : vector<24x64xi32>
    %eq3A_304 = arith.constant 1 : i32
    %eq3A_305 = vector.broadcast %eq3A_304 : i32 to vector<24x64xi32>
    %eq3A_306 = arith.cmpi eq, %select_n3A_71, %eq3A_305 : vector<24x64xi32>
    %and3A_307 = arith.andi %eq3A_303, %eq3A_306 : vector<24x64xi1>
    %or3A_308 = arith.ori %and3A_300, %and3A_307 : vector<24x64xi1>
    %jit3A_309 = arith.constant 1.000000e+00 : f32
    %jit3A_310 = arith.constant 0.000000e+00 : f32
    %broadcast_in_dim3A_311 = vector.broadcast %jit3A_309 : f32 to vector<24x64xf32>
    %broadcast_in_dim3A_312 = vector.broadcast %jit3A_310 : f32 to vector<24x64xf32>
    %select_n3A_313 = arith.select %or3A_308, %broadcast_in_dim3A_311, %broadcast_in_dim3A_312 : vector<24x64xi1>, vector<24x64xf32>
    %eq3A_314 = arith.constant 18 : i32
    %eq3A_315 = vector.broadcast %eq3A_314 : i32 to vector<24x64xi32>
    %eq3A_316 = arith.cmpi eq, %iota3A, %eq3A_315 : vector<24x64xi32>
    %eq3A_317 = arith.constant 2 : i32
    %eq3A_318 = vector.broadcast %eq3A_317 : i32 to vector<24x64xi32>
    %eq3A_319 = arith.cmpi eq, %select_n3A_71, %eq3A_318 : vector<24x64xi32>
    %and3A_320 = arith.andi %eq3A_316, %eq3A_319 : vector<24x64xi1>
    %eq3A_321 = arith.constant 19 : i32
    %eq3A_322 = vector.broadcast %eq3A_321 : i32 to vector<24x64xi32>
    %eq3A_323 = arith.cmpi eq, %iota3A, %eq3A_322 : vector<24x64xi32>
    %eq3A_324 = arith.constant 3 : i32
    %eq3A_325 = vector.broadcast %eq3A_324 : i32 to vector<24x64xi32>
    %eq3A_326 = arith.cmpi eq, %select_n3A_71, %eq3A_325 : vector<24x64xi32>
    %and3A_327 = arith.andi %eq3A_323, %eq3A_326 : vector<24x64xi1>
    %or3A_328 = arith.ori %and3A_320, %and3A_327 : vector<24x64xi1>
    %jit3A_329 = arith.constant 1.000000e+00 : f32
    %jit3A_330 = arith.constant 0.000000e+00 : f32
    %broadcast_in_dim3A_331 = vector.broadcast %jit3A_329 : f32 to vector<24x64xf32>
    %broadcast_in_dim3A_332 = vector.broadcast %jit3A_330 : f32 to vector<24x64xf32>
    %select_n3A_333 = arith.select %or3A_328, %broadcast_in_dim3A_331, %broadcast_in_dim3A_332 : vector<24x64xi1>, vector<24x64xf32>
    %mul3A = arith.mulf %dot_general3A_38, %select_n3A_112 : vector<24x64xf32>
    %dot_general3A_334 = arith.constant dense<0.000000e+00> : vector<2000x64xf32>
    %dot_general3A_335 = tpu.matmul %add3A, %mul3A, %dot_general3A_334 {dimension_numbers = #tpu.dot_dimension_numbers<[1], [0], [0], [1], [0, 0, 1, 1], [], []>, transpose_lhs_hint = false} : vector<2000x24xf32>, vector<24x64xf32>, vector<2000x64xf32> -> vector<2000x64xf32>
    %mul3A_336 = arith.mulf %dot_general3A_38, %select_n3A_156 : vector<24x64xf32>
    %dot_general3A_337 = arith.constant dense<0.000000e+00> : vector<2000x64xf32>
    %dot_general3A_338 = tpu.matmul %add3A_11, %mul3A_336, %dot_general3A_337 {dimension_numbers = #tpu.dot_dimension_numbers<[1], [0], [0], [1], [0, 0, 1, 1], [], []>, transpose_lhs_hint = false} : vector<2000x24xf32>, vector<24x64xf32>, vector<2000x64xf32> -> vector<2000x64xf32>
    %add3A_339 = arith.addf %dot_general3A_335, %dot_general3A_338 : vector<2000x64xf32>
    %mul3A_340 = arith.mulf %dot_general3A_43, %select_n3A_203 : vector<24x64xf32>
    %dot_general3A_341 = arith.constant dense<0.000000e+00> : vector<2000x64xf32>
    %dot_general3A_342 = tpu.matmul %add3A, %mul3A_340, %dot_general3A_341 {dimension_numbers = #tpu.dot_dimension_numbers<[1], [0], [0], [1], [0, 0, 1, 1], [], []>, transpose_lhs_hint = false} : vector<2000x24xf32>, vector<24x64xf32>, vector<2000x64xf32> -> vector<2000x64xf32>
    %mul3A_343 = arith.mulf %dot_general3A_43, %select_n3A_254 : vector<24x64xf32>
    %dot_general3A_344 = arith.constant dense<0.000000e+00> : vector<2000x64xf32>
    %dot_general3A_345 = tpu.matmul %add3A_11, %mul3A_343, %dot_general3A_344 {dimension_numbers = #tpu.dot_dimension_numbers<[1], [0], [0], [1], [0, 0, 1, 1], [], []>, transpose_lhs_hint = false} : vector<2000x24xf32>, vector<24x64xf32>, vector<2000x64xf32> -> vector<2000x64xf32>
    %add3A_346 = arith.addf %dot_general3A_342, %dot_general3A_345 : vector<2000x64xf32>
    %dot_general3A_347 = arith.constant dense<0.000000e+00> : vector<2000x64xf32>
    %dot_general3A_348 = tpu.matmul %add3A, %select_n3A_273, %dot_general3A_347 {dimension_numbers = #tpu.dot_dimension_numbers<[1], [0], [0], [1], [0, 0, 1, 1], [], []>, transpose_lhs_hint = false} : vector<2000x24xf32>, vector<24x64xf32>, vector<2000x64xf32> -> vector<2000x64xf32>
    %dot_general3A_349 = arith.constant dense<0.000000e+00> : vector<2000x64xf32>
    %dot_general3A_350 = tpu.matmul %add3A_11, %select_n3A_293, %dot_general3A_349 {dimension_numbers = #tpu.dot_dimension_numbers<[1], [0], [0], [1], [0, 0, 1, 1], [], []>, transpose_lhs_hint = false} : vector<2000x24xf32>, vector<24x64xf32>, vector<2000x64xf32> -> vector<2000x64xf32>
    %add3A_351 = arith.addf %dot_general3A_348, %dot_general3A_350 : vector<2000x64xf32>
    %max3A = arith.constant 1.000000e-30 : f32
    %max3A_352 = vector.broadcast %max3A : f32 to vector<2000x64xf32>
    %max3A_353 = arith.maximumf %add3A_351, %max3A_352 : vector<2000x64xf32>
    %dot_general3A_354 = arith.constant dense<0.000000e+00> : vector<2000x64xf32>
    %dot_general3A_355 = tpu.matmul %add3A, %select_n3A_313, %dot_general3A_354 {dimension_numbers = #tpu.dot_dimension_numbers<[1], [0], [0], [1], [0, 0, 1, 1], [], []>, transpose_lhs_hint = false} : vector<2000x24xf32>, vector<24x64xf32>, vector<2000x64xf32> -> vector<2000x64xf32>
    %dot_general3A_356 = arith.constant dense<0.000000e+00> : vector<2000x64xf32>
    %dot_general3A_357 = tpu.matmul %add3A_11, %select_n3A_333, %dot_general3A_356 {dimension_numbers = #tpu.dot_dimension_numbers<[1], [0], [0], [1], [0, 0, 1, 1], [], []>, transpose_lhs_hint = false} : vector<2000x24xf32>, vector<24x64xf32>, vector<2000x64xf32> -> vector<2000x64xf32>
    %add3A_358 = arith.addf %dot_general3A_355, %dot_general3A_357 : vector<2000x64xf32>
    %max3A_359 = arith.constant 1.000000e-30 : f32
    %max3A_360 = vector.broadcast %max3A_359 : f32 to vector<2000x64xf32>
    %max3A_361 = arith.maximumf %add3A_358, %max3A_360 : vector<2000x64xf32>
    %div3A_362 = arith.divf %add3A_339, %max3A_353 : vector<2000x64xf32>
    %div3A_363 = arith.divf %add3A_346, %max3A_361 : vector<2000x64xf32>
    %add3A_364 = arith.addf %div3A_362, %div3A_363 : vector<2000x64xf32>
    %get3A_365 = arith.constant 0 : index
    %get3A_366 = arith.constant 0 : index
    %get3A_367 = vector.load %arg5[%get3A_365, %get3A_366] : memref<2000x4xf32, #tpu.memory_space<vmem>>, vector<2000x4xf32>
    %get3A_368 = arith.constant 0 : index
    %get3A_369 = arith.constant 0 : index
    %get3A_370 = vector.load %arg9[%get3A_368, %get3A_369] : memref<4x64xf32, #tpu.memory_space<vmem>>, vector<4x64xf32>
    %dot_general3A_371 = arith.constant dense<0.000000e+00> : vector<2000x64xf32>
    %dot_general3A_372 = tpu.matmul %get3A_367, %get3A_370, %dot_general3A_371 {dimension_numbers = #tpu.dot_dimension_numbers<[1], [0], [0], [1], [0, 0, 1, 1], [], []>, transpose_lhs_hint = false} : vector<2000x4xf32>, vector<4x64xf32>, vector<2000x64xf32> -> vector<2000x64xf32>
    %add3A_373 = arith.addf %add3A_364, %dot_general3A_372 : vector<2000x64xf32>
    %get3A_374 = arith.constant 0 : index
    %get3A_375 = arith.constant 0 : index
    %get3A_376 = vector.load %arg6[%get3A_374, %get3A_375] : memref<64x64xf32, #tpu.memory_space<vmem>>, vector<64x64xf32>
    %dot_general3A_377 = arith.constant dense<0.000000e+00> : vector<2000x64xf32>
    %dot_general3A_378 = tpu.matmul %add3A_373, %get3A_376, %dot_general3A_377 {dimension_numbers = #tpu.dot_dimension_numbers<[1], [1], [0], [0], [0, 0, 1, 0], [], []>, transpose_lhs_hint = false} : vector<2000x64xf32>, vector<64x64xf32>, vector<2000x64xf32> -> vector<2000x64xf32>
    %swap3A = arith.constant 0 : index
    %swap3A_379 = arith.constant 0 : index
    %swap3A_380 = vector.load %arg10[%swap3A, %swap3A_379] : memref<2000x64xf32, #tpu.memory_space<vmem>>, vector<2000x64xf32>
    tpu.vector_store %arg10[%swap3A, %swap3A_379], %dot_general3A_378 {strides = array<i32>} : memref<2000x64xf32, #tpu.memory_space<vmem>>, vector<2000x64xf32>,
    %eq3A_381 = arith.constant 0 : i32
    %eq3A_382 = arith.cmpi eq, %arg0, %eq3A_381 : i32
    %convert_element_type3A = arith.extui %eq3A_382 : i1 to i32
    %cond3A = arith.constant 0 : i32
    %cond3A_383 = arith.cmpi ne, %convert_element_type3A, %cond3A : i32
    scf.if %cond3A_383 {
      %broadcast_in_dim3A_423 = arith.constant -1.000000e+30 : f32
      %broadcast_in_dim3A_424 = vector.broadcast %broadcast_in_dim3A_423 : f32 to vector<8x64xf32>
      %swap3A_425 = arith.constant 0 : index
      %swap3A_426 = arith.constant 0 : index
      %swap3A_427 = vector.load %arg13[%swap3A_425, %swap3A_426] : memref<8x64xf32, #tpu.memory_space<vmem>>, vector<8x64xf32>
      tpu.vector_store %arg13[%swap3A_425, %swap3A_426], %broadcast_in_dim3A_424 {strides = array<i32>} : memref<8x64xf32, #tpu.memory_space<vmem>>, vector<8x64xf32>,
      %broadcast_in_dim3A_428 = arith.constant 0.000000e+00 : f32
      %broadcast_in_dim3A_429 = vector.broadcast %broadcast_in_dim3A_428 : f32 to vector<8x64xf32>
      %swap3A_430 = arith.constant 0 : index
      %swap3A_431 = arith.constant 0 : index
      %swap3A_432 = vector.load %arg14[%swap3A_430, %swap3A_431] : memref<8x64xf32, #tpu.memory_space<vmem>>, vector<8x64xf32>
      tpu.vector_store %arg14[%swap3A_430, %swap3A_431], %broadcast_in_dim3A_429 {strides = array<i32>} : memref<8x64xf32, #tpu.memory_space<vmem>>, vector<8x64xf32>,
    } else {
    }
    %get3A_384 = arith.constant 0 : index
    %get3A_385 = arith.constant 0 : index
    %get3A_386 = vector.load %arg13[%get3A_384, %get3A_385] : memref<8x64xf32, #tpu.memory_space<vmem>>, vector<1x64xf32>
    %reduce_max3A = arith.constant dense<0xFF800000> : vector<64xf32>
    %reduce_max3A_387 = vector.multi_reduction <maximumf>, %dot_general3A_378, %reduce_max3A [0] : vector<2000x64xf32> to vector<64xf32>
    %broadcast_in_dim3A_388 = vector.shape_cast %reduce_max3A_387 : vector<64xf32> to vector<1x64xf32>
    %max3A_389 = arith.maximumf %get3A_386, %broadcast_in_dim3A_388 : vector<1x64xf32>
    %get3A_390 = arith.constant 0 : index
    %get3A_391 = arith.constant 0 : index
    %get3A_392 = vector.load %arg14[%get3A_390, %get3A_391] : memref<8x64xf32, #tpu.memory_space<vmem>>, vector<1x64xf32>
    %sub3A_393 = arith.subf %get3A_386, %max3A_389 : vector<1x64xf32>
    %exp3A = math.exp %sub3A_393 : vector<1x64xf32>
    %mul3A_394 = arith.mulf %get3A_392, %exp3A : vector<1x64xf32>
    %sub3A_395 = vector.broadcast %max3A_389 : vector<1x64xf32> to vector<2000x64xf32>
    %sub3A_396 = arith.subf %dot_general3A_378, %sub3A_395 : vector<2000x64xf32>
    %exp3A_397 = math.exp %sub3A_396 : vector<2000x64xf32>
    %reduce_sum3A = arith.constant dense<0.000000e+00> : vector<64xf32>
    %reduce_sum3A_398 = vector.multi_reduction <add>, %exp3A_397, %reduce_sum3A [0] : vector<2000x64xf32> to vector<64xf32>
    %broadcast_in_dim3A_399 = vector.shape_cast %reduce_sum3A_398 : vector<64xf32> to vector<1x64xf32>
    %add3A_400 = arith.addf %mul3A_394, %broadcast_in_dim3A_399 : vector<1x64xf32>
    %broadcast_in_dim3A_401 = vector.shape_cast %max3A_389 : vector<1x64xf32> to vector<1x64xf32>
    %broadcast_in_dim3A_402 = vector.broadcast %broadcast_in_dim3A_401 : vector<1x64xf32> to vector<8x64xf32>
    %swap3A_403 = arith.constant 0 : index
    %swap3A_404 = arith.constant 0 : index
    %swap3A_405 = vector.load %arg13[%swap3A_403, %swap3A_404] : memref<8x64xf32, #tpu.memory_space<vmem>>, vector<8x64xf32>
    tpu.vector_store %arg13[%swap3A_403, %swap3A_404], %broadcast_in_dim3A_402 {strides = array<i32>} : memref<8x64xf32, #tpu.memory_space<vmem>>, vector<8x64xf32>,
    %broadcast_in_dim3A_406 = vector.shape_cast %add3A_400 : vector<1x64xf32> to vector<1x64xf32>
    %broadcast_in_dim3A_407 = vector.broadcast %broadcast_in_dim3A_406 : vector<1x64xf32> to vector<8x64xf32>
    %swap3A_408 = arith.constant 0 : index
    %swap3A_409 = arith.constant 0 : index
    %swap3A_410 = vector.load %arg14[%swap3A_408, %swap3A_409] : memref<8x64xf32, #tpu.memory_space<vmem>>, vector<8x64xf32>
    tpu.vector_store %arg14[%swap3A_408, %swap3A_409], %broadcast_in_dim3A_407 {strides = array<i32>} : memref<8x64xf32, #tpu.memory_space<vmem>>, vector<8x64xf32>,
    %get3A_411 = arith.constant 0 : index
    %get3A_412 = arith.constant 0 : index
    %get3A_413 = vector.load %arg13[%get3A_411, %get3A_412] : memref<8x64xf32, #tpu.memory_space<vmem>>, vector<8x64xf32>
    %swap3A_414 = arith.constant 0 : index
    %swap3A_415 = arith.constant 0 : index
    %swap3A_416 = vector.load %arg11[%swap3A_414, %swap3A_415] : memref<8x64xf32, #tpu.memory_space<vmem>>, vector<8x64xf32>
    tpu.vector_store %arg11[%swap3A_414, %swap3A_415], %get3A_413 {strides = array<i32>} : memref<8x64xf32, #tpu.memory_space<vmem>>, vector<8x64xf32>,
    %get3A_417 = arith.constant 0 : index
    %get3A_418 = arith.constant 0 : index
    %get3A_419 = vector.load %arg14[%get3A_417, %get3A_418] : memref<8x64xf32, #tpu.memory_space<vmem>>, vector<8x64xf32>
    %swap3A_420 = arith.constant 0 : index
    %swap3A_421 = arith.constant 0 : index
    %swap3A_422 = vector.load %arg12[%swap3A_420, %swap3A_421] : memref<8x64xf32, #tpu.memory_space<vmem>>, vector<8x64xf32>
    tpu.vector_store %arg12[%swap3A_420, %swap3A_421], %get3A_419 {strides = array<i32>} : memref<8x64xf32, #tpu.memory_space<vmem>>, vector<8x64xf32>,
    return
  }
  func.func @transform_0(%arg0: i32) -> (i32, i32) {
    %c0_i32 = arith.constant 0 : i32
    %c0_i32_0 = arith.constant 0 : i32
    return %arg0, %c0_i32 : i32, i32
  }
  func.func @transform_1(%arg0: i32) -> (i32, i32) {
    %add3A = arith.constant 26 : i32
    %add3A_0 = arith.addi %arg0, %add3A : i32
    %c0_i32 = arith.constant 0 : i32
    %c0_i32_1 = arith.constant 0 : i32
    return %add3A_0, %c0_i32 : i32, i32
  }
  func.func @transform_2(%arg0: i32) -> (i32, i32) {
    %c0_i32 = arith.constant 0 : i32
    %c0_i32_0 = arith.constant 0 : i32
    return %arg0, %c0_i32 : i32, i32
  }
  func.func @transform_3(%arg0: i32) -> (i32, i32) {
    %add3A = arith.constant 26 : i32
    %add3A_0 = arith.addi %arg0, %add3A : i32
    %c0_i32 = arith.constant 0 : i32
    %c0_i32_1 = arith.constant 0 : i32
    return %add3A_0, %c0_i32 : i32, i32
  }
  func.func @transform_4(%arg0: i32) -> (i32, i32) {
    %c0_i32 = arith.constant 0 : i32
    %c0_i32_0 = arith.constant 0 : i32
    return %arg0, %c0_i32 : i32, i32
  }
  func.func @transform_5(%arg0: i32) -> (i32, i32) {
    %c0_i32 = arith.constant 0 : i32
    %c0_i32_0 = arith.constant 0 : i32
    %c0_i32_1 = arith.constant 0 : i32
    return %c0_i32, %c0_i32_0 : i32, i32
  }
  func.func @transform_6(%arg0: i32) -> (i32, i32) {
    %c0_i32 = arith.constant 0 : i32
    %c0_i32_0 = arith.constant 0 : i32
    %c0_i32_1 = arith.constant 0 : i32
    return %c0_i32, %c0_i32_0 : i32, i32
  }
  func.func @transform_7(%arg0: i32) -> (i32, i32) {
    %c0_i32 = arith.constant 0 : i32
    %c0_i32_0 = arith.constant 0 : i32
    %c0_i32_1 = arith.constant 0 : i32
    return %c0_i32, %c0_i32_0 : i32, i32
  }
  func.func @transform_8(%arg0: i32) -> (i32, i32) {
    %c0_i32 = arith.constant 0 : i32
    %c0_i32_0 = arith.constant 0 : i32
    %c0_i32_1 = arith.constant 0 : i32
    return %c0_i32, %c0_i32_0 : i32, i32
  }
  func.func @transform_9(%arg0: i32) -> (i32, i32) {
    %c0_i32 = arith.constant 0 : i32
    %c0_i32_0 = arith.constant 0 : i32
    return %arg0, %c0_i32 : i32, i32
  }
  func.func @transform_10(%arg0: i32) -> (i32, i32) {
    %c0_i32 = arith.constant 0 : i32
    %c0_i32_0 = arith.constant 0 : i32
    %c0_i32_1 = arith.constant 0 : i32
    return %c0_i32, %c0_i32_0 : i32, i32
  }
  func.func @transform_11(%arg0: i32) -> (i32, i32) {
    %c0_i32 = arith.constant 0 : i32
    %c0_i32_0 = arith.constant 0 : i32
    %c0_i32_1 = arith.constant 0 : i32
    return %c0_i32, %c0_i32_0 : i32, i32
  }
}

module attributes {stable_mosaic.version = 14 : i64} {
  func.func @_norm_body(%arg0: i32, %arg1: memref<1792x64xf32, #tpu.memory_space<vmem>>, %arg2: memref<8x64xf32, #tpu.memory_space<vmem>>, %arg3: memref<8x64xf32, #tpu.memory_space<vmem>>, %arg4: memref<64x1792xf32, #tpu.memory_space<vmem>>) attributes {dimension_semantics = [#tpu.dimension_semantics<arbitrary>], iteration_bounds = array<i64: 28>, scalar_prefetch = 0 : i64, scratch_operands = 0 : i64, tpu.core_type = #tpu.core_type<tc>, window_params = [{transform_indices = @transform_0, window_bounds = array<i64: 1792, 64>}, {pipeline_mode = #tpu.pipeline_mode<synchronous>, transform_indices = @transform_1, window_bounds = array<i64: 8, 64>}, {pipeline_mode = #tpu.pipeline_mode<synchronous>, transform_indices = @transform_2, window_bounds = array<i64: 8, 64>}, {transform_indices = @transform_3, window_bounds = array<i64: 64, 1792>}]} {
    %get3A = arith.constant 0 : index
    %get3A_0 = arith.constant 0 : index
    %get3A_1 = vector.load %arg2[%get3A, %get3A_0] : memref<8x64xf32, #tpu.memory_space<vmem>>, vector<1x64xf32>
    %get3A_2 = arith.constant 0 : index
    %get3A_3 = arith.constant 0 : index
    %get3A_4 = vector.load %arg3[%get3A_2, %get3A_3] : memref<8x64xf32, #tpu.memory_space<vmem>>, vector<1x64xf32>
    %log3A = math.log %get3A_4 : vector<1x64xf32>
    %add3A = arith.addf %get3A_1, %log3A : vector<1x64xf32>
    %get3A_5 = arith.constant 0 : index
    %get3A_6 = arith.constant 0 : index
    %get3A_7 = vector.load %arg1[%get3A_5, %get3A_6] : memref<1792x64xf32, #tpu.memory_space<vmem>>, vector<1792x64xf32>
    %sub3A = vector.broadcast %add3A : vector<1x64xf32> to vector<1792x64xf32>
    %sub3A_8 = arith.subf %get3A_7, %sub3A : vector<1792x64xf32>
    %iota3A = tpu.iota {dimensions = array<i32: 0>} : vector<64x64xi32>
    %iota3A_9 = tpu.iota {dimensions = array<i32: 1>} : vector<64x64xi32>
    %eq3A = arith.cmpi eq, %iota3A, %iota3A_9 : vector<64x64xi32>
    %jit3A = arith.constant 1.000000e+00 : f32
    %jit3A_10 = arith.constant 0.000000e+00 : f32
    %broadcast_in_dim3A = vector.broadcast %jit3A : f32 to vector<64x64xf32>
    %broadcast_in_dim3A_11 = vector.broadcast %jit3A_10 : f32 to vector<64x64xf32>
    %select_n3A = arith.select %eq3A, %broadcast_in_dim3A, %broadcast_in_dim3A_11 : vector<64x64xi1>, vector<64x64xf32>
    %dot_general3A = arith.constant dense<0.000000e+00> : vector<64x1792xf32>
    %dot_general3A_12 = tpu.matmul %select_n3A, %sub3A_8, %dot_general3A {dimension_numbers = #tpu.dot_dimension_numbers<[1], [1], [0], [0], [0, 0, 1, 0], [], []>, transpose_lhs_hint = false} : vector<64x64xf32>, vector<1792x64xf32>, vector<64x1792xf32> -> vector<64x1792xf32>
    %swap3A = arith.constant 0 : index
    %swap3A_13 = arith.constant 0 : index
    %swap3A_14 = vector.load %arg4[%swap3A, %swap3A_13] : memref<64x1792xf32, #tpu.memory_space<vmem>>, vector<64x1792xf32>
    tpu.vector_store %arg4[%swap3A, %swap3A_13], %dot_general3A_12 {strides = array<i32>} : memref<64x1792xf32, #tpu.memory_space<vmem>>, vector<64x1792xf32>,
    return
  }
  func.func @transform_0(%arg0: i32) -> (i32, i32) {
    %c0_i32 = arith.constant 0 : i32
    %c0_i32_0 = arith.constant 0 : i32
    return %arg0, %c0_i32 : i32, i32
  }
  func.func @transform_1(%arg0: i32) -> (i32, i32) {
    %c0_i32 = arith.constant 0 : i32
    %c0_i32_0 = arith.constant 0 : i32
    %c0_i32_1 = arith.constant 0 : i32
    return %c0_i32, %c0_i32_0 : i32, i32
  }
  func.func @transform_2(%arg0: i32) -> (i32, i32) {
    %c0_i32 = arith.constant 0 : i32
    %c0_i32_0 = arith.constant 0 : i32
    %c0_i32_1 = arith.constant 0 : i32
    return %c0_i32, %c0_i32_0 : i32, i32
  }
  func.func @transform_3(%arg0: i32) -> (i32, i32) {
    %c0_i32 = arith.constant 0 : i32
    %c0_i32_0 = arith.constant 0 : i32
    return %c0_i32, %arg0 : i32, i32
  }
}

</mosaic_0001>

<sc_bundles>
// kernel: kernel.7.cloned.1.call-start
scs
__scs_entry_jumppad:
0x0: {  	(pc) =	sbr.rel $0x88, $3  }
0x1: {  	(tag) =	ssettag $0x0;
	lr =	simm.s32 $0x1  }
0x2: {  	[smem:$0x3F95] =	sst lr;
	_ =	strace $0xD0000000  }
0x3: {  	_ = 	snop  }
0x4: {  	_ = 	snop  }
0x5: {  	_ = 	snop  }
0x6: {  	_ = 	snop  }
0x7: {  	_ = 	snop  }
__scs_overlays_trampoline_lowered:
0x8: {  	[smem:$0x3FA4] =	sst s0  }
0x9: {  	[smem:$0x3FA5] =	sst s1  }
0xa: {  	[smem:$0x3FA6] =	sst s2  }
0xb: {  	[smem:$0x3FA7] =	sst s3  }
0xc: {  	[smem:$0x3FA8] =	sst s4  }
0xd: {  	[smem:$0x3FA9] =	sst s5  }
0xe: {  	[smem:$0x3FAA] =	sst s6  }
0xf: {  	[smem:$0x3FAB] =	sst s7  }
0x10: {  	[smem:$0x3FAC] =	sst s8  }
0x11: {  	[smem:$0x3FAD] =	sst s9;
	s0 =	simm.s32 @!p0 $0x0  }
0x12: {  	s1 =	sld [smem:$0x3F93];
	s0 =	simm.s32 @p0 $0x1  }
0x13: {  	[smem:$0x3FAE] =	sst s0;
	s0 =	simm.s32 @!p1 $0x0  }
0x14: {  	s2 =	sld [smem:$0x3F92];
	s0 =	simm.s32 @p1 $0x1  }
0x15: {  	[smem:$0x3FAF] =	sst s0;
	s0 =	simm.s32 @!p2 $0x0  }
0x16: {  	s3 =	sld [smem:$0x3FDB];
	s0 =	simm.s32 @p2 $0x1  }
0x17: {  	s4 =	simm.s32 $0x1BF5;
	[smem:$0x3FB1] =	sst s0  }
0x18: {  	s0 =	sld [smem:$0x3F94];
	_ =	swait.ge [sflag:s4], $0x0  }
0x19: {  	s7 =	sld [smem:$0x3F95]  }
0x1a: {  	s8 =	sadd.s32 $0xFFFFE003, lr  }
0x1b: {  	s9 =	sadd.s32 $0xFFFFFEF7, lr;
	s5 =	simm.s32 $0xFFFFFFFF;
	p2 =	slt.u32 s8, $0xFFFFF086  }
0x1c: {  	p1 =	slt.u32 s9, $0xF7A;
	s5 =	simm.s32 @!p2 $0x0  }
0x1d: {  	s5 =	simm.s32 @p1 $0x1;
	p0 =	seq.s32 s7, s2  }
0x1e: {  	s7 =	smul.u32 @!p0 $0xF7A, s2;
	p2 =	seq.s32 @!p0 s5, $0x0  }
0x1f: {  	s9 =	smul.u32 $0xF7A, s1;
	s8 =	simm.s32 @!p0 $0x1BF5;
	p2 =	por !p2, p0  }
0x20: {  	[sflag:s8] =	ssyncset.s32 @!p0 $0xFFFFF086;
	s6 =	sadd.s32 @!p0 s3, s7;
	s7 =	simm.s32 @!p0 $0x108  }
0x21: {  	s3 =	sadd.s32 s3, s9;
	s6 =	sadd.s32 @!p0 $0x88, s6;
	s7 =	simm.s32 @p2 $0x1082  }
0x22: {  	[simem:s7], [sflag:s8] =	dma.local @!p0 [hbm:s6], $0xF7A  }
0x23: {  	s9 =	sor.u32 $0xD0000000, s2;
	s6 =	simm.s32 $0x108;
	_ =	swait.ge @!p0 [sflag:s8], $0x0  }
0x24: {  	s3 =	sadd.s32 $0x88, s3;
	s6 =	simm.s32 @!p1 $0x1082;
	[sflag:s4] =	ssyncset.s32 $0xFFFFF086  }
0x25: {  	[simem:s6], [sflag:s4] =	dma.local [hbm:s3], $0xF7A  }
0x26: {  	[smem:$0x3F95] =	sst s1;
	(tag) =	ssettag s2;
	_ =	strace s9  }
0x27: {  	s1 =	sld [smem:$0x3FA5]  }
0x28: {  	s2 =	sld [smem:$0x3FA6]  }
0x29: {  	s4 =	sld [smem:$0x3FA8]  }
0x2a: {  	p0 =	seq.s32 s5, $0x0;
	s5 =	sld [smem:$0x3FA9]  }
0x2b: {  	s6 =	sld [smem:$0x3FAA]  }
0x2c: {  	s7 =	sld [smem:$0x3FAB]  }
0x2d: {  	s3 =	simm.s32 $0x108;
	s8 =	sld [smem:$0x3FAC]  }
0x2e: {  	s3 =	simm.s32 @!p0 $0x1082;
	s9 =	sld [smem:$0x3FAD]  }
0x2f: {  	lr =	sadd.s32 s0, s3;
	s0 =	sld [smem:$0x3FA4]  }
0x30: {  	s3 =	sld [smem:$0x3FA7]  }
0x31: {  	[smem:$0x3FB0] =	sst s10  }
0x32: {  	s10 =	sld [smem:$0x3FAE];
	_ =	sdelay $0x3  }
0x33: {  	p0 =	seq.s32 s10, $0x1;
	s10 =	sld [smem:$0x3FB0];
	_ =	sdelay $0x3  }
0x34: {  	[smem:$0x3FB0] =	sst s10  }
0x35: {  	s10 =	sld [smem:$0x3FAF];
	_ =	sdelay $0x3  }
0x36: {  	p1 =	seq.s32 s10, $0x1;
	s10 =	sld [smem:$0x3FB0];
	_ =	sdelay $0x3  }
0x37: {  	[smem:$0x3FB0] =	sst s10  }
0x38: {  	s10 =	sld [smem:$0x3FB1]  }
0x39: {  	_ = 	snop;
	(pc) =	sbr.ind lr, $3  }
0x3a: {  	_ = 	snop  }
0x3b: {  	_ = 	snop  }
0x3c: {  	p2 =	seq.s32 s10, $0x1;
	s10 =	sld [smem:$0x3FB0]  }
0x3d: {  	_ =	shalt  }
0x3e: {  	_ =	shalt  }
0x3f: {  	_ =	shalt  }
0x40: {  	_ =	shalt  }
0x41: {  	_ =	shalt  }
0x42: {  	_ =	shalt  }
0x43: {  	_ =	shalt  }
0x44: {  	_ =	shalt  }
0x45: {  	_ =	shalt  }
0x46: {  	_ =	shalt  }
0x47: {  	_ =	shalt  }
0x48: {  	_ =	shalt  }
0x49: {  	_ =	shalt  }
0x4a: {  	_ =	shalt  }
0x4b: {  	_ =	shalt  }
0x4c: {  	_ =	shalt  }
0x4d: {  	_ =	shalt  }
0x4e: {  	_ =	shalt  }
0x4f: {  	_ =	shalt  }
0x50: {  	_ =	shalt  }
0x51: {  	_ =	shalt  }
0x52: {  	_ =	shalt  }
0x53: {  	_ =	shalt  }
0x54: {  	_ =	shalt  }
0x55: {  	_ =	shalt  }
0x56: {  	_ =	shalt  }
0x57: {  	_ =	shalt  }
0x58: {  	_ =	shalt  }
0x59: {  	_ =	shalt  }
0x5a: {  	_ =	shalt  }
0x5b: {  	_ =	shalt  }
0x5c: {  	_ =	shalt  }
0x5d: {  	_ =	shalt  }
0x5e: {  	_ =	shalt  }
0x5f: {  	_ =	shalt  }
0x60: {  	_ =	shalt  }
0x61: {  	_ =	shalt  }
0x62: {  	_ =	shalt  }
0x63: {  	_ =	shalt  }
0x64: {  	_ =	shalt  }
0x65: {  	_ =	shalt  }
0x66: {  	_ =	shalt  }
0x67: {  	_ =	shalt  }
0x68: {  	_ =	shalt  }
0x69: {  	_ =	shalt  }
0x6a: {  	_ =	shalt  }
0x6b: {  	_ =	shalt  }
0x6c: {  	_ =	shalt  }
0x6d: {  	_ =	shalt  }
0x6e: {  	_ =	shalt  }
0x6f: {  	_ =	shalt  }
0x70: {  	_ =	shalt  }
0x71: {  	_ =	shalt  }
0x72: {  	_ =	shalt  }
0x73: {  	_ =	shalt  }
0x74: {  	_ =	shalt  }
0x75: {  	_ =	shalt  }
0x76: {  	_ =	shalt  }
0x77: {  	_ =	shalt  }
0x78: {  	_ =	shalt  }
0x79: {  	_ =	shalt  }
0x7a: {  	_ =	shalt  }
0x7b: {  	_ =	shalt  }
0x7c: {  	_ =	shalt  }
0x7d: {  	_ =	shalt  }
0x7e: {  	_ =	shalt  }
0x7f: {  	_ =	shalt  }
0x80: {  	_ =	shalt  }
0x81: {  	_ =	shalt  }
0x82: {  	_ =	shalt  }
0x83: {  	_ =	shalt  }
0x84: {  	_ =	shalt  }
0x85: {  	_ =	shalt  }
0x86: {  	_ =	shalt  }
0x87: {  	_ =	shalt  }
.Lfunc_end0:
.L_simem_size_0:
called_computation_lowered:
.L_overlay_start_0:
0x88: {  	s2 =	sld [smem:$0x3FD9]  }
0x89: {  	s3 =	sld [smem:$0x3FFE];
	_ =	sdelay $0x1  }
0x8a: {  	s1 =	srdreg.scid  }
0x8b: {  	s0 =	sand.u32 $0x1, s1  }
0x8c: {  	s17 =	sshll.u32 s0, $0xA;
	s2 =	sadd.s32 s3, s2  }
0x8d: {  	s2 =	sadd.s32 s2, s17  }
0x8e: {  	[smem:$0x3FBC] =	sst s2  }
0x8f: {  	_ = 	snop  }
0x90: {  	s2 =	sld [smem:$0x3FD0];
	(tm) =	ssettm $0x1  }
0x91: {  	s18 =	sld [smem:$0x3FFB];
	_ =	sdelay $0x3  }
0x92: {  	_ =	strace s18  }
0x93: {  	s3 =	sld [smem:$0x3FFC];
	_ =	sdelay $0x3  }
0x94: {  	_ =	strace s3  }
0x95: {  	s3 =	sld [smem:$0x3FFD];
	_ =	sdelay $0x3  }
0x96: {  	_ =	strace s3  }
0x97: {  	_ =	strace $0x8FFFFFFF  }
0x98: {  	s19 =	sld [smem:$0x3FDB];
	_ =	sdelay $0x1  }
0x99: {  	s4 =	simm.s32 $_scs_section_size  }
0x9a: {  	s5 =	simm.s32 $_size__tile_overlayer_lowered;
	s6 =	simm.s32 $_tile_overlayer_lowered  }
0x9b: {  	s22 =	simm.s32 $0x1BFF;
	s21 =	sshll.u32 s6, $0x1;
	s3 =	sadd.s32 s4, s19  }
0x9c: {  	s7 =	simm.s32 $0x0;
	s20 =	sshll.u32 s5, $0x1;
	s5 =	sadd.s32 s21, s3  }
0x9d: {  	[timem:s7], [sflag:s22] =	dma.local [hbm:s5], s20  }
0x9e: {  	_ =	swait.ge [sflag:s22], s20  }
0x9f: {  	s4 =	ssub.s32 $0x0, s20;
	[sflag:s22] =	ssyncset.done $0x0  }
0xa0: {  	[sflag:s22] =	ssyncadd.s32 s4;
	_ =	sdelay $0x1  }
0xa1: {  	s23 =	simm.s32 $0x1B8B  }
0xa2: {  	_ =	swait.ge [sflag:s23], $0x1  }
0xa3: {  	[sflag:s23] =	ssyncset.done $0x0  }
0xa4: {  	s25 =	simm.s32 $0x1B8E;
	s24 =	sld [smem:$0x3FFE];
	[sflag:s23] =	ssyncadd.s32 $0xFFFFFFFF  }
0xa5: {  	s26 =	simm.s32 $execute0_lowered;
	[smem:$0x3FD2] =	sst s25  }
0xa6: {  	s5 =	sshll.u32 s26, $0x1;
	_ =	strace $0x80000046;
	[dreg:$0x1] =	wrdreg $0xFFFFFFFF  }
0xa7: {  	s28 =	simm.s32 $_size_execute0_lowered;
	s3 =	sadd.s32 s3, s5;
	[dreg:$0x0] =	wrdreg $0x0  }
0xa8: {  	s5 =	sshll.u32 s28, $0x1;
	[dreg:$0x2] =	wrdreg s3  }
0xa9: {  	[dreg:$0x3] =	wrdreg s5  }
0xaa: {  	[dreg:$0x4] =	wrdreg $0xC0  }
0xab: {  	_ =	task [dreg:s7], $0x5FFFF  }
0xac: {  	[dreg:$0x1] =	wrdreg $0xFFFFFFFF  }
0xad: {  	[dreg:$0x0] =	wrdreg $0x60  }
0xae: {  	[dreg:$0x2] =	wrdreg s24  }
0xaf: {  	[dreg:$0x3] =	wrdreg s2  }
0xb0: {  	[dreg:$0x4] =	wrdreg $0x0  }
0xb1: {  	[dreg:$0x5] =	wrdreg $0x9  }
0xb2: {  	_ =	task.clear_ibuf [dreg:s7], $0x6FFFF;
	_ =	strace $0x90000046  }
0xb3: {  	s29 =	simm.s32 $0x9;
	_ =	strace $0x80000048  }
0xb4: {  	_ =	swait.ge [sflag:s29], $0x1  }
0xb5: {  	[sflag:s29] =	ssyncadd.s32 $0xFFFFFFFF  }
0xb6: {  	_ =	strace $0x90000048  }
0xb7: {  	_ =	sfence  }
0xb8: {  	s30 =	sld [smem:$0x0];
	_ =	sdelay $0x2  }
0xb9: {  	s31 =	sshll.u32 s1, $0xD;
	s1 =	sshrl.u32 s1, $0x2  }
0xba: {  	s3 =	sand.u32 $0x4000, s31;
	s1 =	sadd.s32 s1, s30  }
0xbb: {  	s0 =	sor.u32 s3, s0;
	s1 =	sshll.u32 s1, $0x11  }
0xbc: {  	s0 =	sor.u32 s1, s0  }
0xbd: {  	s0 =	sadd.s32 $0x8F2B, s0  }
0xbe: {  	[sflag:s0] =	ssyncadd.remote.s32 $0x1  }
0xbf: {  	_ =	sfence.sel $0xFFFF  }
0xc0: {  	[dreg:$0x0] =	wrdreg $0xFFFFFFFF;
	(pc) =	sbr.abs _section_cstart, $3  }
0xc1: {  	[dreg:$0x1] =	wrdreg $0xFFFFFFFF  }
0xc2: {  	_ =	task.clear_ibuf [dreg:s7], $0x2FFFF;
	_ =	strace $0x9FFFFFFF  }
0xc3: {  	(tm) =	ssettm $0x7FFFFFFF  }
tec
execute0_lowered:
.L_overlay_start_1:
0x0: {  	(tag) =	ssettag $0x1  }
0x1: {  	s0 =	rddreg [dreg:$0x0]  }
0x2: {  	s4 =	rddreg [dreg:$0x1]  }
0x3: {  	s2 =	rddreg [dreg:$0x2]  }
0x4: {  	s1 =	simm.s32 $0x0;
	s15 =	simm.s32 $0x0;
	s9 =	srdreg.scid  }
0x5: {  	s17 =	stileid.u32;
	s29 =	simm.s32 $0x80;
	s30 =	simm.s32 $0x12840  }
0x6: {  	s31 =	simm.s32 $0x13040;
	[smem:$0x7FF] =	sst s1;
	s3 =	sadd.s32 $0x343400, s0  }
0x7: {  	s25 =	sadd.s32 $0xF9000, s0;
	s6 =	sadd.s32 $0x111800, s0;
	s11 =	smul.u32 $0xC38, s17  }
0x8: {  	s7 =	sadd.s32 $0x1CA00, s0;
	s8 =	sadd.s32 $0x3A00, s0;
	s28 =	smul.u32 $0x49500, s17  }
0x9: {  	s9 =	sand.u32 $0x1, s9;
	s26 =	sadd.s32 $0x343200, s0;
	s19 =	smul.u32 $0xC800, s17  }
0xa: {  	s10 =	sshll.u32 s17, $0x1;
	_ =	strace $0x80000047;
	s12 =	smul.u32 $0xCB20, s9  }
0xb: {  	[dreg:$0x5] =	wrdreg s25;
	s14 =	sor.u32 s9, s10;
	s21 =	smul.u32 $0x6400, s9  }
0xc: {  	[dreg:$0x4] =	wrdreg s26;
	s13 =	ssub.s32 $0x2, s9;
	s10 =	smul.u32 $0xC8, s14  }
0xd: {  	s16 =	sshrl.u32 s13, $0x1;
	s5 =	sshrl.u32 s28, $0x2;
	s14 =	smul.u32 $0xC80, s14  }
0xe: {  	s12 =	sadd.s32 s11, s12;
	s11 =	sadd.s32 s5, s2;
	s28 =	sadd.s32 s21, s19  }
0xf: {  	s13 =	ssub.s32 s13, s16;
	s16 =	sadd.s32 $0x12000, s11;
	[dreg:$0xd] =	wrdreg s28  }
0x10: {  	s0 =	sadd.s32 $0x12A000, s0;
	s18 =	sadd.s32 s7, s14;
	[dreg:$0x6] =	wrdreg s16  }
0x11: {  	s9 =	smul.u32 $0x26160, s9;
	s20 =	sadd.s32 s8, s14;
	[dreg:$0x7] =	wrdreg s18  }
0x12: {  	s25 =	smul.u32 $0x24A8, s17;
	s22 =	sor.u32 $0x2, s10;
	[dreg:$0x8] =	wrdreg s20  }
0x13: {  	s12 =	smul.u32 $0x18, s12;
	s26 =	smax.u32 s13, $0x1;
	[dreg:$0x9] =	wrdreg s22  }
0x14: {  	s5 =	smov.u32 s10;
	s1 =	sor.u32 $0x80, s28;
	[dreg:$0xc] =	wrdreg s26  }
0x15: {  	s13 =	simm.s32 $0x14C40;
	[dreg:$0xe] =	wrdreg s1;
	s12 =	sshrl.u32 s12, $0x3  }
0x16: {  	s16 =	simm.s32 $0x1;
	s18 =	simm.s32 $0x2;
	s12 =	sadd.s32 $0x2400, s12  }
0x17: {  	s23 =	sadd.s32 s4, s12;
	s24 =	sadd.s32 s0, s12;
	s4 =	sadd.s32 s9, s4  }
0x18: {  	s0 =	sadd.s32 s9, s0;
	s9 =	simm.s32 $0x13840;
	[dreg:$0xa] =	wrdreg s23  }
0x19: {  	s12 =	simm.s32 $0x0;
	[dreg:$0xb] =	wrdreg s24;
	s21 =	sadd.s32 s25, s4  }
0x1a: {  	s22 =	sadd.s32 s25, s0;
	s24 =	simm.s32 $0x5;
	s25 =	simm.s32 $0x14040  }
0x1b: {  	v0 =	vimm.f32 $0.0e+00;
	v1 =	vlaneseq.u32;
	v2 =	vimm.f32 $1.000000000e+00;
	s0 =	simm.s32 $0x125C0;
	s23 =	simm.s32 $0x126C0;
	s4 =	simm.s32 $0x12C40  }
.LBB2_1:
0x1c: {  	[dreg:$0xf] =	wrdreg s12  }
0x1d: {  	s1 =	rddreg [dreg:$0x4];
	s10 =	simm.s32 $0x15840  }
0x1e: {  	[tilespmem:s10], [sflag:$0x5] =	stream.linear.gather [hbm4b:s1+s15], $0x80, $0x38;
	[tilespmem:$0x158C0] =	vst v63  }
0x1f: {  	_ =	swait.ge [sflag:s24], $0x80  }
0x20: {  	[sflag:s24] =	ssyncset.done $0x0  }
0x21: {  	[sflag:s24] =	ssyncadd.s32 $0xFFFFFF80  }
0x22: {  	s12 =	simm.s32 $0x0;
	v3 =	vld [tilespmem:$0x15840]  }
.LBB2_2:
0x23: {  	p0 =	sne.s32 s12, $0x2FA0  }
.Ltmp0:
0x24: {  	s14 =	sshra.s32 s12, $0x2;
	(pc) =	sbr.rel @p0 .LBB2_2-.Ltmp0, $4  }
0x25: {  	[tilespmem:s14+$0x14040] =	vst v0  }
0x26: {  	[tilespmem:s14+$0x14C40] =	vst v0  }
0x27: {  	[tilespmem:s14+$0x14048] =	vst v0  }
0x28: {  	s12 =	sadd.s32 $0x60, s12;
	[tilespmem:s14+$0x14C48] =	vst v0  }
0x29: {  	s12 =	sadd.s32 $0x0, s11  }
0x2a: {  	[spmem:s12] =	stream.linear.scatter [tilespmem:s25], [sflag:$0x5], $0xC00, $0x38;
	[tilespmem:$0x158C0] =	vst v63  }
0x2b: {  	_ =	swait.ge [sflag:s24], $0xC00  }
0x2c: {  	s10 =	rddreg [dreg:$0x5]  }
0x2d: {  	s12 =	simm.s32 $0x3000;
	s1 =	rddreg [dreg:$0x6]  }
.LBB2_4:
0x2e: {  	s14 =	sshra.s32 s12, $0x2;
	[sflag:s24] =	ssyncset.done $0x0;
	p0 =	sne.s32 s12, $0x45000  }
.Ltmp1:
0x2f: {  	s14 =	sadd.s32 s14, s11;
	[sflag:s24] =	ssyncadd.s32 $0xFFFFF400;
	(pc) =	sbr.rel @p0 .LBB2_4-.Ltmp1, $3  }
0x30: {  	[spmem:s14] =	stream.linear.scatter [tilespmem:s25], [sflag:$0x5], $0xC00, $0x38;
	[tilespmem:$0x158C0] =	vst v63  }
0x31: {  	s12 =	sadd.s32 $0x3000, s12;
	_ =	sdelay $0x1  }
0x32: {  	_ =	swait.ge [sflag:s24], $0xC00  }
0x33: {  	[sflag:s24] =	ssyncset.done $0x0  }
0x34: {  	[sflag:s24] =	ssyncadd.s32 $0xFFFFF400  }
0x35: {  	[spmem:s1] =	stream.linear.scatter [tilespmem:s25], [sflag:$0x5], $0x540, $0x38;
	[tilespmem:$0x158C0] =	vst v63  }
0x36: {  	_ =	swait.ge [sflag:s24], $0x540  }
0x37: {  	[sflag:s24] =	ssyncset.done $0x0  }
0x38: {  	[sflag:s24] =	ssyncadd.s32 $0xFFFFFAC0  }
0x39: {  	[bflag:$0x0] =	sbarrier.arrive $0xFFFF  }
0x3a: {  	s17 =	simm.s32 $0x0;
	s12 =	simm.s32 $0x12540;
	s20 =	rddreg [dreg:$0x7]  }
0x3b: {  	[tilespmem:s12], [sflag:$0x5] =	stream.linear.gather [hbm4b:s20+s17], $0x80, $0x38;
	[tilespmem:$0x158C0] =	vst v63  }
0x3c: {  	_ =	swait.ge [sflag:s24], $0x80  }
0x3d: {  	[sflag:s24] =	ssyncset.done $0x0  }
0x3e: {  	s14 =	simm.s32 $0x12640;
	s26 =	rddreg [dreg:$0x8];
	[sflag:s24] =	ssyncadd.s32 $0xFFFFFF80  }
0x3f: {  	[tilespmem:s14], [sflag:$0x5] =	stream.linear.gather [hbm4b:s26+s17], $0x80, $0x38;
	[tilespmem:$0x158C0] =	vst v63  }
0x40: {  	_ =	swait.ge [sflag:s24], $0x80  }
0x41: {  	[sflag:s24] =	ssyncset.done $0x0  }
0x42: {  	s19 =	rddreg [dreg:$0xe];
	[sflag:s24] =	ssyncadd.s32 $0xFFFFFF80  }
0x43: {  	[tilespmem:s30], [sflag:$0x1] =	stream.indirect.gather [hbm4b:s3+s29], $0x8, s12, s29, $0xb8;
	[tilespmem:$0x158C0] =	vst v63  }
0x44: {  	s15 =	simm.s32 $0x0;
	v4 =	vbroadcast v3, $0x0;
	v6 =	vbroadcast v3, $0x1;
	s28 =	simm.s32 $0x0;
	s26 =	rddreg [dreg:$0xd]  }
0x45: {  	v5 =	vbroadcast v3, $0x4;
	v7 =	vbroadcast v3, $0x5;
	[tilespmem:s31], [sflag:$0x1] =	stream.indirect.gather [hbm4b:s10+s29], $0x10, s14, s29, $0xb8;
	[tilespmem:$0x158C0] =	vst v63  }
.LBB2_6:
0x46: {  	s20 =	sshll.u32 s28, $0x1  }
0x47: {  	s14 =	sadd.s32 s20, s5  }
0x48: {  	s14 =	sshll.u32 s14, $0x4  }
0x49: {  	s14 =	sadd.s32 $0x10, s14  }
0x4a: {  	s14 =	sand.u32 $0x1FFFFFF0, s14  }
0x4b: {  	s1 =	simm.s32 $0x0;
	s17 =	sadd.s32 s7, s14  }
0x4c: {  	[tilespmem:s0], [sflag:$0x5] =	stream.linear.gather [hbm4b:s17+s1], $0x80, $0x38;
	[tilespmem:$0x158C0] =	vst v63  }
0x4d: {  	_ =	swait.ge [sflag:s24], $0x80  }
0x4e: {  	[sflag:s24] =	ssyncset.done $0x0  }
0x4f: {  	s14 =	sadd.s32 s8, s14;
	[sflag:s24] =	ssyncadd.s32 $0xFFFFFF80  }
0x50: {  	[tilespmem:s23], [sflag:$0x5] =	stream.linear.gather [hbm4b:s14+s1], $0x80, $0x38;
	[tilespmem:$0x158C0] =	vst v63  }
0x51: {  	_ =	swait.ge [sflag:s24], $0x80  }
0x52: {  	[sflag:s24] =	ssyncset.done $0x0  }
0x53: {  	[sflag:s24] =	ssyncadd.s32 $0xFFFFFF80  }
0x54: {  	[tilespmem:s4], [sflag:$0x2] =	stream.indirect.gather [hbm4b:s3+s29], $0x8, s0, s29, $0xb8;
	[tilespmem:$0x158C0] =	vst v63  }
0x55: {  	_ = 	snop  }
0x56: {  	[tilespmem:s9], [sflag:$0x2] =	stream.indirect.gather [hbm4b:s10+s29], $0x10, s23, s29, $0xb8;
	[tilespmem:$0x158C0] =	vst v63  }
0x57: {  	_ =	swait.ge [sflag:s16], $0x400  }
0x58: {  	[sflag:s16] =	ssyncset.done $0x0  }
0x59: {  	v12 =	vor.u32 s15, v1;
	[sflag:s16] =	ssyncadd.s32 $0xFFFFFC00  }
0x5a: {  	v14 =	vshll.u32 v12, $0x4;
	_ =	swait.ge [sflag:s16], $0x800  }
0x5b: {  	p0 =	seq.s32 s28, $0x0;
	v8 =	vor.u32 $0x8, v14;
	[sflag:s16] =	ssyncset.done $0x0  }
0x5c: {  	v9 =	vor.u32 $0x1, v14;
	s14 =	simm.s32 @!p0 $0x3;
	[sflag:s16] =	ssyncadd.s32 $0xFFFFF800  }
0x5d: {  	v15 =	vshll.u32 v12, $0x3;
	_ =	swait.ge @!p0 [sflag:s14], $0xC00  }
0x5e: {  	v10 =	vor.u32 $0x1, v15;
	[sflag:s14] =	ssyncset.done @!p0 $0x0  }
0x5f: {  	[sflag:s14] =	ssyncadd.s32 @!p0 $0xFFFFF400  }
0x60: {  	v13 =	vor.u32 $0x2, v15;
	v16 =	vld.idx.msk [tilespmem:v8+s31+$0x0], $0xffff  }
0x61: {  	v18 =	vor.u32 $0x4, v15;
	v17 =	vld.idx.msk [tilespmem:v9+s31+$0x0], $0xffff  }
0x62: {  	v8 =	vor.u32 $0x2, v14;
	v19 =	vld.idx.msk [tilespmem:v14+s31+$0x0], $0xffff  }
0x63: {  	v21 =	vor.u32 $0x3, v14;
	v10 =	vld.idx.msk [tilespmem:v10+s30+$0x0], $0xffff  }
0x64: {  	v20 =	vor.u32 $0x3, v15;
	v11 =	vld.idx.msk [tilespmem:v15+s30+$0x0], $0xffff  }
0x65: {  	v9 =	vld.idx.msk [tilespmem:v13+s30+$0x0], $0xffff  }
0x66: {  	v18 =	vld.idx.msk [tilespmem:v18+s30+$0x0], $0xffff  }
0x67: {  	v13 =	vld.idx.msk [tilespmem:v8+s31+$0x0], $0xffff  }
0x68: {  	v48 =	vld.idx.msk [tilespmem:v21+s31+$0x0], $0xffff  }
0x69: {  	v8 =	vld.idx.msk [tilespmem:v20+s30+$0x0], $0xffff  }
0x6a: {  	v19 =	vmul.f32 v19, v11;
	v17 =	vmul.f32 v17, v10;
	_ =	sdelay $0x1  }
0x6b: {  	v16 =	vadd.f32 v16, v18;
	v17 =	vadd.f32 v17, v19;
	v13 =	vmul.f32 v13, v9;
	_ =	sdelay $0x1  }
0x6c: {  	v18 =	vmin.f32 v16, $0.0e+00;
	v13 =	vadd.f32 v13, v17;
	v17 =	vmul.f32 v48, v8  }
0x6d: {  	v18 =	vmul.f32 $2.000000030e-01, v18  }
0x6e: {  	v16 =	vmax.f32 v16, $0.0e+00;
	v13 =	vadd.f32 v17, v13  }
0x6f: {  	v16 =	vadd.f32 v18, v16  }
0x70: {  	v13 =	vsub.f32 v13, v4  }
0x71: {  	v16 =	vsub.f32 v16, v5  }
0x72: {  	v13 =	vmul.f32 $1.442695020e+00, v13  }
0x73: {  	v16 =	vmul.f32 $1.442695020e+00, v16  }
0x74: {  	(erf) = vpow2.f32 v13  }
0x75: {  	(erf) = vpow2.f32 v16;
	_ =	sdelay $0x5  }
0x76: {  	s17 =	sadd.s32 $0x0, s26  }
0x77: {  	v12 =	vmul.u32 $0x18, v12;
	p1 =	slt.u32 s17, $0xC3500  }
0x78: {  	v13 =	vpsel !p1, $0x0, v2;
	v16 =	vpop (erf)  }
0x79: {  	v17 =	vadd.s32 $0x8, v12;
	v16 =	vmul.f32 v16, v13;
	v49 =	vpop (erf)  }
0x7a: {  	v50 =	vor.u32 $0x1, v12;
	v18 =	vmul.f32 v49, v13  }
0x7b: {  	v52 =	vadd.s32 $0x9, v12;
	v51 =	vmul.f32 v16, v11  }
0x7c: {  	v23 =	vor.u32 $0x2, v12;
	v22 =	vmul.f32 v18, v11  }
0x7d: {  	v53 =	vadd.s32 $0xA, v12;
	v24 =	vmul.f32 v16, v10;
	[tilespmem:v12+s25+$0x0] =	vst.idx.msk $0xffff, v51  }
0x7e: {  	v54 =	vor.u32 $0x3, v12;
	[tilespmem:v17+s25+$0x0] =	vst.idx.msk $0xffff, v22;
	v17 =	vmul.f32 v18, v10  }
0x7f: {  	v55 =	vadd.s32 $0xB, v12;
	v25 =	vmul.f32 v16, v9;
	[tilespmem:v50+s25+$0x0] =	vst.idx.msk $0xffff, v24  }
0x80: {  	v56 =	vmul.f32 v18, v9;
	[tilespmem:v52+s25+$0x0] =	vst.idx.msk $0xffff, v17;
	v17 =	vadd.s32 $0x10, v12  }
0x81: {  	v58 =	vadd.s32 $0x12, v12;
	v57 =	vmul.f32 v16, v8;
	[tilespmem:v23+s25+$0x0] =	vst.idx.msk $0xffff, v25  }
0x82: {  	v60 =	vor.u32 $0x5, v14;
	v59 =	vmul.f32 v18, v8;
	[tilespmem:v53+s25+$0x0] =	vst.idx.msk $0xffff, v56  }
0x83: {  	v61 =	vor.u32 $0x4, v14;
	[tilespmem:v54+s25+$0x0] =	vst.idx.msk $0xffff, v57  }
0x84: {  	v15 =	vor.u32 $0x5, v15;
	[tilespmem:v55+s25+$0x0] =	vst.idx.msk $0xffff, v59  }
0x85: {  	[tilespmem:v17+s25+$0x0] =	vst.idx.msk $0xffff, v16;
	v16 =	vor.u32 $0x9, v14  }
0x86: {  	v17 =	vor.u32 $0x6, v14;
	[tilespmem:v58+s25+$0x0] =	vst.idx.msk $0xffff, v18  }
0x87: {  	v18 =	vld.idx.msk [tilespmem:v60+s31+$0x0], $0xffff  }
0x88: {  	v14 =	vor.u32 $0x7, v14;
	v19 =	vld.idx.msk [tilespmem:v61+s31+$0x0], $0xffff  }
0x89: {  	v15 =	vld.idx.msk [tilespmem:v15+s30+$0x0], $0xffff  }
0x8a: {  	v16 =	vld.idx.msk [tilespmem:v16+s31+$0x0], $0xffff  }
0x8b: {  	v17 =	vld.idx.msk [tilespmem:v17+s31+$0x0], $0xffff;
	_ =	sdelay $0x1  }
0x8c: {  	v14 =	vld.idx.msk [tilespmem:v14+s31+$0x0], $0xffff  }
0x8d: {  	v18 =	vmul.f32 v18, v10;
	v19 =	vmul.f32 v19, v11;
	_ =	sdelay $0x1  }
0x8e: {  	v15 =	vadd.f32 v16, v15;
	v16 =	vmul.f32 v17, v9;
	v17 =	vadd.f32 v18, v19;
	_ =	sdelay $0x1  }
0x8f: {  	v14 =	vmul.f32 v14, v8;
	v62 =	vmin.f32 v15, $0.0e+00;
	v16 =	vadd.f32 v16, v17  }
0x90: {  	v17 =	vmul.f32 $2.000000030e-01, v62  }
0x91: {  	v63 =	vmax.f32 v15, $0.0e+00;
	v15 =	vadd.f32 v14, v16  }
0x92: {  	s17 =	simm.s32 $0x10;
	v14 =	vadd.f32 v17, v63  }
.LBB2_7:
0x93: {  	p1 =	sne.s32 s17, $0x70;
	v17 =	vsub.f32 v15, v6;
	s14 =	smov.u32 s17;
	s17 =	sadd.s32 $0x10, s17  }
0x94: {  	v16 =	vor.u32 s14, v1;
	v18 =	vsub.f32 v14, v7  }
0x95: {  	v15 =	vshll.u32 v16, $0x3;
	v14 =	vshll.u32 v16, $0x4;
	v17 =	vmul.f32 $1.442695020e+00, v17  }
0x96: {  	v19 =	vor.u32 $0x1, v15;
	v20 =	vor.u32 $0x1, v14;
	v18 =	vmul.f32 $1.442695020e+00, v18  }
0x97: {  	v21 =	vor.u32 $0x2, v14;
	v22 =	vor.u32 $0x4, v15;
	(erf) = vpow2.f32 v17  }
0x98: {  	(erf) = vpow2.f32 v18;
	_ =	sdelay $0x7  }
0x99: {  	v17 =	vor.u32 $0x4, v12;
	v18 =	vpop (erf)  }
0x9a: {  	v23 =	vadd.s32 $0xC, v12;
	v18 =	vmul.f32 v18, v13;
	v24 =	vpop (erf)  }
0x9b: {  	v13 =	vmul.f32 v24, v13;
	v24 =	vor.u32 $0x5, v12  }
0x9c: {  	v27 =	vadd.s32 $0xD, v12;
	v25 =	vmul.f32 v18, v11;
	v26 =	vmul.f32 v18, v10  }
0x9d: {  	v28 =	vor.u32 $0x6, v12;
	v11 =	vmul.f32 v13, v11;
	v10 =	vmul.f32 v13, v10  }
0x9e: {  	[tilespmem:v17+s25+$0x0] =	vst.idx.msk $0xffff, v25;
	v17 =	vmul.f32 v18, v9;
	v9 =	vmul.f32 v13, v9;
	v25 =	vadd.s32 $0xE, v12  }
0x9f: {  	[tilespmem:v23+s25+$0x0] =	vst.idx.msk $0xffff, v11;
	v11 =	vor.u32 $0x7, v12  }
0xa0: {  	v23 =	vadd.s32 $0xF, v12;
	[tilespmem:v24+s25+$0x0] =	vst.idx.msk $0xffff, v26  }
0xa1: {  	[tilespmem:v27+s25+$0x0] =	vst.idx.msk $0xffff, v10;
	v10 =	vadd.s32 $0x11, v12  }
0xa2: {  	v12 =	vadd.s32 $0x13, v12;
	[tilespmem:v28+s25+$0x0] =	vst.idx.msk $0xffff, v17;
	v17 =	vmul.f32 v18, v8  }
0xa3: {  	v24 =	vor.u32 $0x8, v14;
	v8 =	vmul.f32 v13, v8;
	[tilespmem:v25+s25+$0x0] =	vst.idx.msk $0xffff, v9  }
0xa4: {  	[tilespmem:v11+s25+$0x0] =	vst.idx.msk $0xffff, v17  }
0xa5: {  	[tilespmem:v23+s25+$0x0] =	vst.idx.msk $0xffff, v8  }
0xa6: {  	[tilespmem:v10+s25+$0x0] =	vst.idx.msk $0xffff, v18  }
0xa7: {  	[tilespmem:v12+s25+$0x0] =	vst.idx.msk $0xffff, v13  }
0xa8: {  	v8 =	vor.u32 $0x2, v15;
	v12 =	vld.idx.msk [tilespmem:v24+s31+$0x0], $0xffff  }
0xa9: {  	v13 =	vld.idx.msk [tilespmem:v20+s31+$0x0], $0xffff  }
0xaa: {  	v17 =	vld.idx.msk [tilespmem:v14+s31+$0x0], $0xffff  }
0xab: {  	v18 =	vor.u32 $0x3, v15;
	v10 =	vld.idx.msk [tilespmem:v19+s30+$0x0], $0xffff  }
0xac: {  	v19 =	vor.u32 $0x3, v14;
	v11 =	vld.idx.msk [tilespmem:v15+s30+$0x0], $0xffff  }
0xad: {  	v9 =	vld.idx.msk [tilespmem:v8+s30+$0x0], $0xffff  }
0xae: {  	v20 =	vld.idx.msk [tilespmem:v21+s31+$0x0], $0xffff  }
0xaf: {  	v21 =	vld.idx.msk [tilespmem:v22+s30+$0x0], $0xffff  }
0xb0: {  	v8 =	vld.idx.msk [tilespmem:v18+s30+$0x0], $0xffff  }
0xb1: {  	v18 =	vld.idx.msk [tilespmem:v19+s31+$0x0], $0xffff  }
0xb2: {  	v17 =	vmul.f32 v17, v11  }
0xb3: {  	v13 =	vmul.f32 v13, v10  }
0xb4: {  	v19 =	vmul.f32 v20, v9  }
0xb5: {  	v13 =	vadd.f32 v13, v17;
	v12 =	vadd.f32 v12, v21;
	_ =	sdelay $0x1  }
0xb6: {  	v13 =	vadd.f32 v19, v13;
	v17 =	vmul.f32 v18, v8;
	v18 =	vmin.f32 v12, $0.0e+00  }
0xb7: {  	v18 =	vmul.f32 $2.000000030e-01, v18  }
0xb8: {  	v12 =	vmax.f32 v12, $0.0e+00;
	v13 =	vadd.f32 v17, v13  }
0xb9: {  	v12 =	vadd.f32 v18, v12  }
0xba: {  	v13 =	vsub.f32 v13, v4  }
0xbb: {  	v12 =	vsub.f32 v12, v5  }
0xbc: {  	v13 =	vmul.f32 $1.442695020e+00, v13  }
0xbd: {  	v12 =	vmul.f32 $1.442695020e+00, v12  }
0xbe: {  	(erf) = vpow2.f32 v13  }
0xbf: {  	(erf) = vpow2.f32 v12;
	_ =	sdelay $0x5  }
0xc0: {  	s14 =	sadd.s32 s14, s26  }
0xc1: {  	p2 =	slt.u32 s14, $0xC3500;
	v12 =	vmul.u32 $0x18, v16  }
0xc2: {  	v13 =	vpsel !p2, $0x0, v2;
	v16 =	vpop (erf)  }
0xc3: {  	v17 =	vadd.s32 $0x8, v12;
	v16 =	vmul.f32 v16, v13;
	v18 =	vpop (erf)  }
0xc4: {  	v19 =	vor.u32 $0x1, v12;
	v18 =	vmul.f32 v18, v13  }
0xc5: {  	v22 =	vadd.s32 $0x9, v12;
	v20 =	vmul.f32 v16, v11;
	v21 =	vmul.f32 v16, v10  }
0xc6: {  	v25 =	vor.u32 $0x2, v12;
	v24 =	vmul.f32 v16, v9;
	v23 =	vmul.f32 v18, v11  }
0xc7: {  	v26 =	vadd.s32 $0xA, v12;
	[tilespmem:v12+s25+$0x0] =	vst.idx.msk $0xffff, v20;
	v20 =	vmul.f32 v18, v9  }
0xc8: {  	[tilespmem:v17+s25+$0x0] =	vst.idx.msk $0xffff, v23;
	v17 =	vmul.f32 v18, v10;
	v23 =	vor.u32 $0x3, v12  }
0xc9: {  	[tilespmem:v19+s25+$0x0] =	vst.idx.msk $0xffff, v21;
	v19 =	vadd.s32 $0xB, v12  }
0xca: {  	[tilespmem:v22+s25+$0x0] =	vst.idx.msk $0xffff, v17;
	v17 =	vadd.s32 $0x10, v12  }
0xcb: {  	v21 =	vmul.f32 v16, v8;
	v22 =	vadd.s32 $0x12, v12;
	[tilespmem:v25+s25+$0x0] =	vst.idx.msk $0xffff, v24  }
0xcc: {  	v24 =	vor.u32 $0x6, v14;
	[tilespmem:v26+s25+$0x0] =	vst.idx.msk $0xffff, v20;
	v20 =	vmul.f32 v18, v8  }
0xcd: {  	[tilespmem:v23+s25+$0x0] =	vst.idx.msk $0xffff, v21;
	v21 =	vor.u32 $0x5, v14  }
0xce: {  	[tilespmem:v19+s25+$0x0] =	vst.idx.msk $0xffff, v20;
	v19 =	vor.u32 $0x4, v14  }
0xcf: {  	v15 =	vor.u32 $0x5, v15;
	[tilespmem:v17+s25+$0x0] =	vst.idx.msk $0xffff, v16  }
0xd0: {  	v16 =	vor.u32 $0x9, v14;
	[tilespmem:v22+s25+$0x0] =	vst.idx.msk $0xffff, v18  }
0xd1: {  	v14 =	vor.u32 $0x7, v14;
	v17 =	vld.idx.msk [tilespmem:v24+s31+$0x0], $0xffff  }
0xd2: {  	v18 =	vld.idx.msk [tilespmem:v21+s31+$0x0], $0xffff  }
0xd3: {  	v19 =	vld.idx.msk [tilespmem:v19+s31+$0x0], $0xffff  }
0xd4: {  	v15 =	vld.idx.msk [tilespmem:v15+s30+$0x0], $0xffff  }
0xd5: {  	v16 =	vld.idx.msk [tilespmem:v16+s31+$0x0], $0xffff  }
0xd6: {  	v14 =	vld.idx.msk [tilespmem:v14+s31+$0x0], $0xffff;
	_ =	sdelay $0x1  }
0xd7: {  	v18 =	vmul.f32 v18, v10  }
0xd8: {  	v17 =	vmul.f32 v17, v9;
	v19 =	vmul.f32 v19, v11;
	_ =	sdelay $0x1  }
0xd9: {  	v18 =	vadd.f32 v18, v19;
	v16 =	vadd.f32 v16, v15  }
.Ltmp2:
0xda: {  	v14 =	vmul.f32 v14, v8;
	(pc) =	sbr.rel @p1 .LBB2_7-.Ltmp2, $4  }
0xdb: {  	v15 =	vadd.f32 v17, v18;
	v17 =	vmin.f32 v16, $0.0e+00  }
0xdc: {  	v17 =	vmul.f32 $2.000000030e-01, v17  }
0xdd: {  	v15 =	vadd.f32 v14, v15;
	v14 =	vmax.f32 v16, $0.0e+00  }
0xde: {  	v14 =	vadd.f32 v17, v14  }
0xdf: {  	v15 =	vsub.f32 v15, v6  }
0xe0: {  	v14 =	vsub.f32 v14, v7  }
0xe1: {  	v15 =	vmul.f32 $1.442695020e+00, v15  }
0xe2: {  	v14 =	vmul.f32 $1.442695020e+00, v14  }
0xe3: {  	(erf) = vpow2.f32 v15  }
0xe4: {  	(erf) = vpow2.f32 v14;
	_ =	sdelay $0x7  }
0xe5: {  	v14 =	vor.u32 $0x4, v12;
	v15 =	vpop (erf)  }
0xe6: {  	v16 =	vadd.s32 $0xC, v12;
	v15 =	vmul.f32 v15, v13;
	v17 =	vpop (erf)  }
0xe7: {  	v13 =	vmul.f32 v17, v13;
	v17 =	vor.u32 $0x5, v12  }
0xe8: {  	v19 =	vadd.s32 $0xD, v12;
	v18 =	vmul.f32 v15, v11  }
0xe9: {  	v20 =	vor.u32 $0x6, v12;
	v11 =	vmul.f32 v13, v11  }
0xea: {  	v21 =	vmul.f32 v15, v10;
	[tilespmem:v14+s25+$0x0] =	vst.idx.msk $0xffff, v18;
	v14 =	vadd.s32 $0xE, v12  }
0xeb: {  	v10 =	vmul.f32 v13, v10;
	[tilespmem:v16+s25+$0x0] =	vst.idx.msk $0xffff, v11;
	v11 =	vor.u32 $0x7, v12  }
0xec: {  	v16 =	vmul.f32 v15, v9;
	[tilespmem:v17+s25+$0x0] =	vst.idx.msk $0xffff, v21;
	v17 =	vadd.s32 $0xF, v12  }
0xed: {  	v9 =	vmul.f32 v13, v9;
	[tilespmem:v19+s25+$0x0] =	vst.idx.msk $0xffff, v10;
	v10 =	vadd.s32 $0x11, v12  }
0xee: {  	v12 =	vadd.s32 $0x13, v12;
	[tilespmem:v20+s25+$0x0] =	vst.idx.msk $0xffff, v16;
	v16 =	vmul.f32 v15, v8  }
0xef: {  	v8 =	vmul.f32 v13, v8;
	[tilespmem:v14+s25+$0x0] =	vst.idx.msk $0xffff, v9  }
0xf0: {  	[tilespmem:v11+s25+$0x0] =	vst.idx.msk $0xffff, v16  }
0xf1: {  	[tilespmem:v17+s25+$0x0] =	vst.idx.msk $0xffff, v8  }
0xf2: {  	[tilespmem:v10+s25+$0x0] =	vst.idx.msk $0xffff, v15  }
0xf3: {  	[tilespmem:v12+s25+$0x0] =	vst.idx.msk $0xffff, v13  }
0xf4: {  	v8 =	vld [tilespmem:$0x12640]  }
0xf5: {  	v9 =	vld [tilespmem:$0x12650]  }
0xf6: {  	v10 =	vld [tilespmem:$0x12660]  }
0xf7: {  	v11 =	vld [tilespmem:$0x12670]  }
0xf8: {  	v12 =	vld [tilespmem:$0x12680]  }
0xf9: {  	[tilespmem:$0x12740] =	vst v8;
	v8 =	vld [tilespmem:$0x12690]  }
0xfa: {  	[tilespmem:$0x12750] =	vst v9;
	v9 =	vld [tilespmem:$0x126A0]  }
0xfb: {  	[tilespmem:$0x12760] =	vst v10;
	v10 =	vld [tilespmem:$0x126B0]  }
0xfc: {  	[tilespmem:$0x12770] =	vst v11  }
0xfd: {  	[tilespmem:$0x12780] =	vst v12  }
0xfe: {  	[tilespmem:$0x12790] =	vst v8  }
0xff: {  	[tilespmem:$0x127A0] =	vst v9  }
0x100: {  	s1 =	simm.s32 $0x12740;
	[tilespmem:$0x127B0] =	vst v10  }
0x101: {  	[spmem:s2] =	stream.indirect.scatter.add.f32 [tilespmem:s25], [sflag:$0x3], $0x18, s1, s29, $0xb8;
	[tilespmem:$0x158C0] =	vst v63  }
0x102: {  	p1 =	seq.s32 s28, $0x63;
	s1 =	rddreg [dreg:$0x9]  }
0x103: {  	s14 =	sadd.s32 @!p1 s20, s1  }
0x104: {  	s14 =	sshll.u32 @!p1 s14, $0x4  }
0x105: {  	s14 =	sand.u32 @!p1 $0x1FFFFFE0, s14  }
0x106: {  	s12 =	simm.s32 @!p1 $0x12540;
	s20 =	simm.s32 @!p1 $0x0;
	s17 =	sadd.s32 @!p1 s7, s14  }
0x107: {  	[tilespmem:s12], [sflag:$0x5] =	stream.linear.gather @!p1 [hbm4b:s17+s20], $0x80, $0x38;
	[tilespmem:$0x158C0] =	vst v63  }
0x108: {  	s17 =	simm.s32 @!p1 $0x5  }
0x109: {  	_ =	swait.ge @!p1 [sflag:s17], $0x80  }
0x10a: {  	[sflag:s17] =	ssyncset.done @!p1 $0x0  }
0x10b: {  	s1 =	simm.s32 @!p1 $0x12640;
	s14 =	sadd.s32 @!p1 s8, s14;
	[sflag:s17] =	ssyncadd.s32 @!p1 $0xFFFFFF80  }
0x10c: {  	[tilespmem:s1], [sflag:$0x5] =	stream.linear.gather @!p1 [hbm4b:s14+s20], $0x80, $0x38;
	[tilespmem:$0x158C0] =	vst v63  }
0x10d: {  	_ =	swait.ge @!p1 [sflag:s17], $0x80  }
0x10e: {  	[sflag:s17] =	ssyncset.done @!p1 $0x0  }
0x10f: {  	s14 =	simm.s32 @!p1 $0x80;
	[sflag:s17] =	ssyncadd.s32 @!p1 $0xFFFFFF80;
	s17 =	simm.s32 @!p1 $0x12840  }
0x110: {  	[tilespmem:s17], [sflag:$0x1] =	stream.indirect.gather @!p1 [hbm4b:s3+s14], $0x8, s12, s14, $0xb8;
	[tilespmem:$0x158C0] =	vst v63  }
0x111: {  	s12 =	simm.s32 @!p1 $0x13040  }
0x112: {  	[tilespmem:s12], [sflag:$0x1] =	stream.indirect.gather @!p1 [hbm4b:s10+s14], $0x10, s1, s14, $0xb8;
	[tilespmem:$0x158C0] =	vst v63  }
0x113: {  	_ =	swait.ge [sflag:s18], $0x400  }
0x114: {  	s17 =	simm.s32 $0x0;
	[sflag:s18] =	ssyncset.done $0x0  }
0x115: {  	v12 =	vor.u32 s17, v1;
	[sflag:s18] =	ssyncadd.s32 $0xFFFFFC00  }
0x116: {  	v14 =	vshll.u32 v12, $0x4;
	_ =	swait.ge [sflag:s18], $0x800  }
0x117: {  	v8 =	vor.u32 $0x8, v14;
	[sflag:s18] =	ssyncset.done $0x0  }
0x118: {  	s1 =	simm.s32 @!p0 $0x4;
	v9 =	vor.u32 $0x1, v14;
	[sflag:s18] =	ssyncadd.s32 $0xFFFFF800  }
0x119: {  	v15 =	vshll.u32 v12, $0x3;
	_ =	swait.ge @!p0 [sflag:s1], $0xC00  }
0x11a: {  	v10 =	vor.u32 $0x1, v15;
	[sflag:s1] =	ssyncset.done @!p0 $0x0  }
0x11b: {  	[sflag:s1] =	ssyncadd.s32 @!p0 $0xFFFFF400  }
0x11c: {  	v13 =	vor.u32 $0x2, v15;
	v16 =	vld.idx.msk [tilespmem:v8+s9+$0x0], $0xffff  }
0x11d: {  	v44 =	vor.u32 $0x4, v15;
	v17 =	vld.idx.msk [tilespmem:v9+s9+$0x0], $0xffff  }
0x11e: {  	v8 =	vor.u32 $0x2, v14;
	v45 =	vld.idx.msk [tilespmem:v14+s9+$0x0], $0xffff  }
0x11f: {  	v47 =	vor.u32 $0x3, v14;
	v10 =	vld.idx.msk [tilespmem:v10+s4+$0x0], $0xffff  }
0x120: {  	v46 =	vor.u32 $0x3, v15;
	v11 =	vld.idx.msk [tilespmem:v15+s4+$0x0], $0xffff  }
0x121: {  	v9 =	vld.idx.msk [tilespmem:v13+s4+$0x0], $0xffff  }
0x122: {  	v18 =	vld.idx.msk [tilespmem:v44+s4+$0x0], $0xffff  }
0x123: {  	v13 =	vld.idx.msk [tilespmem:v8+s9+$0x0], $0xffff  }
0x124: {  	v48 =	vld.idx.msk [tilespmem:v47+s9+$0x0], $0xffff  }
0x125: {  	v8 =	vld.idx.msk [tilespmem:v46+s4+$0x0], $0xffff  }
0x126: {  	v19 =	vmul.f32 v45, v11;
	v17 =	vmul.f32 v17, v10;
	_ =	sdelay $0x1  }
0x127: {  	v16 =	vadd.f32 v16, v18;
	v17 =	vadd.f32 v17, v19;
	v13 =	vmul.f32 v13, v9;
	_ =	sdelay $0x1  }
0x128: {  	v18 =	vmin.f32 v16, $0.0e+00;
	v13 =	vadd.f32 v13, v17;
	v17 =	vmul.f32 v48, v8  }
0x129: {  	v18 =	vmul.f32 $2.000000030e-01, v18  }
0x12a: {  	v16 =	vmax.f32 v16, $0.0e+00;
	v13 =	vadd.f32 v17, v13  }
0x12b: {  	v16 =	vadd.f32 v18, v16  }
0x12c: {  	v13 =	vsub.f32 v13, v4  }
0x12d: {  	v16 =	vsub.f32 v16, v5  }
0x12e: {  	v13 =	vmul.f32 $1.442695020e+00, v13  }
0x12f: {  	v16 =	vmul.f32 $1.442695020e+00, v16  }
0x130: {  	(erf) = vpow2.f32 v13  }
0x131: {  	(erf) = vpow2.f32 v16;
	_ =	sdelay $0x5  }
0x132: {  	s20 =	sadd.s32 $0x0, s19  }
0x133: {  	p6 =	slt.u32 s20, $0xC3500;
	v12 =	vmul.u32 $0x18, v12  }
0x134: {  	v13 =	vpsel !p6, $0x0, v2;
	v16 =	vpop (erf)  }
0x135: {  	v17 =	vadd.s32 $0x8, v12;
	v16 =	vmul.f32 v16, v13;
	v49 =	vpop (erf)  }
0x136: {  	v50 =	vor.u32 $0x1, v12;
	v18 =	vmul.f32 v49, v13  }
0x137: {  	v52 =	vadd.s32 $0x9, v12;
	v51 =	vmul.f32 v16, v11  }
0x138: {  	v23 =	vor.u32 $0x2, v12;
	v22 =	vmul.f32 v18, v11  }
0x139: {  	v53 =	vadd.s32 $0xA, v12;
	v24 =	vmul.f32 v16, v10;
	[tilespmem:v12+s13+$0x0] =	vst.idx.msk $0xffff, v51  }
0x13a: {  	v54 =	vor.u32 $0x3, v12;
	[tilespmem:v17+s13+$0x0] =	vst.idx.msk $0xffff, v22;
	v17 =	vmul.f32 v18, v10  }
0x13b: {  	v55 =	vadd.s32 $0xB, v12;
	v25 =	vmul.f32 v16, v9;
	[tilespmem:v50+s13+$0x0] =	vst.idx.msk $0xffff, v24  }
0x13c: {  	v56 =	vmul.f32 v18, v9;
	[tilespmem:v52+s13+$0x0] =	vst.idx.msk $0xffff, v17;
	v17 =	vadd.s32 $0x10, v12  }
0x13d: {  	v58 =	vadd.s32 $0x12, v12;
	v57 =	vmul.f32 v16, v8;
	[tilespmem:v23+s13+$0x0] =	vst.idx.msk $0xffff, v25  }
0x13e: {  	v60 =	vor.u32 $0x5, v14;
	v59 =	vmul.f32 v18, v8;
	[tilespmem:v53+s13+$0x0] =	vst.idx.msk $0xffff, v56  }
0x13f: {  	v61 =	vor.u32 $0x4, v14;
	[tilespmem:v54+s13+$0x0] =	vst.idx.msk $0xffff, v57  }
0x140: {  	v15 =	vor.u32 $0x5, v15;
	[tilespmem:v55+s13+$0x0] =	vst.idx.msk $0xffff, v59  }
0x141: {  	[tilespmem:v17+s13+$0x0] =	vst.idx.msk $0xffff, v16;
	v16 =	vor.u32 $0x9, v14  }
0x142: {  	v17 =	vor.u32 $0x6, v14;
	[tilespmem:v58+s13+$0x0] =	vst.idx.msk $0xffff, v18  }
0x143: {  	v18 =	vld.idx.msk [tilespmem:v60+s9+$0x0], $0xffff  }
0x144: {  	v14 =	vor.u32 $0x7, v14;
	v19 =	vld.idx.msk [tilespmem:v61+s9+$0x0], $0xffff  }
0x145: {  	v15 =	vld.idx.msk [tilespmem:v15+s4+$0x0], $0xffff  }
0x146: {  	v16 =	vld.idx.msk [tilespmem:v16+s9+$0x0], $0xffff  }
0x147: {  	v17 =	vld.idx.msk [tilespmem:v17+s9+$0x0], $0xffff;
	_ =	sdelay $0x1  }
0x148: {  	v14 =	vld.idx.msk [tilespmem:v14+s9+$0x0], $0xffff  }
0x149: {  	v18 =	vmul.f32 v18, v10;
	v19 =	vmul.f32 v19, v11;
	_ =	sdelay $0x1  }
0x14a: {  	v15 =	vadd.f32 v16, v15;
	v16 =	vmul.f32 v17, v9;
	v17 =	vadd.f32 v18, v19;
	_ =	sdelay $0x1  }
0x14b: {  	v14 =	vmul.f32 v14, v8;
	v62 =	vmin.f32 v15, $0.0e+00;
	v16 =	vadd.f32 v16, v17  }
0x14c: {  	v17 =	vmul.f32 $2.000000030e-01, v62  }
0x14d: {  	v63 =	vmax.f32 v15, $0.0e+00;
	v15 =	vadd.f32 v14, v16  }
0x14e: {  	s17 =	simm.s32 $0x10;
	v14 =	vadd.f32 v17, v63  }
.LBB2_9:
0x14f: {  	p0 =	sne.s32 s17, $0x70;
	v17 =	vsub.f32 v15, v6;
	s14 =	smov.u32 s17;
	s17 =	sadd.s32 $0x10, s17  }
0x150: {  	v16 =	vor.u32 s14, v1;
	v18 =	vsub.f32 v14, v7  }
0x151: {  	v15 =	vshll.u32 v16, $0x3;
	v14 =	vshll.u32 v16, $0x4;
	v17 =	vmul.f32 $1.442695020e+00, v17  }
0x152: {  	v19 =	vor.u32 $0x1, v15;
	v20 =	vor.u32 $0x1, v14;
	v18 =	vmul.f32 $1.442695020e+00, v18  }
0x153: {  	v21 =	vor.u32 $0x2, v14;
	v22 =	vor.u32 $0x4, v15;
	(erf) = vpow2.f32 v17  }
0x154: {  	(erf) = vpow2.f32 v18;
	_ =	sdelay $0x7  }
0x155: {  	v17 =	vor.u32 $0x4, v12;
	v18 =	vpop (erf)  }
0x156: {  	v23 =	vadd.s32 $0xC, v12;
	v18 =	vmul.f32 v18, v13;
	v24 =	vpop (erf)  }
0x157: {  	v13 =	vmul.f32 v24, v13;
	v24 =	vor.u32 $0x5, v12  }
0x158: {  	v27 =	vadd.s32 $0xD, v12;
	v25 =	vmul.f32 v18, v11;
	v26 =	vmul.f32 v18, v10  }
0x159: {  	v28 =	vor.u32 $0x6, v12;
	v11 =	vmul.f32 v13, v11;
	v10 =	vmul.f32 v13, v10  }
0x15a: {  	[tilespmem:v17+s13+$0x0] =	vst.idx.msk $0xffff, v25;
	v17 =	vmul.f32 v18, v9;
	v9 =	vmul.f32 v13, v9;
	v25 =	vadd.s32 $0xE, v12  }
0x15b: {  	[tilespmem:v23+s13+$0x0] =	vst.idx.msk $0xffff, v11;
	v11 =	vor.u32 $0x7, v12  }
0x15c: {  	v23 =	vadd.s32 $0xF, v12;
	[tilespmem:v24+s13+$0x0] =	vst.idx.msk $0xffff, v26  }
0x15d: {  	[tilespmem:v27+s13+$0x0] =	vst.idx.msk $0xffff, v10;
	v10 =	vadd.s32 $0x11, v12  }
0x15e: {  	v12 =	vadd.s32 $0x13, v12;
	[tilespmem:v28+s13+$0x0] =	vst.idx.msk $0xffff, v17;
	v17 =	vmul.f32 v18, v8  }
0x15f: {  	v24 =	vor.u32 $0x8, v14;
	v8 =	vmul.f32 v13, v8;
	[tilespmem:v25+s13+$0x0] =	vst.idx.msk $0xffff, v9  }
0x160: {  	[tilespmem:v11+s13+$0x0] =	vst.idx.msk $0xffff, v17  }
0x161: {  	[tilespmem:v23+s13+$0x0] =	vst.idx.msk $0xffff, v8  }
0x162: {  	[tilespmem:v10+s13+$0x0] =	vst.idx.msk $0xffff, v18  }
0x163: {  	[tilespmem:v12+s13+$0x0] =	vst.idx.msk $0xffff, v13  }
0x164: {  	v8 =	vor.u32 $0x2, v15;
	v12 =	vld.idx.msk [tilespmem:v24+s9+$0x0], $0xffff  }
0x165: {  	v13 =	vld.idx.msk [tilespmem:v20+s9+$0x0], $0xffff  }
0x166: {  	v17 =	vld.idx.msk [tilespmem:v14+s9+$0x0], $0xffff  }
0x167: {  	v18 =	vor.u32 $0x3, v15;
	v10 =	vld.idx.msk [tilespmem:v19+s4+$0x0], $0xffff  }
0x168: {  	v19 =	vor.u32 $0x3, v14;
	v11 =	vld.idx.msk [tilespmem:v15+s4+$0x0], $0xffff  }
0x169: {  	v9 =	vld.idx.msk [tilespmem:v8+s4+$0x0], $0xffff  }
0x16a: {  	v20 =	vld.idx.msk [tilespmem:v21+s9+$0x0], $0xffff  }
0x16b: {  	v21 =	vld.idx.msk [tilespmem:v22+s4+$0x0], $0xffff  }
0x16c: {  	v8 =	vld.idx.msk [tilespmem:v18+s4+$0x0], $0xffff  }
0x16d: {  	v18 =	vld.idx.msk [tilespmem:v19+s9+$0x0], $0xffff  }
0x16e: {  	v17 =	vmul.f32 v17, v11  }
0x16f: {  	v13 =	vmul.f32 v13, v10  }
0x170: {  	v19 =	vmul.f32 v20, v9  }
0x171: {  	v13 =	vadd.f32 v13, v17;
	v12 =	vadd.f32 v12, v21;
	_ =	sdelay $0x1  }
0x172: {  	v13 =	vadd.f32 v19, v13;
	v17 =	vmul.f32 v18, v8;
	v18 =	vmin.f32 v12, $0.0e+00  }
0x173: {  	v18 =	vmul.f32 $2.000000030e-01, v18  }
0x174: {  	v12 =	vmax.f32 v12, $0.0e+00;
	v13 =	vadd.f32 v17, v13  }
0x175: {  	v12 =	vadd.f32 v18, v12  }
0x176: {  	v13 =	vsub.f32 v13, v4  }
0x177: {  	v12 =	vsub.f32 v12, v5  }
0x178: {  	v13 =	vmul.f32 $1.442695020e+00, v13  }
0x179: {  	v12 =	vmul.f32 $1.442695020e+00, v12  }
0x17a: {  	(erf) = vpow2.f32 v13  }
0x17b: {  	(erf) = vpow2.f32 v12;
	_ =	sdelay $0x5  }
0x17c: {  	s1 =	sadd.s32 s14, s19  }
0x17d: {  	p1 =	slt.u32 s1, $0xC3500;
	v12 =	vmul.u32 $0x18, v16  }
0x17e: {  	v13 =	vpsel !p1, $0x0, v2;
	v16 =	vpop (erf)  }
0x17f: {  	v17 =	vadd.s32 $0x8, v12;
	v16 =	vmul.f32 v16, v13;
	v18 =	vpop (erf)  }
0x180: {  	v19 =	vor.u32 $0x1, v12;
	v18 =	vmul.f32 v18, v13  }
0x181: {  	v22 =	vadd.s32 $0x9, v12;
	v20 =	vmul.f32 v16, v11;
	v21 =	vmul.f32 v16, v10  }
0x182: {  	v25 =	vor.u32 $0x2, v12;
	v24 =	vmul.f32 v16, v9;
	v23 =	vmul.f32 v18, v11  }
0x183: {  	v26 =	vadd.s32 $0xA, v12;
	[tilespmem:v12+s13+$0x0] =	vst.idx.msk $0xffff, v20;
	v20 =	vmul.f32 v18, v9  }
0x184: {  	[tilespmem:v17+s13+$0x0] =	vst.idx.msk $0xffff, v23;
	v17 =	vmul.f32 v18, v10;
	v23 =	vor.u32 $0x3, v12  }
0x185: {  	[tilespmem:v19+s13+$0x0] =	vst.idx.msk $0xffff, v21;
	v19 =	vadd.s32 $0xB, v12  }
0x186: {  	[tilespmem:v22+s13+$0x0] =	vst.idx.msk $0xffff, v17;
	v17 =	vadd.s32 $0x10, v12  }
0x187: {  	v21 =	vmul.f32 v16, v8;
	v22 =	vadd.s32 $0x12, v12;
	[tilespmem:v25+s13+$0x0] =	vst.idx.msk $0xffff, v24  }
0x188: {  	v24 =	vor.u32 $0x6, v14;
	[tilespmem:v26+s13+$0x0] =	vst.idx.msk $0xffff, v20;
	v20 =	vmul.f32 v18, v8  }
0x189: {  	[tilespmem:v23+s13+$0x0] =	vst.idx.msk $0xffff, v21;
	v21 =	vor.u32 $0x5, v14  }
0x18a: {  	[tilespmem:v19+s13+$0x0] =	vst.idx.msk $0xffff, v20;
	v19 =	vor.u32 $0x4, v14  }
0x18b: {  	v15 =	vor.u32 $0x5, v15;
	[tilespmem:v17+s13+$0x0] =	vst.idx.msk $0xffff, v16  }
0x18c: {  	v16 =	vor.u32 $0x9, v14;
	[tilespmem:v22+s13+$0x0] =	vst.idx.msk $0xffff, v18  }
0x18d: {  	v14 =	vor.u32 $0x7, v14;
	v17 =	vld.idx.msk [tilespmem:v24+s9+$0x0], $0xffff  }
0x18e: {  	v18 =	vld.idx.msk [tilespmem:v21+s9+$0x0], $0xffff  }
0x18f: {  	v19 =	vld.idx.msk [tilespmem:v19+s9+$0x0], $0xffff  }
0x190: {  	v15 =	vld.idx.msk [tilespmem:v15+s4+$0x0], $0xffff  }
0x191: {  	v16 =	vld.idx.msk [tilespmem:v16+s9+$0x0], $0xffff  }
0x192: {  	v14 =	vld.idx.msk [tilespmem:v14+s9+$0x0], $0xffff;
	_ =	sdelay $0x1  }
0x193: {  	v18 =	vmul.f32 v18, v10  }
0x194: {  	v17 =	vmul.f32 v17, v9;
	v19 =	vmul.f32 v19, v11;
	_ =	sdelay $0x1  }
0x195: {  	v18 =	vadd.f32 v18, v19;
	v16 =	vadd.f32 v16, v15  }
.Ltmp3:
0x196: {  	v14 =	vmul.f32 v14, v8;
	(pc) =	sbr.rel @p0 .LBB2_9-.Ltmp3, $4  }
0x197: {  	v15 =	vadd.f32 v17, v18;
	v17 =	vmin.f32 v16, $0.0e+00  }
0x198: {  	v17 =	vmul.f32 $2.000000030e-01, v17  }
0x199: {  	v15 =	vadd.f32 v14, v15;
	v14 =	vmax.f32 v16, $0.0e+00  }
0x19a: {  	v14 =	vadd.f32 v17, v14  }
0x19b: {  	v15 =	vsub.f32 v15, v6  }
0x19c: {  	v14 =	vsub.f32 v14, v7  }
0x19d: {  	v15 =	vmul.f32 $1.442695020e+00, v15  }
0x19e: {  	v14 =	vmul.f32 $1.442695020e+00, v14  }
0x19f: {  	(erf) = vpow2.f32 v15  }
0x1a0: {  	(erf) = vpow2.f32 v14;
	_ =	sdelay $0x7  }
0x1a1: {  	v49 =	vor.u32 $0x4, v12;
	v15 =	vpop (erf)  }
0x1a2: {  	v16 =	vadd.s32 $0xC, v12;
	v15 =	vmul.f32 v15, v13;
	v17 =	vpop (erf)  }
0x1a3: {  	v51 =	vor.u32 $0x5, v12;
	v50 =	vmul.f32 v17, v13  }
0x1a4: {  	v19 =	vadd.s32 $0xD, v12;
	v18 =	vmul.f32 v15, v11  }
0x1a5: {  	v20 =	vor.u32 $0x6, v12;
	v52 =	vmul.f32 v50, v11  }
0x1a6: {  	v53 =	vadd.s32 $0xE, v12;
	v21 =	vmul.f32 v15, v10;
	[tilespmem:v49+s13+$0x0] =	vst.idx.msk $0xffff, v18  }
0x1a7: {  	v55 =	vor.u32 $0x7, v12;
	v54 =	vmul.f32 v50, v10;
	[tilespmem:v16+s13+$0x0] =	vst.idx.msk $0xffff, v52  }
0x1a8: {  	v57 =	vadd.s32 $0xF, v12;
	v56 =	vmul.f32 v15, v9;
	[tilespmem:v51+s13+$0x0] =	vst.idx.msk $0xffff, v21  }
0x1a9: {  	v59 =	vadd.s32 $0x11, v12;
	v58 =	vmul.f32 v50, v9;
	[tilespmem:v19+s13+$0x0] =	vst.idx.msk $0xffff, v54  }
0x1aa: {  	v61 =	vadd.s32 $0x13, v12;
	v60 =	vmul.f32 v15, v8;
	[tilespmem:v20+s13+$0x0] =	vst.idx.msk $0xffff, v56  }
0x1ab: {  	v8 =	vmul.f32 v50, v8;
	[tilespmem:v53+s13+$0x0] =	vst.idx.msk $0xffff, v58  }
0x1ac: {  	[tilespmem:v55+s13+$0x0] =	vst.idx.msk $0xffff, v60  }
0x1ad: {  	[tilespmem:v57+s13+$0x0] =	vst.idx.msk $0xffff, v8  }
0x1ae: {  	[tilespmem:v59+s13+$0x0] =	vst.idx.msk $0xffff, v15  }
0x1af: {  	[tilespmem:v61+s13+$0x0] =	vst.idx.msk $0xffff, v50  }
0x1b0: {  	v8 =	vld [tilespmem:$0x126C0]  }
0x1b1: {  	v9 =	vld [tilespmem:$0x126D0]  }
0x1b2: {  	v10 =	vld [tilespmem:$0x126E0]  }
0x1b3: {  	v11 =	vld [tilespmem:$0x126F0]  }
0x1b4: {  	v12 =	vld [tilespmem:$0x12700]  }
0x1b5: {  	v62 =	vld [tilespmem:$0x12720];
	[tilespmem:$0x127C0] =	vst v8  }
0x1b6: {  	v63 =	vld [tilespmem:$0x12730];
	[tilespmem:$0x127D0] =	vst v9  }
0x1b7: {  	s28 =	sadd.s32 $0x1, s28;
	v8 =	vld [tilespmem:$0x12710];
	[tilespmem:$0x127E0] =	vst v10  }
0x1b8: {  	p0 =	sne.s32 s28, $0x64;
	[tilespmem:$0x127F0] =	vst v11  }
.Ltmp4:
0x1b9: {  	[tilespmem:$0x12800] =	vst v12;
	(pc) =	sbr.rel @p0 .LBB2_6-.Ltmp4, $4  }
0x1ba: {  	[tilespmem:$0x12820] =	vst v62  }
0x1bb: {  	[tilespmem:$0x12830] =	vst v63  }
0x1bc: {  	s1 =	simm.s32 $0x127C0;
	s26 =	sadd.s32 $0x100, s26;
	s19 =	sadd.s32 $0x100, s19;
	[tilespmem:$0x12810] =	vst v8  }
0x1bd: {  	[spmem:s2] =	stream.indirect.scatter.add.f32 [tilespmem:s13], [sflag:$0x4], $0x18, s1, s29, $0xb8;
	[tilespmem:$0x158C0] =	vst v63  }
0x1be: {  	s1 =	simm.s32 $0x3  }
0x1bf: {  	_ =	swait.ge [sflag:s1], $0xC00  }
0x1c0: {  	[sflag:s1] =	ssyncset.done $0x0  }
0x1c1: {  	s20 =	simm.s32 $0x4;
	[sflag:s1] =	ssyncadd.s32 $0xFFFFF400  }
0x1c2: {  	_ =	swait.ge [sflag:s20], $0xC00  }
0x1c3: {  	[sflag:s20] =	ssyncset.done $0x0  }
0x1c4: {  	s26 =	stileid.u32;
	[sflag:s20] =	ssyncadd.s32 $0xFFFFF400  }
0x1c5: {  	s28 =	sshrl.u32 s11, $0x3;
	s1 =	sshll.u32 s26, $0x6;
	[bflag:$0x0] =	sbarrier.arrive $0xFFFF  }
0x1c6: {  	s12 =	sadd.s32 $0x0, s21;
	s19 =	sor.u32 $0x1C05, s1;
	[dreg:$0x10] =	wrdreg s28  }
0x1c7: {  	[hbm:s12], [sflag:s19] =	dma.local [spmem:s28], $0x180  }
0x1c8: {  	s14 =	sadd.s32 $0xC00, s11;
	s12 =	simm.s32 $0x180;
	_ =	swait.ge [sflag:s24], $0x180  }
.LBB2_12:
0x1c9: {  	s1 =	sadd.s32 s12, s21;
	[sflag:s24] =	ssyncset.done $0x0;
	p0 =	sne.s32 s12, $0x2280  }
.Ltmp5:
0x1ca: {  	s17 =	sshrl.u32 s14, $0x3;
	[sflag:s24] =	ssyncadd.s32 $0xFFFFFE80;
	(pc) =	sbr.rel @p0 .LBB2_12-.Ltmp5, $3  }
0x1cb: {  	[hbm:s1], [sflag:s19] =	dma.local [spmem:s17], $0x180  }
0x1cc: {  	s12 =	sadd.s32 $0x180, s12;
	_ =	sdelay $0x1  }
0x1cd: {  	s14 =	sadd.s32 $0xC00, s14;
	_ =	swait.ge [sflag:s24], $0x180  }
0x1ce: {  	s15 =	rddreg [dreg:$0x6]  }
0x1cf: {  	[sflag:s24] =	ssyncset.done $0x0;
	s1 =	rddreg [dreg:$0xa];
	s10 =	sshrl.u32 s15, $0x3  }
0x1d0: {  	[sflag:s24] =	ssyncadd.s32 $0xFFFFFE80;
	[dreg:$0x11] =	wrdreg s10  }
0x1d1: {  	[hbm:s1], [sflag:s19] =	dma.local [spmem:s10], $0xA8  }
0x1d2: {  	_ =	swait.ge [sflag:s24], $0xA8  }
0x1d3: {  	[sflag:s24] =	ssyncset.done $0x0  }
0x1d4: {  	s12 =	simm.s32 $0x0;
	[sflag:s24] =	ssyncadd.s32 $0xFFFFFF58  }
0x1d5: {  	s14 =	simm.s32 $0x60;
	[tilespmem:s12+$0x14040] =	vst v0  }
.LBB2_14:
0x1d6: {  	p0 =	sne.s32 s14, $0x2FA0;
	[tilespmem:s12+$0x14048] =	vst v0;
	s1 =	smov.u32 s14;
	s14 =	sadd.s32 $0x60, s14  }
.Ltmp6:
0x1d7: {  	[tilespmem:s12+$0x14C40] =	vst v0;
	(pc) =	sbr.rel @p0 .LBB2_14-.Ltmp6, $3  }
0x1d8: {  	[tilespmem:s12+$0x14C48] =	vst v0;
	_ =	sdelay $0x1  }
0x1d9: {  	s12 =	sshra.s32 s1, $0x2  }
0x1da: {  	[tilespmem:s12+$0x14040] =	vst v0  }
0x1db: {  	[tilespmem:s12+$0x14048] =	vst v0  }
0x1dc: {  	[tilespmem:s12+$0x14C40] =	vst v0  }
0x1dd: {  	s1 =	sadd.s32 $0x0, s11;
	[tilespmem:s12+$0x14C48] =	vst v0  }
0x1de: {  	[spmem:s1] =	stream.linear.scatter [tilespmem:s25], [sflag:$0x5], $0xC00, $0x38;
	[tilespmem:$0x158C0] =	vst v63  }
0x1df: {  	s12 =	simm.s32 $0x3000;
	_ =	swait.ge [sflag:s24], $0xC00  }
.LBB2_16:
0x1e0: {  	s1 =	sshra.s32 s12, $0x2;
	[sflag:s24] =	ssyncset.done $0x0;
	p0 =	sne.s32 s12, $0x45000  }
.Ltmp7:
0x1e1: {  	s1 =	sadd.s32 s1, s11;
	[sflag:s24] =	ssyncadd.s32 $0xFFFFF400;
	(pc) =	sbr.rel @p0 .LBB2_16-.Ltmp7, $3  }
0x1e2: {  	[spmem:s1] =	stream.linear.scatter [tilespmem:s25], [sflag:$0x5], $0xC00, $0x38;
	[tilespmem:$0x158C0] =	vst v63  }
0x1e3: {  	s12 =	sadd.s32 $0x3000, s12;
	_ =	sdelay $0x1  }
0x1e4: {  	_ =	swait.ge [sflag:s24], $0xC00  }
0x1e5: {  	[sflag:s24] =	ssyncset.done $0x0  }
0x1e6: {  	[sflag:s24] =	ssyncadd.s32 $0xFFFFF400  }
0x1e7: {  	[spmem:s15] =	stream.linear.scatter [tilespmem:s25], [sflag:$0x5], $0x540, $0x38;
	[tilespmem:$0x158C0] =	vst v63  }
0x1e8: {  	_ =	swait.ge [sflag:s24], $0x540  }
0x1e9: {  	[sflag:s24] =	ssyncset.done $0x0  }
0x1ea: {  	[sflag:s24] =	ssyncadd.s32 $0xFFFFFAC0  }
0x1eb: {  	[bflag:$0x0] =	sbarrier.arrive $0xFFFF  }
0x1ec: {  	s14 =	simm.s32 $0x0;
	s10 =	simm.s32 $0x12540;
	s1 =	rddreg [dreg:$0x7]  }
0x1ed: {  	[tilespmem:s10], [sflag:$0x5] =	stream.linear.gather [hbm4b:s1+s14], $0x80, $0x38;
	[tilespmem:$0x158C0] =	vst v63  }
0x1ee: {  	_ =	swait.ge [sflag:s24], $0x80  }
0x1ef: {  	[sflag:s24] =	ssyncset.done $0x0  }
0x1f0: {  	s12 =	simm.s32 $0x12640;
	s28 =	rddreg [dreg:$0x8];
	[sflag:s24] =	ssyncadd.s32 $0xFFFFFF80  }
0x1f1: {  	[tilespmem:s12], [sflag:$0x5] =	stream.linear.gather [hbm4b:s28+s14], $0x80, $0x38;
	[tilespmem:$0x158C0] =	vst v63  }
0x1f2: {  	_ =	swait.ge [sflag:s24], $0x80  }
0x1f3: {  	[sflag:s24] =	ssyncset.done $0x0  }
0x1f4: {  	[sflag:s24] =	ssyncadd.s32 $0xFFFFFF80  }
0x1f5: {  	[tilespmem:s30], [sflag:$0x1] =	stream.indirect.gather [hbm4b:s3+s29], $0x8, s10, s29, $0xb8;
	[tilespmem:$0x158C0] =	vst v63  }
0x1f6: {  	s26 =	rddreg [dreg:$0xd]  }
0x1f7: {  	v4 =	vbroadcast v3, $0x2;
	v6 =	vbroadcast v3, $0x3;
	[tilespmem:s31], [sflag:$0x1] =	stream.indirect.gather [hbm4b:s6+s29], $0x10, s12, s29, $0xb8;
	[tilespmem:$0x158C0] =	vst v63  }
0x1f8: {  	v5 =	vbroadcast v3, $0x6;
	v3 =	vbroadcast v3, $0x7;
	s20 =	simm.s32 $0x0;
	s12 =	rddreg [dreg:$0xe]  }
.LBB2_18:
0x1f9: {  	s17 =	sshll.u32 s20, $0x1  }
0x1fa: {  	s1 =	sadd.s32 s17, s5  }
0x1fb: {  	s1 =	sshll.u32 s1, $0x4  }
0x1fc: {  	s1 =	sadd.s32 $0x10, s1  }
0x1fd: {  	s1 =	sand.u32 $0x1FFFFFF0, s1  }
0x1fe: {  	s10 =	simm.s32 $0x0;
	s14 =	sadd.s32 s7, s1  }
0x1ff: {  	[tilespmem:s0], [sflag:$0x5] =	stream.linear.gather [hbm4b:s14+s10], $0x80, $0x38;
	[tilespmem:$0x158C0] =	vst v63  }
0x200: {  	_ =	swait.ge [sflag:s24], $0x80  }
0x201: {  	[sflag:s24] =	ssyncset.done $0x0  }
0x202: {  	s1 =	sadd.s32 s8, s1;
	[sflag:s24] =	ssyncadd.s32 $0xFFFFFF80  }
0x203: {  	[tilespmem:s23], [sflag:$0x5] =	stream.linear.gather [hbm4b:s1+s10], $0x80, $0x38;
	[tilespmem:$0x158C0] =	vst v63  }
0x204: {  	_ =	swait.ge [sflag:s24], $0x80  }
0x205: {  	[sflag:s24] =	ssyncset.done $0x0  }
0x206: {  	[sflag:s24] =	ssyncadd.s32 $0xFFFFFF80  }
0x207: {  	[tilespmem:s4], [sflag:$0x2] =	stream.indirect.gather [hbm4b:s3+s29], $0x8, s0, s29, $0xb8;
	[tilespmem:$0x158C0] =	vst v63  }
0x208: {  	_ = 	snop  }
0x209: {  	[tilespmem:s9], [sflag:$0x2] =	stream.indirect.gather [hbm4b:s6+s29], $0x10, s23, s29, $0xb8;
	[tilespmem:$0x158C0] =	vst v63  }
0x20a: {  	_ =	swait.ge [sflag:s16], $0x400  }
0x20b: {  	s14 =	simm.s32 $0x0;
	[sflag:s16] =	ssyncset.done $0x0  }
0x20c: {  	v11 =	vor.u32 s14, v1;
	[sflag:s16] =	ssyncadd.s32 $0xFFFFFC00  }
0x20d: {  	v13 =	vshll.u32 v11, $0x4;
	_ =	swait.ge [sflag:s16], $0x800  }
0x20e: {  	p0 =	seq.s32 s20, $0x0;
	v7 =	vor.u32 $0x8, v13;
	[sflag:s16] =	ssyncset.done $0x0  }
0x20f: {  	v8 =	vor.u32 $0x1, v13;
	s1 =	simm.s32 @!p0 $0x3;
	[sflag:s16] =	ssyncadd.s32 $0xFFFFF800  }
0x210: {  	v14 =	vshll.u32 v11, $0x3;
	_ =	swait.ge @!p0 [sflag:s1], $0xC00  }
0x211: {  	v9 =	vor.u32 $0x1, v14;
	[sflag:s1] =	ssyncset.done @!p0 $0x0  }
0x212: {  	[sflag:s1] =	ssyncadd.s32 @!p0 $0xFFFFF400  }
0x213: {  	v12 =	vor.u32 $0x2, v14;
	v15 =	vld.idx.msk [tilespmem:v7+s31+$0x0], $0xffff  }
0x214: {  	v17 =	vor.u32 $0x6, v14;
	v16 =	vld.idx.msk [tilespmem:v8+s31+$0x0], $0xffff  }
0x215: {  	v7 =	vor.u32 $0x2, v13;
	v18 =	vld.idx.msk [tilespmem:v13+s31+$0x0], $0xffff  }
0x216: {  	v20 =	vor.u32 $0x3, v13;
	v9 =	vld.idx.msk [tilespmem:v9+s30+$0x0], $0xffff  }
0x217: {  	v19 =	vor.u32 $0x3, v14;
	v10 =	vld.idx.msk [tilespmem:v14+s30+$0x0], $0xffff  }
0x218: {  	v8 =	vld.idx.msk [tilespmem:v12+s30+$0x0], $0xffff  }
0x219: {  	v17 =	vld.idx.msk [tilespmem:v17+s30+$0x0], $0xffff  }
0x21a: {  	v12 =	vld.idx.msk [tilespmem:v7+s31+$0x0], $0xffff  }
0x21b: {  	v41 =	vld.idx.msk [tilespmem:v20+s31+$0x0], $0xffff  }
0x21c: {  	v7 =	vld.idx.msk [tilespmem:v19+s30+$0x0], $0xffff  }
0x21d: {  	v18 =	vmul.f32 v18, v10;
	v16 =	vmul.f32 v16, v9;
	_ =	sdelay $0x1  }
0x21e: {  	v15 =	vadd.f32 v15, v17;
	v16 =	vadd.f32 v16, v18;
	v12 =	vmul.f32 v12, v8;
	_ =	sdelay $0x1  }
0x21f: {  	v17 =	vmin.f32 v15, $0.0e+00;
	v42 =	vmul.f32 v41, v7;
	v12 =	vadd.f32 v12, v16  }
0x220: {  	v17 =	vmul.f32 $2.000000030e-01, v17  }
0x221: {  	v15 =	vmax.f32 v15, $0.0e+00;
	v12 =	vadd.f32 v42, v12  }
0x222: {  	v15 =	vadd.f32 v17, v15  }
0x223: {  	v12 =	vsub.f32 v12, v4  }
0x224: {  	v15 =	vsub.f32 v15, v5  }
0x225: {  	v12 =	vmul.f32 $1.442695020e+00, v12  }
0x226: {  	v15 =	vmul.f32 $1.442695020e+00, v15  }
0x227: {  	(erf) = vpow2.f32 v12  }
0x228: {  	(erf) = vpow2.f32 v15;
	_ =	sdelay $0x5  }
0x229: {  	s28 =	sadd.s32 $0x0, s26  }
0x22a: {  	p1 =	slt.u32 s28, $0xC3500;
	v11 =	vmul.u32 $0x18, v11  }
0x22b: {  	v12 =	vpsel !p1, $0x0, v2;
	v15 =	vpop (erf)  }
0x22c: {  	v43 =	vadd.s32 $0x8, v11;
	v15 =	vmul.f32 v15, v12;
	v44 =	vpop (erf)  }
0x22d: {  	v45 =	vor.u32 $0x1, v11;
	v17 =	vmul.f32 v44, v12  }
0x22e: {  	v47 =	vadd.s32 $0x9, v11;
	v46 =	vmul.f32 v15, v10  }
0x22f: {  	v22 =	vor.u32 $0x2, v11;
	v21 =	vmul.f32 v17, v10  }
0x230: {  	v48 =	vadd.s32 $0xA, v11;
	v23 =	vmul.f32 v15, v9;
	[tilespmem:v11+s25+$0x0] =	vst.idx.msk $0xffff, v46  }
0x231: {  	v50 =	vor.u32 $0x3, v11;
	v49 =	vmul.f32 v17, v9;
	[tilespmem:v43+s25+$0x0] =	vst.idx.msk $0xffff, v21  }
0x232: {  	v51 =	vadd.s32 $0xB, v11;
	v24 =	vmul.f32 v15, v8;
	[tilespmem:v45+s25+$0x0] =	vst.idx.msk $0xffff, v23  }
0x233: {  	v53 =	vadd.s32 $0x10, v11;
	v52 =	vmul.f32 v17, v8;
	[tilespmem:v47+s25+$0x0] =	vst.idx.msk $0xffff, v49  }
0x234: {  	v55 =	vadd.s32 $0x12, v11;
	v54 =	vmul.f32 v15, v7;
	[tilespmem:v22+s25+$0x0] =	vst.idx.msk $0xffff, v24  }
0x235: {  	v57 =	vor.u32 $0x5, v13;
	v56 =	vmul.f32 v17, v7;
	[tilespmem:v48+s25+$0x0] =	vst.idx.msk $0xffff, v52  }
0x236: {  	v58 =	vor.u32 $0x4, v13;
	[tilespmem:v50+s25+$0x0] =	vst.idx.msk $0xffff, v54  }
0x237: {  	v14 =	vor.u32 $0x7, v14;
	[tilespmem:v51+s25+$0x0] =	vst.idx.msk $0xffff, v56  }
0x238: {  	v59 =	vor.u32 $0x6, v13;
	[tilespmem:v53+s25+$0x0] =	vst.idx.msk $0xffff, v15  }
0x239: {  	v15 =	vor.u32 $0x9, v13;
	[tilespmem:v55+s25+$0x0] =	vst.idx.msk $0xffff, v17  }
0x23a: {  	v17 =	vld.idx.msk [tilespmem:v57+s31+$0x0], $0xffff  }
0x23b: {  	v13 =	vor.u32 $0x7, v13;
	v18 =	vld.idx.msk [tilespmem:v58+s31+$0x0], $0xffff  }
0x23c: {  	v14 =	vld.idx.msk [tilespmem:v14+s30+$0x0], $0xffff  }
0x23d: {  	v16 =	vld.idx.msk [tilespmem:v59+s31+$0x0], $0xffff  }
0x23e: {  	v15 =	vld.idx.msk [tilespmem:v15+s31+$0x0], $0xffff;
	_ =	sdelay $0x1  }
0x23f: {  	v13 =	vld.idx.msk [tilespmem:v13+s31+$0x0], $0xffff  }
0x240: {  	v17 =	vmul.f32 v17, v9;
	v18 =	vmul.f32 v18, v10;
	_ =	sdelay $0x1  }
0x241: {  	v60 =	vadd.f32 v17, v18;
	v14 =	vadd.f32 v15, v14;
	v15 =	vmul.f32 v16, v8;
	_ =	sdelay $0x1  }
0x242: {  	v13 =	vmul.f32 v13, v7;
	v61 =	vmin.f32 v14, $0.0e+00;
	v15 =	vadd.f32 v15, v60  }
0x243: {  	v62 =	vmul.f32 $2.000000030e-01, v61  }
0x244: {  	v63 =	vmax.f32 v14, $0.0e+00;
	v14 =	vadd.f32 v13, v15  }
0x245: {  	s15 =	simm.s32 $0x0;
	s14 =	simm.s32 $0x10;
	v13 =	vadd.f32 v62, v63  }
.LBB2_19:
0x246: {  	p1 =	sne.s32 s14, $0x70;
	v16 =	vsub.f32 v14, v6;
	s28 =	smov.u32 s14;
	s14 =	sadd.s32 $0x10, s14  }
0x247: {  	v15 =	vor.u32 s28, v1;
	v17 =	vsub.f32 v13, v3  }
0x248: {  	v14 =	vshll.u32 v15, $0x3;
	v13 =	vshll.u32 v15, $0x4;
	v16 =	vmul.f32 $1.442695020e+00, v16  }
0x249: {  	v18 =	vor.u32 $0x1, v14;
	v19 =	vor.u32 $0x1, v13;
	v17 =	vmul.f32 $1.442695020e+00, v17  }
0x24a: {  	v20 =	vor.u32 $0x2, v13;
	v21 =	vor.u32 $0x6, v14;
	(erf) = vpow2.f32 v16  }
0x24b: {  	(erf) = vpow2.f32 v17;
	_ =	sdelay $0x7  }
0x24c: {  	v16 =	vor.u32 $0x4, v11;
	v17 =	vpop (erf)  }
0x24d: {  	v22 =	vadd.s32 $0xC, v11;
	v17 =	vmul.f32 v17, v12;
	v23 =	vpop (erf)  }
0x24e: {  	v12 =	vmul.f32 v23, v12;
	v23 =	vor.u32 $0x5, v11  }
0x24f: {  	v26 =	vadd.s32 $0xD, v11;
	v24 =	vmul.f32 v17, v10;
	v25 =	vmul.f32 v17, v9  }
0x250: {  	v27 =	vor.u32 $0x6, v11;
	v10 =	vmul.f32 v12, v10;
	v9 =	vmul.f32 v12, v9  }
0x251: {  	[tilespmem:v16+s25+$0x0] =	vst.idx.msk $0xffff, v24;
	v16 =	vmul.f32 v17, v8;
	v8 =	vmul.f32 v12, v8;
	v24 =	vadd.s32 $0xE, v11  }
0x252: {  	[tilespmem:v22+s25+$0x0] =	vst.idx.msk $0xffff, v10;
	v10 =	vor.u32 $0x7, v11  }
0x253: {  	v22 =	vadd.s32 $0xF, v11;
	[tilespmem:v23+s25+$0x0] =	vst.idx.msk $0xffff, v25  }
0x254: {  	[tilespmem:v26+s25+$0x0] =	vst.idx.msk $0xffff, v9;
	v9 =	vadd.s32 $0x11, v11  }
0x255: {  	v11 =	vadd.s32 $0x13, v11;
	[tilespmem:v27+s25+$0x0] =	vst.idx.msk $0xffff, v16;
	v16 =	vmul.f32 v17, v7  }
0x256: {  	v23 =	vor.u32 $0x8, v13;
	v7 =	vmul.f32 v12, v7;
	[tilespmem:v24+s25+$0x0] =	vst.idx.msk $0xffff, v8  }
0x257: {  	[tilespmem:v10+s25+$0x0] =	vst.idx.msk $0xffff, v16  }
0x258: {  	[tilespmem:v22+s25+$0x0] =	vst.idx.msk $0xffff, v7  }
0x259: {  	[tilespmem:v9+s25+$0x0] =	vst.idx.msk $0xffff, v17  }
0x25a: {  	[tilespmem:v11+s25+$0x0] =	vst.idx.msk $0xffff, v12  }
0x25b: {  	v7 =	vor.u32 $0x2, v14;
	v11 =	vld.idx.msk [tilespmem:v23+s31+$0x0], $0xffff  }
0x25c: {  	v12 =	vld.idx.msk [tilespmem:v19+s31+$0x0], $0xffff  }
0x25d: {  	v16 =	vld.idx.msk [tilespmem:v13+s31+$0x0], $0xffff  }
0x25e: {  	v17 =	vor.u32 $0x3, v14;
	v9 =	vld.idx.msk [tilespmem:v18+s30+$0x0], $0xffff  }
0x25f: {  	v18 =	vor.u32 $0x3, v13;
	v10 =	vld.idx.msk [tilespmem:v14+s30+$0x0], $0xffff  }
0x260: {  	v8 =	vld.idx.msk [tilespmem:v7+s30+$0x0], $0xffff  }
0x261: {  	v19 =	vld.idx.msk [tilespmem:v20+s31+$0x0], $0xffff  }
0x262: {  	v20 =	vld.idx.msk [tilespmem:v21+s30+$0x0], $0xffff  }
0x263: {  	v7 =	vld.idx.msk [tilespmem:v17+s30+$0x0], $0xffff  }
0x264: {  	v17 =	vld.idx.msk [tilespmem:v18+s31+$0x0], $0xffff  }
0x265: {  	v16 =	vmul.f32 v16, v10  }
0x266: {  	v12 =	vmul.f32 v12, v9  }
0x267: {  	v18 =	vmul.f32 v19, v8  }
0x268: {  	v12 =	vadd.f32 v12, v16;
	v11 =	vadd.f32 v11, v20;
	_ =	sdelay $0x1  }
0x269: {  	v12 =	vadd.f32 v18, v12;
	v16 =	vmul.f32 v17, v7;
	v17 =	vmin.f32 v11, $0.0e+00  }
0x26a: {  	v17 =	vmul.f32 $2.000000030e-01, v17  }
0x26b: {  	v11 =	vmax.f32 v11, $0.0e+00;
	v12 =	vadd.f32 v16, v12  }
0x26c: {  	v11 =	vadd.f32 v17, v11  }
0x26d: {  	v12 =	vsub.f32 v12, v4  }
0x26e: {  	v11 =	vsub.f32 v11, v5  }
0x26f: {  	v12 =	vmul.f32 $1.442695020e+00, v12  }
0x270: {  	v11 =	vmul.f32 $1.442695020e+00, v11  }
0x271: {  	(erf) = vpow2.f32 v12  }
0x272: {  	(erf) = vpow2.f32 v11;
	_ =	sdelay $0x5  }
0x273: {  	s1 =	sadd.s32 s28, s26  }
0x274: {  	p2 =	slt.u32 s1, $0xC3500;
	v11 =	vmul.u32 $0x18, v15  }
0x275: {  	v12 =	vpsel !p2, $0x0, v2;
	v15 =	vpop (erf)  }
0x276: {  	v16 =	vadd.s32 $0x8, v11;
	v15 =	vmul.f32 v15, v12;
	v17 =	vpop (erf)  }
0x277: {  	v18 =	vor.u32 $0x1, v11;
	v17 =	vmul.f32 v17, v12  }
0x278: {  	v21 =	vadd.s32 $0x9, v11;
	v19 =	vmul.f32 v15, v10;
	v20 =	vmul.f32 v15, v9  }
0x279: {  	v24 =	vor.u32 $0x2, v11;
	v23 =	vmul.f32 v15, v8;
	v22 =	vmul.f32 v17, v10  }
0x27a: {  	v25 =	vadd.s32 $0xA, v11;
	[tilespmem:v11+s25+$0x0] =	vst.idx.msk $0xffff, v19;
	v19 =	vmul.f32 v17, v8  }
0x27b: {  	[tilespmem:v16+s25+$0x0] =	vst.idx.msk $0xffff, v22;
	v16 =	vmul.f32 v17, v9;
	v22 =	vor.u32 $0x3, v11  }
0x27c: {  	[tilespmem:v18+s25+$0x0] =	vst.idx.msk $0xffff, v20;
	v18 =	vadd.s32 $0xB, v11  }
0x27d: {  	[tilespmem:v21+s25+$0x0] =	vst.idx.msk $0xffff, v16;
	v16 =	vadd.s32 $0x10, v11  }
0x27e: {  	v20 =	vmul.f32 v15, v7;
	v21 =	vadd.s32 $0x12, v11;
	[tilespmem:v24+s25+$0x0] =	vst.idx.msk $0xffff, v23  }
0x27f: {  	v23 =	vor.u32 $0x6, v13;
	[tilespmem:v25+s25+$0x0] =	vst.idx.msk $0xffff, v19;
	v19 =	vmul.f32 v17, v7  }
0x280: {  	[tilespmem:v22+s25+$0x0] =	vst.idx.msk $0xffff, v20;
	v20 =	vor.u32 $0x5, v13  }
0x281: {  	[tilespmem:v18+s25+$0x0] =	vst.idx.msk $0xffff, v19;
	v18 =	vor.u32 $0x4, v13  }
0x282: {  	v14 =	vor.u32 $0x7, v14;
	[tilespmem:v16+s25+$0x0] =	vst.idx.msk $0xffff, v15  }
0x283: {  	v15 =	vor.u32 $0x9, v13;
	[tilespmem:v21+s25+$0x0] =	vst.idx.msk $0xffff, v17  }
0x284: {  	v13 =	vor.u32 $0x7, v13;
	v16 =	vld.idx.msk [tilespmem:v23+s31+$0x0], $0xffff  }
0x285: {  	v17 =	vld.idx.msk [tilespmem:v20+s31+$0x0], $0xffff  }
0x286: {  	v18 =	vld.idx.msk [tilespmem:v18+s31+$0x0], $0xffff  }
0x287: {  	v14 =	vld.idx.msk [tilespmem:v14+s30+$0x0], $0xffff  }
0x288: {  	v15 =	vld.idx.msk [tilespmem:v15+s31+$0x0], $0xffff  }
0x289: {  	v13 =	vld.idx.msk [tilespmem:v13+s31+$0x0], $0xffff;
	_ =	sdelay $0x1  }
0x28a: {  	v17 =	vmul.f32 v17, v9  }
0x28b: {  	v16 =	vmul.f32 v16, v8;
	v18 =	vmul.f32 v18, v10;
	_ =	sdelay $0x1  }
0x28c: {  	v17 =	vadd.f32 v17, v18;
	v15 =	vadd.f32 v15, v14  }
.Ltmp8:
0x28d: {  	v13 =	vmul.f32 v13, v7;
	(pc) =	sbr.rel @p1 .LBB2_19-.Ltmp8, $4  }
0x28e: {  	v14 =	vadd.f32 v16, v17;
	v16 =	vmin.f32 v15, $0.0e+00  }
0x28f: {  	v16 =	vmul.f32 $2.000000030e-01, v16  }
0x290: {  	v14 =	vadd.f32 v13, v14;
	v13 =	vmax.f32 v15, $0.0e+00  }
0x291: {  	v13 =	vadd.f32 v16, v13  }
0x292: {  	v14 =	vsub.f32 v14, v6  }
0x293: {  	v13 =	vsub.f32 v13, v3  }
0x294: {  	v14 =	vmul.f32 $1.442695020e+00, v14  }
0x295: {  	v13 =	vmul.f32 $1.442695020e+00, v13  }
0x296: {  	(erf) = vpow2.f32 v14  }
0x297: {  	(erf) = vpow2.f32 v13;
	_ =	sdelay $0x7  }
0x298: {  	v13 =	vor.u32 $0x4, v11;
	v14 =	vpop (erf)  }
0x299: {  	v15 =	vadd.s32 $0xC, v11;
	v14 =	vmul.f32 v14, v12;
	v16 =	vpop (erf)  }
0x29a: {  	v34 =	vor.u32 $0x5, v11;
	v12 =	vmul.f32 v16, v12  }
0x29b: {  	v18 =	vadd.s32 $0xD, v11;
	v17 =	vmul.f32 v14, v10  }
0x29c: {  	v19 =	vor.u32 $0x6, v11;
	v10 =	vmul.f32 v12, v10  }
0x29d: {  	v20 =	vmul.f32 v14, v9;
	[tilespmem:v13+s25+$0x0] =	vst.idx.msk $0xffff, v17;
	v13 =	vadd.s32 $0xE, v11  }
0x29e: {  	v9 =	vmul.f32 v12, v9;
	[tilespmem:v15+s25+$0x0] =	vst.idx.msk $0xffff, v10;
	v10 =	vor.u32 $0x7, v11  }
0x29f: {  	v35 =	vadd.s32 $0xF, v11;
	v15 =	vmul.f32 v14, v8;
	[tilespmem:v34+s25+$0x0] =	vst.idx.msk $0xffff, v20  }
0x2a0: {  	v8 =	vmul.f32 v12, v8;
	[tilespmem:v18+s25+$0x0] =	vst.idx.msk $0xffff, v9;
	v9 =	vadd.s32 $0x11, v11  }
0x2a1: {  	v11 =	vadd.s32 $0x13, v11;
	[tilespmem:v19+s25+$0x0] =	vst.idx.msk $0xffff, v15;
	v15 =	vmul.f32 v14, v7  }
0x2a2: {  	v7 =	vmul.f32 v12, v7;
	[tilespmem:v13+s25+$0x0] =	vst.idx.msk $0xffff, v8  }
0x2a3: {  	[tilespmem:v10+s25+$0x0] =	vst.idx.msk $0xffff, v15  }
0x2a4: {  	[tilespmem:v35+s25+$0x0] =	vst.idx.msk $0xffff, v7  }
0x2a5: {  	[tilespmem:v9+s25+$0x0] =	vst.idx.msk $0xffff, v14  }
0x2a6: {  	[tilespmem:v11+s25+$0x0] =	vst.idx.msk $0xffff, v12  }
0x2a7: {  	v7 =	vld [tilespmem:$0x12640]  }
0x2a8: {  	v8 =	vld [tilespmem:$0x12650]  }
0x2a9: {  	v9 =	vld [tilespmem:$0x12660]  }
0x2aa: {  	v10 =	vld [tilespmem:$0x12670]  }
0x2ab: {  	v11 =	vld [tilespmem:$0x12680]  }
0x2ac: {  	[tilespmem:$0x12740] =	vst v7;
	v7 =	vld [tilespmem:$0x12690]  }
0x2ad: {  	[tilespmem:$0x12750] =	vst v8;
	v8 =	vld [tilespmem:$0x126A0]  }
0x2ae: {  	[tilespmem:$0x12760] =	vst v9;
	v9 =	vld [tilespmem:$0x126B0]  }
0x2af: {  	[tilespmem:$0x12770] =	vst v10  }
0x2b0: {  	[tilespmem:$0x12780] =	vst v11  }
0x2b1: {  	[tilespmem:$0x12790] =	vst v7  }
0x2b2: {  	[tilespmem:$0x127A0] =	vst v8  }
0x2b3: {  	s1 =	simm.s32 $0x12740;
	[tilespmem:$0x127B0] =	vst v9  }
0x2b4: {  	[spmem:s2] =	stream.indirect.scatter.add.f32 [tilespmem:s25], [sflag:$0x3], $0x18, s1, s29, $0xb8;
	[tilespmem:$0x158C0] =	vst v63  }
0x2b5: {  	p1 =	seq.s32 s20, $0x63;
	s1 =	rddreg [dreg:$0x9]  }
0x2b6: {  	s1 =	sadd.s32 @!p1 s17, s1  }
0x2b7: {  	s1 =	sshll.u32 @!p1 s1, $0x4  }
0x2b8: {  	s1 =	sand.u32 @!p1 $0x1FFFFFE0, s1  }
0x2b9: {  	s28 =	simm.s32 @!p1 $0x12540;
	s17 =	simm.s32 @!p1 $0x0;
	s14 =	sadd.s32 @!p1 s7, s1  }
0x2ba: {  	[tilespmem:s28], [sflag:$0x5] =	stream.linear.gather @!p1 [hbm4b:s14+s17], $0x80, $0x38;
	[tilespmem:$0x158C0] =	vst v63  }
0x2bb: {  	s14 =	simm.s32 @!p1 $0x5  }
0x2bc: {  	_ =	swait.ge @!p1 [sflag:s14], $0x80  }
0x2bd: {  	s10 =	smov.u32 s2;
	[sflag:s14] =	ssyncset.done @!p1 $0x0  }
0x2be: {  	s2 =	simm.s32 @!p1 $0x12640;
	s1 =	sadd.s32 @!p1 s8, s1;
	[sflag:s14] =	ssyncadd.s32 @!p1 $0xFFFFFF80  }
0x2bf: {  	[tilespmem:s2], [sflag:$0x5] =	stream.linear.gather @!p1 [hbm4b:s1+s17], $0x80, $0x38;
	[tilespmem:$0x158C0] =	vst v63  }
0x2c0: {  	_ =	swait.ge @!p1 [sflag:s14], $0x80  }
0x2c1: {  	[sflag:s14] =	ssyncset.done @!p1 $0x0  }
0x2c2: {  	s1 =	simm.s32 @!p1 $0x80;
	[sflag:s14] =	ssyncadd.s32 @!p1 $0xFFFFFF80;
	s14 =	simm.s32 @!p1 $0x12840  }
0x2c3: {  	[tilespmem:s14], [sflag:$0x1] =	stream.indirect.gather @!p1 [hbm4b:s3+s1], $0x8, s28, s1, $0xb8;
	[tilespmem:$0x158C0] =	vst v63  }
0x2c4: {  	s14 =	simm.s32 @!p1 $0x13040  }
0x2c5: {  	[tilespmem:s14], [sflag:$0x1] =	stream.indirect.gather @!p1 [hbm4b:s6+s1], $0x10, s2, s1, $0xb8;
	[tilespmem:$0x158C0] =	vst v63  }
0x2c6: {  	_ =	swait.ge [sflag:s18], $0x400  }
0x2c7: {  	s17 =	simm.s32 $0x0;
	[sflag:s18] =	ssyncset.done $0x0  }
0x2c8: {  	v11 =	vor.u32 s17, v1;
	[sflag:s18] =	ssyncadd.s32 $0xFFFFFC00  }
0x2c9: {  	v13 =	vshll.u32 v11, $0x4;
	_ =	swait.ge [sflag:s18], $0x800  }
0x2ca: {  	v7 =	vor.u32 $0x8, v13;
	[sflag:s18] =	ssyncset.done $0x0  }
0x2cb: {  	v8 =	vor.u32 $0x1, v13;
	s1 =	simm.s32 @!p0 $0x4;
	[sflag:s18] =	ssyncadd.s32 $0xFFFFF800  }
0x2cc: {  	v14 =	vshll.u32 v11, $0x3;
	_ =	swait.ge @!p0 [sflag:s1], $0xC00  }
0x2cd: {  	v9 =	vor.u32 $0x1, v14;
	[sflag:s1] =	ssyncset.done @!p0 $0x0  }
0x2ce: {  	[sflag:s1] =	ssyncadd.s32 @!p0 $0xFFFFF400  }
0x2cf: {  	v12 =	vor.u32 $0x2, v14;
	v15 =	vld.idx.msk [tilespmem:v7+s9+$0x0], $0xffff  }
0x2d0: {  	v37 =	vor.u32 $0x6, v14;
	v36 =	vld.idx.msk [tilespmem:v8+s9+$0x0], $0xffff  }
0x2d1: {  	v7 =	vor.u32 $0x2, v13;
	v38 =	vld.idx.msk [tilespmem:v13+s9+$0x0], $0xffff  }
0x2d2: {  	v40 =	vor.u32 $0x3, v13;
	v9 =	vld.idx.msk [tilespmem:v9+s4+$0x0], $0xffff  }
0x2d3: {  	v39 =	vor.u32 $0x3, v14;
	v10 =	vld.idx.msk [tilespmem:v14+s4+$0x0], $0xffff  }
0x2d4: {  	v8 =	vld.idx.msk [tilespmem:v12+s4+$0x0], $0xffff  }
0x2d5: {  	v17 =	vld.idx.msk [tilespmem:v37+s4+$0x0], $0xffff  }
0x2d6: {  	v12 =	vld.idx.msk [tilespmem:v7+s9+$0x0], $0xffff  }
0x2d7: {  	v41 =	vld.idx.msk [tilespmem:v40+s9+$0x0], $0xffff  }
0x2d8: {  	v7 =	vld.idx.msk [tilespmem:v39+s4+$0x0], $0xffff  }
0x2d9: {  	v18 =	vmul.f32 v38, v10;
	v16 =	vmul.f32 v36, v9;
	_ =	sdelay $0x1  }
0x2da: {  	v15 =	vadd.f32 v15, v17;
	v16 =	vadd.f32 v16, v18;
	v12 =	vmul.f32 v12, v8;
	_ =	sdelay $0x1  }
0x2db: {  	v17 =	vmin.f32 v15, $0.0e+00;
	v42 =	vmul.f32 v41, v7;
	v12 =	vadd.f32 v12, v16  }
0x2dc: {  	v17 =	vmul.f32 $2.000000030e-01, v17  }
0x2dd: {  	v15 =	vmax.f32 v15, $0.0e+00;
	v12 =	vadd.f32 v42, v12  }
0x2de: {  	v15 =	vadd.f32 v17, v15  }
0x2df: {  	v12 =	vsub.f32 v12, v4  }
0x2e0: {  	v15 =	vsub.f32 v15, v5  }
0x2e1: {  	v12 =	vmul.f32 $1.442695020e+00, v12  }
0x2e2: {  	v15 =	vmul.f32 $1.442695020e+00, v15  }
0x2e3: {  	(erf) = vpow2.f32 v12  }
0x2e4: {  	(erf) = vpow2.f32 v15;
	_ =	sdelay $0x5  }
0x2e5: {  	s28 =	sadd.s32 $0x0, s12  }
0x2e6: {  	v11 =	vmul.u32 $0x18, v11;
	p6 =	slt.u32 s28, $0xC3500  }
0x2e7: {  	v12 =	vpsel !p6, $0x0, v2;
	v15 =	vpop (erf)  }
0x2e8: {  	v43 =	vadd.s32 $0x8, v11;
	v15 =	vmul.f32 v15, v12;
	v44 =	vpop (erf)  }
0x2e9: {  	v45 =	vor.u32 $0x1, v11;
	v17 =	vmul.f32 v44, v12  }
0x2ea: {  	v47 =	vadd.s32 $0x9, v11;
	v46 =	vmul.f32 v15, v10  }
0x2eb: {  	v22 =	vor.u32 $0x2, v11;
	v21 =	vmul.f32 v17, v10  }
0x2ec: {  	v48 =	vadd.s32 $0xA, v11;
	v23 =	vmul.f32 v15, v9;
	[tilespmem:v11+s13+$0x0] =	vst.idx.msk $0xffff, v46  }
0x2ed: {  	v50 =	vor.u32 $0x3, v11;
	v49 =	vmul.f32 v17, v9;
	[tilespmem:v43+s13+$0x0] =	vst.idx.msk $0xffff, v21  }
0x2ee: {  	v51 =	vadd.s32 $0xB, v11;
	v24 =	vmul.f32 v15, v8;
	[tilespmem:v45+s13+$0x0] =	vst.idx.msk $0xffff, v23  }
0x2ef: {  	v53 =	vadd.s32 $0x10, v11;
	v52 =	vmul.f32 v17, v8;
	[tilespmem:v47+s13+$0x0] =	vst.idx.msk $0xffff, v49  }
0x2f0: {  	v55 =	vadd.s32 $0x12, v11;
	v54 =	vmul.f32 v15, v7;
	[tilespmem:v22+s13+$0x0] =	vst.idx.msk $0xffff, v24  }
0x2f1: {  	v57 =	vor.u32 $0x5, v13;
	v56 =	vmul.f32 v17, v7;
	[tilespmem:v48+s13+$0x0] =	vst.idx.msk $0xffff, v52  }
0x2f2: {  	v58 =	vor.u32 $0x4, v13;
	[tilespmem:v50+s13+$0x0] =	vst.idx.msk $0xffff, v54  }
0x2f3: {  	v14 =	vor.u32 $0x7, v14;
	[tilespmem:v51+s13+$0x0] =	vst.idx.msk $0xffff, v56  }
0x2f4: {  	v59 =	vor.u32 $0x6, v13;
	[tilespmem:v53+s13+$0x0] =	vst.idx.msk $0xffff, v15  }
0x2f5: {  	v15 =	vor.u32 $0x9, v13;
	[tilespmem:v55+s13+$0x0] =	vst.idx.msk $0xffff, v17  }
0x2f6: {  	v17 =	vld.idx.msk [tilespmem:v57+s9+$0x0], $0xffff  }
0x2f7: {  	v13 =	vor.u32 $0x7, v13;
	v18 =	vld.idx.msk [tilespmem:v58+s9+$0x0], $0xffff  }
0x2f8: {  	v14 =	vld.idx.msk [tilespmem:v14+s4+$0x0], $0xffff  }
0x2f9: {  	v16 =	vld.idx.msk [tilespmem:v59+s9+$0x0], $0xffff  }
0x2fa: {  	v15 =	vld.idx.msk [tilespmem:v15+s9+$0x0], $0xffff;
	_ =	sdelay $0x1  }
0x2fb: {  	v13 =	vld.idx.msk [tilespmem:v13+s9+$0x0], $0xffff  }
0x2fc: {  	v17 =	vmul.f32 v17, v9;
	v18 =	vmul.f32 v18, v10;
	_ =	sdelay $0x1  }
0x2fd: {  	v60 =	vadd.f32 v17, v18;
	v14 =	vadd.f32 v15, v14;
	v15 =	vmul.f32 v16, v8;
	_ =	sdelay $0x1  }
0x2fe: {  	v13 =	vmul.f32 v13, v7;
	v61 =	vmin.f32 v14, $0.0e+00;
	v15 =	vadd.f32 v15, v60  }
0x2ff: {  	v62 =	vmul.f32 $2.000000030e-01, v61  }
0x300: {  	v63 =	vmax.f32 v14, $0.0e+00;
	v14 =	vadd.f32 v13, v15  }
0x301: {  	s14 =	simm.s32 $0x10;
	v13 =	vadd.f32 v62, v63  }
.LBB2_21:
0x302: {  	p0 =	sne.s32 s14, $0x70;
	v16 =	vsub.f32 v14, v6;
	s17 =	smov.u32 s14;
	s14 =	sadd.s32 $0x10, s14  }
0x303: {  	v15 =	vor.u32 s17, v1;
	v17 =	vsub.f32 v13, v3  }
0x304: {  	v14 =	vshll.u32 v15, $0x3;
	v13 =	vshll.u32 v15, $0x4;
	v16 =	vmul.f32 $1.442695020e+00, v16  }
0x305: {  	v18 =	vor.u32 $0x1, v14;
	v19 =	vor.u32 $0x1, v13;
	v17 =	vmul.f32 $1.442695020e+00, v17  }
0x306: {  	v20 =	vor.u32 $0x2, v13;
	v21 =	vor.u32 $0x6, v14;
	(erf) = vpow2.f32 v16  }
0x307: {  	(erf) = vpow2.f32 v17;
	_ =	sdelay $0x7  }
0x308: {  	v16 =	vor.u32 $0x4, v11;
	v17 =	vpop (erf)  }
0x309: {  	v22 =	vadd.s32 $0xC, v11;
	v17 =	vmul.f32 v17, v12;
	v23 =	vpop (erf)  }
0x30a: {  	v12 =	vmul.f32 v23, v12;
	v23 =	vor.u32 $0x5, v11  }
0x30b: {  	v26 =	vadd.s32 $0xD, v11;
	v24 =	vmul.f32 v17, v10;
	v25 =	vmul.f32 v17, v9  }
0x30c: {  	v27 =	vor.u32 $0x6, v11;
	v10 =	vmul.f32 v12, v10;
	v9 =	vmul.f32 v12, v9  }
0x30d: {  	[tilespmem:v16+s13+$0x0] =	vst.idx.msk $0xffff, v24;
	v16 =	vmul.f32 v17, v8;
	v8 =	vmul.f32 v12, v8;
	v24 =	vadd.s32 $0xE, v11  }
0x30e: {  	[tilespmem:v22+s13+$0x0] =	vst.idx.msk $0xffff, v10;
	v10 =	vor.u32 $0x7, v11  }
0x30f: {  	v22 =	vadd.s32 $0xF, v11;
	[tilespmem:v23+s13+$0x0] =	vst.idx.msk $0xffff, v25  }
0x310: {  	[tilespmem:v26+s13+$0x0] =	vst.idx.msk $0xffff, v9;
	v9 =	vadd.s32 $0x11, v11  }
0x311: {  	v11 =	vadd.s32 $0x13, v11;
	[tilespmem:v27+s13+$0x0] =	vst.idx.msk $0xffff, v16;
	v16 =	vmul.f32 v17, v7  }
0x312: {  	v23 =	vor.u32 $0x8, v13;
	v7 =	vmul.f32 v12, v7;
	[tilespmem:v24+s13+$0x0] =	vst.idx.msk $0xffff, v8  }
0x313: {  	[tilespmem:v10+s13+$0x0] =	vst.idx.msk $0xffff, v16  }
0x314: {  	[tilespmem:v22+s13+$0x0] =	vst.idx.msk $0xffff, v7  }
0x315: {  	[tilespmem:v9+s13+$0x0] =	vst.idx.msk $0xffff, v17  }
0x316: {  	[tilespmem:v11+s13+$0x0] =	vst.idx.msk $0xffff, v12  }
0x317: {  	v7 =	vor.u32 $0x2, v14;
	v11 =	vld.idx.msk [tilespmem:v23+s9+$0x0], $0xffff  }
0x318: {  	v12 =	vld.idx.msk [tilespmem:v19+s9+$0x0], $0xffff  }
0x319: {  	v16 =	vld.idx.msk [tilespmem:v13+s9+$0x0], $0xffff  }
0x31a: {  	v17 =	vor.u32 $0x3, v14;
	v9 =	vld.idx.msk [tilespmem:v18+s4+$0x0], $0xffff  }
0x31b: {  	v18 =	vor.u32 $0x3, v13;
	v10 =	vld.idx.msk [tilespmem:v14+s4+$0x0], $0xffff  }
0x31c: {  	v8 =	vld.idx.msk [tilespmem:v7+s4+$0x0], $0xffff  }
0x31d: {  	v19 =	vld.idx.msk [tilespmem:v20+s9+$0x0], $0xffff  }
0x31e: {  	v20 =	vld.idx.msk [tilespmem:v21+s4+$0x0], $0xffff  }
0x31f: {  	v7 =	vld.idx.msk [tilespmem:v17+s4+$0x0], $0xffff  }
0x320: {  	v17 =	vld.idx.msk [tilespmem:v18+s9+$0x0], $0xffff  }
0x321: {  	v16 =	vmul.f32 v16, v10  }
0x322: {  	v12 =	vmul.f32 v12, v9  }
0x323: {  	v18 =	vmul.f32 v19, v8  }
0x324: {  	v12 =	vadd.f32 v12, v16;
	v11 =	vadd.f32 v11, v20;
	_ =	sdelay $0x1  }
0x325: {  	v12 =	vadd.f32 v18, v12;
	v16 =	vmul.f32 v17, v7;
	v17 =	vmin.f32 v11, $0.0e+00  }
0x326: {  	v17 =	vmul.f32 $2.000000030e-01, v17  }
0x327: {  	v11 =	vmax.f32 v11, $0.0e+00;
	v12 =	vadd.f32 v16, v12  }
0x328: {  	v11 =	vadd.f32 v17, v11  }
0x329: {  	v12 =	vsub.f32 v12, v4  }
0x32a: {  	v11 =	vsub.f32 v11, v5  }
0x32b: {  	v12 =	vmul.f32 $1.442695020e+00, v12  }
0x32c: {  	v11 =	vmul.f32 $1.442695020e+00, v11  }
0x32d: {  	(erf) = vpow2.f32 v12  }
0x32e: {  	(erf) = vpow2.f32 v11;
	_ =	sdelay $0x5  }
0x32f: {  	s1 =	sadd.s32 s17, s12  }
0x330: {  	p1 =	slt.u32 s1, $0xC3500;
	v11 =	vmul.u32 $0x18, v15  }
0x331: {  	v12 =	vpsel !p1, $0x0, v2;
	v15 =	vpop (erf)  }
0x332: {  	v16 =	vadd.s32 $0x8, v11;
	v15 =	vmul.f32 v15, v12;
	v17 =	vpop (erf)  }
0x333: {  	v18 =	vor.u32 $0x1, v11;
	v17 =	vmul.f32 v17, v12  }
0x334: {  	v21 =	vadd.s32 $0x9, v11;
	v19 =	vmul.f32 v15, v10;
	v20 =	vmul.f32 v15, v9  }
0x335: {  	v24 =	vor.u32 $0x2, v11;
	v23 =	vmul.f32 v15, v8;
	v22 =	vmul.f32 v17, v10  }
0x336: {  	v25 =	vadd.s32 $0xA, v11;
	[tilespmem:v11+s13+$0x0] =	vst.idx.msk $0xffff, v19;
	v19 =	vmul.f32 v17, v8  }
0x337: {  	[tilespmem:v16+s13+$0x0] =	vst.idx.msk $0xffff, v22;
	v16 =	vmul.f32 v17, v9;
	v22 =	vor.u32 $0x3, v11  }
0x338: {  	[tilespmem:v18+s13+$0x0] =	vst.idx.msk $0xffff, v20;
	v18 =	vadd.s32 $0xB, v11  }
0x339: {  	[tilespmem:v21+s13+$0x0] =	vst.idx.msk $0xffff, v16;
	v16 =	vadd.s32 $0x10, v11  }
0x33a: {  	v20 =	vmul.f32 v15, v7;
	v21 =	vadd.s32 $0x12, v11;
	[tilespmem:v24+s13+$0x0] =	vst.idx.msk $0xffff, v23  }
0x33b: {  	v23 =	vor.u32 $0x6, v13;
	[tilespmem:v25+s13+$0x0] =	vst.idx.msk $0xffff, v19;
	v19 =	vmul.f32 v17, v7  }
0x33c: {  	[tilespmem:v22+s13+$0x0] =	vst.idx.msk $0xffff, v20;
	v20 =	vor.u32 $0x5, v13  }
0x33d: {  	[tilespmem:v18+s13+$0x0] =	vst.idx.msk $0xffff, v19;
	v18 =	vor.u32 $0x4, v13  }
0x33e: {  	v14 =	vor.u32 $0x7, v14;
	[tilespmem:v16+s13+$0x0] =	vst.idx.msk $0xffff, v15  }
0x33f: {  	v15 =	vor.u32 $0x9, v13;
	[tilespmem:v21+s13+$0x0] =	vst.idx.msk $0xffff, v17  }
0x340: {  	v13 =	vor.u32 $0x7, v13;
	v16 =	vld.idx.msk [tilespmem:v23+s9+$0x0], $0xffff  }
0x341: {  	v17 =	vld.idx.msk [tilespmem:v20+s9+$0x0], $0xffff  }
0x342: {  	v18 =	vld.idx.msk [tilespmem:v18+s9+$0x0], $0xffff  }
0x343: {  	v14 =	vld.idx.msk [tilespmem:v14+s4+$0x0], $0xffff  }
0x344: {  	v15 =	vld.idx.msk [tilespmem:v15+s9+$0x0], $0xffff  }
0x345: {  	v13 =	vld.idx.msk [tilespmem:v13+s9+$0x0], $0xffff;
	_ =	sdelay $0x1  }
0x346: {  	v17 =	vmul.f32 v17, v9  }
0x347: {  	v16 =	vmul.f32 v16, v8;
	v18 =	vmul.f32 v18, v10;
	_ =	sdelay $0x1  }
0x348: {  	v17 =	vadd.f32 v17, v18;
	v15 =	vadd.f32 v15, v14  }
.Ltmp9:
0x349: {  	v13 =	vmul.f32 v13, v7;
	(pc) =	sbr.rel @p0 .LBB2_21-.Ltmp9, $4  }
0x34a: {  	v14 =	vadd.f32 v16, v17;
	v16 =	vmin.f32 v15, $0.0e+00  }
0x34b: {  	v16 =	vmul.f32 $2.000000030e-01, v16  }
0x34c: {  	v14 =	vadd.f32 v13, v14;
	v13 =	vmax.f32 v15, $0.0e+00  }
0x34d: {  	v13 =	vadd.f32 v16, v13  }
0x34e: {  	v14 =	vsub.f32 v14, v6  }
0x34f: {  	v13 =	vsub.f32 v13, v3  }
0x350: {  	v14 =	vmul.f32 $1.442695020e+00, v14  }
0x351: {  	v13 =	vmul.f32 $1.442695020e+00, v13  }
0x352: {  	(erf) = vpow2.f32 v14  }
0x353: {  	(erf) = vpow2.f32 v13;
	_ =	sdelay $0x7  }
0x354: {  	v51 =	vor.u32 $0x4, v11;
	v14 =	vpop (erf)  }
0x355: {  	v15 =	vadd.s32 $0xC, v11;
	v14 =	vmul.f32 v14, v12;
	v16 =	vpop (erf)  }
0x356: {  	v53 =	vor.u32 $0x5, v11;
	v52 =	vmul.f32 v16, v12  }
0x357: {  	v18 =	vadd.s32 $0xD, v11;
	v17 =	vmul.f32 v14, v10  }
0x358: {  	v19 =	vor.u32 $0x6, v11;
	v54 =	vmul.f32 v52, v10  }
0x359: {  	v55 =	vadd.s32 $0xE, v11;
	v20 =	vmul.f32 v14, v9;
	[tilespmem:v51+s13+$0x0] =	vst.idx.msk $0xffff, v17  }
0x35a: {  	v57 =	vor.u32 $0x7, v11;
	v56 =	vmul.f32 v52, v9;
	[tilespmem:v15+s13+$0x0] =	vst.idx.msk $0xffff, v54  }
0x35b: {  	v59 =	vadd.s32 $0xF, v11;
	v58 =	vmul.f32 v14, v8;
	[tilespmem:v53+s13+$0x0] =	vst.idx.msk $0xffff, v20  }
0x35c: {  	v60 =	vadd.s32 $0x11, v11;
	v8 =	vmul.f32 v52, v8;
	[tilespmem:v18+s13+$0x0] =	vst.idx.msk $0xffff, v56  }
0x35d: {  	v62 =	vadd.s32 $0x13, v11;
	v61 =	vmul.f32 v14, v7;
	[tilespmem:v19+s13+$0x0] =	vst.idx.msk $0xffff, v58  }
0x35e: {  	v7 =	vmul.f32 v52, v7;
	[tilespmem:v55+s13+$0x0] =	vst.idx.msk $0xffff, v8  }
0x35f: {  	[tilespmem:v57+s13+$0x0] =	vst.idx.msk $0xffff, v61  }
0x360: {  	[tilespmem:v59+s13+$0x0] =	vst.idx.msk $0xffff, v7  }
0x361: {  	[tilespmem:v60+s13+$0x0] =	vst.idx.msk $0xffff, v14  }
0x362: {  	[tilespmem:v62+s13+$0x0] =	vst.idx.msk $0xffff, v52  }
0x363: {  	v7 =	vld [tilespmem:$0x126C0]  }
0x364: {  	v8 =	vld [tilespmem:$0x126D0]  }
0x365: {  	v9 =	vld [tilespmem:$0x126E0]  }
0x366: {  	v10 =	vld [tilespmem:$0x126F0]  }
0x367: {  	v11 =	vld [tilespmem:$0x12700]  }
0x368: {  	v63 =	vld [tilespmem:$0x12730];
	[tilespmem:$0x127C0] =	vst v7  }
0x369: {  	v7 =	vld [tilespmem:$0x12710];
	[tilespmem:$0x127D0] =	vst v8  }
0x36a: {  	s20 =	sadd.s32 $0x1, s20;
	v8 =	vld [tilespmem:$0x12720];
	[tilespmem:$0x127E0] =	vst v9  }
0x36b: {  	p0 =	sne.s32 s20, $0x64;
	[tilespmem:$0x127F0] =	vst v10  }
.Ltmp10:
0x36c: {  	[tilespmem:$0x12800] =	vst v11;
	(pc) =	sbr.rel @p0 .LBB2_18-.Ltmp10, $4  }
0x36d: {  	[tilespmem:$0x12830] =	vst v63  }
0x36e: {  	s2 =	smov.u32 s10;
	[tilespmem:$0x12810] =	vst v7  }
0x36f: {  	s1 =	simm.s32 $0x127C0;
	s26 =	sadd.s32 $0x100, s26;
	s12 =	sadd.s32 $0x100, s12;
	[tilespmem:$0x12820] =	vst v8  }
0x370: {  	[spmem:s10] =	stream.indirect.scatter.add.f32 [tilespmem:s13], [sflag:$0x4], $0x18, s1, s29, $0xb8;
	[tilespmem:$0x158C0] =	vst v63  }
0x371: {  	s1 =	simm.s32 $0x3  }
0x372: {  	_ =	swait.ge [sflag:s1], $0xC00  }
0x373: {  	[sflag:s1] =	ssyncset.done $0x0  }
0x374: {  	s26 =	simm.s32 $0x4;
	[sflag:s1] =	ssyncadd.s32 $0xFFFFF400  }
0x375: {  	_ =	swait.ge [sflag:s26], $0xC00  }
0x376: {  	[sflag:s26] =	ssyncset.done $0x0  }
0x377: {  	[sflag:s26] =	ssyncadd.s32 $0xFFFFF400  }
0x378: {  	[bflag:$0x0] =	sbarrier.arrive $0xFFFF  }
0x379: {  	s28 =	sadd.s32 $0x0, s22;
	s2 =	rddreg [dreg:$0x10]  }
0x37a: {  	[hbm:s28], [sflag:s19] =	dma.local [spmem:s2], $0x180  }
0x37b: {  	_ =	swait.ge [sflag:s24], $0x180  }
0x37c: {  	s12 =	simm.s32 $0x180;
	s14 =	sadd.s32 $0xC00, s11;
	[sflag:s24] =	ssyncset.done $0x0  }
.LBB2_24:
0x37d: {  	s1 =	sadd.s32 s12, s22  }
0x37e: {  	s2 =	sshrl.u32 s14, $0x3;
	[sflag:s24] =	ssyncadd.s32 $0xFFFFFE80;
	p0 =	sne.s32 s12, $0x2280  }
0x37f: {  	[hbm:s1], [sflag:s19] =	dma.local [spmem:s2], $0x180  }
.Ltmp11:
0x380: {  	_ = 	snop;
	(pc) =	sbr.rel @p0 .LBB2_24-.Ltmp11, $4  }
0x381: {  	_ = 	snop  }
0x382: {  	s12 =	sadd.s32 $0x180, s12  }
0x383: {  	_ =	swait.ge [sflag:s24], $0x180  }
0x384: {  	s14 =	sadd.s32 $0xC00, s14;
	[sflag:s24] =	ssyncset.done $0x0  }
0x385: {  	s1 =	rddreg [dreg:$0xb]  }
0x386: {  	[sflag:s24] =	ssyncadd.s32 $0xFFFFFE80;
	s2 =	rddreg [dreg:$0x11]  }
0x387: {  	[hbm:s1], [sflag:s19] =	dma.local [spmem:s2], $0xA8  }
0x388: {  	_ =	swait.ge [sflag:s24], $0xA8  }
0x389: {  	s12 =	rddreg [dreg:$0xf]  }
0x38a: {  	s28 =	rddreg [dreg:$0xc];
	s12 =	sadd.s32 $0x1, s12  }
0x38b: {  	p0 =	sne.s32 s12, s28  }
.Ltmp12:
0x38c: {  	_ = 	snop;
	(pc) =	sbr.rel @p0 .LBB2_1-.Ltmp12, $3  }
0x38d: {  	_ =	sdelay $0x1  }
0x38e: {  	[sflag:s24] =	ssyncset.done $0x0  }
0x38f: {  	s2 =	smov.u32 s10;
	[sflag:s24] =	ssyncadd.s32 $0xFFFFFF58  }
0x390: {  	_ =	sfence.sel $0x180000  }
0x391: {  	[bflag:$0x0] =	sbarrier.arrive $0xFFFF  }
0x392: {  	_ =	strace $0x90000047  }
0x393: {  	s0 =	stileid.u32;
	[bflag:$0x2] =	sbarrier.arrive $0xFFFF  }
0x394: {  	p0 =	sne.s32 s0, $0x0;
	s0 =	rddreg [dreg:$0x3]  }
0x395: {  	s0 =	sadd.s32 @!p0 $0x100000, s0  }
0x396: {  	[sflag:s0] =	ssyncadd.tile.s32 @!p0 $0x1;
	_ =	shalt  }
.Lfunc_end2:
_tile_overlayer_lowered:
.L_overlay_start_2:
0x397: {  	(tag) =	ssettag $0x2  }
0x398: {  	s0 =	rddreg [dreg:$0x0];
	s2 =	stileid.u32  }
0x399: {  	s1 =	rddreg [dreg:$0x1];
	p0 =	sne.s32 s2, $0x0  }
0x39a: {  	s3 =	rddreg [dreg:$0x2];
	[bflag:$0x3] =	sbarrier.arrive $0xFFFF;
	s2 =	simm.s32 @!p0 $0x1C05  }
0x39b: {  	[timem:s3], [sflag:s2] =	dma.local @!p0 [hbm:s0], s1  }
0x39c: {  	s0 =	simm.s32 @!p0 $0x5  }
0x39d: {  	_ =	swait.ge @!p0 [sflag:s0], s1  }
0x39e: {  	s1 =	ssub.s32 @!p0 $0x0, s1;
	[sflag:s0] =	ssyncset.done @!p0 $0x0  }
0x39f: {  	[sflag:s0] =	ssyncadd.s32 @!p0 s1  }
0x3a0: {  	[bflag:$0x3] =	sbarrier.arrive $0xFFFF  }
0x3a1: {  	_ =	shalt  }

</sc_bundles>
